<compile_context>
chip_gen: v7x
topology: tpu7x:2x2x1
jax: 0.10.2.dev20260603
libtpu: 0.0.44.dev20260713+nightly
codegen_flags: <defaults>
</compile_context>

<pallas_src>
import functools

import jax
import jax.numpy as jnp
from jax import lax
from jax.experimental import pallas as pl
from jax.experimental.pallas import tpu as pltpu
from jax.experimental.pallas import tpu_sc as plsc

K = 8
HID = 512
DIM = 128
SEQ = 50
REC = 20
N_ITEMS = 100000
KM_ITERS = 5

_B = 2000
_NB = N_ITEMS // _B
_NPAD = 102400
_PROWS = _NPAD // 128

_DEF = lax.Precision.DEFAULT
_HI = lax.Precision.HIGHEST


def _dot(a, b, prec=_DEF):
    return lax.dot_general(a, b, (((1,), (0,)), ((), ())), precision=prec,
                           preferred_element_type=jnp.float32)


def _dot_rt(a, b, prec=_DEF):
    return lax.dot_general(a, b, (((1,), (1,)), ((), ())), precision=prec,
                           preferred_element_type=jnp.float32)


def _kmeans_buckets(items):
    cent = items[:K]
    for _ in range(KM_ITERS):
        d2 = (jnp.sum(items * items, 1, keepdims=True)
              - 2.0 * items @ cent.T
              + jnp.sum(cent * cent, 1)[None, :])
        lab = jnp.argmin(d2, axis=1)
        sums = jax.ops.segment_sum(items, lab, num_segments=K)
        oh = (lab[:, None] == jnp.arange(K)[None, :]).astype(jnp.float32)
        cnt = jnp.sum(oh, axis=0)
        cent = sums / jnp.maximum(cnt, 1.0)[:, None]
    d2 = (jnp.sum(items * items, 1, keepdims=True)
          - 2.0 * items @ cent.T
          + jnp.sum(cent * cent, 1)[None, :])
    lab = jnp.argmin(d2, axis=1)
    return lab, cent


def _prompt_body(user_ref, cent_ref, pe_ref, out_ref):
    u = user_ref[...]
    c = cent_ref[...]
    s = _dot_rt(u, c)
    bias = lax.dot_general(jnp.ones((1, DIM), jnp.float32), c * c,
                           (((1,), (1,)), ((), ())), precision=_HI,
                           preferred_element_type=jnp.float32)
    xx = jnp.sum(u * u, axis=1, keepdims=True)
    d = (xx - 2.0 * s) + bias
    dmin = jnp.min(d, axis=1, keepdims=True)
    ki = lax.broadcasted_iota(jnp.int32, (SEQ, K), 1)
    idx = jnp.min(jnp.where(d <= dmin, ki, K), axis=1, keepdims=True)
    pr = jnp.zeros((SEQ, DIM), jnp.float32)
    for k in range(K):
        pr = jnp.where(idx == k, pe_ref[k:k + 1, :], pr)
    out_ref[:, :DIM] = u
    out_ref[:, DIM:] = pr


def _prompted_user(user, cent, prompt_emb, interpret=False):
    return pl.pallas_call(
        _prompt_body,
        out_shape=jax.ShapeDtypeStruct((SEQ, 2 * DIM), jnp.float32),
        interpret=interpret,
    )(user, cent, prompt_emb)


def _user_mlp_body(pu_ref, w1_ref, b1_ref, w2_ref, b2_ref, out_ref):
    h = jnp.maximum(_dot(pu_ref[...], w1_ref[...]) + b1_ref[...], 0.0)
    out_ref[...] = _dot(h, w2_ref[...]) + b2_ref[...]


def _user_mlp(pu, W_u1, b_u1, W_u2, b_u2, interpret=False):
    return pl.pallas_call(
        _user_mlp_body,
        out_shape=jax.ShapeDtypeStruct((1, HID), jnp.float32),
        interpret=interpret,
    )(pu, W_u1, b_u1, W_u2, b_u2)


def _item_pass_body(item_ref, w1_ref, b1_ref, w2_ref, b2_ref, uvc_ref,
                    sim_ref):
    x = item_ref[...]
    h1 = jnp.maximum(_dot(x, w1_ref[...]) + b1_ref[...], 0.0)
    h = _dot(h1, w2_ref[...]) + b2_ref[...]
    nsq = jnp.sum(h * h, axis=1, keepdims=True)
    uvc = uvc_ref[...]
    num = _dot(h, uvc)
    unorm = jnp.sqrt(jnp.sum(uvc * uvc))
    sim_ref[...] = num / (jnp.sqrt(nsq) * unorm + 1e-8)


def _item_pass(item, W_i1, b_i1, W_i2, b_i2, uvc, interpret=False):
    return pl.pallas_call(
        _item_pass_body,
        grid=(_NB,),
        in_specs=[
            pl.BlockSpec((_B, DIM), lambda j: (j, 0)),
            pl.BlockSpec((DIM, HID), lambda j: (0, 0)),
            pl.BlockSpec((1, HID), lambda j: (0, 0)),
            pl.BlockSpec((HID, HID), lambda j: (0, 0)),
            pl.BlockSpec((1, HID), lambda j: (0, 0)),
            pl.BlockSpec((HID, 1), lambda j: (0, 0)),
        ],
        out_specs=pl.BlockSpec((_B, 1), lambda j: (j, 0)),
        out_shape=jax.ShapeDtypeStruct((N_ITEMS, 1), jnp.float32),
        compiler_params=pltpu.CompilerParams(
            dimension_semantics=("arbitrary",)),
        interpret=interpret,
    )(item, W_i1, b_i1, W_i2, b_i2, uvc)


def _topk_body(sim_ref, lab_ref, out_ref, masked_s):
    fio = (lax.broadcasted_iota(jnp.int32, (_PROWS, 128), 0) * 128
           + lax.broadcasted_iota(jnp.int32, (_PROWS, 128), 1))
    sim = sim_ref[...]
    lab = lab_ref[...]
    for k in range(K):
        masked_s[...] = jnp.where(lab == k, sim, -1e30)

        def r_body(r, _, k=k):
            m = masked_s[...]
            mx = jnp.max(m)
            idx = jnp.min(jnp.where(m == mx, fio, jnp.int32(2 ** 30)))
            out_ref[k, r] = idx
            masked_s[...] = jnp.where(fio == idx, -jnp.inf, m)
            return 0

        lax.fori_loop(0, REC, r_body, 0)


def _topk(sim_p, lab_p, interpret=False):
    return pl.pallas_call(
        _topk_body,
        out_specs=pl.BlockSpec(memory_space=pltpu.SMEM),
        out_shape=jax.ShapeDtypeStruct((K, REC), jnp.int32),
        scratch_shapes=[pltpu.VMEM((_PROWS, 128), jnp.float32)],
        interpret=interpret,
    )(sim_p, lab_p)


def _sc_gather(item, idx2):
    mesh = plsc.VectorSubcoreMesh(core_axis_name="c", subcore_axis_name="s")

    @functools.partial(
        pl.kernel, mesh=mesh,
        out_type=jax.ShapeDtypeStruct((K * REC, DIM), jnp.float32),
        scratch_types=[
            pltpu.VMEM((2, 80), jnp.int32),
            pltpu.VMEM((K * REC, DIM), jnp.float32),
            pltpu.SemaphoreType.DMA,
        ],
    )
    def k(item_hbm, idx_hbm, out_hbm, idx_v, rows_v, sem):
        @pl.when(jnp.logical_and(lax.axis_index("c") == 0,
                                 lax.axis_index("s") == 0))
        def _():
            pltpu.sync_copy(idx_hbm, idx_v)
            for c in range(2):
                pltpu.async_copy(item_hbm.at[idx_v.at[c]],
                                 rows_v.at[pl.ds(c * 80, 80)], sem).wait()
            pltpu.sync_copy(rows_v, out_hbm)

    return k(item, idx2)


def _final_body(g_ref, w1_ref, b1_ref, w2_ref, b2_ref, uv_ref,
                wt1_ref, bt1_ref, wt2_ref, bt2_ref, out_ref, inter_s):
    g = g_ref[...]
    h1 = jnp.maximum(_dot(g, w1_ref[...]) + b1_ref[...], 0.0)
    h = _dot(h1, w2_ref[...]) + b2_ref[...]
    inter_s[:, :HID] = jnp.broadcast_to(uv_ref[...], (REC, HID))
    for k in range(K):
        inter_s[:, HID * (k + 1):HID * (k + 2)] = h[k * REC:(k + 1) * REC, :]
    inter = inter_s[...]
    t1 = jnp.maximum(_dot(inter, wt1_ref[...]) + bt1_ref[...], 0.0)
    out_ref[...] = _dot(t1, wt2_ref[...]) + bt2_ref[...]


def _final(g, W_i1, b_i1, W_i2, b_i2, uv, W_t1, b_t1, W_t2, b_t2,
           interpret=False):
    return pl.pallas_call(
        _final_body,
        out_shape=jax.ShapeDtypeStruct((REC, K), jnp.float32),
        scratch_shapes=[pltpu.VMEM((REC, HID * (K + 1)), jnp.float32)],
        interpret=interpret,
    )(g, W_i1, b_i1, W_i2, b_i2, uv, W_t1, b_t1, W_t2, b_t2)


def kernel(user, item, prompt_emb, W_u1, b_u1, W_u2, b_u2,
           W_i1, b_i1, W_i2, b_i2, W_t1, b_t1, W_t2, b_t2):
    f32 = jnp.float32
    lab, cent = _kmeans_buckets(item)
    prompted = _prompted_user(user, cent, prompt_emb)
    pu = prompted.reshape(1, SEQ * 2 * DIM)
    uv = _user_mlp(pu, W_u1, b_u1.reshape(1, HID), W_u2, b_u2.reshape(1, HID))
    sim = _item_pass(item, W_i1, b_i1.reshape(1, HID),
                     W_i2, b_i2.reshape(1, HID), uv.reshape(HID, 1))
    pad = _NPAD - N_ITEMS
    sim_p = jnp.concatenate(
        [sim.reshape(-1), jnp.full((pad,), -3e30, f32)]).reshape(_PROWS, 128)
    lab_p = jnp.concatenate(
        [lab.astype(jnp.int32), jnp.full((pad,), -1, jnp.int32)]).reshape(_PROWS, 128)
    idx = _topk(sim_p, lab_p)
    g = _sc_gather(item, idx.reshape(2, 80))
    res = _final(g, W_i1, b_i1.reshape(1, HID), W_i2, b_i2.reshape(1, HID),
                 uv, W_t1, b_t1.reshape(1, HID), W_t2,
                 b_t2.reshape(1, K))
    return res

# --- scband reference (transcript-rebuilt; emitter-appended) ---
"""Pipeline reference for scband-kuaishou-ebr-73675868996394 (READ-ONLY COPY).

The authoritative reference and input builder live on the scoring server;
editing this copy changes nothing except your own understanding.
"""

import jax, jax.numpy as jnp
import numpy as np

K = 8
HID = 512
DIM = 128
SEQ = 50
REC = 20
N_ITEMS = 100000
KM_ITERS = 5


def setup_inputs(seed: int = 0) -> dict:
    key = jax.random.key(seed)
    ks = jax.random.split(key, 12)
    def g(i, shape, scale=0.02):
        return jax.random.normal(ks[i], shape, dtype=jnp.float32) * scale
    return {
        'user': jax.random.normal(ks[0], (SEQ, DIM), dtype=jnp.float32),
        'item': jax.random.normal(ks[1], (N_ITEMS, DIM), dtype=jnp.float32),
        'prompt_emb': g(2, (K, DIM), 1.0),
        'W_u1': g(3, (DIM * SEQ * 2, HID)), 'b_u1': jnp.zeros((HID,), jnp.float32),
        'W_u2': g(4, (HID, HID)), 'b_u2': jnp.zeros((HID,), jnp.float32),
        'W_i1': g(5, (DIM, HID)), 'b_i1': jnp.zeros((HID,), jnp.float32),
        'W_i2': g(6, (HID, HID)), 'b_i2': jnp.zeros((HID,), jnp.float32),
        'W_t1': g(7, (HID * (K + 1), HID)), 'b_t1': jnp.zeros((HID,), jnp.float32),
        'W_t2': g(8, (HID, K)), 'b_t2': jnp.zeros((K,), jnp.float32),
    }


def _kmeans(items):
    # Lloyd k-means, init = first K items (random_state fixed analogue)
    cent = items[:K]
    for _ in range(KM_ITERS):
        d2 = (jnp.sum(items * items, 1, keepdims=True)
              - 2.0 * items @ cent.T
              + jnp.sum(cent * cent, 1)[None, :])
        lab = jnp.argmin(d2, axis=1)
        sums = jax.ops.segment_sum(items, lab, num_segments=K)
        cnt = jax.ops.segment_sum(jnp.ones((items.shape[0],), jnp.float32), lab, num_segments=K)
        cent = sums / jnp.maximum(cnt, 1.0)[:, None]
    d2 = (jnp.sum(items * items, 1, keepdims=True)
          - 2.0 * items @ cent.T
          + jnp.sum(cent * cent, 1)[None, :])
    lab = jnp.argmin(d2, axis=1)
    return lab, cent


def reference(user, item, prompt_emb, W_u1, b_u1, W_u2, b_u2,
              W_i1, b_i1, W_i2, b_i2, W_t1, b_t1, W_t2, b_t2):
    # cluster items on detached embeddings (item.detach() in torch)
    item_sg = jax.lax.stop_gradient(item)
    labels, cent = _kmeans(item_sg)

    # prompt lookup for user history items: nearest centroid (prompt_table analogue)
    u_sg = jax.lax.stop_gradient(user)
    du = (jnp.sum(u_sg * u_sg, 1, keepdims=True)
          - 2.0 * u_sg @ cent.T
          + jnp.sum(cent * cent, 1)[None, :])
    u_lab = jnp.argmin(du, axis=1)  # [SEQ] int
    prompts = jnp.take(prompt_emb, u_lab, axis=0)  # [SEQ, DIM]

    prompted_user = jnp.concatenate([user, prompts], axis=-1).reshape(-1)  # [SEQ*DIM*2]
    user_vec = jax.nn.relu(prompted_user @ W_u1 + b_u1) @ W_u2 + b_u2  # [HID]

    item_h = jax.nn.relu(item @ W_i1 + b_i1) @ W_i2 + b_i2  # [N, HID]

    # cosine similarity (eps = 1e-8 like torch)
    sim = (item_h @ user_vec) / (jnp.linalg.norm(item_h, axis=1) * jnp.linalg.norm(user_vec) + 1e-8)

    # per-cluster top-recall_num recall
    k_ans = []
    for i in range(K):
        masked = jnp.where(labels == i, sim, -1e30)
        _, idx = jax.lax.top_k(masked, REC)
        k_ans.append(jnp.take(item_h, idx, axis=0))  # [REC, HID]
    k_ans = jnp.stack(k_ans)  # [K, REC, HID]

    kth = jnp.transpose(k_ans, (1, 0, 2)).reshape(REC, K * HID)  # rank-r item from each cluster
    inter = jnp.concatenate([jnp.broadcast_to(user_vec[None, :], (REC, HID)), kth], axis=-1)
    res = jax.nn.relu(inter @ W_t1 + b_t1) @ W_t2 + b_t2  # [REC, K]
    return res

if __name__ == "__main__":
    import jax
    _d = setup_inputs()
    print(jax.jit(kernel)(*tuple(_d.values())))

</pallas_src>

<mosaic_0001>
#map = affine_map<(d0, d1) -> (0, 0)>
module attributes {stable_mosaic.version = 14 : i64} {
  func.func @k(%arg0: i32, %arg1: i32, %arg2: memref<100000x128xf32, #tpu.memory_space<hbm>>, %arg3: memref<2x80xi32, #tpu.memory_space<hbm>>, %arg4: memref<160x128xf32, #tpu.memory_space<hbm>>, %arg5: memref<2x80xi32, #tpu.memory_space<vmem>>, %arg6: memref<160x128xf32, #tpu.memory_space<vmem>>, %arg7: memref<!tpu.dma_semaphore, #tpu.memory_space<semaphore_mem>>) attributes {dimension_semantics = [#tpu.dimension_semantics<core_parallel>, #tpu.dimension_semantics<subcore_parallel>], iteration_bounds = array<i64: 2, 16>, scalar_prefetch = 0 : i64, scratch_operands = 3 : i64, tpu.core_type = #tpu.core_type<sc_vector_subcore>, window_params = [{transform_indices = #map}, {transform_indices = #map}, {transform_indices = #map}]} {
    %eq3A = arith.constant 0 : i32
    %eq3A_0 = arith.cmpi eq, %arg0, %eq3A : i32
    %eq3A_1 = arith.constant 0 : i32
    %eq3A_2 = arith.cmpi eq, %arg1, %eq3A_1 : i32
    %and3A = arith.andi %eq3A_0, %eq3A_2 : i1
    %convert_element_type3A = arith.extui %and3A : i1 to i32
    %cond3A = arith.constant 0 : i32
    %cond3A_3 = arith.cmpi ne, %convert_element_type3A, %cond3A : i32
    scf.if %cond3A_3 {
      "tpu.region"() ({
        %run_scoped3A = tpu.sem_alloc : memref<!tpu.dma_semaphore, #tpu.memory_space<semaphore_mem>>
        tpu.enqueue_dma source(%arg3 : memref<2x80xi32, #tpu.memory_space<hbm>>) target(%arg5 : memref<2x80xi32, #tpu.memory_space<vmem>>) target_semaphore(%run_scoped3A : memref<!tpu.dma_semaphore, #tpu.memory_space<semaphore_mem>>)
        tpu.wait_dma2 semaphore(%run_scoped3A : memref<!tpu.dma_semaphore, #tpu.memory_space<semaphore_mem>>) src(%arg3 : memref<2x80xi32, #tpu.memory_space<hbm>>) dst(%arg5 : memref<2x80xi32, #tpu.memory_space<vmem>>)
        tpu.yield
      }) : () -> ()
      %dma_start3A = arith.constant 0 : i32
      %dma_start3A_4 = arith.constant 0 : i32
      %dma_start3A_5 = arith.constant 0 : i32
      %dma_start3A_6 = tpu.memref_slice %arg6[%dma_start3A_4, %dma_start3A_5] : memref<160x128xf32, #tpu.memory_space<vmem>> -> memref<80x128xf32, #tpu.memory_space<vmem>>
      %dma_start3A_7 = arith.constant 0 : i32
      %dma_start3A_8 = tpu.memref_slice %arg5[%dma_start3A, %dma_start3A_7] : memref<2x80xi32, #tpu.memory_space<vmem>> -> memref<1x80xi32, #tpu.memory_space<vmem>>
      %dma_start3A_9 = tpu.memref_squeeze %dma_start3A_8 : memref<1x80xi32, #tpu.memory_space<vmem>> -> memref<80xi32, #tpu.memory_space<vmem>>
      %dma_start3A_10 = arith.constant 0 : i32
      %dma_start3A_11 = arith.constant 0 : i32
      %dma_start3A_12 = tpu.memref_slice %arg2[%dma_start3A_10, %dma_start3A_11] : memref<100000x128xf32, #tpu.memory_space<hbm>> -> memref<100000x128xf32, #tpu.memory_space<hbm>>
      tpu.enqueue_indirect_dma source(%dma_start3A_12 : memref<100000x128xf32, #tpu.memory_space<hbm>>) target(%dma_start3A_6 : memref<80x128xf32, #tpu.memory_space<vmem>>) offsets(%dma_start3A_9 : memref<80xi32, #tpu.memory_space<vmem>>) semaphore(%arg7 : memref<!tpu.dma_semaphore, #tpu.memory_space<semaphore_mem>>)
      %dma_wait3A = arith.constant 0 : i32
      %dma_wait3A_13 = arith.constant 0 : i32
      %dma_wait3A_14 = arith.constant 0 : i32
      %dma_wait3A_15 = tpu.memref_slice %arg6[%dma_wait3A_13, %dma_wait3A_14] : memref<160x128xf32, #tpu.memory_space<vmem>> -> memref<80x128xf32, #tpu.memory_space<vmem>>
      %dma_wait3A_16 = arith.constant 0 : i32
      %dma_wait3A_17 = tpu.memref_slice %arg5[%dma_wait3A, %dma_wait3A_16] : memref<2x80xi32, #tpu.memory_space<vmem>> -> memref<1x80xi32, #tpu.memory_space<vmem>>
      %dma_wait3A_18 = tpu.memref_squeeze %dma_wait3A_17 : memref<1x80xi32, #tpu.memory_space<vmem>> -> memref<80xi32, #tpu.memory_space<vmem>>
      %dma_wait3A_19 = arith.constant 0 : i32
      %dma_wait3A_20 = arith.constant 0 : i32
      %dma_wait3A_21 = tpu.memref_slice %arg2[%dma_wait3A_19, %dma_wait3A_20] : memref<100000x128xf32, #tpu.memory_space<hbm>> -> memref<100000x128xf32, #tpu.memory_space<hbm>>
      tpu.wait_indirect_dma semaphore(%arg7 : memref<!tpu.dma_semaphore, #tpu.memory_space<semaphore_mem>>) src(%dma_wait3A_21 : memref<100000x128xf32, #tpu.memory_space<hbm>>) dst(%dma_wait3A_15 : memref<80x128xf32, #tpu.memory_space<vmem>>)
      %dma_start3A_22 = arith.constant 1 : i32
      %dma_start3A_23 = arith.constant 80 : i32
      %dma_start3A_24 = arith.constant 0 : i32
      %dma_start3A_25 = tpu.memref_slice %arg6[%dma_start3A_23, %dma_start3A_24] : memref<160x128xf32, #tpu.memory_space<vmem>> -> memref<80x128xf32, #tpu.memory_space<vmem>>
      %dma_start3A_26 = arith.constant 0 : i32
      %dma_start3A_27 = tpu.memref_slice %arg5[%dma_start3A_22, %dma_start3A_26] : memref<2x80xi32, #tpu.memory_space<vmem>> -> memref<1x80xi32, #tpu.memory_space<vmem>>
      %dma_start3A_28 = tpu.memref_squeeze %dma_start3A_27 : memref<1x80xi32, #tpu.memory_space<vmem>> -> memref<80xi32, #tpu.memory_space<vmem>>
      %dma_start3A_29 = arith.constant 0 : i32
      %dma_start3A_30 = arith.constant 0 : i32
      %dma_start3A_31 = tpu.memref_slice %arg2[%dma_start3A_29, %dma_start3A_30] : memref<100000x128xf32, #tpu.memory_space<hbm>> -> memref<100000x128xf32, #tpu.memory_space<hbm>>
      tpu.enqueue_indirect_dma source(%dma_start3A_31 : memref<100000x128xf32, #tpu.memory_space<hbm>>) target(%dma_start3A_25 : memref<80x128xf32, #tpu.memory_space<vmem>>) offsets(%dma_start3A_28 : memref<80xi32, #tpu.memory_space<vmem>>) semaphore(%arg7 : memref<!tpu.dma_semaphore, #tpu.memory_space<semaphore_mem>>)
      %dma_wait3A_32 = arith.constant 1 : i32
      %dma_wait3A_33 = arith.constant 80 : i32
      %dma_wait3A_34 = arith.constant 0 : i32
      %dma_wait3A_35 = tpu.memref_slice %arg6[%dma_wait3A_33, %dma_wait3A_34] : memref<160x128xf32, #tpu.memory_space<vmem>> -> memref<80x128xf32, #tpu.memory_space<vmem>>
      %dma_wait3A_36 = arith.constant 0 : i32
      %dma_wait3A_37 = tpu.memref_slice %arg5[%dma_wait3A_32, %dma_wait3A_36] : memref<2x80xi32, #tpu.memory_space<vmem>> -> memref<1x80xi32, #tpu.memory_space<vmem>>
      %dma_wait3A_38 = tpu.memref_squeeze %dma_wait3A_37 : memref<1x80xi32, #tpu.memory_space<vmem>> -> memref<80xi32, #tpu.memory_space<vmem>>
      %dma_wait3A_39 = arith.constant 0 : i32
      %dma_wait3A_40 = arith.constant 0 : i32
      %dma_wait3A_41 = tpu.memref_slice %arg2[%dma_wait3A_39, %dma_wait3A_40] : memref<100000x128xf32, #tpu.memory_space<hbm>> -> memref<100000x128xf32, #tpu.memory_space<hbm>>
      tpu.wait_indirect_dma semaphore(%arg7 : memref<!tpu.dma_semaphore, #tpu.memory_space<semaphore_mem>>) src(%dma_wait3A_41 : memref<100000x128xf32, #tpu.memory_space<hbm>>) dst(%dma_wait3A_35 : memref<80x128xf32, #tpu.memory_space<vmem>>)
      "tpu.region"() ({
        %run_scoped3A = tpu.sem_alloc : memref<!tpu.dma_semaphore, #tpu.memory_space<semaphore_mem>>
        tpu.enqueue_dma source(%arg6 : memref<160x128xf32, #tpu.memory_space<vmem>>) target(%arg4 : memref<160x128xf32, #tpu.memory_space<hbm>>) target_semaphore(%run_scoped3A : memref<!tpu.dma_semaphore, #tpu.memory_space<semaphore_mem>>)
        tpu.wait_dma2 semaphore(%run_scoped3A : memref<!tpu.dma_semaphore, #tpu.memory_space<semaphore_mem>>) src(%arg6 : memref<160x128xf32, #tpu.memory_space<vmem>>) dst(%arg4 : memref<160x128xf32, #tpu.memory_space<hbm>>)
        tpu.yield
      }) : () -> ()
    } else {
    }
    return
  }
}

module attributes {stable_mosaic.version = 14 : i64} {
  func.func @_prompt_body(%arg0: memref<50x128xf32, #tpu.memory_space<vmem>>, %arg1: memref<8x128xf32, #tpu.memory_space<vmem>>, %arg2: memref<8x128xf32, #tpu.memory_space<vmem>>, %arg3: memref<50x256xf32, #tpu.memory_space<vmem>>) attributes {dimension_semantics = [], scalar_prefetch = 0 : i64, scratch_operands = 0 : i64, tpu.core_type = #tpu.core_type<tc>} {
    %get3A = arith.constant 0 : index
    %get3A_0 = arith.constant 0 : index
    %get3A_1 = vector.load %arg0[%get3A, %get3A_0] : memref<50x128xf32, #tpu.memory_space<vmem>>, vector<50x128xf32>
    %get3A_2 = arith.constant 0 : index
    %get3A_3 = arith.constant 0 : index
    %get3A_4 = vector.load %arg1[%get3A_2, %get3A_3] : memref<8x128xf32, #tpu.memory_space<vmem>>, vector<8x128xf32>
    %dot_general3A = arith.constant dense<0.000000e+00> : vector<50x8xf32>
    %dot_general3A_5 = tpu.matmul %get3A_1, %get3A_4, %dot_general3A {dimension_numbers = #tpu.dot_dimension_numbers<[1], [1], [0], [0], [0, 0, 1, 0], [], []>, transpose_lhs_hint = false} : vector<50x128xf32>, vector<8x128xf32>, vector<50x8xf32> -> vector<50x8xf32>
    %broadcast_in_dim3A = arith.constant 1.000000e+00 : f32
    %broadcast_in_dim3A_6 = vector.broadcast %broadcast_in_dim3A : f32 to vector<1x128xf32>
    %mul3A = arith.mulf %get3A_4, %get3A_4 : vector<8x128xf32>
    %dot_general3A_7 = arith.constant dense<0.000000e+00> : vector<1x8xf32>
    %dot_general3A_8 = tpu.matmul %broadcast_in_dim3A_6, %mul3A, %dot_general3A_7 {dimension_numbers = #tpu.dot_dimension_numbers<[1], [1], [0], [0], [0, 0, 1, 0], [], []>, precision = #tpu.contract_precision<fp32>, transpose_lhs_hint = false} : vector<1x128xf32>, vector<8x128xf32>, vector<1x8xf32> -> vector<1x8xf32>
    %mul3A_9 = arith.mulf %get3A_1, %get3A_1 : vector<50x128xf32>
    %reduce_sum3A = arith.constant dense<0.000000e+00> : vector<50xf32>
    %reduce_sum3A_10 = vector.multi_reduction <add>, %mul3A_9, %reduce_sum3A [1] : vector<50x128xf32> to vector<50xf32>
    %broadcast_in_dim3A_11 = vector.shape_cast %reduce_sum3A_10 : vector<50xf32> to vector<50x1xf32>
    %mul3A_12 = arith.constant 2.000000e+00 : f32
    %mul3A_13 = vector.broadcast %mul3A_12 : f32 to vector<50x8xf32>
    %mul3A_14 = arith.mulf %mul3A_13, %dot_general3A_5 : vector<50x8xf32>
    %sub3A = vector.broadcast %broadcast_in_dim3A_11 : vector<50x1xf32> to vector<50x8xf32>
    %sub3A_15 = arith.subf %sub3A, %mul3A_14 : vector<50x8xf32>
    %add3A = vector.broadcast %dot_general3A_8 : vector<1x8xf32> to vector<50x8xf32>
    %add3A_16 = arith.addf %sub3A_15, %add3A : vector<50x8xf32>
    %reduce_min3A = arith.constant dense<0x7F800000> : vector<50xf32>
    %reduce_min3A_17 = vector.multi_reduction <minimumf>, %add3A_16, %reduce_min3A [1] : vector<50x8xf32> to vector<50xf32>
    %broadcast_in_dim3A_18 = vector.shape_cast %reduce_min3A_17 : vector<50xf32> to vector<50x1xf32>
    %iota3A = tpu.iota {dimensions = array<i32: 1>} : vector<50x8xi32>
    %le3A = vector.broadcast %broadcast_in_dim3A_18 : vector<50x1xf32> to vector<50x8xf32>
    %le3A_19 = arith.cmpf ole, %add3A_16, %le3A : vector<50x8xf32>
    %jit3A = arith.constant 8 : i32
    %broadcast_in_dim3A_20 = vector.broadcast %jit3A : i32 to vector<50x8xi32>
    %select_n3A = arith.select %le3A_19, %iota3A, %broadcast_in_dim3A_20 : vector<50x8xi1>, vector<50x8xi32>
    %reduce_min3A_21 = arith.constant dense<2147483647> : vector<50xi32>
    %reduce_min3A_22 = vector.multi_reduction <minsi>, %select_n3A, %reduce_min3A_21 [1] : vector<50x8xi32> to vector<50xi32>
    %broadcast_in_dim3A_23 = vector.shape_cast %reduce_min3A_22 : vector<50xi32> to vector<50x1xi32>
    %broadcast_in_dim3A_24 = arith.constant 0.000000e+00 : f32
    %broadcast_in_dim3A_25 = vector.broadcast %broadcast_in_dim3A_24 : f32 to vector<50x128xf32>
    %eq3A = arith.constant 0 : i32
    %eq3A_26 = vector.broadcast %eq3A : i32 to vector<50x1xi32>
    %eq3A_27 = arith.cmpi eq, %broadcast_in_dim3A_23, %eq3A_26 : vector<50x1xi32>
    %get3A_28 = arith.constant 0 : index
    %get3A_29 = arith.constant 0 : index
    %get3A_30 = vector.load %arg2[%get3A_28, %get3A_29] : memref<8x128xf32, #tpu.memory_space<vmem>>, vector<1x128xf32>
    %broadcast_in_dim3A_31 = vector.shape_cast %eq3A_27 : vector<50x1xi1> to vector<50x1xi1>
    %broadcast_in_dim3A_32 = vector.broadcast %broadcast_in_dim3A_31 : vector<50x1xi1> to vector<50x128xi1>
    %broadcast_in_dim3A_33 = vector.shape_cast %get3A_30 : vector<1x128xf32> to vector<1x128xf32>
    %broadcast_in_dim3A_34 = vector.broadcast %broadcast_in_dim3A_33 : vector<1x128xf32> to vector<50x128xf32>
    %select_n3A_35 = arith.select %broadcast_in_dim3A_32, %broadcast_in_dim3A_34, %broadcast_in_dim3A_25 : vector<50x128xi1>, vector<50x128xf32>
    %eq3A_36 = arith.constant 1 : i32
    %eq3A_37 = vector.broadcast %eq3A_36 : i32 to vector<50x1xi32>
    %eq3A_38 = arith.cmpi eq, %broadcast_in_dim3A_23, %eq3A_37 : vector<50x1xi32>
    %get3A_39 = arith.constant 1 : index
    %get3A_40 = arith.constant 0 : index
    %get3A_41 = vector.load %arg2[%get3A_39, %get3A_40] : memref<8x128xf32, #tpu.memory_space<vmem>>, vector<1x128xf32>
    %broadcast_in_dim3A_42 = vector.shape_cast %eq3A_38 : vector<50x1xi1> to vector<50x1xi1>
    %broadcast_in_dim3A_43 = vector.broadcast %broadcast_in_dim3A_42 : vector<50x1xi1> to vector<50x128xi1>
    %broadcast_in_dim3A_44 = vector.shape_cast %get3A_41 : vector<1x128xf32> to vector<1x128xf32>
    %broadcast_in_dim3A_45 = vector.broadcast %broadcast_in_dim3A_44 : vector<1x128xf32> to vector<50x128xf32>
    %select_n3A_46 = arith.select %broadcast_in_dim3A_43, %broadcast_in_dim3A_45, %select_n3A_35 : vector<50x128xi1>, vector<50x128xf32>
    %eq3A_47 = arith.constant 2 : i32
    %eq3A_48 = vector.broadcast %eq3A_47 : i32 to vector<50x1xi32>
    %eq3A_49 = arith.cmpi eq, %broadcast_in_dim3A_23, %eq3A_48 : vector<50x1xi32>
    %get3A_50 = arith.constant 2 : index
    %get3A_51 = arith.constant 0 : index
    %get3A_52 = vector.load %arg2[%get3A_50, %get3A_51] : memref<8x128xf32, #tpu.memory_space<vmem>>, vector<1x128xf32>
    %broadcast_in_dim3A_53 = vector.shape_cast %eq3A_49 : vector<50x1xi1> to vector<50x1xi1>
    %broadcast_in_dim3A_54 = vector.broadcast %broadcast_in_dim3A_53 : vector<50x1xi1> to vector<50x128xi1>
    %broadcast_in_dim3A_55 = vector.shape_cast %get3A_52 : vector<1x128xf32> to vector<1x128xf32>
    %broadcast_in_dim3A_56 = vector.broadcast %broadcast_in_dim3A_55 : vector<1x128xf32> to vector<50x128xf32>
    %select_n3A_57 = arith.select %broadcast_in_dim3A_54, %broadcast_in_dim3A_56, %select_n3A_46 : vector<50x128xi1>, vector<50x128xf32>
    %eq3A_58 = arith.constant 3 : i32
    %eq3A_59 = vector.broadcast %eq3A_58 : i32 to vector<50x1xi32>
    %eq3A_60 = arith.cmpi eq, %broadcast_in_dim3A_23, %eq3A_59 : vector<50x1xi32>
    %get3A_61 = arith.constant 3 : index
    %get3A_62 = arith.constant 0 : index
    %get3A_63 = vector.load %arg2[%get3A_61, %get3A_62] : memref<8x128xf32, #tpu.memory_space<vmem>>, vector<1x128xf32>
    %broadcast_in_dim3A_64 = vector.shape_cast %eq3A_60 : vector<50x1xi1> to vector<50x1xi1>
    %broadcast_in_dim3A_65 = vector.broadcast %broadcast_in_dim3A_64 : vector<50x1xi1> to vector<50x128xi1>
    %broadcast_in_dim3A_66 = vector.shape_cast %get3A_63 : vector<1x128xf32> to vector<1x128xf32>
    %broadcast_in_dim3A_67 = vector.broadcast %broadcast_in_dim3A_66 : vector<1x128xf32> to vector<50x128xf32>
    %select_n3A_68 = arith.select %broadcast_in_dim3A_65, %broadcast_in_dim3A_67, %select_n3A_57 : vector<50x128xi1>, vector<50x128xf32>
    %eq3A_69 = arith.constant 4 : i32
    %eq3A_70 = vector.broadcast %eq3A_69 : i32 to vector<50x1xi32>
    %eq3A_71 = arith.cmpi eq, %broadcast_in_dim3A_23, %eq3A_70 : vector<50x1xi32>
    %get3A_72 = arith.constant 4 : index
    %get3A_73 = arith.constant 0 : index
    %get3A_74 = vector.load %arg2[%get3A_72, %get3A_73] : memref<8x128xf32, #tpu.memory_space<vmem>>, vector<1x128xf32>
    %broadcast_in_dim3A_75 = vector.shape_cast %eq3A_71 : vector<50x1xi1> to vector<50x1xi1>
    %broadcast_in_dim3A_76 = vector.broadcast %broadcast_in_dim3A_75 : vector<50x1xi1> to vector<50x128xi1>
    %broadcast_in_dim3A_77 = vector.shape_cast %get3A_74 : vector<1x128xf32> to vector<1x128xf32>
    %broadcast_in_dim3A_78 = vector.broadcast %broadcast_in_dim3A_77 : vector<1x128xf32> to vector<50x128xf32>
    %select_n3A_79 = arith.select %broadcast_in_dim3A_76, %broadcast_in_dim3A_78, %select_n3A_68 : vector<50x128xi1>, vector<50x128xf32>
    %eq3A_80 = arith.constant 5 : i32
    %eq3A_81 = vector.broadcast %eq3A_80 : i32 to vector<50x1xi32>
    %eq3A_82 = arith.cmpi eq, %broadcast_in_dim3A_23, %eq3A_81 : vector<50x1xi32>
    %get3A_83 = arith.constant 5 : index
    %get3A_84 = arith.constant 0 : index
    %get3A_85 = vector.load %arg2[%get3A_83, %get3A_84] : memref<8x128xf32, #tpu.memory_space<vmem>>, vector<1x128xf32>
    %broadcast_in_dim3A_86 = vector.shape_cast %eq3A_82 : vector<50x1xi1> to vector<50x1xi1>
    %broadcast_in_dim3A_87 = vector.broadcast %broadcast_in_dim3A_86 : vector<50x1xi1> to vector<50x128xi1>
    %broadcast_in_dim3A_88 = vector.shape_cast %get3A_85 : vector<1x128xf32> to vector<1x128xf32>
    %broadcast_in_dim3A_89 = vector.broadcast %broadcast_in_dim3A_88 : vector<1x128xf32> to vector<50x128xf32>
    %select_n3A_90 = arith.select %broadcast_in_dim3A_87, %broadcast_in_dim3A_89, %select_n3A_79 : vector<50x128xi1>, vector<50x128xf32>
    %eq3A_91 = arith.constant 6 : i32
    %eq3A_92 = vector.broadcast %eq3A_91 : i32 to vector<50x1xi32>
    %eq3A_93 = arith.cmpi eq, %broadcast_in_dim3A_23, %eq3A_92 : vector<50x1xi32>
    %get3A_94 = arith.constant 6 : index
    %get3A_95 = arith.constant 0 : index
    %get3A_96 = vector.load %arg2[%get3A_94, %get3A_95] : memref<8x128xf32, #tpu.memory_space<vmem>>, vector<1x128xf32>
    %broadcast_in_dim3A_97 = vector.shape_cast %eq3A_93 : vector<50x1xi1> to vector<50x1xi1>
    %broadcast_in_dim3A_98 = vector.broadcast %broadcast_in_dim3A_97 : vector<50x1xi1> to vector<50x128xi1>
    %broadcast_in_dim3A_99 = vector.shape_cast %get3A_96 : vector<1x128xf32> to vector<1x128xf32>
    %broadcast_in_dim3A_100 = vector.broadcast %broadcast_in_dim3A_99 : vector<1x128xf32> to vector<50x128xf32>
    %select_n3A_101 = arith.select %broadcast_in_dim3A_98, %broadcast_in_dim3A_100, %select_n3A_90 : vector<50x128xi1>, vector<50x128xf32>
    %eq3A_102 = arith.constant 7 : i32
    %eq3A_103 = vector.broadcast %eq3A_102 : i32 to vector<50x1xi32>
    %eq3A_104 = arith.cmpi eq, %broadcast_in_dim3A_23, %eq3A_103 : vector<50x1xi32>
    %get3A_105 = arith.constant 7 : index
    %get3A_106 = arith.constant 0 : index
    %get3A_107 = vector.load %arg2[%get3A_105, %get3A_106] : memref<8x128xf32, #tpu.memory_space<vmem>>, vector<1x128xf32>
    %broadcast_in_dim3A_108 = vector.shape_cast %eq3A_104 : vector<50x1xi1> to vector<50x1xi1>
    %broadcast_in_dim3A_109 = vector.broadcast %broadcast_in_dim3A_108 : vector<50x1xi1> to vector<50x128xi1>
    %broadcast_in_dim3A_110 = vector.shape_cast %get3A_107 : vector<1x128xf32> to vector<1x128xf32>
    %broadcast_in_dim3A_111 = vector.broadcast %broadcast_in_dim3A_110 : vector<1x128xf32> to vector<50x128xf32>
    %select_n3A_112 = arith.select %broadcast_in_dim3A_109, %broadcast_in_dim3A_111, %select_n3A_101 : vector<50x128xi1>, vector<50x128xf32>
    %swap3A = arith.constant 0 : index
    %swap3A_113 = arith.constant 0 : index
    %swap3A_114 = vector.load %arg3[%swap3A, %swap3A_113] : memref<50x256xf32, #tpu.memory_space<vmem>>, vector<50x128xf32>
    tpu.vector_store %arg3[%swap3A, %swap3A_113], %get3A_1 {strides = array<i32>} : memref<50x256xf32, #tpu.memory_space<vmem>>, vector<50x128xf32>,
    %swap3A_115 = arith.constant 0 : index
    %swap3A_116 = arith.constant 128 : index
    %swap3A_117 = vector.load %arg3[%swap3A_115, %swap3A_116] : memref<50x256xf32, #tpu.memory_space<vmem>>, vector<50x128xf32>
    tpu.vector_store %arg3[%swap3A_115, %swap3A_116], %select_n3A_112 {strides = array<i32>} : memref<50x256xf32, #tpu.memory_space<vmem>>, vector<50x128xf32>,
    return
  }
}

module attributes {stable_mosaic.version = 14 : i64} {
  func.func @_user_mlp_body(%arg0: memref<1x12800xf32, #tpu.memory_space<vmem>>, %arg1: memref<12800x512xf32, #tpu.memory_space<vmem>>, %arg2: memref<1x512xf32, #tpu.memory_space<vmem>>, %arg3: memref<512x512xf32, #tpu.memory_space<vmem>>, %arg4: memref<1x512xf32, #tpu.memory_space<vmem>>, %arg5: memref<1x512xf32, #tpu.memory_space<vmem>>) attributes {dimension_semantics = [], scalar_prefetch = 0 : i64, scratch_operands = 0 : i64, tpu.core_type = #tpu.core_type<tc>} {
    %get3A = arith.constant 0 : index
    %get3A_0 = arith.constant 0 : index
    %get3A_1 = vector.load %arg0[%get3A, %get3A_0] : memref<1x12800xf32, #tpu.memory_space<vmem>>, vector<1x12800xf32>
    %get3A_2 = arith.constant 0 : index
    %get3A_3 = arith.constant 0 : index
    %get3A_4 = vector.load %arg1[%get3A_2, %get3A_3] : memref<12800x512xf32, #tpu.memory_space<vmem>>, vector<12800x512xf32>
    %dot_general3A = arith.constant dense<0.000000e+00> : vector<1x512xf32>
    %dot_general3A_5 = tpu.matmul %get3A_1, %get3A_4, %dot_general3A {dimension_numbers = #tpu.dot_dimension_numbers<[1], [0], [0], [1], [0, 0, 1, 1], [], []>, transpose_lhs_hint = false} : vector<1x12800xf32>, vector<12800x512xf32>, vector<1x512xf32> -> vector<1x512xf32>
    %get3A_6 = arith.constant 0 : index
    %get3A_7 = arith.constant 0 : index
    %get3A_8 = vector.load %arg2[%get3A_6, %get3A_7] : memref<1x512xf32, #tpu.memory_space<vmem>>, vector<1x512xf32>
    %add3A = arith.addf %dot_general3A_5, %get3A_8 : vector<1x512xf32>
    %max3A = arith.constant 0.000000e+00 : f32
    %max3A_9 = vector.broadcast %max3A : f32 to vector<1x512xf32>
    %max3A_10 = arith.maximumf %add3A, %max3A_9 : vector<1x512xf32>
    %get3A_11 = arith.constant 0 : index
    %get3A_12 = arith.constant 0 : index
    %get3A_13 = vector.load %arg3[%get3A_11, %get3A_12] : memref<512x512xf32, #tpu.memory_space<vmem>>, vector<512x512xf32>
    %dot_general3A_14 = arith.constant dense<0.000000e+00> : vector<1x512xf32>
    %dot_general3A_15 = tpu.matmul %max3A_10, %get3A_13, %dot_general3A_14 {dimension_numbers = #tpu.dot_dimension_numbers<[1], [0], [0], [1], [0, 0, 1, 1], [], []>, transpose_lhs_hint = false} : vector<1x512xf32>, vector<512x512xf32>, vector<1x512xf32> -> vector<1x512xf32>
    %get3A_16 = arith.constant 0 : index
    %get3A_17 = arith.constant 0 : index
    %get3A_18 = vector.load %arg4[%get3A_16, %get3A_17] : memref<1x512xf32, #tpu.memory_space<vmem>>, vector<1x512xf32>
    %add3A_19 = arith.addf %dot_general3A_15, %get3A_18 : vector<1x512xf32>
    %swap3A = arith.constant 0 : index
    %swap3A_20 = arith.constant 0 : index
    %swap3A_21 = vector.load %arg5[%swap3A, %swap3A_20] : memref<1x512xf32, #tpu.memory_space<vmem>>, vector<1x512xf32>
    tpu.vector_store %arg5[%swap3A, %swap3A_20], %add3A_19 {strides = array<i32>} : memref<1x512xf32, #tpu.memory_space<vmem>>, vector<1x512xf32>,
    return
  }
}

module attributes {stable_mosaic.version = 14 : i64} {
  func.func @_item_pass_body(%arg0: i32, %arg1: memref<2000x128xf32, #tpu.memory_space<vmem>>, %arg2: memref<128x512xf32, #tpu.memory_space<vmem>>, %arg3: memref<1x512xf32, #tpu.memory_space<vmem>>, %arg4: memref<512x512xf32, #tpu.memory_space<vmem>>, %arg5: memref<1x512xf32, #tpu.memory_space<vmem>>, %arg6: memref<512x1xf32, #tpu.memory_space<vmem>>, %arg7: memref<2000x1xf32, #tpu.memory_space<vmem>>) attributes {dimension_semantics = [#tpu.dimension_semantics<arbitrary>], iteration_bounds = array<i64: 50>, scalar_prefetch = 0 : i64, scratch_operands = 0 : i64, tpu.core_type = #tpu.core_type<tc>, window_params = [{transform_indices = @transform_0, window_bounds = array<i64: 2000, 128>}, {pipeline_mode = #tpu.pipeline_mode<synchronous>, transform_indices = @transform_1, window_bounds = array<i64: 128, 512>}, {pipeline_mode = #tpu.pipeline_mode<synchronous>, transform_indices = @transform_2, window_bounds = array<i64: 1, 512>}, {pipeline_mode = #tpu.pipeline_mode<synchronous>, transform_indices = @transform_3, window_bounds = array<i64: 512, 512>}, {pipeline_mode = #tpu.pipeline_mode<synchronous>, transform_indices = @transform_4, window_bounds = array<i64: 1, 512>}, {pipeline_mode = #tpu.pipeline_mode<synchronous>, transform_indices = @transform_5, window_bounds = array<i64: 512, 1>}, {transform_indices = @transform_6, window_bounds = array<i64: 2000, 1>}]} {
    %get3A = arith.constant 0 : index
    %get3A_0 = arith.constant 0 : index
    %get3A_1 = vector.load %arg1[%get3A, %get3A_0] : memref<2000x128xf32, #tpu.memory_space<vmem>>, vector<2000x128xf32>
    %get3A_2 = arith.constant 0 : index
    %get3A_3 = arith.constant 0 : index
    %get3A_4 = vector.load %arg2[%get3A_2, %get3A_3] : memref<128x512xf32, #tpu.memory_space<vmem>>, vector<128x512xf32>
    %dot_general3A = arith.constant dense<0.000000e+00> : vector<2000x512xf32>
    %dot_general3A_5 = tpu.matmul %get3A_1, %get3A_4, %dot_general3A {dimension_numbers = #tpu.dot_dimension_numbers<[1], [0], [0], [1], [0, 0, 1, 1], [], []>, transpose_lhs_hint = false} : vector<2000x128xf32>, vector<128x512xf32>, vector<2000x512xf32> -> vector<2000x512xf32>
    %get3A_6 = arith.constant 0 : index
    %get3A_7 = arith.constant 0 : index
    %get3A_8 = vector.load %arg3[%get3A_6, %get3A_7] : memref<1x512xf32, #tpu.memory_space<vmem>>, vector<1x512xf32>
    %add3A = vector.broadcast %get3A_8 : vector<1x512xf32> to vector<2000x512xf32>
    %add3A_9 = arith.addf %dot_general3A_5, %add3A : vector<2000x512xf32>
    %max3A = arith.constant 0.000000e+00 : f32
    %max3A_10 = vector.broadcast %max3A : f32 to vector<2000x512xf32>
    %max3A_11 = arith.maximumf %add3A_9, %max3A_10 : vector<2000x512xf32>
    %get3A_12 = arith.constant 0 : index
    %get3A_13 = arith.constant 0 : index
    %get3A_14 = vector.load %arg4[%get3A_12, %get3A_13] : memref<512x512xf32, #tpu.memory_space<vmem>>, vector<512x512xf32>
    %dot_general3A_15 = arith.constant dense<0.000000e+00> : vector<2000x512xf32>
    %dot_general3A_16 = tpu.matmul %max3A_11, %get3A_14, %dot_general3A_15 {dimension_numbers = #tpu.dot_dimension_numbers<[1], [0], [0], [1], [0, 0, 1, 1], [], []>, transpose_lhs_hint = false} : vector<2000x512xf32>, vector<512x512xf32>, vector<2000x512xf32> -> vector<2000x512xf32>
    %get3A_17 = arith.constant 0 : index
    %get3A_18 = arith.constant 0 : index
    %get3A_19 = vector.load %arg5[%get3A_17, %get3A_18] : memref<1x512xf32, #tpu.memory_space<vmem>>, vector<1x512xf32>
    %add3A_20 = vector.broadcast %get3A_19 : vector<1x512xf32> to vector<2000x512xf32>
    %add3A_21 = arith.addf %dot_general3A_16, %add3A_20 : vector<2000x512xf32>
    %mul3A = arith.mulf %add3A_21, %add3A_21 : vector<2000x512xf32>
    %reduce_sum3A = arith.constant dense<0.000000e+00> : vector<2000xf32>
    %reduce_sum3A_22 = vector.multi_reduction <add>, %mul3A, %reduce_sum3A [1] : vector<2000x512xf32> to vector<2000xf32>
    %broadcast_in_dim3A = vector.shape_cast %reduce_sum3A_22 : vector<2000xf32> to vector<2000x1xf32>
    %get3A_23 = arith.constant 0 : index
    %get3A_24 = arith.constant 0 : index
    %get3A_25 = vector.load %arg6[%get3A_23, %get3A_24] : memref<512x1xf32, #tpu.memory_space<vmem>>, vector<512x1xf32>
    %dot_general3A_26 = arith.constant dense<0.000000e+00> : vector<2000x1xf32>
    %dot_general3A_27 = tpu.matmul %add3A_21, %get3A_25, %dot_general3A_26 {dimension_numbers = #tpu.dot_dimension_numbers<[1], [0], [0], [1], [0, 0, 1, 1], [], []>, transpose_lhs_hint = false} : vector<2000x512xf32>, vector<512x1xf32>, vector<2000x1xf32> -> vector<2000x1xf32>
    %mul3A_28 = arith.mulf %get3A_25, %get3A_25 : vector<512x1xf32>
    %reduce_sum3A_29 = vector.shape_cast %mul3A_28 : vector<512x1xf32> to vector<1x512x1xf32>
    %reduce_sum3A_30 = arith.constant dense<0.000000e+00> : vector<1xf32>
    %reduce_sum3A_31 = vector.multi_reduction <add>, %reduce_sum3A_29, %reduce_sum3A_30 [1, 2] : vector<1x512x1xf32> to vector<1xf32>
    %reduce_sum3A_32 = vector.shape_cast %reduce_sum3A_31 : vector<1xf32> to vector<1x1x1xf32>
    %reduce_sum3A_33 = vector.extract %reduce_sum3A_32[0, 0, 0] : f32 from vector<1x1x1xf32>
    %sqrt3A = math.sqrt %reduce_sum3A_33 : f32
    %sqrt3A_34 = math.sqrt %broadcast_in_dim3A : vector<2000x1xf32>
    %mul3A_35 = vector.broadcast %sqrt3A : f32 to vector<2000x1xf32>
    %mul3A_36 = arith.mulf %sqrt3A_34, %mul3A_35 : vector<2000x1xf32>
    %add3A_37 = arith.constant 9.99999993E-9 : f32
    %add3A_38 = vector.broadcast %add3A_37 : f32 to vector<2000x1xf32>
    %add3A_39 = arith.addf %mul3A_36, %add3A_38 : vector<2000x1xf32>
    %div3A = arith.divf %dot_general3A_27, %add3A_39 : vector<2000x1xf32>
    %swap3A = arith.constant 0 : index
    %swap3A_40 = arith.constant 0 : index
    %swap3A_41 = vector.load %arg7[%swap3A, %swap3A_40] : memref<2000x1xf32, #tpu.memory_space<vmem>>, vector<2000x1xf32>
    tpu.vector_store %arg7[%swap3A, %swap3A_40], %div3A {strides = array<i32>} : memref<2000x1xf32, #tpu.memory_space<vmem>>, vector<2000x1xf32>,
    return
  }
  func.func @transform_0(%arg0: i32) -> (i32, i32) {
    %c0_i32 = arith.constant 0 : i32
    %c0_i32_0 = arith.constant 0 : i32
    return %arg0, %c0_i32 : i32, i32
  }
  func.func @transform_1(%arg0: i32) -> (i32, i32) {
    %c0_i32 = arith.constant 0 : i32
    %c0_i32_0 = arith.constant 0 : i32
    %c0_i32_1 = arith.constant 0 : i32
    return %c0_i32, %c0_i32_0 : i32, i32
  }
  func.func @transform_2(%arg0: i32) -> (i32, i32) {
    %c0_i32 = arith.constant 0 : i32
    %c0_i32_0 = arith.constant 0 : i32
    %c0_i32_1 = arith.constant 0 : i32
    return %c0_i32, %c0_i32_0 : i32, i32
  }
  func.func @transform_3(%arg0: i32) -> (i32, i32) {
    %c0_i32 = arith.constant 0 : i32
    %c0_i32_0 = arith.constant 0 : i32
    %c0_i32_1 = arith.constant 0 : i32
    return %c0_i32, %c0_i32_0 : i32, i32
  }
  func.func @transform_4(%arg0: i32) -> (i32, i32) {
    %c0_i32 = arith.constant 0 : i32
    %c0_i32_0 = arith.constant 0 : i32
    %c0_i32_1 = arith.constant 0 : i32
    return %c0_i32, %c0_i32_0 : i32, i32
  }
  func.func @transform_5(%arg0: i32) -> (i32, i32) {
    %c0_i32 = arith.constant 0 : i32
    %c0_i32_0 = arith.constant 0 : i32
    %c0_i32_1 = arith.constant 0 : i32
    return %c0_i32, %c0_i32_0 : i32, i32
  }
  func.func @transform_6(%arg0: i32) -> (i32, i32) {
    %c0_i32 = arith.constant 0 : i32
    %c0_i32_0 = arith.constant 0 : i32
    return %arg0, %c0_i32 : i32, i32
  }
}

module attributes {stable_mosaic.version = 14 : i64} {
  func.func @_topk_body(%arg0: memref<800x128xf32, #tpu.memory_space<vmem>>, %arg1: memref<800x128xi32, #tpu.memory_space<vmem>>, %arg2: memref<8x20xi32, #tpu.memory_space<smem>>, %arg3: memref<800x128xf32, #tpu.memory_space<vmem>>) attributes {dimension_semantics = [], scalar_prefetch = 0 : i64, scratch_operands = 1 : i64, tpu.core_type = #tpu.core_type<tc>} {
    %iota3A = tpu.iota {dimensions = array<i32: 0>} : vector<800x128xi32>
    %mul3A = arith.constant 128 : i32
    %mul3A_0 = vector.broadcast %mul3A : i32 to vector<800x128xi32>
    %mul3A_1 = arith.muli %iota3A, %mul3A_0 : vector<800x128xi32>
    %iota3A_2 = tpu.iota {dimensions = array<i32: 1>} : vector<800x128xi32>
    %add3A = arith.addi %mul3A_1, %iota3A_2 : vector<800x128xi32>
    %get3A = arith.constant 0 : index
    %get3A_3 = arith.constant 0 : index
    %get3A_4 = vector.load %arg0[%get3A, %get3A_3] : memref<800x128xf32, #tpu.memory_space<vmem>>, vector<800x128xf32>
    %get3A_5 = arith.constant 0 : index
    %get3A_6 = arith.constant 0 : index
    %get3A_7 = vector.load %arg1[%get3A_5, %get3A_6] : memref<800x128xi32, #tpu.memory_space<vmem>>, vector<800x128xi32>
    %eq3A = arith.constant 0 : i32
    %eq3A_8 = vector.broadcast %eq3A : i32 to vector<800x128xi32>
    %eq3A_9 = arith.cmpi eq, %get3A_7, %eq3A_8 : vector<800x128xi32>
    %jit3A = arith.constant -1.000000e+30 : f32
    %broadcast_in_dim3A = vector.broadcast %jit3A : f32 to vector<800x128xf32>
    %select_n3A = arith.select %eq3A_9, %get3A_4, %broadcast_in_dim3A : vector<800x128xi1>, vector<800x128xf32>
    %swap3A = arith.constant 0 : index
    %swap3A_10 = arith.constant 0 : index
    %swap3A_11 = vector.load %arg3[%swap3A, %swap3A_10] : memref<800x128xf32, #tpu.memory_space<vmem>>, vector<800x128xf32>
    tpu.vector_store %arg3[%swap3A, %swap3A_10], %select_n3A {strides = array<i32>} : memref<800x128xf32, #tpu.memory_space<vmem>>, vector<800x128xf32>,
    %scan3A = arith.constant 0 : i32
    %scan3A_12 = arith.constant 20 : i32
    %scan3A_13 = arith.addi %scan3A, %scan3A_12 : i32
    %scan3A_14 = arith.constant 1 : i32
    scf.for %scan3A_114 = %scan3A to %scan3A_13 step %scan3A_14  : i32 {
      %get3A_115 = arith.constant 0 : index
      %get3A_116 = arith.constant 0 : index
      %get3A_117 = vector.load %arg3[%get3A_115, %get3A_116] : memref<800x128xf32, #tpu.memory_space<vmem>>, vector<800x128xf32>
      %reduce_max3A = vector.shape_cast %get3A_117 : vector<800x128xf32> to vector<1x800x128xf32>
      %reduce_max3A_118 = arith.constant dense<0xFF800000> : vector<1xf32>
      %reduce_max3A_119 = vector.multi_reduction <maximumf>, %reduce_max3A, %reduce_max3A_118 [1, 2] : vector<1x800x128xf32> to vector<1xf32>
      %reduce_max3A_120 = vector.shape_cast %reduce_max3A_119 : vector<1xf32> to vector<1x1x1xf32>
      %reduce_max3A_121 = vector.extract %reduce_max3A_120[0, 0, 0] : f32 from vector<1x1x1xf32>
      %eq3A_122 = vector.broadcast %reduce_max3A_121 : f32 to vector<800x128xf32>
      %eq3A_123 = arith.cmpf oeq, %get3A_117, %eq3A_122 : vector<800x128xf32>
      %jit3A_124 = arith.constant 1073741824 : i32
      %broadcast_in_dim3A_125 = vector.broadcast %jit3A_124 : i32 to vector<800x128xi32>
      %select_n3A_126 = arith.select %eq3A_123, %add3A, %broadcast_in_dim3A_125 : vector<800x128xi1>, vector<800x128xi32>
      %reduce_min3A = vector.shape_cast %select_n3A_126 : vector<800x128xi32> to vector<1x800x128xi32>
      %reduce_min3A_127 = arith.constant dense<2147483647> : vector<1xi32>
      %reduce_min3A_128 = vector.multi_reduction <minsi>, %reduce_min3A, %reduce_min3A_127 [1, 2] : vector<1x800x128xi32> to vector<1xi32>
      %reduce_min3A_129 = vector.shape_cast %reduce_min3A_128 : vector<1xi32> to vector<1x1x1xi32>
      %reduce_min3A_130 = vector.extract %reduce_min3A_129[0, 0, 0] : i32 from vector<1x1x1xi32>
      %swap3A_131 = arith.constant 0 : index
      %swap3A_132 = arith.index_cast %scan3A_114 : i32 to index
      %swap3A_133 = memref.load %arg2[%swap3A_131, %swap3A_132] : memref<8x20xi32, #tpu.memory_space<smem>>
      memref.store %reduce_min3A_130, %arg2[%swap3A_131, %swap3A_132] : memref<8x20xi32, #tpu.memory_space<smem>>
      %eq3A_134 = vector.broadcast %reduce_min3A_130 : i32 to vector<800x128xi32>
      %eq3A_135 = arith.cmpi eq, %add3A, %eq3A_134 : vector<800x128xi32>
      %jit3A_136 = arith.constant 0xFF800000 : f32
      %broadcast_in_dim3A_137 = vector.broadcast %jit3A_136 : f32 to vector<800x128xf32>
      %select_n3A_138 = arith.select %eq3A_135, %broadcast_in_dim3A_137, %get3A_117 : vector<800x128xi1>, vector<800x128xf32>
      %swap3A_139 = arith.constant 0 : index
      %swap3A_140 = arith.constant 0 : index
      %swap3A_141 = vector.load %arg3[%swap3A_139, %swap3A_140] : memref<800x128xf32, #tpu.memory_space<vmem>>, vector<800x128xf32>
      tpu.vector_store %arg3[%swap3A_139, %swap3A_140], %select_n3A_138 {strides = array<i32>} : memref<800x128xf32, #tpu.memory_space<vmem>>, vector<800x128xf32>,
    }
    %scan3A_15 = arith.constant 20 : i32
    %eq3A_16 = arith.constant 1 : i32
    %eq3A_17 = vector.broadcast %eq3A_16 : i32 to vector<800x128xi32>
    %eq3A_18 = arith.cmpi eq, %get3A_7, %eq3A_17 : vector<800x128xi32>
    %jit3A_19 = arith.constant -1.000000e+30 : f32
    %broadcast_in_dim3A_20 = vector.broadcast %jit3A_19 : f32 to vector<800x128xf32>
    %select_n3A_21 = arith.select %eq3A_18, %get3A_4, %broadcast_in_dim3A_20 : vector<800x128xi1>, vector<800x128xf32>
    %swap3A_22 = arith.constant 0 : index
    %swap3A_23 = arith.constant 0 : index
    %swap3A_24 = vector.load %arg3[%swap3A_22, %swap3A_23] : memref<800x128xf32, #tpu.memory_space<vmem>>, vector<800x128xf32>
    tpu.vector_store %arg3[%swap3A_22, %swap3A_23], %select_n3A_21 {strides = array<i32>} : memref<800x128xf32, #tpu.memory_space<vmem>>, vector<800x128xf32>,
    %scan3A_25 = arith.constant 0 : i32
    %scan3A_26 = arith.constant 20 : i32
    %scan3A_27 = arith.addi %scan3A_25, %scan3A_26 : i32
    %scan3A_28 = arith.constant 1 : i32
    scf.for %scan3A_114 = %scan3A_25 to %scan3A_27 step %scan3A_28  : i32 {
      %get3A_115 = arith.constant 0 : index
      %get3A_116 = arith.constant 0 : index
      %get3A_117 = vector.load %arg3[%get3A_115, %get3A_116] : memref<800x128xf32, #tpu.memory_space<vmem>>, vector<800x128xf32>
      %reduce_max3A = vector.shape_cast %get3A_117 : vector<800x128xf32> to vector<1x800x128xf32>
      %reduce_max3A_118 = arith.constant dense<0xFF800000> : vector<1xf32>
      %reduce_max3A_119 = vector.multi_reduction <maximumf>, %reduce_max3A, %reduce_max3A_118 [1, 2] : vector<1x800x128xf32> to vector<1xf32>
      %reduce_max3A_120 = vector.shape_cast %reduce_max3A_119 : vector<1xf32> to vector<1x1x1xf32>
      %reduce_max3A_121 = vector.extract %reduce_max3A_120[0, 0, 0] : f32 from vector<1x1x1xf32>
      %eq3A_122 = vector.broadcast %reduce_max3A_121 : f32 to vector<800x128xf32>
      %eq3A_123 = arith.cmpf oeq, %get3A_117, %eq3A_122 : vector<800x128xf32>
      %jit3A_124 = arith.constant 1073741824 : i32
      %broadcast_in_dim3A_125 = vector.broadcast %jit3A_124 : i32 to vector<800x128xi32>
      %select_n3A_126 = arith.select %eq3A_123, %add3A, %broadcast_in_dim3A_125 : vector<800x128xi1>, vector<800x128xi32>
      %reduce_min3A = vector.shape_cast %select_n3A_126 : vector<800x128xi32> to vector<1x800x128xi32>
      %reduce_min3A_127 = arith.constant dense<2147483647> : vector<1xi32>
      %reduce_min3A_128 = vector.multi_reduction <minsi>, %reduce_min3A, %reduce_min3A_127 [1, 2] : vector<1x800x128xi32> to vector<1xi32>
      %reduce_min3A_129 = vector.shape_cast %reduce_min3A_128 : vector<1xi32> to vector<1x1x1xi32>
      %reduce_min3A_130 = vector.extract %reduce_min3A_129[0, 0, 0] : i32 from vector<1x1x1xi32>
      %swap3A_131 = arith.constant 1 : index
      %swap3A_132 = arith.index_cast %scan3A_114 : i32 to index
      %swap3A_133 = memref.load %arg2[%swap3A_131, %swap3A_132] : memref<8x20xi32, #tpu.memory_space<smem>>
      memref.store %reduce_min3A_130, %arg2[%swap3A_131, %swap3A_132] : memref<8x20xi32, #tpu.memory_space<smem>>
      %eq3A_134 = vector.broadcast %reduce_min3A_130 : i32 to vector<800x128xi32>
      %eq3A_135 = arith.cmpi eq, %add3A, %eq3A_134 : vector<800x128xi32>
      %jit3A_136 = arith.constant 0xFF800000 : f32
      %broadcast_in_dim3A_137 = vector.broadcast %jit3A_136 : f32 to vector<800x128xf32>
      %select_n3A_138 = arith.select %eq3A_135, %broadcast_in_dim3A_137, %get3A_117 : vector<800x128xi1>, vector<800x128xf32>
      %swap3A_139 = arith.constant 0 : index
      %swap3A_140 = arith.constant 0 : index
      %swap3A_141 = vector.load %arg3[%swap3A_139, %swap3A_140] : memref<800x128xf32, #tpu.memory_space<vmem>>, vector<800x128xf32>
      tpu.vector_store %arg3[%swap3A_139, %swap3A_140], %select_n3A_138 {strides = array<i32>} : memref<800x128xf32, #tpu.memory_space<vmem>>, vector<800x128xf32>,
    }
    %scan3A_29 = arith.constant 20 : i32
    %eq3A_30 = arith.constant 2 : i32
    %eq3A_31 = vector.broadcast %eq3A_30 : i32 to vector<800x128xi32>
    %eq3A_32 = arith.cmpi eq, %get3A_7, %eq3A_31 : vector<800x128xi32>
    %jit3A_33 = arith.constant -1.000000e+30 : f32
    %broadcast_in_dim3A_34 = vector.broadcast %jit3A_33 : f32 to vector<800x128xf32>
    %select_n3A_35 = arith.select %eq3A_32, %get3A_4, %broadcast_in_dim3A_34 : vector<800x128xi1>, vector<800x128xf32>
    %swap3A_36 = arith.constant 0 : index
    %swap3A_37 = arith.constant 0 : index
    %swap3A_38 = vector.load %arg3[%swap3A_36, %swap3A_37] : memref<800x128xf32, #tpu.memory_space<vmem>>, vector<800x128xf32>
    tpu.vector_store %arg3[%swap3A_36, %swap3A_37], %select_n3A_35 {strides = array<i32>} : memref<800x128xf32, #tpu.memory_space<vmem>>, vector<800x128xf32>,
    %scan3A_39 = arith.constant 0 : i32
    %scan3A_40 = arith.constant 20 : i32
    %scan3A_41 = arith.addi %scan3A_39, %scan3A_40 : i32
    %scan3A_42 = arith.constant 1 : i32
    scf.for %scan3A_114 = %scan3A_39 to %scan3A_41 step %scan3A_42  : i32 {
      %get3A_115 = arith.constant 0 : index
      %get3A_116 = arith.constant 0 : index
      %get3A_117 = vector.load %arg3[%get3A_115, %get3A_116] : memref<800x128xf32, #tpu.memory_space<vmem>>, vector<800x128xf32>
      %reduce_max3A = vector.shape_cast %get3A_117 : vector<800x128xf32> to vector<1x800x128xf32>
      %reduce_max3A_118 = arith.constant dense<0xFF800000> : vector<1xf32>
      %reduce_max3A_119 = vector.multi_reduction <maximumf>, %reduce_max3A, %reduce_max3A_118 [1, 2] : vector<1x800x128xf32> to vector<1xf32>
      %reduce_max3A_120 = vector.shape_cast %reduce_max3A_119 : vector<1xf32> to vector<1x1x1xf32>
      %reduce_max3A_121 = vector.extract %reduce_max3A_120[0, 0, 0] : f32 from vector<1x1x1xf32>
      %eq3A_122 = vector.broadcast %reduce_max3A_121 : f32 to vector<800x128xf32>
      %eq3A_123 = arith.cmpf oeq, %get3A_117, %eq3A_122 : vector<800x128xf32>
      %jit3A_124 = arith.constant 1073741824 : i32
      %broadcast_in_dim3A_125 = vector.broadcast %jit3A_124 : i32 to vector<800x128xi32>
      %select_n3A_126 = arith.select %eq3A_123, %add3A, %broadcast_in_dim3A_125 : vector<800x128xi1>, vector<800x128xi32>
      %reduce_min3A = vector.shape_cast %select_n3A_126 : vector<800x128xi32> to vector<1x800x128xi32>
      %reduce_min3A_127 = arith.constant dense<2147483647> : vector<1xi32>
      %reduce_min3A_128 = vector.multi_reduction <minsi>, %reduce_min3A, %reduce_min3A_127 [1, 2] : vector<1x800x128xi32> to vector<1xi32>
      %reduce_min3A_129 = vector.shape_cast %reduce_min3A_128 : vector<1xi32> to vector<1x1x1xi32>
      %reduce_min3A_130 = vector.extract %reduce_min3A_129[0, 0, 0] : i32 from vector<1x1x1xi32>
      %swap3A_131 = arith.constant 2 : index
      %swap3A_132 = arith.index_cast %scan3A_114 : i32 to index
      %swap3A_133 = memref.load %arg2[%swap3A_131, %swap3A_132] : memref<8x20xi32, #tpu.memory_space<smem>>
      memref.store %reduce_min3A_130, %arg2[%swap3A_131, %swap3A_132] : memref<8x20xi32, #tpu.memory_space<smem>>
      %eq3A_134 = vector.broadcast %reduce_min3A_130 : i32 to vector<800x128xi32>
      %eq3A_135 = arith.cmpi eq, %add3A, %eq3A_134 : vector<800x128xi32>
      %jit3A_136 = arith.constant 0xFF800000 : f32
      %broadcast_in_dim3A_137 = vector.broadcast %jit3A_136 : f32 to vector<800x128xf32>
      %select_n3A_138 = arith.select %eq3A_135, %broadcast_in_dim3A_137, %get3A_117 : vector<800x128xi1>, vector<800x128xf32>
      %swap3A_139 = arith.constant 0 : index
      %swap3A_140 = arith.constant 0 : index
      %swap3A_141 = vector.load %arg3[%swap3A_139, %swap3A_140] : memref<800x128xf32, #tpu.memory_space<vmem>>, vector<800x128xf32>
      tpu.vector_store %arg3[%swap3A_139, %swap3A_140], %select_n3A_138 {strides = array<i32>} : memref<800x128xf32, #tpu.memory_space<vmem>>, vector<800x128xf32>,
    }
    %scan3A_43 = arith.constant 20 : i32
    %eq3A_44 = arith.constant 3 : i32
    %eq3A_45 = vector.broadcast %eq3A_44 : i32 to vector<800x128xi32>
    %eq3A_46 = arith.cmpi eq, %get3A_7, %eq3A_45 : vector<800x128xi32>
    %jit3A_47 = arith.constant -1.000000e+30 : f32
    %broadcast_in_dim3A_48 = vector.broadcast %jit3A_47 : f32 to vector<800x128xf32>
    %select_n3A_49 = arith.select %eq3A_46, %get3A_4, %broadcast_in_dim3A_48 : vector<800x128xi1>, vector<800x128xf32>
    %swap3A_50 = arith.constant 0 : index
    %swap3A_51 = arith.constant 0 : index
    %swap3A_52 = vector.load %arg3[%swap3A_50, %swap3A_51] : memref<800x128xf32, #tpu.memory_space<vmem>>, vector<800x128xf32>
    tpu.vector_store %arg3[%swap3A_50, %swap3A_51], %select_n3A_49 {strides = array<i32>} : memref<800x128xf32, #tpu.memory_space<vmem>>, vector<800x128xf32>,
    %scan3A_53 = arith.constant 0 : i32
    %scan3A_54 = arith.constant 20 : i32
    %scan3A_55 = arith.addi %scan3A_53, %scan3A_54 : i32
    %scan3A_56 = arith.constant 1 : i32
    scf.for %scan3A_114 = %scan3A_53 to %scan3A_55 step %scan3A_56  : i32 {
      %get3A_115 = arith.constant 0 : index
      %get3A_116 = arith.constant 0 : index
      %get3A_117 = vector.load %arg3[%get3A_115, %get3A_116] : memref<800x128xf32, #tpu.memory_space<vmem>>, vector<800x128xf32>
      %reduce_max3A = vector.shape_cast %get3A_117 : vector<800x128xf32> to vector<1x800x128xf32>
      %reduce_max3A_118 = arith.constant dense<0xFF800000> : vector<1xf32>
      %reduce_max3A_119 = vector.multi_reduction <maximumf>, %reduce_max3A, %reduce_max3A_118 [1, 2] : vector<1x800x128xf32> to vector<1xf32>
      %reduce_max3A_120 = vector.shape_cast %reduce_max3A_119 : vector<1xf32> to vector<1x1x1xf32>
      %reduce_max3A_121 = vector.extract %reduce_max3A_120[0, 0, 0] : f32 from vector<1x1x1xf32>
      %eq3A_122 = vector.broadcast %reduce_max3A_121 : f32 to vector<800x128xf32>
      %eq3A_123 = arith.cmpf oeq, %get3A_117, %eq3A_122 : vector<800x128xf32>
      %jit3A_124 = arith.constant 1073741824 : i32
      %broadcast_in_dim3A_125 = vector.broadcast %jit3A_124 : i32 to vector<800x128xi32>
      %select_n3A_126 = arith.select %eq3A_123, %add3A, %broadcast_in_dim3A_125 : vector<800x128xi1>, vector<800x128xi32>
      %reduce_min3A = vector.shape_cast %select_n3A_126 : vector<800x128xi32> to vector<1x800x128xi32>
      %reduce_min3A_127 = arith.constant dense<2147483647> : vector<1xi32>
      %reduce_min3A_128 = vector.multi_reduction <minsi>, %reduce_min3A, %reduce_min3A_127 [1, 2] : vector<1x800x128xi32> to vector<1xi32>
      %reduce_min3A_129 = vector.shape_cast %reduce_min3A_128 : vector<1xi32> to vector<1x1x1xi32>
      %reduce_min3A_130 = vector.extract %reduce_min3A_129[0, 0, 0] : i32 from vector<1x1x1xi32>
      %swap3A_131 = arith.constant 3 : index
      %swap3A_132 = arith.index_cast %scan3A_114 : i32 to index
      %swap3A_133 = memref.load %arg2[%swap3A_131, %swap3A_132] : memref<8x20xi32, #tpu.memory_space<smem>>
      memref.store %reduce_min3A_130, %arg2[%swap3A_131, %swap3A_132] : memref<8x20xi32, #tpu.memory_space<smem>>
      %eq3A_134 = vector.broadcast %reduce_min3A_130 : i32 to vector<800x128xi32>
      %eq3A_135 = arith.cmpi eq, %add3A, %eq3A_134 : vector<800x128xi32>
      %jit3A_136 = arith.constant 0xFF800000 : f32
      %broadcast_in_dim3A_137 = vector.broadcast %jit3A_136 : f32 to vector<800x128xf32>
      %select_n3A_138 = arith.select %eq3A_135, %broadcast_in_dim3A_137, %get3A_117 : vector<800x128xi1>, vector<800x128xf32>
      %swap3A_139 = arith.constant 0 : index
      %swap3A_140 = arith.constant 0 : index
      %swap3A_141 = vector.load %arg3[%swap3A_139, %swap3A_140] : memref<800x128xf32, #tpu.memory_space<vmem>>, vector<800x128xf32>
      tpu.vector_store %arg3[%swap3A_139, %swap3A_140], %select_n3A_138 {strides = array<i32>} : memref<800x128xf32, #tpu.memory_space<vmem>>, vector<800x128xf32>,
    }
    %scan3A_57 = arith.constant 20 : i32
    %eq3A_58 = arith.constant 4 : i32
    %eq3A_59 = vector.broadcast %eq3A_58 : i32 to vector<800x128xi32>
    %eq3A_60 = arith.cmpi eq, %get3A_7, %eq3A_59 : vector<800x128xi32>
    %jit3A_61 = arith.constant -1.000000e+30 : f32
    %broadcast_in_dim3A_62 = vector.broadcast %jit3A_61 : f32 to vector<800x128xf32>
    %select_n3A_63 = arith.select %eq3A_60, %get3A_4, %broadcast_in_dim3A_62 : vector<800x128xi1>, vector<800x128xf32>
    %swap3A_64 = arith.constant 0 : index
    %swap3A_65 = arith.constant 0 : index
    %swap3A_66 = vector.load %arg3[%swap3A_64, %swap3A_65] : memref<800x128xf32, #tpu.memory_space<vmem>>, vector<800x128xf32>
    tpu.vector_store %arg3[%swap3A_64, %swap3A_65], %select_n3A_63 {strides = array<i32>} : memref<800x128xf32, #tpu.memory_space<vmem>>, vector<800x128xf32>,
    %scan3A_67 = arith.constant 0 : i32
    %scan3A_68 = arith.constant 20 : i32
    %scan3A_69 = arith.addi %scan3A_67, %scan3A_68 : i32
    %scan3A_70 = arith.constant 1 : i32
    scf.for %scan3A_114 = %scan3A_67 to %scan3A_69 step %scan3A_70  : i32 {
      %get3A_115 = arith.constant 0 : index
      %get3A_116 = arith.constant 0 : index
      %get3A_117 = vector.load %arg3[%get3A_115, %get3A_116] : memref<800x128xf32, #tpu.memory_space<vmem>>, vector<800x128xf32>
      %reduce_max3A = vector.shape_cast %get3A_117 : vector<800x128xf32> to vector<1x800x128xf32>
      %reduce_max3A_118 = arith.constant dense<0xFF800000> : vector<1xf32>
      %reduce_max3A_119 = vector.multi_reduction <maximumf>, %reduce_max3A, %reduce_max3A_118 [1, 2] : vector<1x800x128xf32> to vector<1xf32>
      %reduce_max3A_120 = vector.shape_cast %reduce_max3A_119 : vector<1xf32> to vector<1x1x1xf32>
      %reduce_max3A_121 = vector.extract %reduce_max3A_120[0, 0, 0] : f32 from vector<1x1x1xf32>
      %eq3A_122 = vector.broadcast %reduce_max3A_121 : f32 to vector<800x128xf32>
      %eq3A_123 = arith.cmpf oeq, %get3A_117, %eq3A_122 : vector<800x128xf32>
      %jit3A_124 = arith.constant 1073741824 : i32
      %broadcast_in_dim3A_125 = vector.broadcast %jit3A_124 : i32 to vector<800x128xi32>
      %select_n3A_126 = arith.select %eq3A_123, %add3A, %broadcast_in_dim3A_125 : vector<800x128xi1>, vector<800x128xi32>
      %reduce_min3A = vector.shape_cast %select_n3A_126 : vector<800x128xi32> to vector<1x800x128xi32>
      %reduce_min3A_127 = arith.constant dense<2147483647> : vector<1xi32>
      %reduce_min3A_128 = vector.multi_reduction <minsi>, %reduce_min3A, %reduce_min3A_127 [1, 2] : vector<1x800x128xi32> to vector<1xi32>
      %reduce_min3A_129 = vector.shape_cast %reduce_min3A_128 : vector<1xi32> to vector<1x1x1xi32>
      %reduce_min3A_130 = vector.extract %reduce_min3A_129[0, 0, 0] : i32 from vector<1x1x1xi32>
      %swap3A_131 = arith.constant 4 : index
      %swap3A_132 = arith.index_cast %scan3A_114 : i32 to index
      %swap3A_133 = memref.load %arg2[%swap3A_131, %swap3A_132] : memref<8x20xi32, #tpu.memory_space<smem>>
      memref.store %reduce_min3A_130, %arg2[%swap3A_131, %swap3A_132] : memref<8x20xi32, #tpu.memory_space<smem>>
      %eq3A_134 = vector.broadcast %reduce_min3A_130 : i32 to vector<800x128xi32>
      %eq3A_135 = arith.cmpi eq, %add3A, %eq3A_134 : vector<800x128xi32>
      %jit3A_136 = arith.constant 0xFF800000 : f32
      %broadcast_in_dim3A_137 = vector.broadcast %jit3A_136 : f32 to vector<800x128xf32>
      %select_n3A_138 = arith.select %eq3A_135, %broadcast_in_dim3A_137, %get3A_117 : vector<800x128xi1>, vector<800x128xf32>
      %swap3A_139 = arith.constant 0 : index
      %swap3A_140 = arith.constant 0 : index
      %swap3A_141 = vector.load %arg3[%swap3A_139, %swap3A_140] : memref<800x128xf32, #tpu.memory_space<vmem>>, vector<800x128xf32>
      tpu.vector_store %arg3[%swap3A_139, %swap3A_140], %select_n3A_138 {strides = array<i32>} : memref<800x128xf32, #tpu.memory_space<vmem>>, vector<800x128xf32>,
    }
    %scan3A_71 = arith.constant 20 : i32
    %eq3A_72 = arith.constant 5 : i32
    %eq3A_73 = vector.broadcast %eq3A_72 : i32 to vector<800x128xi32>
    %eq3A_74 = arith.cmpi eq, %get3A_7, %eq3A_73 : vector<800x128xi32>
    %jit3A_75 = arith.constant -1.000000e+30 : f32
    %broadcast_in_dim3A_76 = vector.broadcast %jit3A_75 : f32 to vector<800x128xf32>
    %select_n3A_77 = arith.select %eq3A_74, %get3A_4, %broadcast_in_dim3A_76 : vector<800x128xi1>, vector<800x128xf32>
    %swap3A_78 = arith.constant 0 : index
    %swap3A_79 = arith.constant 0 : index
    %swap3A_80 = vector.load %arg3[%swap3A_78, %swap3A_79] : memref<800x128xf32, #tpu.memory_space<vmem>>, vector<800x128xf32>
    tpu.vector_store %arg3[%swap3A_78, %swap3A_79], %select_n3A_77 {strides = array<i32>} : memref<800x128xf32, #tpu.memory_space<vmem>>, vector<800x128xf32>,
    %scan3A_81 = arith.constant 0 : i32
    %scan3A_82 = arith.constant 20 : i32
    %scan3A_83 = arith.addi %scan3A_81, %scan3A_82 : i32
    %scan3A_84 = arith.constant 1 : i32
    scf.for %scan3A_114 = %scan3A_81 to %scan3A_83 step %scan3A_84  : i32 {
      %get3A_115 = arith.constant 0 : index
      %get3A_116 = arith.constant 0 : index
      %get3A_117 = vector.load %arg3[%get3A_115, %get3A_116] : memref<800x128xf32, #tpu.memory_space<vmem>>, vector<800x128xf32>
      %reduce_max3A = vector.shape_cast %get3A_117 : vector<800x128xf32> to vector<1x800x128xf32>
      %reduce_max3A_118 = arith.constant dense<0xFF800000> : vector<1xf32>
      %reduce_max3A_119 = vector.multi_reduction <maximumf>, %reduce_max3A, %reduce_max3A_118 [1, 2] : vector<1x800x128xf32> to vector<1xf32>
      %reduce_max3A_120 = vector.shape_cast %reduce_max3A_119 : vector<1xf32> to vector<1x1x1xf32>
      %reduce_max3A_121 = vector.extract %reduce_max3A_120[0, 0, 0] : f32 from vector<1x1x1xf32>
      %eq3A_122 = vector.broadcast %reduce_max3A_121 : f32 to vector<800x128xf32>
      %eq3A_123 = arith.cmpf oeq, %get3A_117, %eq3A_122 : vector<800x128xf32>
      %jit3A_124 = arith.constant 1073741824 : i32
      %broadcast_in_dim3A_125 = vector.broadcast %jit3A_124 : i32 to vector<800x128xi32>
      %select_n3A_126 = arith.select %eq3A_123, %add3A, %broadcast_in_dim3A_125 : vector<800x128xi1>, vector<800x128xi32>
      %reduce_min3A = vector.shape_cast %select_n3A_126 : vector<800x128xi32> to vector<1x800x128xi32>
      %reduce_min3A_127 = arith.constant dense<2147483647> : vector<1xi32>
      %reduce_min3A_128 = vector.multi_reduction <minsi>, %reduce_min3A, %reduce_min3A_127 [1, 2] : vector<1x800x128xi32> to vector<1xi32>
      %reduce_min3A_129 = vector.shape_cast %reduce_min3A_128 : vector<1xi32> to vector<1x1x1xi32>
      %reduce_min3A_130 = vector.extract %reduce_min3A_129[0, 0, 0] : i32 from vector<1x1x1xi32>
      %swap3A_131 = arith.constant 5 : index
      %swap3A_132 = arith.index_cast %scan3A_114 : i32 to index
      %swap3A_133 = memref.load %arg2[%swap3A_131, %swap3A_132] : memref<8x20xi32, #tpu.memory_space<smem>>
      memref.store %reduce_min3A_130, %arg2[%swap3A_131, %swap3A_132] : memref<8x20xi32, #tpu.memory_space<smem>>
      %eq3A_134 = vector.broadcast %reduce_min3A_130 : i32 to vector<800x128xi32>
      %eq3A_135 = arith.cmpi eq, %add3A, %eq3A_134 : vector<800x128xi32>
      %jit3A_136 = arith.constant 0xFF800000 : f32
      %broadcast_in_dim3A_137 = vector.broadcast %jit3A_136 : f32 to vector<800x128xf32>
      %select_n3A_138 = arith.select %eq3A_135, %broadcast_in_dim3A_137, %get3A_117 : vector<800x128xi1>, vector<800x128xf32>
      %swap3A_139 = arith.constant 0 : index
      %swap3A_140 = arith.constant 0 : index
      %swap3A_141 = vector.load %arg3[%swap3A_139, %swap3A_140] : memref<800x128xf32, #tpu.memory_space<vmem>>, vector<800x128xf32>
      tpu.vector_store %arg3[%swap3A_139, %swap3A_140], %select_n3A_138 {strides = array<i32>} : memref<800x128xf32, #tpu.memory_space<vmem>>, vector<800x128xf32>,
    }
    %scan3A_85 = arith.constant 20 : i32
    %eq3A_86 = arith.constant 6 : i32
    %eq3A_87 = vector.broadcast %eq3A_86 : i32 to vector<800x128xi32>
    %eq3A_88 = arith.cmpi eq, %get3A_7, %eq3A_87 : vector<800x128xi32>
    %jit3A_89 = arith.constant -1.000000e+30 : f32
    %broadcast_in_dim3A_90 = vector.broadcast %jit3A_89 : f32 to vector<800x128xf32>
    %select_n3A_91 = arith.select %eq3A_88, %get3A_4, %broadcast_in_dim3A_90 : vector<800x128xi1>, vector<800x128xf32>
    %swap3A_92 = arith.constant 0 : index
    %swap3A_93 = arith.constant 0 : index
    %swap3A_94 = vector.load %arg3[%swap3A_92, %swap3A_93] : memref<800x128xf32, #tpu.memory_space<vmem>>, vector<800x128xf32>
    tpu.vector_store %arg3[%swap3A_92, %swap3A_93], %select_n3A_91 {strides = array<i32>} : memref<800x128xf32, #tpu.memory_space<vmem>>, vector<800x128xf32>,
    %scan3A_95 = arith.constant 0 : i32
    %scan3A_96 = arith.constant 20 : i32
    %scan3A_97 = arith.addi %scan3A_95, %scan3A_96 : i32
    %scan3A_98 = arith.constant 1 : i32
    scf.for %scan3A_114 = %scan3A_95 to %scan3A_97 step %scan3A_98  : i32 {
      %get3A_115 = arith.constant 0 : index
      %get3A_116 = arith.constant 0 : index
      %get3A_117 = vector.load %arg3[%get3A_115, %get3A_116] : memref<800x128xf32, #tpu.memory_space<vmem>>, vector<800x128xf32>
      %reduce_max3A = vector.shape_cast %get3A_117 : vector<800x128xf32> to vector<1x800x128xf32>
      %reduce_max3A_118 = arith.constant dense<0xFF800000> : vector<1xf32>
      %reduce_max3A_119 = vector.multi_reduction <maximumf>, %reduce_max3A, %reduce_max3A_118 [1, 2] : vector<1x800x128xf32> to vector<1xf32>
      %reduce_max3A_120 = vector.shape_cast %reduce_max3A_119 : vector<1xf32> to vector<1x1x1xf32>
      %reduce_max3A_121 = vector.extract %reduce_max3A_120[0, 0, 0] : f32 from vector<1x1x1xf32>
      %eq3A_122 = vector.broadcast %reduce_max3A_121 : f32 to vector<800x128xf32>
      %eq3A_123 = arith.cmpf oeq, %get3A_117, %eq3A_122 : vector<800x128xf32>
      %jit3A_124 = arith.constant 1073741824 : i32
      %broadcast_in_dim3A_125 = vector.broadcast %jit3A_124 : i32 to vector<800x128xi32>
      %select_n3A_126 = arith.select %eq3A_123, %add3A, %broadcast_in_dim3A_125 : vector<800x128xi1>, vector<800x128xi32>
      %reduce_min3A = vector.shape_cast %select_n3A_126 : vector<800x128xi32> to vector<1x800x128xi32>
      %reduce_min3A_127 = arith.constant dense<2147483647> : vector<1xi32>
      %reduce_min3A_128 = vector.multi_reduction <minsi>, %reduce_min3A, %reduce_min3A_127 [1, 2] : vector<1x800x128xi32> to vector<1xi32>
      %reduce_min3A_129 = vector.shape_cast %reduce_min3A_128 : vector<1xi32> to vector<1x1x1xi32>
      %reduce_min3A_130 = vector.extract %reduce_min3A_129[0, 0, 0] : i32 from vector<1x1x1xi32>
      %swap3A_131 = arith.constant 6 : index
      %swap3A_132 = arith.index_cast %scan3A_114 : i32 to index
      %swap3A_133 = memref.load %arg2[%swap3A_131, %swap3A_132] : memref<8x20xi32, #tpu.memory_space<smem>>
      memref.store %reduce_min3A_130, %arg2[%swap3A_131, %swap3A_132] : memref<8x20xi32, #tpu.memory_space<smem>>
      %eq3A_134 = vector.broadcast %reduce_min3A_130 : i32 to vector<800x128xi32>
      %eq3A_135 = arith.cmpi eq, %add3A, %eq3A_134 : vector<800x128xi32>
      %jit3A_136 = arith.constant 0xFF800000 : f32
      %broadcast_in_dim3A_137 = vector.broadcast %jit3A_136 : f32 to vector<800x128xf32>
      %select_n3A_138 = arith.select %eq3A_135, %broadcast_in_dim3A_137, %get3A_117 : vector<800x128xi1>, vector<800x128xf32>
      %swap3A_139 = arith.constant 0 : index
      %swap3A_140 = arith.constant 0 : index
      %swap3A_141 = vector.load %arg3[%swap3A_139, %swap3A_140] : memref<800x128xf32, #tpu.memory_space<vmem>>, vector<800x128xf32>
      tpu.vector_store %arg3[%swap3A_139, %swap3A_140], %select_n3A_138 {strides = array<i32>} : memref<800x128xf32, #tpu.memory_space<vmem>>, vector<800x128xf32>,
    }
    %scan3A_99 = arith.constant 20 : i32
    %eq3A_100 = arith.constant 7 : i32
    %eq3A_101 = vector.broadcast %eq3A_100 : i32 to vector<800x128xi32>
    %eq3A_102 = arith.cmpi eq, %get3A_7, %eq3A_101 : vector<800x128xi32>
    %jit3A_103 = arith.constant -1.000000e+30 : f32
    %broadcast_in_dim3A_104 = vector.broadcast %jit3A_103 : f32 to vector<800x128xf32>
    %select_n3A_105 = arith.select %eq3A_102, %get3A_4, %broadcast_in_dim3A_104 : vector<800x128xi1>, vector<800x128xf32>
    %swap3A_106 = arith.constant 0 : index
    %swap3A_107 = arith.constant 0 : index
    %swap3A_108 = vector.load %arg3[%swap3A_106, %swap3A_107] : memref<800x128xf32, #tpu.memory_space<vmem>>, vector<800x128xf32>
    tpu.vector_store %arg3[%swap3A_106, %swap3A_107], %select_n3A_105 {strides = array<i32>} : memref<800x128xf32, #tpu.memory_space<vmem>>, vector<800x128xf32>,
    %scan3A_109 = arith.constant 0 : i32
    %scan3A_110 = arith.constant 20 : i32
    %scan3A_111 = arith.addi %scan3A_109, %scan3A_110 : i32
    %scan3A_112 = arith.constant 1 : i32
    scf.for %scan3A_114 = %scan3A_109 to %scan3A_111 step %scan3A_112  : i32 {
      %get3A_115 = arith.constant 0 : index
      %get3A_116 = arith.constant 0 : index
      %get3A_117 = vector.load %arg3[%get3A_115, %get3A_116] : memref<800x128xf32, #tpu.memory_space<vmem>>, vector<800x128xf32>
      %reduce_max3A = vector.shape_cast %get3A_117 : vector<800x128xf32> to vector<1x800x128xf32>
      %reduce_max3A_118 = arith.constant dense<0xFF800000> : vector<1xf32>
      %reduce_max3A_119 = vector.multi_reduction <maximumf>, %reduce_max3A, %reduce_max3A_118 [1, 2] : vector<1x800x128xf32> to vector<1xf32>
      %reduce_max3A_120 = vector.shape_cast %reduce_max3A_119 : vector<1xf32> to vector<1x1x1xf32>
      %reduce_max3A_121 = vector.extract %reduce_max3A_120[0, 0, 0] : f32 from vector<1x1x1xf32>
      %eq3A_122 = vector.broadcast %reduce_max3A_121 : f32 to vector<800x128xf32>
      %eq3A_123 = arith.cmpf oeq, %get3A_117, %eq3A_122 : vector<800x128xf32>
      %jit3A_124 = arith.constant 1073741824 : i32
      %broadcast_in_dim3A_125 = vector.broadcast %jit3A_124 : i32 to vector<800x128xi32>
      %select_n3A_126 = arith.select %eq3A_123, %add3A, %broadcast_in_dim3A_125 : vector<800x128xi1>, vector<800x128xi32>
      %reduce_min3A = vector.shape_cast %select_n3A_126 : vector<800x128xi32> to vector<1x800x128xi32>
      %reduce_min3A_127 = arith.constant dense<2147483647> : vector<1xi32>
      %reduce_min3A_128 = vector.multi_reduction <minsi>, %reduce_min3A, %reduce_min3A_127 [1, 2] : vector<1x800x128xi32> to vector<1xi32>
      %reduce_min3A_129 = vector.shape_cast %reduce_min3A_128 : vector<1xi32> to vector<1x1x1xi32>
      %reduce_min3A_130 = vector.extract %reduce_min3A_129[0, 0, 0] : i32 from vector<1x1x1xi32>
      %swap3A_131 = arith.constant 7 : index
      %swap3A_132 = arith.index_cast %scan3A_114 : i32 to index
      %swap3A_133 = memref.load %arg2[%swap3A_131, %swap3A_132] : memref<8x20xi32, #tpu.memory_space<smem>>
      memref.store %reduce_min3A_130, %arg2[%swap3A_131, %swap3A_132] : memref<8x20xi32, #tpu.memory_space<smem>>
      %eq3A_134 = vector.broadcast %reduce_min3A_130 : i32 to vector<800x128xi32>
      %eq3A_135 = arith.cmpi eq, %add3A, %eq3A_134 : vector<800x128xi32>
      %jit3A_136 = arith.constant 0xFF800000 : f32
      %broadcast_in_dim3A_137 = vector.broadcast %jit3A_136 : f32 to vector<800x128xf32>
      %select_n3A_138 = arith.select %eq3A_135, %broadcast_in_dim3A_137, %get3A_117 : vector<800x128xi1>, vector<800x128xf32>
      %swap3A_139 = arith.constant 0 : index
      %swap3A_140 = arith.constant 0 : index
      %swap3A_141 = vector.load %arg3[%swap3A_139, %swap3A_140] : memref<800x128xf32, #tpu.memory_space<vmem>>, vector<800x128xf32>
      tpu.vector_store %arg3[%swap3A_139, %swap3A_140], %select_n3A_138 {strides = array<i32>} : memref<800x128xf32, #tpu.memory_space<vmem>>, vector<800x128xf32>,
    }
    %scan3A_113 = arith.constant 20 : i32
    return
  }
}

module attributes {stable_mosaic.version = 14 : i64} {
  func.func @_final_body(%arg0: memref<160x128xf32, #tpu.memory_space<vmem>>, %arg1: memref<128x512xf32, #tpu.memory_space<vmem>>, %arg2: memref<1x512xf32, #tpu.memory_space<vmem>>, %arg3: memref<512x512xf32, #tpu.memory_space<vmem>>, %arg4: memref<1x512xf32, #tpu.memory_space<vmem>>, %arg5: memref<1x512xf32, #tpu.memory_space<vmem>>, %arg6: memref<4608x512xf32, #tpu.memory_space<vmem>>, %arg7: memref<1x512xf32, #tpu.memory_space<vmem>>, %arg8: memref<512x8xf32, #tpu.memory_space<vmem>>, %arg9: memref<1x8xf32, #tpu.memory_space<vmem>>, %arg10: memref<20x8xf32, #tpu.memory_space<vmem>>, %arg11: memref<20x4608xf32, #tpu.memory_space<vmem>>) attributes {dimension_semantics = [], scalar_prefetch = 0 : i64, scratch_operands = 1 : i64, tpu.core_type = #tpu.core_type<tc>} {
    %get3A = arith.constant 0 : index
    %get3A_0 = arith.constant 0 : index
    %get3A_1 = vector.load %arg0[%get3A, %get3A_0] : memref<160x128xf32, #tpu.memory_space<vmem>>, vector<160x128xf32>
    %get3A_2 = arith.constant 0 : index
    %get3A_3 = arith.constant 0 : index
    %get3A_4 = vector.load %arg1[%get3A_2, %get3A_3] : memref<128x512xf32, #tpu.memory_space<vmem>>, vector<128x512xf32>
    %dot_general3A = arith.constant dense<0.000000e+00> : vector<160x512xf32>
    %dot_general3A_5 = tpu.matmul %get3A_1, %get3A_4, %dot_general3A {dimension_numbers = #tpu.dot_dimension_numbers<[1], [0], [0], [1], [0, 0, 1, 1], [], []>, transpose_lhs_hint = false} : vector<160x128xf32>, vector<128x512xf32>, vector<160x512xf32> -> vector<160x512xf32>
    %get3A_6 = arith.constant 0 : index
    %get3A_7 = arith.constant 0 : index
    %get3A_8 = vector.load %arg2[%get3A_6, %get3A_7] : memref<1x512xf32, #tpu.memory_space<vmem>>, vector<1x512xf32>
    %add3A = vector.broadcast %get3A_8 : vector<1x512xf32> to vector<160x512xf32>
    %add3A_9 = arith.addf %dot_general3A_5, %add3A : vector<160x512xf32>
    %max3A = arith.constant 0.000000e+00 : f32
    %max3A_10 = vector.broadcast %max3A : f32 to vector<160x512xf32>
    %max3A_11 = arith.maximumf %add3A_9, %max3A_10 : vector<160x512xf32>
    %get3A_12 = arith.constant 0 : index
    %get3A_13 = arith.constant 0 : index
    %get3A_14 = vector.load %arg3[%get3A_12, %get3A_13] : memref<512x512xf32, #tpu.memory_space<vmem>>, vector<512x512xf32>
    %dot_general3A_15 = arith.constant dense<0.000000e+00> : vector<160x512xf32>
    %dot_general3A_16 = tpu.matmul %max3A_11, %get3A_14, %dot_general3A_15 {dimension_numbers = #tpu.dot_dimension_numbers<[1], [0], [0], [1], [0, 0, 1, 1], [], []>, transpose_lhs_hint = false} : vector<160x512xf32>, vector<512x512xf32>, vector<160x512xf32> -> vector<160x512xf32>
    %get3A_17 = arith.constant 0 : index
    %get3A_18 = arith.constant 0 : index
    %get3A_19 = vector.load %arg4[%get3A_17, %get3A_18] : memref<1x512xf32, #tpu.memory_space<vmem>>, vector<1x512xf32>
    %add3A_20 = vector.broadcast %get3A_19 : vector<1x512xf32> to vector<160x512xf32>
    %add3A_21 = arith.addf %dot_general3A_16, %add3A_20 : vector<160x512xf32>
    %get3A_22 = arith.constant 0 : index
    %get3A_23 = arith.constant 0 : index
    %get3A_24 = vector.load %arg5[%get3A_22, %get3A_23] : memref<1x512xf32, #tpu.memory_space<vmem>>, vector<1x512xf32>
    %broadcast_in_dim3A = vector.shape_cast %get3A_24 : vector<1x512xf32> to vector<1x512xf32>
    %broadcast_in_dim3A_25 = vector.broadcast %broadcast_in_dim3A : vector<1x512xf32> to vector<20x512xf32>
    %swap3A = arith.constant 0 : index
    %swap3A_26 = arith.constant 0 : index
    %swap3A_27 = vector.load %arg11[%swap3A, %swap3A_26] : memref<20x4608xf32, #tpu.memory_space<vmem>>, vector<20x512xf32>
    tpu.vector_store %arg11[%swap3A, %swap3A_26], %broadcast_in_dim3A_25 {strides = array<i32>} : memref<20x4608xf32, #tpu.memory_space<vmem>>, vector<20x512xf32>,
    %slice3A = vector.extract_strided_slice %add3A_21 {offsets = [0, 0], sizes = [20, 512], strides = [1, 1]} : vector<160x512xf32> to vector<20x512xf32>
    %swap3A_28 = arith.constant 0 : index
    %swap3A_29 = arith.constant 512 : index
    %swap3A_30 = vector.load %arg11[%swap3A_28, %swap3A_29] : memref<20x4608xf32, #tpu.memory_space<vmem>>, vector<20x512xf32>
    tpu.vector_store %arg11[%swap3A_28, %swap3A_29], %slice3A {strides = array<i32>} : memref<20x4608xf32, #tpu.memory_space<vmem>>, vector<20x512xf32>,
    %slice3A_31 = vector.extract_strided_slice %add3A_21 {offsets = [20, 0], sizes = [20, 512], strides = [1, 1]} : vector<160x512xf32> to vector<20x512xf32>
    %swap3A_32 = arith.constant 0 : index
    %swap3A_33 = arith.constant 1024 : index
    %swap3A_34 = vector.load %arg11[%swap3A_32, %swap3A_33] : memref<20x4608xf32, #tpu.memory_space<vmem>>, vector<20x512xf32>
    tpu.vector_store %arg11[%swap3A_32, %swap3A_33], %slice3A_31 {strides = array<i32>} : memref<20x4608xf32, #tpu.memory_space<vmem>>, vector<20x512xf32>,
    %slice3A_35 = vector.extract_strided_slice %add3A_21 {offsets = [40, 0], sizes = [20, 512], strides = [1, 1]} : vector<160x512xf32> to vector<20x512xf32>
    %swap3A_36 = arith.constant 0 : index
    %swap3A_37 = arith.constant 1536 : index
    %swap3A_38 = vector.load %arg11[%swap3A_36, %swap3A_37] : memref<20x4608xf32, #tpu.memory_space<vmem>>, vector<20x512xf32>
    tpu.vector_store %arg11[%swap3A_36, %swap3A_37], %slice3A_35 {strides = array<i32>} : memref<20x4608xf32, #tpu.memory_space<vmem>>, vector<20x512xf32>,
    %slice3A_39 = vector.extract_strided_slice %add3A_21 {offsets = [60, 0], sizes = [20, 512], strides = [1, 1]} : vector<160x512xf32> to vector<20x512xf32>
    %swap3A_40 = arith.constant 0 : index
    %swap3A_41 = arith.constant 2048 : index
    %swap3A_42 = vector.load %arg11[%swap3A_40, %swap3A_41] : memref<20x4608xf32, #tpu.memory_space<vmem>>, vector<20x512xf32>
    tpu.vector_store %arg11[%swap3A_40, %swap3A_41], %slice3A_39 {strides = array<i32>} : memref<20x4608xf32, #tpu.memory_space<vmem>>, vector<20x512xf32>,
    %slice3A_43 = vector.extract_strided_slice %add3A_21 {offsets = [80, 0], sizes = [20, 512], strides = [1, 1]} : vector<160x512xf32> to vector<20x512xf32>
    %swap3A_44 = arith.constant 0 : index
    %swap3A_45 = arith.constant 2560 : index
    %swap3A_46 = vector.load %arg11[%swap3A_44, %swap3A_45] : memref<20x4608xf32, #tpu.memory_space<vmem>>, vector<20x512xf32>
    tpu.vector_store %arg11[%swap3A_44, %swap3A_45], %slice3A_43 {strides = array<i32>} : memref<20x4608xf32, #tpu.memory_space<vmem>>, vector<20x512xf32>,
    %slice3A_47 = vector.extract_strided_slice %add3A_21 {offsets = [100, 0], sizes = [20, 512], strides = [1, 1]} : vector<160x512xf32> to vector<20x512xf32>
    %swap3A_48 = arith.constant 0 : index
    %swap3A_49 = arith.constant 3072 : index
    %swap3A_50 = vector.load %arg11[%swap3A_48, %swap3A_49] : memref<20x4608xf32, #tpu.memory_space<vmem>>, vector<20x512xf32>
    tpu.vector_store %arg11[%swap3A_48, %swap3A_49], %slice3A_47 {strides = array<i32>} : memref<20x4608xf32, #tpu.memory_space<vmem>>, vector<20x512xf32>,
    %slice3A_51 = vector.extract_strided_slice %add3A_21 {offsets = [120, 0], sizes = [20, 512], strides = [1, 1]} : vector<160x512xf32> to vector<20x512xf32>
    %swap3A_52 = arith.constant 0 : index
    %swap3A_53 = arith.constant 3584 : index
    %swap3A_54 = vector.load %arg11[%swap3A_52, %swap3A_53] : memref<20x4608xf32, #tpu.memory_space<vmem>>, vector<20x512xf32>
    tpu.vector_store %arg11[%swap3A_52, %swap3A_53], %slice3A_51 {strides = array<i32>} : memref<20x4608xf32, #tpu.memory_space<vmem>>, vector<20x512xf32>,
    %slice3A_55 = vector.extract_strided_slice %add3A_21 {offsets = [140, 0], sizes = [20, 512], strides = [1, 1]} : vector<160x512xf32> to vector<20x512xf32>
    %swap3A_56 = arith.constant 0 : index
    %swap3A_57 = arith.constant 4096 : index
    %swap3A_58 = vector.load %arg11[%swap3A_56, %swap3A_57] : memref<20x4608xf32, #tpu.memory_space<vmem>>, vector<20x512xf32>
    tpu.vector_store %arg11[%swap3A_56, %swap3A_57], %slice3A_55 {strides = array<i32>} : memref<20x4608xf32, #tpu.memory_space<vmem>>, vector<20x512xf32>,
    %get3A_59 = arith.constant 0 : index
    %get3A_60 = arith.constant 0 : index
    %get3A_61 = vector.load %arg11[%get3A_59, %get3A_60] : memref<20x4608xf32, #tpu.memory_space<vmem>>, vector<20x4608xf32>
    %get3A_62 = arith.constant 0 : index
    %get3A_63 = arith.constant 0 : index
    %get3A_64 = vector.load %arg6[%get3A_62, %get3A_63] : memref<4608x512xf32, #tpu.memory_space<vmem>>, vector<4608x512xf32>
    %dot_general3A_65 = arith.constant dense<0.000000e+00> : vector<20x512xf32>
    %dot_general3A_66 = tpu.matmul %get3A_61, %get3A_64, %dot_general3A_65 {dimension_numbers = #tpu.dot_dimension_numbers<[1], [0], [0], [1], [0, 0, 1, 1], [], []>, transpose_lhs_hint = false} : vector<20x4608xf32>, vector<4608x512xf32>, vector<20x512xf32> -> vector<20x512xf32>
    %get3A_67 = arith.constant 0 : index
    %get3A_68 = arith.constant 0 : index
    %get3A_69 = vector.load %arg7[%get3A_67, %get3A_68] : memref<1x512xf32, #tpu.memory_space<vmem>>, vector<1x512xf32>
    %add3A_70 = vector.broadcast %get3A_69 : vector<1x512xf32> to vector<20x512xf32>
    %add3A_71 = arith.addf %dot_general3A_66, %add3A_70 : vector<20x512xf32>
    %max3A_72 = arith.constant 0.000000e+00 : f32
    %max3A_73 = vector.broadcast %max3A_72 : f32 to vector<20x512xf32>
    %max3A_74 = arith.maximumf %add3A_71, %max3A_73 : vector<20x512xf32>
    %get3A_75 = arith.constant 0 : index
    %get3A_76 = arith.constant 0 : index
    %get3A_77 = vector.load %arg8[%get3A_75, %get3A_76] : memref<512x8xf32, #tpu.memory_space<vmem>>, vector<512x8xf32>
    %dot_general3A_78 = arith.constant dense<0.000000e+00> : vector<20x8xf32>
    %dot_general3A_79 = tpu.matmul %max3A_74, %get3A_77, %dot_general3A_78 {dimension_numbers = #tpu.dot_dimension_numbers<[1], [0], [0], [1], [0, 0, 1, 1], [], []>, transpose_lhs_hint = false} : vector<20x512xf32>, vector<512x8xf32>, vector<20x8xf32> -> vector<20x8xf32>
    %get3A_80 = arith.constant 0 : index
    %get3A_81 = arith.constant 0 : index
    %get3A_82 = vector.load %arg9[%get3A_80, %get3A_81] : memref<1x8xf32, #tpu.memory_space<vmem>>, vector<1x8xf32>
    %add3A_83 = vector.broadcast %get3A_82 : vector<1x8xf32> to vector<20x8xf32>
    %add3A_84 = arith.addf %dot_general3A_79, %add3A_83 : vector<20x8xf32>
    %swap3A_85 = arith.constant 0 : index
    %swap3A_86 = arith.constant 0 : index
    %swap3A_87 = vector.load %arg10[%swap3A_85, %swap3A_86] : memref<20x8xf32, #tpu.memory_space<vmem>>, vector<20x8xf32>
    tpu.vector_store %arg10[%swap3A_85, %swap3A_86], %add3A_84 {strides = array<i32>} : memref<20x8xf32, #tpu.memory_space<vmem>>, vector<20x8xf32>,
    return
  }
}

</mosaic_0001>

<sc_bundles>
// kernel: kernel.8.cloned.1.call-start
scs
__scs_entry_jumppad:
0x0: {  	(pc) =	sbr.rel $0x88, $3  }
0x1: {  	(tag) =	ssettag $0x0;
	lr =	simm.s32 $0x1  }
0x2: {  	[smem:$0x3F92] =	sst lr;
	_ =	strace $0xD0000000  }
0x3: {  	_ = 	snop  }
0x4: {  	_ = 	snop  }
0x5: {  	_ = 	snop  }
0x6: {  	_ = 	snop  }
0x7: {  	_ = 	snop  }
__scs_overlays_trampoline_lowered:
0x8: {  	[smem:$0x3FA1] =	sst s0  }
0x9: {  	[smem:$0x3FA2] =	sst s1  }
0xa: {  	[smem:$0x3FA3] =	sst s2  }
0xb: {  	[smem:$0x3FA4] =	sst s3  }
0xc: {  	[smem:$0x3FA5] =	sst s4  }
0xd: {  	[smem:$0x3FA6] =	sst s5  }
0xe: {  	[smem:$0x3FA7] =	sst s6  }
0xf: {  	[smem:$0x3FA8] =	sst s7  }
0x10: {  	[smem:$0x3FA9] =	sst s8  }
0x11: {  	[smem:$0x3FAA] =	sst s9;
	s0 =	simm.s32 @!p0 $0x0  }
0x12: {  	s1 =	sld [smem:$0x3F90];
	s0 =	simm.s32 @p0 $0x1  }
0x13: {  	[smem:$0x3FAB] =	sst s0;
	s0 =	simm.s32 @!p1 $0x0  }
0x14: {  	s2 =	sld [smem:$0x3F8F];
	s0 =	simm.s32 @p1 $0x1  }
0x15: {  	[smem:$0x3FAC] =	sst s0;
	s0 =	simm.s32 @!p2 $0x0  }
0x16: {  	s3 =	sld [smem:$0x3FDB];
	s0 =	simm.s32 @p2 $0x1  }
0x17: {  	s4 =	simm.s32 $0x1BF5;
	[smem:$0x3FAE] =	sst s0  }
0x18: {  	s0 =	sld [smem:$0x3F91];
	_ =	swait.ge [sflag:s4], $0x0  }
0x19: {  	s7 =	sld [smem:$0x3F92]  }
0x1a: {  	s8 =	sadd.s32 $0xFFFFE003, lr  }
0x1b: {  	s9 =	sadd.s32 $0xFFFFFEF7, lr;
	s5 =	simm.s32 $0xFFFFFFFF;
	p2 =	slt.u32 s8, $0xFFFFF086  }
0x1c: {  	p1 =	slt.u32 s9, $0xF7A;
	s5 =	simm.s32 @!p2 $0x0  }
0x1d: {  	s5 =	simm.s32 @p1 $0x1;
	p0 =	seq.s32 s7, s2  }
0x1e: {  	s7 =	smul.u32 @!p0 $0xF7A, s2;
	p2 =	seq.s32 @!p0 s5, $0x0  }
0x1f: {  	s9 =	smul.u32 $0xF7A, s1;
	s8 =	simm.s32 @!p0 $0x1BF5;
	p2 =	por !p2, p0  }
0x20: {  	[sflag:s8] =	ssyncset.s32 @!p0 $0xFFFFF086;
	s6 =	sadd.s32 @!p0 s3, s7;
	s7 =	simm.s32 @!p0 $0x108  }
0x21: {  	s3 =	sadd.s32 s3, s9;
	s6 =	sadd.s32 @!p0 $0x88, s6;
	s7 =	simm.s32 @p2 $0x1082  }
0x22: {  	[simem:s7], [sflag:s8] =	dma.local @!p0 [hbm:s6], $0xF7A  }
0x23: {  	s9 =	sor.u32 $0xD0000000, s2;
	s6 =	simm.s32 $0x108;
	_ =	swait.ge @!p0 [sflag:s8], $0x0  }
0x24: {  	s3 =	sadd.s32 $0x88, s3;
	s6 =	simm.s32 @!p1 $0x1082;
	[sflag:s4] =	ssyncset.s32 $0xFFFFF086  }
0x25: {  	[simem:s6], [sflag:s4] =	dma.local [hbm:s3], $0xF7A  }
0x26: {  	[smem:$0x3F92] =	sst s1;
	(tag) =	ssettag s2;
	_ =	strace s9  }
0x27: {  	s1 =	sld [smem:$0x3FA2]  }
0x28: {  	s2 =	sld [smem:$0x3FA3]  }
0x29: {  	s4 =	sld [smem:$0x3FA5]  }
0x2a: {  	p0 =	seq.s32 s5, $0x0;
	s5 =	sld [smem:$0x3FA6]  }
0x2b: {  	s6 =	sld [smem:$0x3FA7]  }
0x2c: {  	s7 =	sld [smem:$0x3FA8]  }
0x2d: {  	s3 =	simm.s32 $0x108;
	s8 =	sld [smem:$0x3FA9]  }
0x2e: {  	s3 =	simm.s32 @!p0 $0x1082;
	s9 =	sld [smem:$0x3FAA]  }
0x2f: {  	lr =	sadd.s32 s0, s3;
	s0 =	sld [smem:$0x3FA1]  }
0x30: {  	s3 =	sld [smem:$0x3FA4]  }
0x31: {  	[smem:$0x3FAD] =	sst s10  }
0x32: {  	s10 =	sld [smem:$0x3FAB];
	_ =	sdelay $0x3  }
0x33: {  	p0 =	seq.s32 s10, $0x1;
	s10 =	sld [smem:$0x3FAD];
	_ =	sdelay $0x3  }
0x34: {  	[smem:$0x3FAD] =	sst s10  }
0x35: {  	s10 =	sld [smem:$0x3FAC];
	_ =	sdelay $0x3  }
0x36: {  	p1 =	seq.s32 s10, $0x1;
	s10 =	sld [smem:$0x3FAD];
	_ =	sdelay $0x3  }
0x37: {  	[smem:$0x3FAD] =	sst s10  }
0x38: {  	s10 =	sld [smem:$0x3FAE]  }
0x39: {  	_ = 	snop;
	(pc) =	sbr.ind lr, $3  }
0x3a: {  	_ = 	snop  }
0x3b: {  	_ = 	snop  }
0x3c: {  	p2 =	seq.s32 s10, $0x1;
	s10 =	sld [smem:$0x3FAD]  }
0x3d: {  	_ =	shalt  }
0x3e: {  	_ =	shalt  }
0x3f: {  	_ =	shalt  }
0x40: {  	_ =	shalt  }
0x41: {  	_ =	shalt  }
0x42: {  	_ =	shalt  }
0x43: {  	_ =	shalt  }
0x44: {  	_ =	shalt  }
0x45: {  	_ =	shalt  }
0x46: {  	_ =	shalt  }
0x47: {  	_ =	shalt  }
0x48: {  	_ =	shalt  }
0x49: {  	_ =	shalt  }
0x4a: {  	_ =	shalt  }
0x4b: {  	_ =	shalt  }
0x4c: {  	_ =	shalt  }
0x4d: {  	_ =	shalt  }
0x4e: {  	_ =	shalt  }
0x4f: {  	_ =	shalt  }
0x50: {  	_ =	shalt  }
0x51: {  	_ =	shalt  }
0x52: {  	_ =	shalt  }
0x53: {  	_ =	shalt  }
0x54: {  	_ =	shalt  }
0x55: {  	_ =	shalt  }
0x56: {  	_ =	shalt  }
0x57: {  	_ =	shalt  }
0x58: {  	_ =	shalt  }
0x59: {  	_ =	shalt  }
0x5a: {  	_ =	shalt  }
0x5b: {  	_ =	shalt  }
0x5c: {  	_ =	shalt  }
0x5d: {  	_ =	shalt  }
0x5e: {  	_ =	shalt  }
0x5f: {  	_ =	shalt  }
0x60: {  	_ =	shalt  }
0x61: {  	_ =	shalt  }
0x62: {  	_ =	shalt  }
0x63: {  	_ =	shalt  }
0x64: {  	_ =	shalt  }
0x65: {  	_ =	shalt  }
0x66: {  	_ =	shalt  }
0x67: {  	_ =	shalt  }
0x68: {  	_ =	shalt  }
0x69: {  	_ =	shalt  }
0x6a: {  	_ =	shalt  }
0x6b: {  	_ =	shalt  }
0x6c: {  	_ =	shalt  }
0x6d: {  	_ =	shalt  }
0x6e: {  	_ =	shalt  }
0x6f: {  	_ =	shalt  }
0x70: {  	_ =	shalt  }
0x71: {  	_ =	shalt  }
0x72: {  	_ =	shalt  }
0x73: {  	_ =	shalt  }
0x74: {  	_ =	shalt  }
0x75: {  	_ =	shalt  }
0x76: {  	_ =	shalt  }
0x77: {  	_ =	shalt  }
0x78: {  	_ =	shalt  }
0x79: {  	_ =	shalt  }
0x7a: {  	_ =	shalt  }
0x7b: {  	_ =	shalt  }
0x7c: {  	_ =	shalt  }
0x7d: {  	_ =	shalt  }
0x7e: {  	_ =	shalt  }
0x7f: {  	_ =	shalt  }
0x80: {  	_ =	shalt  }
0x81: {  	_ =	shalt  }
0x82: {  	_ =	shalt  }
0x83: {  	_ =	shalt  }
0x84: {  	_ =	shalt  }
0x85: {  	_ =	shalt  }
0x86: {  	_ =	shalt  }
0x87: {  	_ =	shalt  }
.Lfunc_end0:
.L_simem_size_0:
called_computation.5_lowered:
.L_overlay_start_0:
0x88: {  	s2 =	sld [smem:$0x3FD9]  }
0x89: {  	s3 =	sld [smem:$0x3FFE];
	_ =	sdelay $0x1  }
0x8a: {  	s1 =	srdreg.scid  }
0x8b: {  	s0 =	sand.u32 $0x1, s1  }
0x8c: {  	s17 =	sshll.u32 s0, $0xA;
	s2 =	sadd.s32 s3, s2  }
0x8d: {  	s2 =	sadd.s32 s2, s17  }
0x8e: {  	[smem:$0x3FB9] =	sst s2  }
0x8f: {  	_ = 	snop  }
0x90: {  	s2 =	sld [smem:$0x3FC8]  }
0x91: {  	s18 =	sld [smem:$0x3FD0];
	(tm) =	ssettm $0x1  }
0x92: {  	s4 =	sld [smem:$0x3FFB];
	_ =	sdelay $0x3  }
0x93: {  	_ =	strace s4  }
0x94: {  	s4 =	sld [smem:$0x3FFC];
	_ =	sdelay $0x3  }
0x95: {  	_ =	strace s4  }
0x96: {  	s4 =	sld [smem:$0x3FFD];
	_ =	sdelay $0x3  }
0x97: {  	_ =	strace s4  }
0x98: {  	_ =	strace $0x8FFFFFFF  }
0x99: {  	s19 =	sld [smem:$0x3FDB];
	_ =	sdelay $0x1  }
0x9a: {  	s5 =	simm.s32 $_scs_section_size  }
0x9b: {  	s6 =	simm.s32 $_size__tile_overlayer_lowered;
	s7 =	simm.s32 $_tile_overlayer_lowered  }
0x9c: {  	s22 =	simm.s32 $0x1BFF;
	s21 =	sshll.u32 s7, $0x1;
	s4 =	sadd.s32 s5, s19  }
0x9d: {  	s8 =	simm.s32 $0x0;
	s20 =	sshll.u32 s6, $0x1;
	s6 =	sadd.s32 s21, s4  }
0x9e: {  	[timem:s8], [sflag:s22] =	dma.local [hbm:s6], s20  }
0x9f: {  	_ =	swait.ge [sflag:s22], s20  }
0xa0: {  	s5 =	ssub.s32 $0x0, s20;
	[sflag:s22] =	ssyncset.done $0x0  }
0xa1: {  	[sflag:s22] =	ssyncadd.s32 s5;
	_ =	sdelay $0x1  }
0xa2: {  	s23 =	simm.s32 $0x1B8B  }
0xa3: {  	_ =	swait.ge [sflag:s23], $0x1  }
0xa4: {  	[sflag:s23] =	ssyncset.done $0x0  }
0xa5: {  	s25 =	simm.s32 $0x1B8E;
	s24 =	sld [smem:$0x3FFE];
	[sflag:s23] =	ssyncadd.s32 $0xFFFFFFFF  }
0xa6: {  	s26 =	simm.s32 $execute0_lowered;
	[smem:$0x3FD2] =	sst s25  }
0xa7: {  	s6 =	sshll.u32 s26, $0x1;
	_ =	strace $0x80000061;
	[dreg:$0x1] =	wrdreg $0xFFFFFFFF  }
0xa8: {  	s28 =	simm.s32 $_size_execute0_lowered;
	s4 =	sadd.s32 s4, s6;
	[dreg:$0x0] =	wrdreg $0x0  }
0xa9: {  	s6 =	sshll.u32 s28, $0x1;
	[dreg:$0x2] =	wrdreg s4  }
0xaa: {  	[dreg:$0x3] =	wrdreg s6  }
0xab: {  	[dreg:$0x4] =	wrdreg $0xC0  }
0xac: {  	_ =	task [dreg:s8], $0x5FFFF  }
0xad: {  	[dreg:$0x1] =	wrdreg $0xFFFFFFFF  }
0xae: {  	[dreg:$0x0] =	wrdreg $0x60  }
0xaf: {  	[dreg:$0x2] =	wrdreg s2  }
0xb0: {  	[dreg:$0x3] =	wrdreg s18  }
0xb1: {  	[dreg:$0x4] =	wrdreg s24  }
0xb2: {  	[dreg:$0x5] =	wrdreg $0x9  }
0xb3: {  	_ =	task.clear_ibuf [dreg:s8], $0x6FFFF;
	_ =	strace $0x90000061  }
0xb4: {  	s29 =	simm.s32 $0x9;
	_ =	strace $0x80000063  }
0xb5: {  	_ =	swait.ge [sflag:s29], $0x1  }
0xb6: {  	[sflag:s29] =	ssyncadd.s32 $0xFFFFFFFF  }
0xb7: {  	_ =	strace $0x90000063  }
0xb8: {  	_ =	sfence  }
0xb9: {  	s30 =	sld [smem:$0x0];
	_ =	sdelay $0x2  }
0xba: {  	s31 =	sshll.u32 s1, $0xD;
	s1 =	sshrl.u32 s1, $0x2  }
0xbb: {  	s3 =	sand.u32 $0x4000, s31;
	s1 =	sadd.s32 s1, s30  }
0xbc: {  	s0 =	sor.u32 s3, s0;
	s1 =	sshll.u32 s1, $0x11  }
0xbd: {  	s0 =	sor.u32 s1, s0  }
0xbe: {  	s0 =	sadd.s32 $0x8F2B, s0  }
0xbf: {  	[sflag:s0] =	ssyncadd.remote.s32 $0x1  }
0xc0: {  	_ =	sfence.sel $0xFFFF  }
0xc1: {  	[dreg:$0x0] =	wrdreg $0xFFFFFFFF;
	(pc) =	sbr.abs _section_cstart, $3  }
0xc2: {  	[dreg:$0x1] =	wrdreg $0xFFFFFFFF  }
0xc3: {  	_ =	task.clear_ibuf [dreg:s8], $0x2FFFF;
	_ =	strace $0x9FFFFFFF  }
0xc4: {  	(tm) =	ssettm $0x7FFFFFFF  }
0xc5: {  	_ =	shalt  }
tec
execute0_lowered:
.L_overlay_start_1:
0x0: {  	(tag) =	ssettag $0x1  }
0x1: {  	s0 =	srdreg.scid  }
0x2: {  	s12 =	sand.u32 $0x1, s0;
	s0 =	stileid.u32  }
0x3: {  	s5 =	sor.u32 s0, s12  }
0x4: {  	p0 =	sne.s32 s5, $0x0  }
.Ltmp0:
0x5: {  	_ = 	snop;
	(pc) =	sbr.rel @p0 .LBB2_4-.Ltmp0, $4  }
0x6: {  	s2 =	rddreg [dreg:$0x0]  }
0x7: {  	s3 =	rddreg [dreg:$0x1]  }
0x8: {  	s4 =	rddreg [dreg:$0x2]  }
0x9: {  	s1 =	rddreg [dreg:$0x3];
	_ =	strace $0x80000062  }
0xa: {  	s6 =	simm.s32 $0x0;
	s5 =	simm.s32 $0x2  }
0xb: {  	[tilespmem:s6], [sflag:$0x2] =	stream.linear.gather [hbm4b:s3+s6], $0x100, $0x38;
	[tilespmem:$0x5100] =	vst v63  }
0xc: {  	_ =	swait.ge [sflag:s5], $0x100  }
0xd: {  	s7 =	simm.s32 $0x50;
	[sflag:s5] =	ssyncset.done $0x0  }
0xe: {  	s8 =	simm.s32 $0x100;
	s9 =	simm.s32 $0x1;
	[sflag:s5] =	ssyncadd.s32 $0xFFFFFF00  }
0xf: {  	[tilespmem:s8], [sflag:$0x1] =	stream.indirect.gather [hbm4b:s2+s7], $0x80, s6, s7, $0xb8;
	[tilespmem:$0x5100] =	vst v63  }
0x10: {  	s12 =	ssub.s32 $0x2, s12;
	_ =	swait.ge [sflag:s9], $0x2800  }
0x11: {  	s10 =	simm.s32 $0x80;
	s13 =	sshrl.u32 s12, $0x1;
	[sflag:s9] =	ssyncset.done $0x0  }
0x12: {  	s11 =	simm.s32 $0x2900;
	s12 =	ssub.s32 s12, s13;
	[sflag:s9] =	ssyncadd.s32 $0xFFFFD800  }
0x13: {  	[tilespmem:s11], [sflag:$0x1] =	stream.indirect.gather [hbm4b:s2+s7], $0x80, s10, s7, $0xb8;
	[tilespmem:$0x5100] =	vst v63  }
0x14: {  	p0 =	sne.s32 s12, $0x1;
	_ =	swait.ge [sflag:s9], $0x2800  }
.Ltmp1:
0x15: {  	[sflag:s9] =	ssyncset.done $0x0;
	(pc) =	sbr.rel @!p0 .LBB2_3-.Ltmp1, $4  }
0x16: {  	[sflag:s9] =	ssyncadd.s32 $0xFFFFD800  }
0x17: {  	[hbm4b:s4+s6] =	stream.linear.scatter [tilespmem:s8], [sflag:$0x2], $0x5000, $0x38;
	[tilespmem:$0x5100] =	vst v63  }
0x18: {  	_ =	swait.ge [sflag:s5], $0x5000  }
0x19: {  	s12 =	sadd.s32 $0xFFFFFFFF, s12;
	[sflag:s5] =	ssyncset.done $0x0  }
.LBB2_2:
0x1a: {  	p0 =	sne.s32 s12, $0x1;
	s12 =	sadd.s32 $0xFFFFFFFF, s12;
	[sflag:s5] =	ssyncadd.s32 $0xFFFFB000  }
0x1b: {  	[tilespmem:s6], [sflag:$0x2] =	stream.linear.gather [hbm4b:s3+s6], $0x100, $0x38;
	[tilespmem:$0x5100] =	vst v63  }
0x1c: {  	_ =	swait.ge [sflag:s5], $0x100  }
0x1d: {  	[sflag:s5] =	ssyncset.done $0x0  }
0x1e: {  	[sflag:s5] =	ssyncadd.s32 $0xFFFFFF00  }
0x1f: {  	[tilespmem:s8], [sflag:$0x1] =	stream.indirect.gather [hbm4b:s2+s7], $0x80, s6, s7, $0xb8;
	[tilespmem:$0x5100] =	vst v63  }
0x20: {  	_ =	swait.ge [sflag:s9], $0x2800  }
0x21: {  	[sflag:s9] =	ssyncset.done $0x0  }
0x22: {  	[sflag:s9] =	ssyncadd.s32 $0xFFFFD800  }
0x23: {  	[tilespmem:s11], [sflag:$0x1] =	stream.indirect.gather [hbm4b:s2+s7], $0x80, s10, s7, $0xb8;
	[tilespmem:$0x5100] =	vst v63  }
0x24: {  	_ =	swait.ge [sflag:s9], $0x2800  }
.Ltmp2:
0x25: {  	[sflag:s9] =	ssyncset.done $0x0;
	(pc) =	sbr.rel @p0 .LBB2_2-.Ltmp2, $4  }
0x26: {  	[sflag:s9] =	ssyncadd.s32 $0xFFFFD800  }
0x27: {  	[hbm4b:s4+s6] =	stream.linear.scatter [tilespmem:s8], [sflag:$0x2], $0x5000, $0x38;
	[tilespmem:$0x5100] =	vst v63  }
0x28: {  	_ =	swait.ge [sflag:s5], $0x5000  }
0x29: {  	[sflag:s5] =	ssyncset.done $0x0  }
.LBB2_3:
0x2a: {  	[sflag:s5] =	ssyncadd.s32 $0xFFFFB000  }
.LBB2_4:
0x2b: {  	_ =	sfence.sel $0x180000  }
0x2c: {  	[bflag:$0x0] =	sbarrier.arrive $0xFFFF  }
0x2d: {  	p0 =	sne.s32 s0, $0x0;
	_ =	strace $0x90000062  }
0x2e: {  	s0 =	sadd.s32 @!p0 $0x100000, s1;
	[bflag:$0x2] =	sbarrier.arrive $0xFFFF  }
0x2f: {  	[sflag:s0] =	ssyncadd.tile.s32 @!p0 $0x1;
	_ =	shalt  }
.Lfunc_end2:
_tile_overlayer_lowered:
.L_overlay_start_2:
0x30: {  	(tag) =	ssettag $0x2  }
0x31: {  	s0 =	rddreg [dreg:$0x0];
	s2 =	stileid.u32  }
0x32: {  	s1 =	rddreg [dreg:$0x1];
	p0 =	sne.s32 s2, $0x0  }
0x33: {  	s3 =	rddreg [dreg:$0x2];
	[bflag:$0x3] =	sbarrier.arrive $0xFFFF;
	s2 =	simm.s32 @!p0 $0x1C02  }
0x34: {  	[timem:s3], [sflag:s2] =	dma.local @!p0 [hbm:s0], s1  }
0x35: {  	s0 =	simm.s32 @!p0 $0x2  }
0x36: {  	_ =	swait.ge @!p0 [sflag:s0], s1  }
0x37: {  	s1 =	ssub.s32 @!p0 $0x0, s1;
	[sflag:s0] =	ssyncset.done @!p0 $0x0  }
0x38: {  	[sflag:s0] =	ssyncadd.s32 @!p0 s1  }
0x39: {  	[bflag:$0x3] =	sbarrier.arrive $0xFFFF  }
0x3a: {  	_ =	shalt  }

// kernel: scatter_offload_async_start.1
scs
__scs_entry_jumppad:
0x0: {  	(pc) =	sbr.rel $0x88, $3  }
0x1: {  	(tag) =	ssettag $0x0;
	lr =	simm.s32 $0x1  }
0x2: {  	[smem:$0x3F92] =	sst lr;
	_ =	strace $0xD0000000  }
0x3: {  	_ = 	snop  }
0x4: {  	_ = 	snop  }
0x5: {  	_ = 	snop  }
0x6: {  	_ = 	snop  }
0x7: {  	_ = 	snop  }
__scs_overlays_trampoline_lowered:
0x8: {  	[smem:$0x3FA1] =	sst s0  }
0x9: {  	[smem:$0x3FA2] =	sst s1  }
0xa: {  	[smem:$0x3FA3] =	sst s2  }
0xb: {  	[smem:$0x3FA4] =	sst s3  }
0xc: {  	[smem:$0x3FA5] =	sst s4  }
0xd: {  	[smem:$0x3FA6] =	sst s5  }
0xe: {  	[smem:$0x3FA7] =	sst s6  }
0xf: {  	[smem:$0x3FA8] =	sst s7  }
0x10: {  	[smem:$0x3FA9] =	sst s8  }
0x11: {  	[smem:$0x3FAA] =	sst s9;
	s0 =	simm.s32 @!p0 $0x0  }
0x12: {  	s1 =	sld [smem:$0x3F90];
	s0 =	simm.s32 @p0 $0x1  }
0x13: {  	[smem:$0x3FAB] =	sst s0;
	s0 =	simm.s32 @!p1 $0x0  }
0x14: {  	s2 =	sld [smem:$0x3F8F];
	s0 =	simm.s32 @p1 $0x1  }
0x15: {  	[smem:$0x3FAC] =	sst s0;
	s0 =	simm.s32 @!p2 $0x0  }
0x16: {  	s3 =	sld [smem:$0x3FDB];
	s0 =	simm.s32 @p2 $0x1  }
0x17: {  	s4 =	simm.s32 $0x1BF5;
	[smem:$0x3FAE] =	sst s0  }
0x18: {  	s0 =	sld [smem:$0x3F91];
	_ =	swait.ge [sflag:s4], $0x0  }
0x19: {  	s7 =	sld [smem:$0x3F92]  }
0x1a: {  	s8 =	sadd.s32 $0xFFFFE003, lr  }
0x1b: {  	s9 =	sadd.s32 $0xFFFFFEF7, lr;
	s5 =	simm.s32 $0xFFFFFFFF;
	p2 =	slt.u32 s8, $0xFFFFF086  }
0x1c: {  	p1 =	slt.u32 s9, $0xF7A;
	s5 =	simm.s32 @!p2 $0x0  }
0x1d: {  	s5 =	simm.s32 @p1 $0x1;
	p0 =	seq.s32 s7, s2  }
0x1e: {  	s7 =	smul.u32 @!p0 $0xF7A, s2;
	p2 =	seq.s32 @!p0 s5, $0x0  }
0x1f: {  	s9 =	smul.u32 $0xF7A, s1;
	s8 =	simm.s32 @!p0 $0x1BF5;
	p2 =	por !p2, p0  }
0x20: {  	[sflag:s8] =	ssyncset.s32 @!p0 $0xFFFFF086;
	s6 =	sadd.s32 @!p0 s3, s7;
	s7 =	simm.s32 @!p0 $0x108  }
0x21: {  	s3 =	sadd.s32 s3, s9;
	s6 =	sadd.s32 @!p0 $0x88, s6;
	s7 =	simm.s32 @p2 $0x1082  }
0x22: {  	[simem:s7], [sflag:s8] =	dma.local @!p0 [hbm:s6], $0xF7A  }
0x23: {  	s9 =	sor.u32 $0xD0000000, s2;
	s6 =	simm.s32 $0x108;
	_ =	swait.ge @!p0 [sflag:s8], $0x0  }
0x24: {  	s3 =	sadd.s32 $0x88, s3;
	s6 =	simm.s32 @!p1 $0x1082;
	[sflag:s4] =	ssyncset.s32 $0xFFFFF086  }
0x25: {  	[simem:s6], [sflag:s4] =	dma.local [hbm:s3], $0xF7A  }
0x26: {  	[smem:$0x3F92] =	sst s1;
	(tag) =	ssettag s2;
	_ =	strace s9  }
0x27: {  	s1 =	sld [smem:$0x3FA2]  }
0x28: {  	s2 =	sld [smem:$0x3FA3]  }
0x29: {  	s4 =	sld [smem:$0x3FA5]  }
0x2a: {  	p0 =	seq.s32 s5, $0x0;
	s5 =	sld [smem:$0x3FA6]  }
0x2b: {  	s6 =	sld [smem:$0x3FA7]  }
0x2c: {  	s7 =	sld [smem:$0x3FA8]  }
0x2d: {  	s3 =	simm.s32 $0x108;
	s8 =	sld [smem:$0x3FA9]  }
0x2e: {  	s3 =	simm.s32 @!p0 $0x1082;
	s9 =	sld [smem:$0x3FAA]  }
0x2f: {  	lr =	sadd.s32 s0, s3;
	s0 =	sld [smem:$0x3FA1]  }
0x30: {  	s3 =	sld [smem:$0x3FA4]  }
0x31: {  	[smem:$0x3FAD] =	sst s10  }
0x32: {  	s10 =	sld [smem:$0x3FAB];
	_ =	sdelay $0x3  }
0x33: {  	p0 =	seq.s32 s10, $0x1;
	s10 =	sld [smem:$0x3FAD];
	_ =	sdelay $0x3  }
0x34: {  	[smem:$0x3FAD] =	sst s10  }
0x35: {  	s10 =	sld [smem:$0x3FAC];
	_ =	sdelay $0x3  }
0x36: {  	p1 =	seq.s32 s10, $0x1;
	s10 =	sld [smem:$0x3FAD];
	_ =	sdelay $0x3  }
0x37: {  	[smem:$0x3FAD] =	sst s10  }
0x38: {  	s10 =	sld [smem:$0x3FAE]  }
0x39: {  	_ = 	snop;
	(pc) =	sbr.ind lr, $3  }
0x3a: {  	_ = 	snop  }
0x3b: {  	_ = 	snop  }
0x3c: {  	p2 =	seq.s32 s10, $0x1;
	s10 =	sld [smem:$0x3FAD]  }
0x3d: {  	_ =	shalt  }
0x3e: {  	_ =	shalt  }
0x3f: {  	_ =	shalt  }
0x40: {  	_ =	shalt  }
0x41: {  	_ =	shalt  }
0x42: {  	_ =	shalt  }
0x43: {  	_ =	shalt  }
0x44: {  	_ =	shalt  }
0x45: {  	_ =	shalt  }
0x46: {  	_ =	shalt  }
0x47: {  	_ =	shalt  }
0x48: {  	_ =	shalt  }
0x49: {  	_ =	shalt  }
0x4a: {  	_ =	shalt  }
0x4b: {  	_ =	shalt  }
0x4c: {  	_ =	shalt  }
0x4d: {  	_ =	shalt  }
0x4e: {  	_ =	shalt  }
0x4f: {  	_ =	shalt  }
0x50: {  	_ =	shalt  }
0x51: {  	_ =	shalt  }
0x52: {  	_ =	shalt  }
0x53: {  	_ =	shalt  }
0x54: {  	_ =	shalt  }
0x55: {  	_ =	shalt  }
0x56: {  	_ =	shalt  }
0x57: {  	_ =	shalt  }
0x58: {  	_ =	shalt  }
0x59: {  	_ =	shalt  }
0x5a: {  	_ =	shalt  }
0x5b: {  	_ =	shalt  }
0x5c: {  	_ =	shalt  }
0x5d: {  	_ =	shalt  }
0x5e: {  	_ =	shalt  }
0x5f: {  	_ =	shalt  }
0x60: {  	_ =	shalt  }
0x61: {  	_ =	shalt  }
0x62: {  	_ =	shalt  }
0x63: {  	_ =	shalt  }
0x64: {  	_ =	shalt  }
0x65: {  	_ =	shalt  }
0x66: {  	_ =	shalt  }
0x67: {  	_ =	shalt  }
0x68: {  	_ =	shalt  }
0x69: {  	_ =	shalt  }
0x6a: {  	_ =	shalt  }
0x6b: {  	_ =	shalt  }
0x6c: {  	_ =	shalt  }
0x6d: {  	_ =	shalt  }
0x6e: {  	_ =	shalt  }
0x6f: {  	_ =	shalt  }
0x70: {  	_ =	shalt  }
0x71: {  	_ =	shalt  }
0x72: {  	_ =	shalt  }
0x73: {  	_ =	shalt  }
0x74: {  	_ =	shalt  }
0x75: {  	_ =	shalt  }
0x76: {  	_ =	shalt  }
0x77: {  	_ =	shalt  }
0x78: {  	_ =	shalt  }
0x79: {  	_ =	shalt  }
0x7a: {  	_ =	shalt  }
0x7b: {  	_ =	shalt  }
0x7c: {  	_ =	shalt  }
0x7d: {  	_ =	shalt  }
0x7e: {  	_ =	shalt  }
0x7f: {  	_ =	shalt  }
0x80: {  	_ =	shalt  }
0x81: {  	_ =	shalt  }
0x82: {  	_ =	shalt  }
0x83: {  	_ =	shalt  }
0x84: {  	_ =	shalt  }
0x85: {  	_ =	shalt  }
0x86: {  	_ =	shalt  }
0x87: {  	_ =	shalt  }
.Lfunc_end0:
.L_simem_size_0:
called_computation.1_lowered:
.L_overlay_start_0:
0x88: {  	s2 =	sld [smem:$0x3FD9]  }
0x89: {  	s3 =	sld [smem:$0x3FFE];
	_ =	sdelay $0x1  }
0x8a: {  	s1 =	srdreg.scid  }
0x8b: {  	s0 =	sand.u32 $0x1, s1  }
0x8c: {  	s15 =	sshll.u32 s0, $0xA;
	s2 =	sadd.s32 s3, s2  }
0x8d: {  	s2 =	sadd.s32 s2, s15  }
0x8e: {  	[smem:$0x3FB9] =	sst s2  }
0x8f: {  	_ = 	snop  }
0x90: {  	s16 =	sld [smem:$0x3FC8]  }
0x91: {  	s4 =	sld [smem:$0x3FD0];
	(tm) =	ssettm $0x1  }
0x92: {  	s17 =	sld [smem:$0x3FFB];
	_ =	sdelay $0x3  }
0x93: {  	_ =	strace s17  }
0x94: {  	s2 =	sld [smem:$0x3FFC];
	_ =	sdelay $0x3  }
0x95: {  	_ =	strace s2  }
0x96: {  	s2 =	sld [smem:$0x3FFD];
	_ =	sdelay $0x3  }
0x97: {  	_ =	strace s2  }
0x98: {  	_ =	strace $0x8FFFFFFF  }
0x99: {  	s18 =	sld [smem:$0x3FDB];
	_ =	sdelay $0x1  }
0x9a: {  	s5 =	simm.s32 $_scs_section_size  }
0x9b: {  	s6 =	simm.s32 $_size__tile_overlayer_lowered;
	s7 =	simm.s32 $_tile_overlayer_lowered  }
0x9c: {  	s8 =	simm.s32 $0x1BFF;
	s19 =	sshll.u32 s7, $0x1;
	s5 =	sadd.s32 s5, s18  }
0x9d: {  	s20 =	simm.s32 $0x0;
	s6 =	sshll.u32 s6, $0x1;
	s7 =	sadd.s32 s19, s5  }
0x9e: {  	[timem:s20], [sflag:s8] =	dma.local [hbm:s7], s6  }
0x9f: {  	_ =	swait.ge [sflag:s8], s6  }
0xa0: {  	s6 =	ssub.s32 $0x0, s6;
	[sflag:s8] =	ssyncset.done $0x0  }
0xa1: {  	[sflag:s8] =	ssyncadd.s32 s6;
	_ =	sdelay $0x1  }
0xa2: {  	s21 =	simm.s32 $0x1B8B  }
0xa3: {  	_ =	swait.ge [sflag:s21], $0x1  }
0xa4: {  	[sflag:s21] =	ssyncset.done $0x0  }
0xa5: {  	s22 =	sld [smem:$0x3FFE];
	[sflag:s21] =	ssyncadd.s32 $0xFFFFFFFF  }
0xa6: {  	s24 =	simm.s32 $0x1B8E;
	s23 =	sld [smem:$0x0]  }
0xa7: {  	s25 =	simm.s32 $execute0_lowered;
	[smem:$0x3FD2] =	sst s24  }
0xa8: {  	s8 =	sshll.u32 s25, $0x1;
	_ =	strace $0x8000004C;
	[dreg:$0x1] =	wrdreg $0xFFFFFFFF  }
0xa9: {  	s9 =	simm.s32 $_size_execute0_lowered;
	s8 =	sadd.s32 s5, s8;
	[dreg:$0x0] =	wrdreg $0x0  }
0xaa: {  	s9 =	sshll.u32 s9, $0x1;
	[dreg:$0x2] =	wrdreg s8  }
0xab: {  	[dreg:$0x3] =	wrdreg s9  }
0xac: {  	[dreg:$0x4] =	wrdreg $0xC0  }
0xad: {  	s26 =	simm.s32 $execute1_lowered;
	_ =	task [dreg:s20], $0x5FFFF  }
0xae: {  	s8 =	sshll.u32 s26, $0x1;
	[dreg:$0x1] =	wrdreg $0xFFFFFFFF  }
0xaf: {  	s5 =	sadd.s32 s5, s8;
	[dreg:$0x0] =	wrdreg $0x60  }
0xb0: {  	[dreg:$0x2] =	wrdreg s5  }
0xb1: {  	[dreg:$0x3] =	wrdreg s4  }
0xb2: {  	[dreg:$0x4] =	wrdreg s22  }
0xb3: {  	[dreg:$0x5] =	wrdreg $0x9  }
0xb4: {  	_ =	task.clear_ibuf [dreg:s20], $0x6FFFF;
	_ =	strace $0x9000004C  }
0xb5: {  	s28 =	simm.s32 $0x9;
	_ =	strace $0x8000004E  }
0xb6: {  	_ =	swait.ge [sflag:s28], $0x1  }
0xb7: {  	[sflag:s28] =	ssyncadd.s32 $0xFFFFFFFF  }
0xb8: {  	_ =	strace $0x9000004E  }
0xb9: {  	s4 =	sld [smem:$0x0]  }
0xba: {  	s5 =	sand.u32 $0xFFFFFFFE, s1  }
0xbb: {  	p0 =	sne.s32 s1, s5  }
0xbc: {  	s5 =	sshll.u32 @p0 s5, $0xE  }
0xbd: {  	s5 =	sadd.s32 @p0 $0x11BF3, s5;
	s8 =	sshll.u32 @p0 s4, $0x11  }
0xbe: {  	s5 =	sor.u32 @p0 s8, s5  }
0xbf: {  	[sflag:s5] =	ssyncadd.remote.s32 @p0 $0x1;
	_ =	sdelay $0x1  }
0xc0: {  	s5 =	simm.s32 @p0 $0x1BF3  }
0xc1: {  	_ =	swait.eq @p0 [sflag:s5], $0x1  }
0xc2: {  	[sflag:s5] =	ssyncadd.s32 @p0 $0xFFFFFFFF  }
0xc3: {  	s8 =	sshll.u32 @!p0 s1, $0xE  }
0xc4: {  	s8 =	sor.u32 @!p0 $0x4000, s8;
	s5 =	simm.s32 @!p0 $0x1BF3  }
0xc5: {  	s4 =	sshll.u32 @!p0 s4, $0x11;
	s8 =	sadd.s32 @!p0 $0x11BF3, s8;
	_ =	swait.eq @!p0 [sflag:s5], $0x1  }
0xc6: {  	s4 =	sor.u32 @!p0 s4, s8;
	[sflag:s5] =	ssyncadd.s32 @!p0 $0xFFFFFFFF  }
0xc7: {  	[sflag:s4] =	ssyncadd.remote.s32 @!p0 $0x1  }
0xc8: {  	_ =	strace $0x8000004F;
	[dreg:$0x1] =	wrdreg $0xFFFFFFFF  }
0xc9: {  	[dreg:$0x0] =	wrdreg $0x2030  }
0xca: {  	[dreg:$0x2] =	wrdreg s22  }
0xcb: {  	[dreg:$0x3] =	wrdreg s16  }
0xcc: {  	[dreg:$0x4] =	wrdreg s1  }
0xcd: {  	[dreg:$0x5] =	wrdreg s23  }
0xce: {  	[dreg:$0x6] =	wrdreg $0xA  }
0xcf: {  	_ =	task.clear_ibuf [dreg:s20], $0x7FFFF;
	_ =	strace $0x9000004F  }
0xd0: {  	s29 =	simm.s32 $0xA;
	_ =	strace $0x80000051  }
0xd1: {  	_ =	swait.ge [sflag:s29], $0x1  }
0xd2: {  	[sflag:s29] =	ssyncadd.s32 $0xFFFFFFFF  }
0xd3: {  	_ =	strace $0x90000051  }
0xd4: {  	_ =	sfence  }
0xd5: {  	s30 =	sld [smem:$0x0];
	_ =	sdelay $0x2  }
0xd6: {  	s31 =	sshll.u32 s1, $0xD;
	s1 =	sshrl.u32 s1, $0x2  }
0xd7: {  	s4 =	sand.u32 $0x4000, s31;
	s1 =	sadd.s32 s1, s30  }
0xd8: {  	s0 =	sor.u32 s4, s0;
	s1 =	sshll.u32 s1, $0x11  }
0xd9: {  	s0 =	sor.u32 s1, s0  }
0xda: {  	s0 =	sadd.s32 $0x8F2B, s0  }
0xdb: {  	[sflag:s0] =	ssyncadd.remote.s32 $0x1  }
0xdc: {  	_ =	sfence.sel $0xFFFF  }
0xdd: {  	[dreg:$0x0] =	wrdreg $0xFFFFFFFF;
	(pc) =	sbr.abs _section_cstart, $3  }
0xde: {  	[dreg:$0x1] =	wrdreg $0xFFFFFFFF  }
0xdf: {  	_ =	task.clear_ibuf [dreg:s20], $0x2FFFF;
	_ =	strace $0x9FFFFFFF  }
0xe0: {  	(tm) =	ssettm $0x7FFFFFFF  }
0xe1: {  	_ =	shalt  }
tec
execute0_lowered:
.L_overlay_start_1:
0x0: {  	(tag) =	ssettag $0x1  }
0x1: {  	s3 =	rddreg [dreg:$0x0]  }
0x2: {  	s2 =	rddreg [dreg:$0x1]  }
0x3: {  	s5 =	rddreg [dreg:$0x2]  }
0x4: {  	s0 =	rddreg [dreg:$0x3];
	s4 =	stileid.u32;
	[bflag:$0x3] =	sbarrier.arrive $0xFFFF  }
0x5: {  	s1 =	simm.s32 $_size_execute1_lowered;
	s30 =	srdreg.scid;
	p0 =	sne.s32 s4, $0x0  }
0x6: {  	s1 =	sshll.u32 s1, $0x1;
	s6 =	simm.s32 @!p0 $0x1C3F;
	s7 =	simm.s32 @!p0 $0x4060  }
0x7: {  	[timem:s7], [sflag:s6] =	dma.local @!p0 [hbm:s3], s1  }
0x8: {  	s3 =	sshll.u32 s30, $0x3  }
0x9: {  	s4 =	sshll.u32 s4, $0x4;
	s3 =	sand.u32 $0x8, s3  }
0xa: {  	s31 =	simm.s32 $0x2;
	s8 =	simm.s32 $0x0;
	s3 =	sor.u32 s4, s3  }
0xb: {  	s9 =	simm.s32 $0x400;
	s11 =	simm.s32 $0x0;
	s6 =	ssub.s32 $0x8, s3  }
.Ltmp0:
0xc: {  	s10 =	simm.s32 $0x0;
	p1 =	sgt.s32 s6, $0x0;
	(pc) =	sbr.rel .LBB2_1-.Ltmp0, $4  }
0xd: {  	s5 =	sadd.s32 $0xC800, s5;
	s7 =	simm.s32 $0x3;
	s6 =	simm.s32 @!p1 $0x0  }
0xe: {  	_ =	strace $0x8000004D;
	s4 =	simm.s32 $0x1;
	s6 =	sand.u32 $0xF8, s6  }
0xf: {  	[sflag:s4] =	ssyncpa.u1 $0x0;
	p1 =	sne.s32 s6, $0x0;
	s6 =	simm.s32 $0x1  }
0x10: {  	[sflag:s31] =	ssyncpa.u1 $0x0;
	s6 =	simm.s32 @!p1 $0x0;
	s7 =	simm.s32 @!p1 $0x2  }
.LBB2_4:
0x11: {  	v5 =	vld [tilespmem:s13+$0x70];
	[tilespmem:s12+$0x420] =	vst v2  }
0x12: {  	v57 =	vld [tilespmem:s13+$0x0];
	[tilespmem:s12+$0x430] =	vst v0  }
0x13: {  	v58 =	vld [tilespmem:s13+$0x10];
	[tilespmem:s12+$0x440] =	vst v1  }
0x14: {  	v59 =	vld [tilespmem:s13+$0x20];
	[tilespmem:s12+$0x450] =	vst v3  }
0x15: {  	v60 =	vld [tilespmem:s13+$0x30];
	[tilespmem:s12+$0x460] =	vst v4  }
0x16: {  	v61 =	vld [tilespmem:s13+$0x40];
	[tilespmem:s13+$0x470] =	vst v5  }
0x17: {  	v62 =	vld [tilespmem:s13+$0x50];
	[tilespmem:s13+$0x400] =	vst v57  }
0x18: {  	v63 =	vld [tilespmem:s13+$0x60];
	[tilespmem:s13+$0x410] =	vst v58  }
0x19: {  	[tilespmem:s13+$0x420] =	vst v59  }
0x1a: {  	[tilespmem:s13+$0x430] =	vst v60  }
0x1b: {  	s11 =	sshll.u32 s11, $0x4;
	[tilespmem:s13+$0x440] =	vst v61  }
0x1c: {  	s11 =	sand.u32 $0x70, s11;
	[tilespmem:s13+$0x450] =	vst v62  }
0x1d: {  	s11 =	sadd.s32 s5, s11;
	[tilespmem:s13+$0x460] =	vst v63  }
0x1e: {  	[hbm4b:s11+s8] =	stream.linear.scatter [tilespmem:s9], [sflag:$0x2], $0x400, $0x38;
	[tilespmem:$0x800] =	vst v63  }
.LBB2_5:
0x1f: {  	p1 =	slt.u32 s10, $0x2;
	s10 =	sadd.s32 $0x1, s10  }
0x20: {  	p2 =	sne.s32 s10, s7  }
.Ltmp1:
0x21: {  	_ = 	snop;
	(pc) =	sbr.rel @!p2 .LBB2_6-.Ltmp1, $4  }
0x22: {  	s11 =	simm.s32 @!p1 $0x2  }
0x23: {  	_ =	swait.ge @!p1 [sflag:s11], $0x400  }
0x24: {  	[sflag:s11] =	ssyncset.done @!p1 $0x0  }
0x25: {  	[sflag:s11] =	ssyncadd.s32 @!p1 $0xFFFFFC00;
	s11 =	smov.u32 s3  }
.LBB2_1:
0x26: {  	p1 =	sge.u32 s10, s6  }
0x27: {  	s31 =	sadd.s32 $0xFFFFFFFF, s10;
	s12 =	simm.s32 @!p1 $0x0  }
0x28: {  	[tilespmem:s12], [sflag:$0x1] =	stream.linear.gather @!p1 [hbm4b:s2+s12], $0x400, $0x38;
	[tilespmem:$0x800] =	vst v63  }
0x29: {  	p1 =	sge.u32 s31, s6  }
.Ltmp2:
0x2a: {  	_ = 	snop;
	(pc) =	sbr.rel @p1 .LBB2_5-.Ltmp2, $1  }
0x2b: {  	_ =	sdelay $0x3  }
0x2c: {  	p1 =	seq.s32 s10, $0x1;
	s12 =	simm.s32 $0x400  }
0x2d: {  	s12 =	simm.s32 @!p1 $0x0  }
0x2e: {  	s13 =	simm.s32 $0xFFFFFC00;
	_ =	swait.ge [sflag:s4], s12  }
0x2f: {  	s13 =	simm.s32 @!p1 $0x0;
	[sflag:s4] =	ssyncset.done $0x0  }
0x30: {  	s12 =	simm.s32 $0x0;
	[sflag:s4] =	ssyncadd.s32 s13  }
0x31: {  	v3 =	vld [tilespmem:s12+$0x70]  }
0x32: {  	v4 =	vld [tilespmem:s12+$0x0]  }
0x33: {  	v5 =	vld [tilespmem:s12+$0x10]  }
0x34: {  	v2 =	vld [tilespmem:s12+$0x20]  }
0x35: {  	v0 =	vld [tilespmem:s12+$0x30]  }
0x36: {  	v1 =	vld [tilespmem:s12+$0x40];
	[tilespmem:s12+$0x470] =	vst v3  }
0x37: {  	[tilespmem:s12+$0x400] =	vst v4;
	v3 =	vld [tilespmem:s12+$0x50]  }
0x38: {  	s14 =	simm.s32 $0x400;
	s13 =	simm.s32 $0x80;
	[tilespmem:s12+$0x410] =	vst v5;
	v4 =	vld [tilespmem:s12+$0x60]  }
.LBB2_3:
0x39: {  	p1 =	sne.s32 s14, $0xE00;
	v5 =	vld [tilespmem:s13+$0x70];
	[tilespmem:s12+$0x420] =	vst v2  }
0x3a: {  	v6 =	vld [tilespmem:s13+$0x0];
	[tilespmem:s12+$0x430] =	vst v0  }
0x3b: {  	v7 =	vld [tilespmem:s13+$0x10];
	[tilespmem:s12+$0x440] =	vst v1  }
.Ltmp3:
0x3c: {  	v2 =	vld [tilespmem:s13+$0x20];
	[tilespmem:s12+$0x450] =	vst v3;
	(pc) =	sbr.rel @p1 .LBB2_3-.Ltmp3, $4  }
0x3d: {  	v0 =	vld [tilespmem:s13+$0x30];
	[tilespmem:s12+$0x460] =	vst v4;
	s12 =	smov.u32 s13  }
0x3e: {  	v1 =	vld [tilespmem:s12+$0x40];
	[tilespmem:s12+$0x470] =	vst v5  }
0x3f: {  	[tilespmem:s12+$0x400] =	vst v6;
	v3 =	vld [tilespmem:s12+$0x50]  }
0x40: {  	s13 =	sshra.s32 s14, $0x2;
	s14 =	sadd.s32 $0x200, s14;
	[tilespmem:s12+$0x410] =	vst v7;
	v4 =	vld [tilespmem:s12+$0x60]  }
.Ltmp4:
0x41: {  	_ = 	snop;
	(pc) =	sbr.rel .LBB2_4-.Ltmp4, $1  }
0x42: {  	_ =	sdelay $0x3  }
.LBB2_6:
0x43: {  	_ =	sfence.sel $0x180000  }
0x44: {  	s2 =	simm.s32 $0x1;
	[bflag:$0x0] =	sbarrier.arrive $0xFFFF  }
0x45: {  	s31 =	simm.s32 $0x2;
	[sflag:s2] =	ssyncpa.u1 $0x1  }
0x46: {  	[sflag:s31] =	ssyncpa.u1 $0x1  }
0x47: {  	_ =	strace $0x9000004D  }
0x48: {  	s0 =	sadd.s32 @!p0 $0x100000, s0;
	[bflag:$0x2] =	sbarrier.arrive $0xFFFF  }
0x49: {  	[sflag:s0] =	ssyncadd.tile.s32 @!p0 $0x1;
	s0 =	simm.s32 @!p0 $0x3F  }
0x4a: {  	_ =	swait.ge @!p0 [sflag:s0], s1  }
0x4b: {  	s1 =	ssub.s32 @!p0 $0x0, s1;
	[sflag:s0] =	ssyncset.done @!p0 $0x0  }
0x4c: {  	[sflag:s0] =	ssyncadd.s32 @!p0 s1  }
0x4d: {  	[bflag:$0x3] =	sbarrier.arrive $0xFFFF  }
0x4e: {  	_ =	shalt  }
.Lfunc_end2:
execute1_lowered:
.L_overlay_start_2:
0x4f: {  	(tag) =	ssettag $0x2  }
0x50: {  	s0 =	rddreg [dreg:$0x0]  }
0x51: {  	s31 =	rddreg [dreg:$0x1]  }
0x52: {  	s2 =	rddreg [dreg:$0x2];
	_ =	strace $0x80000050;
	s1 =	simm.s32 $0x1  }
0x53: {  	s9 =	simm.s32 $0x108;
	v0 =	vimm.s32 $0x0;
	[sflag:s1] =	ssyncpa.u1 $0x0  }
0x54: {  	[tilespmem:s9+$0x70] =	vst v0  }
0x55: {  	[tilespmem:s9+$0x60] =	vst v0  }
0x56: {  	[tilespmem:s9+$0x50] =	vst v0  }
0x57: {  	[tilespmem:s9+$0x40] =	vst v0  }
0x58: {  	[tilespmem:s9+$0x30] =	vst v0  }
0x59: {  	s1 =	sadd.s32 $0xC800, s0;
	s15 =	sadd.s32 $0x6400, s0;
	[tilespmem:s9+$0x20] =	vst v0  }
0x5a: {  	s14 =	sadd.s32 $0x9600, s0;
	s5 =	sand.u32 $0x1, s2;
	s0 =	simm.s32 $0x40;
	[tilespmem:s9+$0x10] =	vst v0  }
.LBB3_1:
0x5b: {  	s0 =	sadd.s32 $0x40, s0;
	[tilespmem:s9+$0x0] =	vst v0;
	s9 =	sadd.s32 $0x80, s9  }
0x5c: {  	p0 =	slt.u32 s0, $0x3C40;
	[tilespmem:s9+$0x70] =	vst v0  }
0x5d: {  	[tilespmem:s9+$0x60] =	vst v0  }
.Ltmp5:
0x5e: {  	[tilespmem:s9+$0x50] =	vst v0;
	(pc) =	sbr.rel @p0 .LBB3_1-.Ltmp5, $4  }
0x5f: {  	[tilespmem:s9+$0x40] =	vst v0  }
0x60: {  	[tilespmem:s9+$0x30] =	vst v0  }
0x61: {  	[tilespmem:s9+$0x20] =	vst v0  }
0x62: {  	[tilespmem:s9+$0x10] =	vst v0  }
0x63: {  	s6 =	stileid.u32  }
0x64: {  	s0 =	simm.s32 $0x1;
	p0 =	sne.s32 s6, $0x0;
	s2 =	smul.u32 $0xD, s6  }
0x65: {  	s0 =	simm.s32 @!p0 $0x0  }
0x66: {  	s0 =	sadd.s32 s0, s2  }
0x67: {  	p1 =	seq.s32 s6, $0x0;
	s7 =	smul.u32 $0xF0, s0;
	s0 =	simm.s32 $0xD20  }
0x68: {  	s0 =	simm.s32 @!p1 $0xC30  }
0x69: {  	s0 =	sadd.s32 s0, s7  }
0x6a: {  	s8 =	smin.u32 s0, $0xC350  }
0x6b: {  	s0 =	ssub.s32 s8, s7  }
0x6c: {  	p1 =	sgt.s32 s0, $0x0  }
0x6d: {  	s3 =	simm.s32 $0x2;
	s10 =	simm.s32 $0x9;
	s0 =	simm.s32 @!p1 $0x0  }
0x6e: {  	s4 =	simm.s32 $0xA;
	s11 =	simm.s32 $0xB;
	s28 =	smul.u32 $0x8889, s0  }
0x6f: {  	[dreg:$0x5] =	wrdreg s5;
	s30 =	smul.u32 $0x186A, s5;
	s12 =	simm.s32 $0x1  }
0x70: {  	s22 =	simm.s32 $0x0;
	s18 =	simm.s32 $0xC;
	s2 =	sshrl.u32 s28, $0x17  }
0x71: {  	s20 =	simm.s32 $0x0;
	s21 =	simm.s32 $0x0;
	s29 =	smul.u32 $0xF0, s2  }
.Ltmp6:
0x72: {  	[tilespmem:s9+$0x0] =	vst v0;
	v0 =	vimm.s32 $0xFFFFFFFF;
	[sflag:s3] =	ssyncpa.u1 $0x0;
	s16 =	sshll.u32 s6, $0x8;
	(pc) =	sbr.rel .LBB3_3-.Ltmp6, $4  }
0x73: {  	[tilespmem:$0xF208] =	vst v0;
	[sflag:s10] =	ssyncpa.u1 $0x0;
	p1 =	sne.s32 s0, s29;
	s0 =	simm.s32 $0x1  }
0x74: {  	s14 =	sadd.s32 s30, s14;
	[sflag:s4] =	ssyncpa.u1 $0x0;
	s0 =	simm.s32 @!p1 $0x0  }
0x75: {  	s15 =	sadd.s32 s30, s15;
	[sflag:s11] =	ssyncpa.u1 $0x0;
	s13 =	sadd.s32 s2, s0  }
0x76: {  	v0 =	vlaneseq.u32;
	s19 =	smov.u32 s7;
	p1 =	por $0x0, $0x0;
	s17 =	sadd.s32 $0x1, s13  }
.LBB3_18:
0x77: {  	s0 =	sshrl.u32 s31, $0x2;
	s31 =	smov.u32 s9  }
.LBB3_20:
0x78: {  	_ =	swait.ge [sflag:s18], s0  }
0x79: {  	s29 =	ssub.s32 $0x0, s0;
	v1 =	vmov s24;
	vm0 =	veq.s32 v0, $0x0;
	[sflag:s18] =	ssyncset.done $0x0  }
0x7a: {  	vm15 =	veq.s32 v0, $0x2;
	v1 =	vsel vm0, s30, v1;
	[sflag:s18] =	ssyncadd.s32 s29  }
0x7b: {  	v1 =	vsel vm15, s22, v1;
	[sflag:s18] =	ssyncpa.u1 $0x1  }
0x7c: {  	[tilespmem:$0xF208] =	vst v1  }
.LBB3_21:
0x7d: {  	s0 =	sadd.s32 $0xF0, s19  }
0x7e: {  	s2 =	smov.u32 s7;
	p2 =	slt.s32 s0, s8  }
0x7f: {  	s2 =	smov.u32 @p2 s0;
	p2 =	sne.s32 s21, s17  }
.Ltmp7:
0x80: {  	_ = 	snop;
	(pc) =	sbr.rel @!p2 .LBB3_22-.Ltmp7, $3  }
0x81: {  	_ =	sdelay $0x1  }
0x82: {  	s22 =	smov.u32 s20;
	s30 =	sadd.s32 $0x1, s21;
	s20 =	smov.u32 s19  }
0x83: {  	p1 =	por !p1, !p1;
	s21 =	smov.u32 s30;
	s19 =	smov.u32 s2  }
.LBB3_3:
0x84: {  	p2 =	sge.u32 s21, s13  }
0x85: {  	s0 =	smulhi.u32 @!p2 $0xAAAAAAAB, s21  }
0x86: {  	s2 =	smov.u32 s19;
	p3 =	sgt.s32 @!p2 s19, $0xC260  }
0x87: {  	s3 =	sshra.s32 @!p2 s19, $0x1F;
	p3 =	por !p3, p2;
	s0 =	sshrl.u32 @!p2 s0, $0x1  }
0x88: {  	s3 =	sand.u32 @!p2 s3, s19;
	s2 =	simm.s32 @p3 $0xC260;
	s0 =	smul.u32 @!p2 $0x3, s0  }
0x89: {  	s2 =	ssub.s32 @!p2 s2, s3  }
0x8a: {  	s2 =	sadd.s32 @!p2 $0xFFFF3DA0, s2;
	s0 =	ssub.s32 @!p2 s21, s0  }
0x8b: {  	s3 =	sshll.u32 @!p2 s2, $0x2;
	p3 =	sgt.s32 @!p2 s2, $0xEF;
	s0 =	smul.u32 @!p2 $0x3C0, s0  }
0x8c: {  	s4 =	sand.u32 @!p2 $0x7, s19;
	s2 =	ssub.s32 @!p2 $0x3C0, s3;
	p3 =	por !p3, p2  }
0x8d: {  	s3 =	sshrl.u32 @!p2 s19, $0x3;
	s2 =	sshrl.u32 @!p2 s2, $0x2;
	s0 =	sshrl.u32 @!p2 s0, $0x2  }
0x8e: {  	s3 =	sadd.s32 @!p2 s3, s14;
	s2 =	simm.s32 @!p3 $0x0;
	s0 =	sadd.s32 @!p2 $0x10248, s0  }
0x8f: {  	[tilespmem:s0], [sflag:$0xA] =	stream.linear.gather @!p2 [hbm4b:s3+s4], s2, $0x38;
	[tilespmem:$0x1F6F8] =	vst v63  }
0x90: {  	s0 =	sadd.s32 $0xFFFFFFFF, s21  }
0x91: {  	p2 =	sge.u32 s0, s13  }
0x92: {  	p3 =	sgt.s32 @!p2 s20, $0xC260  }
0x93: {  	s2 =	smov.u32 s20;
	s3 =	sshra.s32 @!p2 s20, $0x1F;
	p3 =	por !p3, p2  }
0x94: {  	s3 =	sand.u32 @!p2 s3, s20;
	s2 =	simm.s32 @p3 $0xC260  }
0x95: {  	s2 =	ssub.s32 @!p2 s2, s3  }
0x96: {  	s2 =	sadd.s32 @!p2 $0xFFFF3DA0, s2  }
0x97: {  	s4 =	sand.u32 @!p2 $0x1, s0;
	s3 =	sshll.u32 @!p2 s2, $0x2  }
0x98: {  	p3 =	sgt.s32 @!p2 s2, $0xEF;
	s2 =	ssub.s32 @!p2 $0x3C0, s3;
	s3 =	smulhi.u32 @!p2 $0xAAAAAAAB, s0  }
0x99: {  	s23 =	smul.u32 @!p2 $0x3C0, s4;
	p3 =	por !p3, p2;
	s2 =	sshrl.u32 @!p2 s2, $0x2  }
0x9a: {  	s5 =	simm.s32 @!p2 $0xA;
	s2 =	simm.s32 @!p3 $0x0;
	s3 =	sshrl.u32 @!p2 s3, $0x1  }
0x9b: {  	s23 =	sshrl.u32 @!p2 s23, $0x2;
	_ =	swait.ge @!p2 [sflag:s5], s2;
	s3 =	smul.u32 @!p2 $0x3, s3  }
0x9c: {  	s23 =	sadd.s32 @!p2 $0x10518, s23;
	s24 =	ssub.s32 @!p2 $0x0, s2;
	[sflag:s5] =	ssyncset.done @!p2 $0x0  }
0x9d: {  	[sflag:s5] =	ssyncadd.s32 @!p2 s24;
	s5 =	sshrl.u32 @!p2 s20, $0x3;
	s0 =	ssub.s32 @!p2 s0, s3  }
0x9e: {  	s24 =	sand.u32 @!p2 $0x7, s20;
	s5 =	sadd.s32 @!p2 s5, s15;
	s0 =	smul.u32 @!p2 $0x3C0, s0  }
0x9f: {  	[tilespmem:s23], [sflag:$0xB] =	stream.linear.gather @!p2 [hbm4b:s5+s24], s2, $0x38;
	[tilespmem:$0x1F6F8] =	vst v63  }
0xa0: {  	s3 =	ssub.s32 @!p2 $0xC350, s20;
	s2 =	smul.u32 @!p2 $0x1E000, s4  }
0xa1: {  	p3 =	slt.s32 @!p2 s3, $0xF0  }
0xa2: {  	p3 =	por !p3, p2;
	s0 =	sshrl.u32 @!p2 s0, $0x2;
	s2 =	sshrl.u32 @!p2 s2, $0x2  }
0xa3: {  	s3 =	simm.s32 @p3 $0xF0;
	s0 =	sadd.s32 @!p2 $0x10248, s0;
	s2 =	sor.u32 @!p2 $0x106F8, s2  }
0xa4: {  	[tilespmem:s2], [sflag:$0x9] =	stream.indirect.gather @!p2 [hbm4b:s31+s3], $0x80, s0, s3, $0xb8;
	[tilespmem:$0x1F6F8] =	vst v63  }
0xa5: {  	p2 =	slt.u32 s21, $0x2  }
.Ltmp8:
0xa6: {  	_ = 	snop;
	(pc) =	sbr.rel @p2 .LBB3_21-.Ltmp8, $1  }
0xa7: {  	_ =	sdelay $0x3  }
0xa8: {  	p2 =	sgt.s32 s22, $0xC260  }
0xa9: {  	s0 =	smov.u32 s22;
	s2 =	sshra.s32 s22, $0x1F;
	s3 =	ssub.s32 $0xC350, s22  }
0xaa: {  	s0 =	simm.s32 @!p2 $0xC260;
	s2 =	sand.u32 s2, s22;
	p2 =	slt.s32 s3, $0xF0  }
0xab: {  	s0 =	ssub.s32 s0, s2;
	s3 =	simm.s32 @!p2 $0xF0  }
0xac: {  	s0 =	sadd.s32 $0xFFFF3DA0, s0;
	s24 =	sshll.u32 s3, $0x7  }
0xad: {  	s25 =	sshll.u32 s0, $0x2;
	s2 =	sand.u32 $0x3FFFFF80, s24  }
0xae: {  	p2 =	sgt.s32 s0, $0xEF;
	s26 =	ssub.s32 $0x3C0, s25;
	_ =	swait.ge [sflag:s10], s2  }
0xaf: {  	s2 =	ssub.s32 $0x0, s2;
	[sflag:s10] =	ssyncset.done $0x0;
	s0 =	sshrl.u32 s26, $0x2  }
0xb0: {  	[sflag:s10] =	ssyncadd.s32 s2;
	s0 =	simm.s32 @p2 $0x0  }
0xb1: {  	_ =	swait.ge [sflag:s11], s0  }
0xb2: {  	s0 =	ssub.s32 $0x0, s0;
	[sflag:s11] =	ssyncset.done $0x0  }
0xb3: {  	[sflag:s11] =	ssyncadd.s32 s0  }
0xb4: {  	v1 =	vld [tilespmem:$0xF208];
	_ =	sdelay $0x4  }
0xb5: {  	(v2sf) =	vpush v1, $0x0  }
0xb6: {  	(v2sf) =	vpush v1, $0x1  }
0xb7: {  	(v2sf) =	vpush v1, $0x2;
	_ =	sdelay $0x3  }
0xb8: {  	s0 =	sadd.s32 $0xF0, s22  }
0xb9: {  	s2 =	ssub.s32 $0x186A0, s22;
	p2 =	slt.s32 s8, s0  }
0xba: {  	s0 =	smov.u32 @p2 s8;
	p2 =	sgt.s32 s2, $0x0  }
0xbb: {  	s26 =	ssub.s32 s0, s22;
	s2 =	simm.s32 @!p2 $0x0  }
0xbc: {  	p2 =	slt.s32 s2, s26  }
0xbd: {  	s26 =	smov.u32 @p2 s2  }
0xbe: {  	s25 =	simm.s32 $0x1;
	p2 =	slt.s32 s26, $0x1  }
.Ltmp9:
0xbf: {  	s25 =	simm.s32 @!p1 $0x0;
	(pc) =	sbr.rel @p2 .LBB3_8-.Ltmp9, $4  }
0xc0: {  	s29 =	smul.u32 $0x3C0, s25  }
0xc1: {  	s28 =	spop (v2sf)  }
0xc2: {  	s0 =	sshrl.u32 s29, $0x2;
	s30 =	spop (v2sf)  }
0xc3: {  	s23 =	sadd.s32 $0x10518, s0;
	s22 =	spop (v2sf)  }
0xc4: {  	s0 =	smin.u32 s26, $0x10  }
0xc5: {  	v1 =	vmov s0  }
0xc6: {  	p3 =	sgt.s32 s26, $0x10;
	vm1 =	vgt.u32 v1, v0  }
.Ltmp10:
0xc7: {  	_ = 	snop;
	(pc) =	sbr.rel @!p3 .LBB3_7-.Ltmp10, $2  }
0xc8: {  	_ =	sdelay $0x2  }
0xc9: {  	s4 =	simm.s32 $0x10;
	s24 =	sadd.s32 $0xFFFFFFF0, s26;
	s0 =	smov.u32 s23;
	vm0 =	vmmov vm1  }
.LBB3_6:
0xca: {  	s2 =	smin.u32 s24, $0x10;
	s4 =	sadd.s32 $0x10, s4;
	v1 =	vld.msk [tilespmem:s0+$0x0 ss:$0x1], vm1  }
0xcb: {  	v2 =	vmov s2;
	p3 =	slt.s32 s4, s26  }
0xcc: {  	vm1 =	vgt.u32 v2, v0  }
.Ltmp11:
0xcd: {  	(pc) =	sbr.rel @p3 .LBB3_6-.Ltmp11, $3  }
0xce: {  	_ =	sdelay $0x1  }
0xcf: {  	v1 =	vshll.u32 v1, $0x4  }
0xd0: {  	s24 =	sadd.s32 $0xFFFFFFF0, s24;
	[tilespmem:s0+$0x0] =	vst.msk vm0, v1;
	s0 =	sadd.s32 $0x10, s0;
	vm0 =	vmmov vm1  }
.LBB3_7:
0xd1: {  	_ =	sdelay $0x4  }
0xd2: {  	v1 =	vld.msk [tilespmem:s0+$0x0 ss:$0x1], vm1;
	_ =	sdelay $0x4  }
0xd3: {  	v1 =	vshll.u32 v1, $0x4  }
0xd4: {  	[tilespmem:s0+$0x0] =	vst.msk vm0, v1  }
.LBB3_8:
0xd5: {  	s0 =	sand.u32 $0x1, s21  }
0xd6: {  	s0 =	smul.u32 $0xF0, s0  }
0xd7: {  	p3 =	sne.s32 s30, $0xFFFFFFFF  }
0xd8: {  	v1 =	vld.msk @!p3 [tilespmem:s0+$0x10518], $0x1;
	_ =	sdelay $0x4  }
0xd9: {  	(v2sf) =	vpush @!p3 v1, $0x0;
	_ =	sdelay $0xc  }
.Ltmp12:
0xda: {  	_ = 	snop;
	(pc) =	sbr.rel @p2 .LBB3_19-.Ltmp12, $4  }
0xdb: {  	_ = 	snop  }
0xdc: {  	s29 =	spop @!p3 (v2sf)  }
0xdd: {  	s22 =	simm.s32 @!p3 $0x0;
	s24 =	smov.u32 s29  }
0xde: {  	[sflag:s18] =	ssyncpa.u1 $0x0;
	s29 =	smov.u32 @p3 s28;
	s24 =	smov.u32 @p3 s30  }
0xdf: {  	v1 =	vld.msk [tilespmem:s23+$0x0], $0x1;
	_ =	sdelay $0x4  }
0xe0: {  	(v2sf) =	vpush v1, $0x0;
	_ =	sdelay $0xe  }
0xe1: {  	s2 =	smul.u32 $0x1E000, s25;
	s0 =	spop (v2sf)  }
0xe2: {  	s26 =	ssub.s32 $0x0, s26;
	p2 =	seq.s32 s29, s0  }
0xe3: {  	s30 =	sadd.s32 $0x1, s26;
	s2 =	sshrl.u32 s2, $0x2;
	p3 =	sgt.s32 @!p2 s29, $0x0  }
0xe4: {  	s25 =	sor.u32 $0x10738, s2;
	s2 =	smov.u32 s29;
	p3 =	por !p3, p2  }
0xe5: {  	s2 =	simm.s32 @p3 $0x0;
	p3 =	seq.s32 s30, $0x0  }
.Ltmp13:
0xe6: {  	_ = 	snop;
	(pc) =	sbr.rel @p3 .LBB3_11-.Ltmp13, $4  }
0xe7: {  	s9 =	smov.u32 s31  }
0xe8: {  	s28 =	simm.s32 $0x0;
	s31 =	sadd.s32 $0x1, s23;
	s2 =	smin.u32 @!p2 s2, $0x70  }
0xe9: {  	s4 =	simm.s32 @!p2 $0x1;
	s5 =	simm.s32 @!p2 $0x7988;
	s3 =	sand.u32 @!p2 $0x78, s2  }
0xea: {  	s4 =	smov.u32 @p2 s28;
	s2 =	sand.u32 @!p2 $0x7, s2;
	s3 =	sadd.s32 @!p2 s1, s3  }
.LBB3_10:
0xeb: {  	s6 =	smov.u32 s4  }
0xec: {  	[tilespmem:s5], [sflag:$0x2] =	stream.linear.gather @!p2 [hbm4b:s3+s2], $0x80, $0x38;
	[tilespmem:$0x1F6F8] =	vst v63  }
0xed: {  	s30 =	sadd.s32 $0x1, s30;
	s2 =	smov.u32 s0;
	v1 =	vld.msk [tilespmem:s31+$0x0], $0x1  }
0xee: {  	p3 =	seq.s32 s30, $0x0;
	_ =	sdelay $0x3  }
0xef: {  	(v2sf) =	vpush v1, $0x0;
	_ =	sdelay $0xe  }
0xf0: {  	s0 =	spop (v2sf)  }
0xf1: {  	p2 =	seq.s32 s2, s0  }
0xf2: {  	p4 =	sgt.s32 @!p2 s2, $0x0;
	s3 =	sshll.u32 @!p2 s4, $0x9;
	s4 =	sadd.s32 @!p2 $0x1, s4  }
.Ltmp14:
0xf3: {  	p4 =	por !p4, p2;
	s3 =	sshra.s32 @!p2 s3, $0x2;
	(pc) =	sbr.rel @!p3 .LBB3_10-.Ltmp14, $4  }
0xf4: {  	s4 =	smov.u32 @p2 s6;
	s2 =	simm.s32 @p4 $0x0;
	s5 =	sadd.s32 @!p2 $0x7988, s3  }
0xf5: {  	s2 =	smin.u32 @!p2 s2, $0x70  }
0xf6: {  	s3 =	sand.u32 @!p2 $0x78, s2;
	s2 =	sand.u32 @!p2 $0x7, s2  }
0xf7: {  	s31 =	sadd.s32 $0x1, s31;
	s3 =	sadd.s32 @!p2 s1, s3  }
.LBB3_11:
0xf8: {  	[tilespmem:s5], [sflag:$0x2] =	stream.linear.gather @!p2 [hbm4b:s3+s2], $0x80, $0x38;
	[tilespmem:$0x1F6F8] =	vst v63  }
.Ltmp15:
0xf9: {  	s0 =	sshll.u32 s4, $0x7;
	(pc) =	sbr.rel .LBB3_12-.Ltmp15, $4  }
0xfa: {  	s30 =	simm.s32 $0x2;
	s0 =	sand.u32 $0x3FFFFF80, s0  }
0xfb: {  	_ =	swait.ge [sflag:s30], s0  }
0xfc: {  	s0 =	ssub.s32 $0x0, s0;
	[sflag:s30] =	ssyncset.done $0x0  }
0xfd: {  	s31 =	simm.s32 $0x0;
	[sflag:s30] =	ssyncadd.s32 s0  }
.LBB3_13:
0xfe: {  	v1 =	vld [tilespmem:s25+$0xFFFFFFC0];
	_ =	sdelay $0x3  }
0xff: {  	s0 =	sshra.s32 s0, $0x2  }
0x100: {  	[tilespmem:s0+$0x108] =	vst.add.f32.msk $0xffff, v1  }
0x101: {  	v1 =	vld [tilespmem:s25+$0xFFFFFFD0];
	_ =	sdelay $0x4  }
0x102: {  	[tilespmem:s0+$0x118] =	vst.add.f32.msk $0xffff, v1  }
0x103: {  	v1 =	vld [tilespmem:s25+$0xFFFFFFE0];
	_ =	sdelay $0x4  }
0x104: {  	[tilespmem:s0+$0x128] =	vst.add.f32.msk $0xffff, v1  }
0x105: {  	v1 =	vld [tilespmem:s25+$0xFFFFFFF0];
	_ =	sdelay $0x4  }
0x106: {  	[tilespmem:s0+$0x138] =	vst.add.f32.msk $0xffff, v1  }
0x107: {  	v1 =	vld [tilespmem:s25+$0x0];
	_ =	sdelay $0x4  }
0x108: {  	[tilespmem:s0+$0x148] =	vst.add.f32.msk $0xffff, v1  }
0x109: {  	v1 =	vld [tilespmem:s25+$0x10];
	_ =	sdelay $0x4  }
0x10a: {  	[tilespmem:s0+$0x158] =	vst.add.f32.msk $0xffff, v1  }
0x10b: {  	v1 =	vld [tilespmem:s25+$0x20];
	_ =	sdelay $0x4  }
0x10c: {  	[tilespmem:s0+$0x168] =	vst.add.f32.msk $0xffff, v1  }
0x10d: {  	v1 =	vld [tilespmem:s25+$0x30];
	_ =	sdelay $0x4  }
0x10e: {  	[tilespmem:s0+$0x178] =	vst.add.f32.msk $0xffff, v1  }
.LBB3_17:
0x10f: {  	s26 =	sadd.s32 $0x1, s26  }
0x110: {  	p2 =	seq.s32 s26, $0x0  }
.Ltmp16:
0x111: {  	_ = 	snop;
	(pc) =	sbr.rel @p2 .LBB3_18-.Ltmp16, $2  }
0x112: {  	_ =	sdelay $0x2  }
0x113: {  	s23 =	sadd.s32 $0x1, s23;
	s25 =	sadd.s32 $0x80, s25;
	s29 =	smov.u32 s30  }
.LBB3_12:
0x114: {  	v1 =	vld.msk [tilespmem:s23+$0x0], $0x1;
	_ =	sdelay $0x4  }
0x115: {  	(v2sf) =	vpush v1, $0x0;
	_ =	sdelay $0xe  }
0x116: {  	s30 =	spop (v2sf)  }
0x117: {  	p2 =	sne.s32 s29, s30  }
.Ltmp17:
0x118: {  	_ = 	snop;
	(pc) =	sbr.rel @!p2 .LBB3_13-.Ltmp17, $2  }
0x119: {  	_ =	sdelay $0x2  }
0x11a: {  	s0 =	sshll.u32 s22, $0x9  }
0x11b: {  	p2 =	seq.s32 s29, s24  }
.Ltmp18:
0x11c: {  	_ = 	snop;
	(pc) =	sbr.rel @!p2 .LBB3_15-.Ltmp18, $1  }
0x11d: {  	_ =	sdelay $0x3  }
0x11e: {  	s0 =	sshra.s32 s0, $0x2  }
.Ltmp19:
0x11f: {  	s0 =	sadd.s32 $0x108, s0;
	(pc) =	sbr.rel .LBB3_16-.Ltmp19, $4  }
0x120: {  	[spmem:s16] =	stream.linear.scatter [tilespmem:s0], [sflag:$0x1], $0x80, $0x38;
	[tilespmem:$0x1F6F8] =	vst v63  }
0x121: {  	_ =	swait.ge [sflag:s12], $0x80  }
0x122: {  	[sflag:s12] =	ssyncset.done $0x0  }
0x123: {  	[sflag:s12] =	ssyncadd.s32 $0xFFFFFF80  }
.LBB3_15:
0x124: {  	s2 =	sshll.u32 s28, $0x9  }
0x125: {  	s2 =	sshra.s32 s2, $0x2  }
0x126: {  	v1 =	vld [tilespmem:s2+$0x7988];
	_ =	sdelay $0x3  }
0x127: {  	s0 =	sshra.s32 s0, $0x2  }
0x128: {  	[tilespmem:s0+$0x108] =	vst.add.f32.msk $0xffff, v1  }
0x129: {  	v1 =	vld [tilespmem:s2+$0x7998];
	_ =	sdelay $0x4  }
0x12a: {  	[tilespmem:s0+$0x118] =	vst.add.f32.msk $0xffff, v1  }
0x12b: {  	v1 =	vld [tilespmem:s2+$0x79A8];
	_ =	sdelay $0x4  }
0x12c: {  	[tilespmem:s0+$0x128] =	vst.add.f32.msk $0xffff, v1  }
0x12d: {  	v1 =	vld [tilespmem:s2+$0x79B8];
	_ =	sdelay $0x4  }
0x12e: {  	[tilespmem:s0+$0x138] =	vst.add.f32.msk $0xffff, v1  }
0x12f: {  	v1 =	vld [tilespmem:s2+$0x79C8];
	_ =	sdelay $0x4  }
0x130: {  	[tilespmem:s0+$0x148] =	vst.add.f32.msk $0xffff, v1  }
0x131: {  	v1 =	vld [tilespmem:s2+$0x79D8];
	_ =	sdelay $0x4  }
0x132: {  	[tilespmem:s0+$0x158] =	vst.add.f32.msk $0xffff, v1  }
0x133: {  	v1 =	vld [tilespmem:s2+$0x79E8];
	_ =	sdelay $0x4  }
0x134: {  	[tilespmem:s0+$0x168] =	vst.add.f32.msk $0xffff, v1  }
0x135: {  	v1 =	vld [tilespmem:s2+$0x79F8];
	_ =	sdelay $0x2  }
0x136: {  	p2 =	sgt.u32 s29, $0x70  }
0x137: {  	s2 =	sand.u32 @!p2 $0x78, s29  }
0x138: {  	s3 =	sadd.s32 $0x108, s0;
	[tilespmem:s0+$0x178] =	vst.add.f32.msk $0xffff, v1;
	s0 =	sadd.s32 @!p2 s1, s2;
	s2 =	sand.u32 @!p2 $0x7, s29  }
0x139: {  	[hbm4b:s0+s2] =	stream.linear.scatter @!p2 [tilespmem:s3], [sflag:$0xC], $0x80, $0x38;
	[tilespmem:$0x1F6F8] =	vst v63  }
0x13a: {  	s0 =	simm.s32 $0x0  }
0x13b: {  	s0 =	simm.s32 @!p2 $0x200  }
0x13c: {  	s31 =	sadd.s32 s0, s31  }
.LBB3_16:
0x13d: {  	s0 =	sadd.s32 $0x1, s22  }
0x13e: {  	s2 =	smulhi.u32 $0x88888889, s0;
	_ =	sdelay $0x1  }
0x13f: {  	v1 =	vld [tilespmem:s25+$0xFFFFFFC0];
	s2 =	sshrl.u32 s2, $0x7  }
0x140: {  	s2 =	smul.u32 $0xF0, s2;
	_ =	sdelay $0x1  }
0x141: {  	s22 =	ssub.s32 s0, s2  }
0x142: {  	s0 =	sshll.u32 s22, $0x7  }
0x143: {  	[tilespmem:s0+$0x108] =	vst v1  }
0x144: {  	v1 =	vld [tilespmem:s25+$0xFFFFFFD0];
	_ =	sdelay $0x4  }
0x145: {  	[tilespmem:s0+$0x118] =	vst v1  }
0x146: {  	v1 =	vld [tilespmem:s25+$0xFFFFFFE0];
	_ =	sdelay $0x4  }
0x147: {  	[tilespmem:s0+$0x128] =	vst v1  }
0x148: {  	v1 =	vld [tilespmem:s25+$0xFFFFFFF0];
	_ =	sdelay $0x4  }
0x149: {  	[tilespmem:s0+$0x138] =	vst v1  }
0x14a: {  	v1 =	vld [tilespmem:s25+$0x0];
	_ =	sdelay $0x4  }
0x14b: {  	[tilespmem:s0+$0x148] =	vst v1  }
0x14c: {  	v1 =	vld [tilespmem:s25+$0x10];
	_ =	sdelay $0x4  }
0x14d: {  	[tilespmem:s0+$0x158] =	vst v1  }
0x14e: {  	v1 =	vld [tilespmem:s25+$0x20];
	_ =	sdelay $0x4  }
0x14f: {  	[tilespmem:s0+$0x168] =	vst v1  }
0x150: {  	v1 =	vld [tilespmem:s25+$0x30]  }
.Ltmp20:
0x151: {  	_ = 	snop;
	(pc) =	sbr.rel .LBB3_17-.Ltmp20, $2  }
0x152: {  	_ =	sdelay $0x2  }
0x153: {  	s28 =	sadd.s32 $0x1, s28;
	[tilespmem:s0+$0x178] =	vst v1  }
.LBB3_19:
.Ltmp21:
0x154: {  	(pc) =	sbr.rel .LBB3_20-.Ltmp21, $4  }
0x155: {  	_ = 	snop  }
0x156: {  	s0 =	simm.s32 $0x2  }
0x157: {  	_ =	swait.ge [sflag:s0], $0x0  }
0x158: {  	s30 =	smov.u32 s29;
	[sflag:s0] =	ssyncset.done $0x0;
	s0 =	simm.s32 $0x0  }
.LBB3_22:
0x159: {  	_ =	sfence.sel $0x180000  }
0x15a: {  	s0 =	simm.s32 $0x9;
	[bflag:$0x0] =	sbarrier.arrive $0xFFFF  }
0x15b: {  	s24 =	simm.s32 $0xA;
	[sflag:s0] =	ssyncpa.u1 $0x1  }
0x15c: {  	s25 =	simm.s32 $0xB;
	[sflag:s24] =	ssyncpa.u1 $0x1  }
0x15d: {  	s26 =	simm.s32 $0x2;
	[sflag:s25] =	ssyncpa.u1 $0x1  }
0x15e: {  	[sflag:s26] =	ssyncpa.u1 $0x1  }
0x15f: {  	v0 =	vld [tilespmem:$0xF208];
	_ =	sdelay $0x4  }
0x160: {  	(v2sf) =	vpush v0, $0x0  }
0x161: {  	(v2sf) =	vpush v0, $0x1;
	_ =	sdelay $0x1  }
0x162: {  	(v2sf) =	vpush v0, $0x2;
	_ =	sdelay $0xb  }
0x163: {  	s0 =	spop (v2sf)  }
0x164: {  	s2 =	spop (v2sf)  }
0x165: {  	s3 =	smov.u32 s0;
	p1 =	sne.s32 s0, s2  }
0x166: {  	s4 =	spop (v2sf);
	s3 =	simm.s32 @!p1 $0xFFFFFFFF  }
0x167: {  	v2 =	vimm.s32 $0x1;
	v3 =	vlaneseq.u32;
	p1 =	seq.s32 s4, $0xFFFFFFFF;
	v1 =	vmov s3  }
0x168: {  	s16 =	stileid.u32;
	v0 =	vperm.xlane v0, v2;
	p2 =	sne.s32 @!p1 s0, s2;
	v1 =	vperm.xlane v1, v3  }
0x169: {  	vm0 =	vcmask $0x3F04;
	s6 =	simm.s32 $0xF208;
	s0 =	simm.s32 @!p1 $0x1;
	p2 =	por !p2, p1  }
0x16a: {  	s3 =	sshll.u32 s16, $0x1;
	s2 =	sshll.u32 @!p1 s4, $0x9;
	s0 =	simm.s32 @p2 $0x0;
	v0 =	vsel vm0, v1, v0  }
0x16b: {  	s5 =	sor.u32 $0x1000, s3;
	s2 =	sshra.s32 @!p1 s2, $0x2;
	s0 =	sor.u32 @!p1 s0, s3;
	[tilespmem:$0xF208] =	vst v0  }
0x16c: {  	[spmem:s5] =	stream.linear.scatter [tilespmem:s6], [sflag:$0x1], $0x2, $0x38;
	[tilespmem:$0x1F6F8] =	vst v63  }
0x16d: {  	s2 =	sadd.s32 @!p1 $0x108, s2;
	s0 =	sshll.u32 @!p1 s0, $0x7  }
0x16e: {  	[spmem:s0] =	stream.linear.scatter @!p1 [tilespmem:s2], [sflag:$0x1], $0x80, $0x38;
	[tilespmem:$0x1F6F8] =	vst v63  }
0x16f: {  	s0 =	simm.s32 @!p1 $0x82  }
0x170: {  	s28 =	simm.s32 $0x1;
	s0 =	simm.s32 @p1 $0x2  }
0x171: {  	_ =	swait.ge [sflag:s28], s0  }
0x172: {  	s0 =	ssub.s32 $0x0, s0;
	[sflag:s28] =	ssyncset.done $0x0  }
0x173: {  	[sflag:s28] =	ssyncadd.s32 s0  }
.Ltmp22:
0x174: {  	_ =	sfence.stream.spmem;
	(pc) =	sbr.rel @p0 .LBB3_39-.Ltmp22, $4  }
0x175: {  	s29 =	simm.s32 $0x3;
	[bflag:$0x0] =	sbarrier.arrive $0xFFFF  }
0x176: {  	s30 =	simm.s32 $0x4;
	[sflag:s29] =	ssyncpa.u1 $0x1  }
0x177: {  	s31 =	simm.s32 $0x3C;
	[sflag:s30] =	ssyncpa.u1 $0x1  }
0x178: {  	s15 =	rddreg [dreg:$0x5];
	[sflag:s31] =	ssyncpa.u1 $0x1  }
0x179: {  	_ =	sfence.stream.spmem;
	s0 =	simm.s32 $0x5  }
0x17a: {  	s2 =	simm.s32 $0x1000;
	s3 =	simm.s32 $0xF218;
	[sflag:s0] =	ssyncpa.u1 $0x0  }
0x17b: {  	[tilespmem:s3], [sflag:$0x5] =	stream.linear.gather [spmem:s2], $0x20, $0x38;
	[tilespmem:$0x1F6F8] =	vst v63  }
0x17c: {  	s26 =	simm.s32 $0x0;
	s28 =	simm.s32 $0xF238  }
0x17d: {  	[tilespmem:s28], [sflag:$0x5] =	stream.linear.gather [spmem:s26], $0x1000, $0x38;
	[tilespmem:$0x1F6F8] =	vst v63  }
0x17e: {  	_ =	swait.ge [sflag:s0], $0x1020  }
0x17f: {  	[sflag:s0] =	ssyncset.done $0x0  }
0x180: {  	s29 =	simm.s32 $0x0;
	[sflag:s0] =	ssyncadd.s32 $0xFFFFEFE0  }
0x181: {  	v0 =	vld.msk [tilespmem:s29+$0xF218], $0x1;
	_ =	sdelay $0x1  }
0x182: {  	s30 =	simm.s32 $0x1  }
0x183: {  	v1 =	vld.msk [tilespmem:s30+$0xF218], $0x1;
	_ =	sdelay $0x1  }
0x184: {  	(v2sf) =	vpush v0, $0x0;
	_ =	sdelay $0x2  }
0x185: {  	(v2sf) =	vpush v1, $0x0;
	_ =	sdelay $0x2  }
0x186: {  	s31 =	simm.s32 $0x2  }
0x187: {  	v0 =	vld.msk [tilespmem:s31+$0xF218], $0x1;
	_ =	sdelay $0x2  }
0x188: {  	s4 =	simm.s32 $0xFFFFFFFF;
	s5 =	simm.s32 $0xFFFFFFFF;
	s0 =	simm.s32 $0xC  }
.LBB3_24:
0x189: {  	s2 =	smov.u32 s5;
	s3 =	smov.u32 s4  }
0x18a: {  	s4 =	sshra.s32 s0, $0x2;
	p1 =	sne.s32 s0, $0x7C;
	s0 =	sadd.s32 $0x4, s0;
	(v2sf) =	vpush v0, $0x0  }
0x18b: {  	v0 =	vld.msk [tilespmem:s4+$0xF218], $0x1  }
.Ltmp23:
0x18c: {  	(pc) =	sbr.rel @p1 .LBB3_24-.Ltmp23, $4  }
0x18d: {  	s5 =	spop (v2sf)  }
0x18e: {  	p2 =	sne.s32 s3, $0xFFFFFFFF;
	s4 =	smov.u32 s5  }
0x18f: {  	p3 =	seq.s32 s5, $0xFFFFFFFF;
	s4 =	smov.u32 @p2 s3  }
0x190: {  	s5 =	smov.u32 @p3 s2;
	s4 =	smov.u32 @p3 s3  }
0x191: {  	(v2sf) =	vpush v0, $0x0;
	_ =	sdelay $0x8  }
0x192: {  	s0 =	spop (v2sf)  }
0x193: {  	p1 =	sne.s32 s4, $0xFFFFFFFF;
	s2 =	smov.u32 s0  }
0x194: {  	s9 =	simm.s32 $0x6;
	p2 =	seq.s32 s0, $0xFFFFFFFF;
	s2 =	smov.u32 @p1 s4  }
0x195: {  	s6 =	simm.s32 $0x0;
	s2 =	smov.u32 @p2 s4;
	s3 =	spop (v2sf)  }
0x196: {  	s0 =	smov.u32 @p2 s5;
	p1 =	sne.s32 s2, $0xFFFFFFFF;
	s4 =	smov.u32 s3  }
.Ltmp24:
0x197: {  	p2 =	seq.s32 s3, $0xFFFFFFFF;
	s4 =	smov.u32 @p1 s2;
	(pc) =	sbr.rel .LBB3_26-.Ltmp24, $4  }
0x198: {  	s10 =	simm.s32 $0xF188;
	s4 =	smov.u32 @p2 s2;
	s7 =	spop (v2sf)  }
0x199: {  	s11 =	simm.s32 $0x0;
	p1 =	sne.s32 s4, $0xFFFFFFFF;
	s8 =	smov.u32 s7  }
0x19a: {  	s3 =	smov.u32 @p2 s0;
	p2 =	seq.s32 s7, $0xFFFFFFFF;
	s8 =	smov.u32 @p1 s4  }
0x19b: {  	[sflag:s9] =	ssyncpa.u1 $0x0;
	s7 =	smov.u32 @p2 s3;
	s8 =	smov.u32 @p2 s4  }
.LBB3_32:
0x19c: {  	p1 =	sgt.u32 s12, $0x70  }
0x19d: {  	p2 =	seq.s32 @!p1 s12, s8  }
0x19e: {  	p1 =	por p1, p2  }
0x19f: {  	p2 =	sne.s32 @!p1 s12, s7  }
0x1a0: {  	p1 =	por p1, !p2  }
0x1a1: {  	s0 =	sshll.u32 @p1 s11, $0x9  }
0x1a2: {  	s0 =	sand.u32 @!p1 $0x78, s12  }
0x1a3: {  	s2 =	sand.u32 @!p1 $0x7, s12;
	s0 =	sadd.s32 @!p1 s1, s0  }
0x1a4: {  	[tilespmem:s10], [sflag:$0x6] =	stream.linear.gather @!p1 [hbm4b:s0+s2], $0x80, $0x38;
	[tilespmem:$0x1F6F8] =	vst v63  }
0x1a5: {  	_ =	swait.ge @!p1 [sflag:s9], $0x80  }
0x1a6: {  	[sflag:s9] =	ssyncset.done @!p1 $0x0  }
0x1a7: {  	[sflag:s9] =	ssyncadd.s32 @!p1 $0xFFFFFF80  }
0x1a8: {  	v1 =	vld @!p1 [tilespmem:$0xF188];
	_ =	sdelay $0x2  }
0x1a9: {  	s0 =	sshll.u32 @!p1 s11, $0x9  }
0x1aa: {  	s2 =	sshrl.u32 @!p1 s0, $0x2  }
0x1ab: {  	[tilespmem:s2+$0xF238] =	vst.add.f32.msk @!p1 $0xffff, v1  }
0x1ac: {  	v1 =	vld @!p1 [tilespmem:$0xF198];
	_ =	sdelay $0x4  }
0x1ad: {  	[tilespmem:s2+$0xF248] =	vst.add.f32.msk @!p1 $0xffff, v1  }
0x1ae: {  	v1 =	vld @!p1 [tilespmem:$0xF1A8];
	_ =	sdelay $0x4  }
0x1af: {  	[tilespmem:s2+$0xF258] =	vst.add.f32.msk @!p1 $0xffff, v1  }
0x1b0: {  	v1 =	vld @!p1 [tilespmem:$0xF1B8];
	_ =	sdelay $0x4  }
0x1b1: {  	[tilespmem:s2+$0xF268] =	vst.add.f32.msk @!p1 $0xffff, v1  }
0x1b2: {  	v1 =	vld @!p1 [tilespmem:$0xF1C8];
	_ =	sdelay $0x4  }
0x1b3: {  	[tilespmem:s2+$0xF278] =	vst.add.f32.msk @!p1 $0xffff, v1  }
0x1b4: {  	v1 =	vld @!p1 [tilespmem:$0xF1D8];
	_ =	sdelay $0x4  }
0x1b5: {  	[tilespmem:s2+$0xF288] =	vst.add.f32.msk @!p1 $0xffff, v1  }
0x1b6: {  	v1 =	vld @!p1 [tilespmem:$0xF1E8];
	_ =	sdelay $0x4  }
0x1b7: {  	[tilespmem:s2+$0xF298] =	vst.add.f32.msk @!p1 $0xffff, v1  }
0x1b8: {  	v1 =	vld @!p1 [tilespmem:$0xF1F8];
	_ =	sdelay $0x4  }
0x1b9: {  	[tilespmem:s2+$0xF2A8] =	vst.add.f32.msk @!p1 $0xffff, v1  }
0x1ba: {  	s0 =	sshrl.u32 s0, $0x2;
	[tilespmem:s6+$0xF218] =	vst.msk $0x1, v0  }
0x1bb: {  	v0 =	vld [tilespmem:s0+$0xF238];
	_ =	sdelay $0x2  }
0x1bc: {  	s31 =	sshll.u32 s6, $0x9  }
0x1bd: {  	s2 =	sshra.s32 s31, $0x2  }
0x1be: {  	[tilespmem:s2+$0xF238] =	vst v0  }
0x1bf: {  	v0 =	vld [tilespmem:s0+$0xF248];
	_ =	sdelay $0x4  }
0x1c0: {  	[tilespmem:s2+$0xF248] =	vst v0  }
0x1c1: {  	v0 =	vld [tilespmem:s0+$0xF258];
	_ =	sdelay $0x4  }
0x1c2: {  	[tilespmem:s2+$0xF258] =	vst v0  }
0x1c3: {  	v0 =	vld [tilespmem:s0+$0xF268];
	_ =	sdelay $0x4  }
0x1c4: {  	[tilespmem:s2+$0xF268] =	vst v0  }
0x1c5: {  	v0 =	vld [tilespmem:s0+$0xF278];
	_ =	sdelay $0x4  }
0x1c6: {  	[tilespmem:s2+$0xF278] =	vst v0  }
0x1c7: {  	v0 =	vld [tilespmem:s0+$0xF288];
	_ =	sdelay $0x4  }
0x1c8: {  	[tilespmem:s2+$0xF288] =	vst v0  }
0x1c9: {  	v0 =	vld [tilespmem:s0+$0xF298];
	_ =	sdelay $0x4  }
0x1ca: {  	[tilespmem:s2+$0xF298] =	vst v0  }
0x1cb: {  	v0 =	vld [tilespmem:s0+$0xF2A8];
	_ =	sdelay $0x4  }
0x1cc: {  	s6 =	sadd.s32 $0x1, s6;
	[tilespmem:s2+$0xF2A8] =	vst v0  }
.LBB3_33:
0x1cd: {  	s11 =	sadd.s32 $0x1, s11  }
0x1ce: {  	p1 =	sne.s32 s11, $0x20  }
.Ltmp25:
0x1cf: {  	_ = 	snop;
	(pc) =	sbr.rel @!p1 .LBB3_34-.Ltmp25, $1  }
0x1d0: {  	_ =	sdelay $0x3  }
.LBB3_26:
0x1d1: {  	v0 =	vld.msk [tilespmem:s11+$0xF218], $0x1;
	_ =	sdelay $0x4  }
0x1d2: {  	(v2sf) =	vpush v0, $0x0;
	_ =	sdelay $0xe  }
0x1d3: {  	s12 =	spop (v2sf)  }
0x1d4: {  	p1 =	seq.s32 s12, $0xFFFFFFFF  }
.Ltmp26:
0x1d5: {  	_ = 	snop;
	(pc) =	sbr.rel @p1 .LBB3_33-.Ltmp26, $1  }
0x1d6: {  	_ =	sdelay $0x3  }
0x1d7: {  	p1 =	slt.s32 s6, $0x1  }
.Ltmp27:
0x1d8: {  	_ = 	snop;
	(pc) =	sbr.rel @p1 .LBB3_32-.Ltmp27, $1  }
0x1d9: {  	_ =	sdelay $0x3  }
0x1da: {  	s13 =	simm.s32 $0xF218;
	p1 =	por $0x0, $0x0  }
0x1db: {  	v1 =	vld.msk @!p1 [tilespmem:s13+$0x0], $0x1;
	_ =	sdelay $0x4  }
0x1dc: {  	(v2sf) =	vpush @!p1 v1, $0x0;
	_ =	sdelay $0xd  }
0x1dd: {  	p3 =	sne.s32 s6, $0x1  }
.Ltmp28:
0x1de: {  	s0 =	spop @!p1 (v2sf);
	(pc) =	sbr.rel @!p3 .LBB3_30-.Ltmp28, $4  }
0x1df: {  	p2 =	seq.s32 @!p1 s12, s0  }
0x1e0: {  	s14 =	simm.s32 $0x0;
	p2 =	por !p2, p1  }
0x1e1: {  	s2 =	simm.s32 $0xFFFFFFFF;
	s14 =	simm.s32 @p2 $0xFFFFFFFF  }
0x1e2: {  	s0 =	simm.s32 $0x1;
	s14 =	smov.u32 @p1 s2  }
.LBB3_29:
0x1e3: {  	s2 =	smov.u32 s14;
	p1 =	sne.s32 s14, $0xFFFFFFFF  }
0x1e4: {  	s13 =	sadd.s32 $0x1, s13;
	s14 =	smov.u32 s0;
	s0 =	sadd.s32 $0x1, s0  }
0x1e5: {  	p2 =	sne.s32 s6, s0;
	v1 =	vld.msk @!p1 [tilespmem:s13+$0x0], $0x1;
	_ =	sdelay $0x4  }
0x1e6: {  	(v2sf) =	vpush @!p1 v1, $0x0;
	_ =	sdelay $0xe  }
.Ltmp29:
0x1e7: {  	s3 =	spop @!p1 (v2sf);
	(pc) =	sbr.rel @p2 .LBB3_29-.Ltmp29, $4  }
0x1e8: {  	p3 =	seq.s32 @!p1 s12, s3  }
0x1e9: {  	p3 =	por !p3, p1  }
0x1ea: {  	s14 =	simm.s32 @p3 $0xFFFFFFFF  }
0x1eb: {  	s14 =	smov.u32 @p1 s2  }
.LBB3_30:
0x1ec: {  	p1 =	seq.s32 s14, $0xFFFFFFFF  }
.Ltmp30:
0x1ed: {  	_ = 	snop;
	(pc) =	sbr.rel @p1 .LBB3_32-.Ltmp30, $1  }
0x1ee: {  	_ =	sdelay $0x3  }
0x1ef: {  	s0 =	sshll.u32 s11, $0x7  }
0x1f0: {  	s0 =	sand.u32 $0x3FFFFF80, s0  }
0x1f1: {  	v0 =	vld [tilespmem:s0+$0xF238];
	_ =	sdelay $0x2  }
0x1f2: {  	s2 =	sshll.u32 s14, $0x9  }
0x1f3: {  	s2 =	sshra.s32 s2, $0x2  }
0x1f4: {  	[tilespmem:s2+$0xF238] =	vst.add.f32.msk $0xffff, v0  }
0x1f5: {  	v0 =	vld [tilespmem:s0+$0xF248];
	_ =	sdelay $0x4  }
0x1f6: {  	[tilespmem:s2+$0xF248] =	vst.add.f32.msk $0xffff, v0  }
0x1f7: {  	v0 =	vld [tilespmem:s0+$0xF258];
	_ =	sdelay $0x4  }
0x1f8: {  	[tilespmem:s2+$0xF258] =	vst.add.f32.msk $0xffff, v0  }
0x1f9: {  	v0 =	vld [tilespmem:s0+$0xF268];
	_ =	sdelay $0x4  }
0x1fa: {  	[tilespmem:s2+$0xF268] =	vst.add.f32.msk $0xffff, v0  }
0x1fb: {  	v0 =	vld [tilespmem:s0+$0xF278];
	_ =	sdelay $0x4  }
0x1fc: {  	[tilespmem:s2+$0xF278] =	vst.add.f32.msk $0xffff, v0  }
0x1fd: {  	v0 =	vld [tilespmem:s0+$0xF288];
	_ =	sdelay $0x4  }
0x1fe: {  	[tilespmem:s2+$0xF288] =	vst.add.f32.msk $0xffff, v0  }
0x1ff: {  	v0 =	vld [tilespmem:s0+$0xF298];
	_ =	sdelay $0x4  }
0x200: {  	[tilespmem:s2+$0xF298] =	vst.add.f32.msk $0xffff, v0  }
0x201: {  	v0 =	vld [tilespmem:s0+$0xF2A8]  }
.Ltmp31:
0x202: {  	_ = 	snop;
	(pc) =	sbr.rel .LBB3_33-.Ltmp31, $2  }
0x203: {  	_ =	sdelay $0x2  }
0x204: {  	[tilespmem:s2+$0xF2A8] =	vst.add.f32.msk $0xffff, v0  }
.LBB3_34:
0x205: {  	s0 =	simm.s32 $0x6;
	p1 =	seq.s32 s6, $0x0  }
0x206: {  	[sflag:s0] =	ssyncpa.u1 $0x1;
	v0 =	vimm.s32 @p1 $0xFFFFFFFF  }
0x207: {  	s9 =	sadd.s32 $0xFFFFFFFF, s6;
	[tilespmem:$0x10238] =	vst @p1 v0  }
0x208: {  	v0 =	vld.msk @!p1 [tilespmem:s9+$0xF218], $0x1;
	_ =	sdelay $0x1  }
0x209: {  	v1 =	vld.msk @!p1 [tilespmem:$0xF218], $0x1;
	_ =	sdelay $0x2  }
0x20a: {  	p2 =	seq.s32 @!p1 s9, $0x0;
	v0 =	vbroadcast @!p1 v0, $0x0  }
0x20b: {  	vm0 =	vmmov @!p1 $0x1;
	p2 =	por !p2, p1  }
0x20c: {  	v1 =	vnsel @!p1 vm0, $0xFFFFFFFF, v1;
	vm0 =	vcmask @!p1 $0x308;
	v0 =	vpsel !p2, $0xFFFFFFFF, v0  }
0x20d: {  	p2 =	sne.s32 @!p1 s8, s7;
	v0 =	vsel @!p1 vm0, v1, v0  }
0x20e: {  	s0 =	simm.s32 @!p1 $0xF238;
	s2 =	simm.s32 @!p1 $0x0;
	p3 =	por !p2, p1;
	[tilespmem:$0x10238] =	vst @!p1 v0  }
0x20f: {  	[spmem:s2] =	stream.linear.scatter @!p1 [tilespmem:s0], [sflag:$0x1], $0x80, $0x38;
	[tilespmem:$0x1F6F8] =	vst v63  }
0x210: {  	s0 =	sshll.u32 @!p3 s9, $0x9  }
0x211: {  	s0 =	sshra.s32 @!p3 s0, $0x2  }
0x212: {  	s2 =	simm.s32 @!p3 $0x80;
	s0 =	sadd.s32 @!p3 $0xF238, s0  }
0x213: {  	[spmem:s2] =	stream.linear.scatter @!p3 [tilespmem:s0], [sflag:$0x1], $0x80, $0x38;
	[tilespmem:$0x1F6F8] =	vst v63  }
0x214: {  	s0 =	simm.s32 @!p3 $0x1  }
0x215: {  	_ =	swait.ge @!p3 [sflag:s0], $0x100  }
0x216: {  	p1 =	por p2, p1;
	[sflag:s0] =	ssyncset.done @!p3 $0x0  }
0x217: {  	[sflag:s0] =	ssyncadd.s32 @!p3 $0xFFFFFF00;
	s0 =	simm.s32 @!p1 $0x1  }
0x218: {  	_ =	swait.ge @!p1 [sflag:s0], $0x80  }
0x219: {  	s29 =	simm.s32 $0x10238;
	[sflag:s0] =	ssyncset.done @!p1 $0x0  }
0x21a: {  	s30 =	simm.s32 $0x1000;
	s31 =	simm.s32 $0x1;
	[sflag:s0] =	ssyncadd.s32 @!p1 $0xFFFFFF80  }
0x21b: {  	[spmem:s30] =	stream.linear.scatter [tilespmem:s29], [sflag:$0x1], $0x10, $0x38;
	[tilespmem:$0x1F6F8] =	vst v63  }
0x21c: {  	_ =	swait.ge [sflag:s31], $0x10  }
0x21d: {  	[sflag:s31] =	ssyncset.done $0x0  }
0x21e: {  	p1 =	seq.s32 s15, $0x0;
	s8 =	rddreg [dreg:$0x2];
	[sflag:s31] =	ssyncadd.s32 $0xFFFFFFF0  }
0x21f: {  	s2 =	sshll.u32 @p1 s8, $0xE;
	s7 =	rddreg [dreg:$0x3]  }
0x220: {  	s0 =	sadd.s32 @p1 $0x15C3C, s2;
	s2 =	sshll.u32 @p1 s7, $0x11  }
0x221: {  	_ =	sfence.stream.spmem;
	s0 =	sor.u32 @p1 s2, s0  }
0x222: {  	[sflag:s0] =	ssyncadd.remote.s32 @p1 $0x1;
	s0 =	simm.s32 @p1 $0x4  }
0x223: {  	s3 =	simm.s32 @!p1 $0x3C;
	s2 =	sand.u32 $0xFFFFFFFE, s8;
	_ =	swait.ge @p1 [sflag:s0], $0x22  }
0x224: {  	s4 =	simm.s32 @!p1 $0x0;
	s2 =	sadd.s32 @!p1 $0x4, s2;
	[sflag:s0] =	ssyncset.done @p1 $0x0  }
0x225: {  	s5 =	simm.s32 @!p1 $0x100;
	[sflag:s0] =	ssyncadd.s32 @p1 $0xFFFFFFDE;
	s0 =	sshll.u32 @!p1 s2, $0x1A  }
0x226: {  	s2 =	sshll.u32 @!p1 s2, $0xD;
	s0 =	sor.u32 @!p1 s0, s7;
	_ =	swait.eq @!p1 [sflag:s3], $0x1  }
0x227: {  	s2 =	sor.u32 @!p1 $0x1C04, s2;
	s3 =	simm.s32 @!p1 $0x1C03;
	s0 =	sor.u32 @!p1 $0x80004000, s0  }
0x228: {  	[spmem:s5], [sflag:s2] =	dma.general @!p1 [spmem:s4], [sflag:s3], length:$0x20, [dreg:$0x0], stride_count:$0x0, ici_dest:s0, dma_misc:DstOpCode:WRITE  }
0x229: {  	p2 =	slt.s32 s9, $0x2;
	s4 =	simm.s32 @!p1 $0x200;
	s5 =	simm.s32 @!p1 $0x202  }
0x22a: {  	[spmem:s5], [sflag:s2] =	dma.general @!p1 [spmem:s4], [sflag:s3], length:$0x2, [dreg:$0x0], stride_count:$0x0, ici_dest:s0, dma_misc:DstOpCode:WRITE  }
.Ltmp32:
0x22b: {  	s0 =	simm.s32 @!p1 $0x3;
	(pc) =	sbr.rel @p2 .LBB3_38-.Ltmp32, $4  }
0x22c: {  	s2 =	sshll.u32 @!p1 s8, $0xE;
	_ =	swait.ge @!p1 [sflag:s0], $0x22  }
0x22d: {  	s3 =	sshll.u32 @!p1 s7, $0x11;
	s2 =	sadd.s32 @!p1 $0x11C3C, s2;
	[sflag:s0] =	ssyncset.done @!p1 $0x0  }
0x22e: {  	[sflag:s0] =	ssyncadd.s32 @!p1 $0xFFFFFFDE;
	s0 =	sor.u32 @!p1 s3, s2  }
0x22f: {  	[sflag:s0] =	ssyncadd.remote.s32 @!p1 $0xFFFFFFFF;
	s0 =	simm.s32 $0x0  }
0x230: {  	s0 =	simm.s32 $0xF219  }
0x231: {  	v0 =	vld.msk [tilespmem:s0+$0x0], $0x1;
	_ =	sdelay $0x4  }
0x232: {  	(v2sf) =	vpush v0, $0x0;
	_ =	sdelay $0xb  }
0x233: {  	s31 =	sadd.s32 $0xFFFFFFFE, s6  }
0x234: {  	s0 =	sadd.s32 $0xFFFFFFFF, s31  }
0x235: {  	p2 =	sne.s32 s0, $0x0  }
.Ltmp33:
0x236: {  	s2 =	spop (v2sf);
	(pc) =	sbr.rel @!p2 .LBB3_37-.Ltmp33, $4  }
0x237: {  	s4 =	simm.s32 $0xF2B8;
	s7 =	simm.s32 $0x0;
	p1 =	sgt.u32 s2, $0x70  }
0x238: {  	s5 =	simm.s32 $0x0;
	s6 =	simm.s32 $0xF21A;
	s3 =	sand.u32 @!p1 $0x78, s2  }
0x239: {  	s2 =	sand.u32 @!p1 $0x7, s2;
	s7 =	simm.s32 @!p1 $0x200;
	s3 =	sadd.s32 @!p1 s1, s3  }
0x23a: {  	[hbm4b:s3+s2] =	stream.linear.scatter @!p1 [tilespmem:s4], [sflag:$0x5], $0x80, $0x38;
	[tilespmem:$0x1F6F8] =	vst v63  }
.LBB3_36:
0x23b: {  	v0 =	vld.msk [tilespmem:s6+$0x0], $0x1;
	s0 =	sadd.s32 $0xFFFFFFFF, s0;
	s5 =	sadd.s32 s5, s7  }
0x23c: {  	p1 =	sne.s32 s0, $0x0;
	_ =	sdelay $0x3  }
0x23d: {  	(v2sf) =	vpush v0, $0x0;
	_ =	sdelay $0xe  }
.Ltmp34:
0x23e: {  	s2 =	spop (v2sf);
	(pc) =	sbr.rel @p1 .LBB3_36-.Ltmp34, $4  }
0x23f: {  	s7 =	simm.s32 $0x0;
	p2 =	sgt.u32 s2, $0x70  }
0x240: {  	s4 =	sadd.s32 $0x80, s4;
	s7 =	simm.s32 @!p2 $0x200;
	s3 =	sand.u32 @!p2 $0x78, s2  }
0x241: {  	s6 =	sadd.s32 $0x1, s6;
	s2 =	sand.u32 @!p2 $0x7, s2;
	s3 =	sadd.s32 @!p2 s1, s3  }
0x242: {  	[hbm4b:s3+s2] =	stream.linear.scatter @!p2 [tilespmem:s4], [sflag:$0x5], $0x80, $0x38;
	[tilespmem:$0x1F6F8] =	vst v63  }
.LBB3_37:
0x243: {  	s0 =	sadd.s32 s5, s7  }
0x244: {  	s0 =	sshrl.u32 s0, $0x2  }
.LBB3_38:
0x245: {  	s2 =	simm.s32 $0x5  }
0x246: {  	_ =	swait.ge [sflag:s2], s0  }
0x247: {  	s31 =	ssub.s32 $0x0, s0;
	[sflag:s2] =	ssyncset.done $0x0  }
0x248: {  	[sflag:s2] =	ssyncadd.s32 s31  }
0x249: {  	[sflag:s2] =	ssyncpa.u1 $0x1  }
.LBB3_39:
0x24a: {  	s0 =	sor.u32 s15, s16  }
0x24b: {  	p1 =	sne.s32 s0, $0x0  }
.Ltmp35:
0x24c: {  	_ = 	snop;
	(pc) =	sbr.rel @p1 .LBB3_54-.Ltmp35, $3  }
0x24d: {  	_ =	sdelay $0x1  }
0x24e: {  	[bflag:$0x0] =	sbarrier.arrive $0xFFFF  }
0x24f: {  	_ =	sfence  }
0x250: {  	s0 =	simm.s32 $0x7  }
0x251: {  	s2 =	simm.s32 $0x1000;
	s3 =	simm.s32 $0xF218;
	[sflag:s0] =	ssyncpa.u1 $0x0  }
0x252: {  	[tilespmem:s3], [sflag:$0x7] =	stream.linear.gather [spmem:s2], $0x20, $0x38;
	[tilespmem:$0x1F6F8] =	vst v63  }
0x253: {  	s30 =	simm.s32 $0xF238;
	s2 =	simm.s32 $0x0  }
0x254: {  	[tilespmem:s30], [sflag:$0x7] =	stream.linear.gather [spmem:s2], $0x1000, $0x38;
	[tilespmem:$0x1F6F8] =	vst v63  }
.Ltmp36:
0x255: {  	_ = 	snop;
	(pc) =	sbr.rel .LBB3_41-.Ltmp36, $4  }
0x256: {  	_ =	swait.ge [sflag:s0], $0x1020  }
0x257: {  	[sflag:s0] =	ssyncset.done $0x0  }
0x258: {  	s31 =	simm.s32 $0x8;
	[sflag:s0] =	ssyncadd.s32 $0xFFFFEFE0  }
0x259: {  	s3 =	simm.s32 $0x0;
	[sflag:s31] =	ssyncpa.u1 $0x0  }
.LBB3_47:
0x25a: {  	p1 =	slt.u32 s4, $0x71  }
0x25b: {  	s0 =	sand.u32 @p1 $0x78, s4  }
0x25c: {  	s4 =	sand.u32 @p1 $0x7, s4;
	s5 =	simm.s32 @p1 $0xF188;
	s0 =	sadd.s32 @p1 s1, s0  }
0x25d: {  	[tilespmem:s5], [sflag:$0x8] =	stream.linear.gather @p1 [hbm4b:s0+s4], $0x80, $0x38;
	[tilespmem:$0x1F6F8] =	vst v63  }
0x25e: {  	s0 =	simm.s32 @p1 $0x8  }
0x25f: {  	_ =	swait.ge @p1 [sflag:s0], $0x80  }
0x260: {  	[sflag:s0] =	ssyncset.done @p1 $0x0  }
0x261: {  	[sflag:s0] =	ssyncadd.s32 @p1 $0xFFFFFF80  }
0x262: {  	v1 =	vld @p1 [tilespmem:$0xF188];
	_ =	sdelay $0x2  }
0x263: {  	s0 =	sshll.u32 @p1 s3, $0x9  }
0x264: {  	s4 =	sshrl.u32 @p1 s0, $0x2  }
0x265: {  	[tilespmem:s4+$0xF238] =	vst.add.f32.msk @p1 $0xffff, v1  }
0x266: {  	v1 =	vld @p1 [tilespmem:$0xF198];
	_ =	sdelay $0x4  }
0x267: {  	[tilespmem:s4+$0xF248] =	vst.add.f32.msk @p1 $0xffff, v1  }
0x268: {  	v1 =	vld @p1 [tilespmem:$0xF1A8];
	_ =	sdelay $0x4  }
0x269: {  	[tilespmem:s4+$0xF258] =	vst.add.f32.msk @p1 $0xffff, v1  }
0x26a: {  	v1 =	vld @p1 [tilespmem:$0xF1B8];
	_ =	sdelay $0x4  }
0x26b: {  	[tilespmem:s4+$0xF268] =	vst.add.f32.msk @p1 $0xffff, v1  }
0x26c: {  	v1 =	vld @p1 [tilespmem:$0xF1C8];
	_ =	sdelay $0x4  }
0x26d: {  	[tilespmem:s4+$0xF278] =	vst.add.f32.msk @p1 $0xffff, v1  }
0x26e: {  	v1 =	vld @p1 [tilespmem:$0xF1D8];
	_ =	sdelay $0x4  }
0x26f: {  	[tilespmem:s4+$0xF288] =	vst.add.f32.msk @p1 $0xffff, v1  }
0x270: {  	v1 =	vld @p1 [tilespmem:$0xF1E8];
	_ =	sdelay $0x4  }
0x271: {  	[tilespmem:s4+$0xF298] =	vst.add.f32.msk @p1 $0xffff, v1  }
0x272: {  	v1 =	vld @p1 [tilespmem:$0xF1F8];
	_ =	sdelay $0x3  }
0x273: {  	s5 =	sshll.u32 @!p1 s3, $0x9  }
0x274: {  	s5 =	smov.u32 @p1 s0;
	[tilespmem:s4+$0xF2A8] =	vst.add.f32.msk @p1 $0xffff, v1  }
0x275: {  	s0 =	sshrl.u32 s5, $0x2;
	[tilespmem:s2+$0xF218] =	vst.msk $0x1, v0  }
0x276: {  	v0 =	vld [tilespmem:s0+$0xF238];
	_ =	sdelay $0x2  }
0x277: {  	s31 =	sshll.u32 s2, $0x9  }
0x278: {  	s4 =	sshra.s32 s31, $0x2  }
0x279: {  	[tilespmem:s4+$0xF238] =	vst v0  }
0x27a: {  	v0 =	vld [tilespmem:s0+$0xF248];
	_ =	sdelay $0x4  }
0x27b: {  	[tilespmem:s4+$0xF248] =	vst v0  }
0x27c: {  	v0 =	vld [tilespmem:s0+$0xF258];
	_ =	sdelay $0x4  }
0x27d: {  	[tilespmem:s4+$0xF258] =	vst v0  }
0x27e: {  	v0 =	vld [tilespmem:s0+$0xF268];
	_ =	sdelay $0x4  }
0x27f: {  	[tilespmem:s4+$0xF268] =	vst v0  }
0x280: {  	v0 =	vld [tilespmem:s0+$0xF278];
	_ =	sdelay $0x4  }
0x281: {  	[tilespmem:s4+$0xF278] =	vst v0  }
0x282: {  	v0 =	vld [tilespmem:s0+$0xF288];
	_ =	sdelay $0x4  }
0x283: {  	[tilespmem:s4+$0xF288] =	vst v0  }
0x284: {  	v0 =	vld [tilespmem:s0+$0xF298];
	_ =	sdelay $0x4  }
0x285: {  	[tilespmem:s4+$0xF298] =	vst v0  }
0x286: {  	v0 =	vld [tilespmem:s0+$0xF2A8];
	_ =	sdelay $0x4  }
0x287: {  	s2 =	sadd.s32 $0x1, s2;
	[tilespmem:s4+$0xF2A8] =	vst v0  }
.LBB3_48:
0x288: {  	s3 =	sadd.s32 $0x1, s3  }
0x289: {  	p1 =	sne.s32 s3, $0x20  }
.Ltmp37:
0x28a: {  	_ = 	snop;
	(pc) =	sbr.rel @!p1 .LBB3_49-.Ltmp37, $1  }
0x28b: {  	_ =	sdelay $0x3  }
.LBB3_41:
0x28c: {  	v0 =	vld.msk [tilespmem:s3+$0xF218], $0x1;
	_ =	sdelay $0x4  }
0x28d: {  	(v2sf) =	vpush v0, $0x0;
	_ =	sdelay $0xe  }
0x28e: {  	s4 =	spop (v2sf)  }
0x28f: {  	p1 =	seq.s32 s4, $0xFFFFFFFF  }
.Ltmp38:
0x290: {  	_ = 	snop;
	(pc) =	sbr.rel @p1 .LBB3_48-.Ltmp38, $1  }
0x291: {  	_ =	sdelay $0x3  }
0x292: {  	p1 =	slt.s32 s2, $0x1  }
.Ltmp39:
0x293: {  	_ = 	snop;
	(pc) =	sbr.rel @p1 .LBB3_47-.Ltmp39, $1  }
0x294: {  	_ =	sdelay $0x3  }
0x295: {  	s5 =	simm.s32 $0xF218;
	p1 =	por $0x0, $0x0  }
0x296: {  	v1 =	vld.msk @!p1 [tilespmem:s5+$0x0], $0x1;
	_ =	sdelay $0x4  }
0x297: {  	(v2sf) =	vpush @!p1 v1, $0x0;
	_ =	sdelay $0xd  }
0x298: {  	p3 =	sne.s32 s2, $0x1  }
.Ltmp40:
0x299: {  	s0 =	spop @!p1 (v2sf);
	(pc) =	sbr.rel @!p3 .LBB3_45-.Ltmp40, $4  }
0x29a: {  	p2 =	seq.s32 @!p1 s4, s0  }
0x29b: {  	s6 =	simm.s32 $0x0;
	p2 =	por !p2, p1  }
0x29c: {  	s7 =	simm.s32 $0xFFFFFFFF;
	s6 =	simm.s32 @p2 $0xFFFFFFFF  }
0x29d: {  	s0 =	simm.s32 $0x1;
	s6 =	smov.u32 @p1 s7  }
.LBB3_44:
0x29e: {  	s7 =	smov.u32 s6;
	p1 =	sne.s32 s6, $0xFFFFFFFF  }
0x29f: {  	s5 =	sadd.s32 $0x1, s5;
	s6 =	smov.u32 s0;
	s0 =	sadd.s32 $0x1, s0  }
0x2a0: {  	p2 =	sne.s32 s2, s0;
	v1 =	vld.msk @!p1 [tilespmem:s5+$0x0], $0x1;
	_ =	sdelay $0x4  }
0x2a1: {  	(v2sf) =	vpush @!p1 v1, $0x0;
	_ =	sdelay $0xe  }
.Ltmp41:
0x2a2: {  	s8 =	spop @!p1 (v2sf);
	(pc) =	sbr.rel @p2 .LBB3_44-.Ltmp41, $4  }
0x2a3: {  	p3 =	seq.s32 @!p1 s4, s8  }
0x2a4: {  	p3 =	por !p3, p1  }
0x2a5: {  	s6 =	simm.s32 @p3 $0xFFFFFFFF  }
0x2a6: {  	s6 =	smov.u32 @p1 s7  }
.LBB3_45:
0x2a7: {  	p1 =	seq.s32 s6, $0xFFFFFFFF  }
.Ltmp42:
0x2a8: {  	_ = 	snop;
	(pc) =	sbr.rel @p1 .LBB3_47-.Ltmp42, $1  }
0x2a9: {  	_ =	sdelay $0x3  }
0x2aa: {  	s0 =	sshll.u32 s3, $0x7  }
0x2ab: {  	s0 =	sand.u32 $0x3FFFFF80, s0  }
0x2ac: {  	v0 =	vld [tilespmem:s0+$0xF238];
	_ =	sdelay $0x2  }
0x2ad: {  	s4 =	sshll.u32 s6, $0x9  }
0x2ae: {  	s4 =	sshra.s32 s4, $0x2  }
0x2af: {  	[tilespmem:s4+$0xF238] =	vst.add.f32.msk $0xffff, v0  }
0x2b0: {  	v0 =	vld [tilespmem:s0+$0xF248];
	_ =	sdelay $0x4  }
0x2b1: {  	[tilespmem:s4+$0xF248] =	vst.add.f32.msk $0xffff, v0  }
0x2b2: {  	v0 =	vld [tilespmem:s0+$0xF258];
	_ =	sdelay $0x4  }
0x2b3: {  	[tilespmem:s4+$0xF258] =	vst.add.f32.msk $0xffff, v0  }
0x2b4: {  	v0 =	vld [tilespmem:s0+$0xF268];
	_ =	sdelay $0x4  }
0x2b5: {  	[tilespmem:s4+$0xF268] =	vst.add.f32.msk $0xffff, v0  }
0x2b6: {  	v0 =	vld [tilespmem:s0+$0xF278];
	_ =	sdelay $0x4  }
0x2b7: {  	[tilespmem:s4+$0xF278] =	vst.add.f32.msk $0xffff, v0  }
0x2b8: {  	v0 =	vld [tilespmem:s0+$0xF288];
	_ =	sdelay $0x4  }
0x2b9: {  	[tilespmem:s4+$0xF288] =	vst.add.f32.msk $0xffff, v0  }
0x2ba: {  	v0 =	vld [tilespmem:s0+$0xF298];
	_ =	sdelay $0x4  }
0x2bb: {  	[tilespmem:s4+$0xF298] =	vst.add.f32.msk $0xffff, v0  }
0x2bc: {  	v0 =	vld [tilespmem:s0+$0xF2A8]  }
.Ltmp43:
0x2bd: {  	_ = 	snop;
	(pc) =	sbr.rel .LBB3_48-.Ltmp43, $2  }
0x2be: {  	_ =	sdelay $0x2  }
0x2bf: {  	[tilespmem:s4+$0xF2A8] =	vst.add.f32.msk $0xffff, v0  }
.LBB3_49:
0x2c0: {  	p1 =	slt.s32 s2, $0x1  }
.Ltmp44:
0x2c1: {  	_ = 	snop;
	(pc) =	sbr.rel @p1 .LBB3_53-.Ltmp44, $3  }
0x2c2: {  	_ =	sdelay $0x1  }
0x2c3: {  	s0 =	simm.s32 $0x8  }
0x2c4: {  	s3 =	simm.s32 $0x0;
	[sflag:s0] =	ssyncpa.u1 $0x1  }
0x2c5: {  	s0 =	simm.s32 $0xF218  }
0x2c6: {  	v0 =	vld.msk [tilespmem:s0+$0x0], $0x1;
	_ =	sdelay $0x4  }
0x2c7: {  	(v2sf) =	vpush v0, $0x0;
	_ =	sdelay $0xe  }
0x2c8: {  	s0 =	sadd.s32 $0xFFFFFFFF, s2;
	s5 =	spop (v2sf)  }
0x2c9: {  	p2 =	sne.s32 s0, $0x0;
	p1 =	sgt.u32 s5, $0x70  }
.Ltmp45:
0x2ca: {  	s6 =	sand.u32 @!p1 $0x78, s5;
	(pc) =	sbr.rel @!p2 .LBB3_52-.Ltmp45, $4  }
0x2cb: {  	s4 =	simm.s32 $0xF238;
	s5 =	sand.u32 @!p1 $0x7, s5;
	s2 =	sadd.s32 @!p1 s1, s6  }
0x2cc: {  	[hbm4b:s2+s5] =	stream.linear.scatter @!p1 [tilespmem:s4], [sflag:$0x7], $0x80, $0x38;
	[tilespmem:$0x1F6F8] =	vst v63  }
0x2cd: {  	s5 =	simm.s32 $0x0  }
0x2ce: {  	s2 =	simm.s32 $0xF219;
	s5 =	simm.s32 @!p1 $0x200  }
.LBB3_51:
0x2cf: {  	v0 =	vld.msk [tilespmem:s2+$0x0], $0x1;
	s0 =	sadd.s32 $0xFFFFFFFF, s0;
	s3 =	sadd.s32 s3, s5  }
0x2d0: {  	p1 =	sne.s32 s0, $0x0;
	_ =	sdelay $0x3  }
0x2d1: {  	(v2sf) =	vpush v0, $0x0;
	_ =	sdelay $0xe  }
.Ltmp46:
0x2d2: {  	s6 =	spop (v2sf);
	(pc) =	sbr.rel @p1 .LBB3_51-.Ltmp46, $4  }
0x2d3: {  	s5 =	simm.s32 $0x0;
	p2 =	sgt.u32 s6, $0x70  }
0x2d4: {  	s4 =	sadd.s32 $0x80, s4;
	s5 =	simm.s32 @!p2 $0x200;
	s7 =	sand.u32 @!p2 $0x78, s6  }
0x2d5: {  	s2 =	sadd.s32 $0x1, s2;
	s6 =	sand.u32 @!p2 $0x7, s6;
	s7 =	sadd.s32 @!p2 s1, s7  }
0x2d6: {  	[hbm4b:s7+s6] =	stream.linear.scatter @!p2 [tilespmem:s4], [sflag:$0x7], $0x80, $0x38;
	[tilespmem:$0x1F6F8] =	vst v63  }
.LBB3_52:
0x2d7: {  	s0 =	sadd.s32 s3, s5  }
0x2d8: {  	s3 =	sshrl.u32 s0, $0x2  }
.LBB3_53:
0x2d9: {  	s0 =	simm.s32 $0x7  }
0x2da: {  	_ =	swait.ge [sflag:s0], s3  }
0x2db: {  	s1 =	ssub.s32 $0x0, s3;
	[sflag:s0] =	ssyncset.done $0x0  }
0x2dc: {  	[sflag:s0] =	ssyncadd.s32 s1  }
0x2dd: {  	[sflag:s0] =	ssyncpa.u1 $0x1  }
.LBB3_54:
0x2de: {  	_ =	sfence;
	s0 =	simm.s32 $0x1  }
0x2df: {  	[sflag:s0] =	ssyncpa.u1 $0x1  }
0x2e0: {  	_ =	strace $0x90000050  }
0x2e1: {  	[bflag:$0x2] =	sbarrier.arrive $0xFFFF  }
0x2e2: {  	s0 =	rddreg [dreg:$0x4]  }
0x2e3: {  	s0 =	sadd.s32 @!p0 $0x100000, s0  }
0x2e4: {  	[sflag:s0] =	ssyncadd.tile.s32 @!p0 $0x1;
	_ =	shalt  }
.Lfunc_end3:
_tile_overlayer_lowered:
.L_overlay_start_3:
0x2e5: {  	(tag) =	ssettag $0x3  }
0x2e6: {  	s0 =	rddreg [dreg:$0x0];
	s2 =	stileid.u32  }
0x2e7: {  	s1 =	rddreg [dreg:$0x1];
	p0 =	sne.s32 s2, $0x0  }
0x2e8: {  	s3 =	rddreg [dreg:$0x2];
	[bflag:$0x3] =	sbarrier.arrive $0xFFFF;
	s2 =	simm.s32 @!p0 $0x1C01  }
0x2e9: {  	[timem:s3], [sflag:s2] =	dma.local @!p0 [hbm:s0], s1  }
0x2ea: {  	s0 =	simm.s32 @!p0 $0x1  }
0x2eb: {  	_ =	swait.ge @!p0 [sflag:s0], s1  }
0x2ec: {  	s1 =	ssub.s32 @!p0 $0x0, s1;
	[sflag:s0] =	ssyncset.done @!p0 $0x0  }
0x2ed: {  	[sflag:s0] =	ssyncadd.s32 @!p0 s1  }
0x2ee: {  	[bflag:$0x3] =	sbarrier.arrive $0xFFFF  }
0x2ef: {  	_ =	shalt  }

// kernel: scatter_offload_async_start.2
scs
__scs_entry_jumppad:
0x0: {  	(pc) =	sbr.rel $0x88, $3  }
0x1: {  	(tag) =	ssettag $0x0;
	lr =	simm.s32 $0x1  }
0x2: {  	[smem:$0x3F92] =	sst lr;
	_ =	strace $0xD0000000  }
0x3: {  	_ = 	snop  }
0x4: {  	_ = 	snop  }
0x5: {  	_ = 	snop  }
0x6: {  	_ = 	snop  }
0x7: {  	_ = 	snop  }
__scs_overlays_trampoline_lowered:
0x8: {  	[smem:$0x3FA1] =	sst s0  }
0x9: {  	[smem:$0x3FA2] =	sst s1  }
0xa: {  	[smem:$0x3FA3] =	sst s2  }
0xb: {  	[smem:$0x3FA4] =	sst s3  }
0xc: {  	[smem:$0x3FA5] =	sst s4  }
0xd: {  	[smem:$0x3FA6] =	sst s5  }
0xe: {  	[smem:$0x3FA7] =	sst s6  }
0xf: {  	[smem:$0x3FA8] =	sst s7  }
0x10: {  	[smem:$0x3FA9] =	sst s8  }
0x11: {  	[smem:$0x3FAA] =	sst s9;
	s0 =	simm.s32 @!p0 $0x0  }
0x12: {  	s1 =	sld [smem:$0x3F90];
	s0 =	simm.s32 @p0 $0x1  }
0x13: {  	[smem:$0x3FAB] =	sst s0;
	s0 =	simm.s32 @!p1 $0x0  }
0x14: {  	s2 =	sld [smem:$0x3F8F];
	s0 =	simm.s32 @p1 $0x1  }
0x15: {  	[smem:$0x3FAC] =	sst s0;
	s0 =	simm.s32 @!p2 $0x0  }
0x16: {  	s3 =	sld [smem:$0x3FDB];
	s0 =	simm.s32 @p2 $0x1  }
0x17: {  	s4 =	simm.s32 $0x1BF5;
	[smem:$0x3FAE] =	sst s0  }
0x18: {  	s0 =	sld [smem:$0x3F91];
	_ =	swait.ge [sflag:s4], $0x0  }
0x19: {  	s7 =	sld [smem:$0x3F92]  }
0x1a: {  	s8 =	sadd.s32 $0xFFFFE003, lr  }
0x1b: {  	s9 =	sadd.s32 $0xFFFFFEF7, lr;
	s5 =	simm.s32 $0xFFFFFFFF;
	p2 =	slt.u32 s8, $0xFFFFF086  }
0x1c: {  	p1 =	slt.u32 s9, $0xF7A;
	s5 =	simm.s32 @!p2 $0x0  }
0x1d: {  	s5 =	simm.s32 @p1 $0x1;
	p0 =	seq.s32 s7, s2  }
0x1e: {  	s7 =	smul.u32 @!p0 $0xF7A, s2;
	p2 =	seq.s32 @!p0 s5, $0x0  }
0x1f: {  	s9 =	smul.u32 $0xF7A, s1;
	s8 =	simm.s32 @!p0 $0x1BF5;
	p2 =	por !p2, p0  }
0x20: {  	[sflag:s8] =	ssyncset.s32 @!p0 $0xFFFFF086;
	s6 =	sadd.s32 @!p0 s3, s7;
	s7 =	simm.s32 @!p0 $0x108  }
0x21: {  	s3 =	sadd.s32 s3, s9;
	s6 =	sadd.s32 @!p0 $0x88, s6;
	s7 =	simm.s32 @p2 $0x1082  }
0x22: {  	[simem:s7], [sflag:s8] =	dma.local @!p0 [hbm:s6], $0xF7A  }
0x23: {  	s9 =	sor.u32 $0xD0000000, s2;
	s6 =	simm.s32 $0x108;
	_ =	swait.ge @!p0 [sflag:s8], $0x0  }
0x24: {  	s3 =	sadd.s32 $0x88, s3;
	s6 =	simm.s32 @!p1 $0x1082;
	[sflag:s4] =	ssyncset.s32 $0xFFFFF086  }
0x25: {  	[simem:s6], [sflag:s4] =	dma.local [hbm:s3], $0xF7A  }
0x26: {  	[smem:$0x3F92] =	sst s1;
	(tag) =	ssettag s2;
	_ =	strace s9  }
0x27: {  	s1 =	sld [smem:$0x3FA2]  }
0x28: {  	s2 =	sld [smem:$0x3FA3]  }
0x29: {  	s4 =	sld [smem:$0x3FA5]  }
0x2a: {  	p0 =	seq.s32 s5, $0x0;
	s5 =	sld [smem:$0x3FA6]  }
0x2b: {  	s6 =	sld [smem:$0x3FA7]  }
0x2c: {  	s7 =	sld [smem:$0x3FA8]  }
0x2d: {  	s3 =	simm.s32 $0x108;
	s8 =	sld [smem:$0x3FA9]  }
0x2e: {  	s3 =	simm.s32 @!p0 $0x1082;
	s9 =	sld [smem:$0x3FAA]  }
0x2f: {  	lr =	sadd.s32 s0, s3;
	s0 =	sld [smem:$0x3FA1]  }
0x30: {  	s3 =	sld [smem:$0x3FA4]  }
0x31: {  	[smem:$0x3FAD] =	sst s10  }
0x32: {  	s10 =	sld [smem:$0x3FAB];
	_ =	sdelay $0x3  }
0x33: {  	p0 =	seq.s32 s10, $0x1;
	s10 =	sld [smem:$0x3FAD];
	_ =	sdelay $0x3  }
0x34: {  	[smem:$0x3FAD] =	sst s10  }
0x35: {  	s10 =	sld [smem:$0x3FAC];
	_ =	sdelay $0x3  }
0x36: {  	p1 =	seq.s32 s10, $0x1;
	s10 =	sld [smem:$0x3FAD];
	_ =	sdelay $0x3  }
0x37: {  	[smem:$0x3FAD] =	sst s10  }
0x38: {  	s10 =	sld [smem:$0x3FAE]  }
0x39: {  	_ = 	snop;
	(pc) =	sbr.ind lr, $3  }
0x3a: {  	_ = 	snop  }
0x3b: {  	_ = 	snop  }
0x3c: {  	p2 =	seq.s32 s10, $0x1;
	s10 =	sld [smem:$0x3FAD]  }
0x3d: {  	_ =	shalt  }
0x3e: {  	_ =	shalt  }
0x3f: {  	_ =	shalt  }
0x40: {  	_ =	shalt  }
0x41: {  	_ =	shalt  }
0x42: {  	_ =	shalt  }
0x43: {  	_ =	shalt  }
0x44: {  	_ =	shalt  }
0x45: {  	_ =	shalt  }
0x46: {  	_ =	shalt  }
0x47: {  	_ =	shalt  }
0x48: {  	_ =	shalt  }
0x49: {  	_ =	shalt  }
0x4a: {  	_ =	shalt  }
0x4b: {  	_ =	shalt  }
0x4c: {  	_ =	shalt  }
0x4d: {  	_ =	shalt  }
0x4e: {  	_ =	shalt  }
0x4f: {  	_ =	shalt  }
0x50: {  	_ =	shalt  }
0x51: {  	_ =	shalt  }
0x52: {  	_ =	shalt  }
0x53: {  	_ =	shalt  }
0x54: {  	_ =	shalt  }
0x55: {  	_ =	shalt  }
0x56: {  	_ =	shalt  }
0x57: {  	_ =	shalt  }
0x58: {  	_ =	shalt  }
0x59: {  	_ =	shalt  }
0x5a: {  	_ =	shalt  }
0x5b: {  	_ =	shalt  }
0x5c: {  	_ =	shalt  }
0x5d: {  	_ =	shalt  }
0x5e: {  	_ =	shalt  }
0x5f: {  	_ =	shalt  }
0x60: {  	_ =	shalt  }
0x61: {  	_ =	shalt  }
0x62: {  	_ =	shalt  }
0x63: {  	_ =	shalt  }
0x64: {  	_ =	shalt  }
0x65: {  	_ =	shalt  }
0x66: {  	_ =	shalt  }
0x67: {  	_ =	shalt  }
0x68: {  	_ =	shalt  }
0x69: {  	_ =	shalt  }
0x6a: {  	_ =	shalt  }
0x6b: {  	_ =	shalt  }
0x6c: {  	_ =	shalt  }
0x6d: {  	_ =	shalt  }
0x6e: {  	_ =	shalt  }
0x6f: {  	_ =	shalt  }
0x70: {  	_ =	shalt  }
0x71: {  	_ =	shalt  }
0x72: {  	_ =	shalt  }
0x73: {  	_ =	shalt  }
0x74: {  	_ =	shalt  }
0x75: {  	_ =	shalt  }
0x76: {  	_ =	shalt  }
0x77: {  	_ =	shalt  }
0x78: {  	_ =	shalt  }
0x79: {  	_ =	shalt  }
0x7a: {  	_ =	shalt  }
0x7b: {  	_ =	shalt  }
0x7c: {  	_ =	shalt  }
0x7d: {  	_ =	shalt  }
0x7e: {  	_ =	shalt  }
0x7f: {  	_ =	shalt  }
0x80: {  	_ =	shalt  }
0x81: {  	_ =	shalt  }
0x82: {  	_ =	shalt  }
0x83: {  	_ =	shalt  }
0x84: {  	_ =	shalt  }
0x85: {  	_ =	shalt  }
0x86: {  	_ =	shalt  }
0x87: {  	_ =	shalt  }
.Lfunc_end0:
.L_simem_size_0:
called_computation.2_lowered:
.L_overlay_start_0:
0x88: {  	s2 =	sld [smem:$0x3FD9]  }
0x89: {  	s3 =	sld [smem:$0x3FFE];
	_ =	sdelay $0x1  }
0x8a: {  	s1 =	srdreg.scid  }
0x8b: {  	s0 =	sand.u32 $0x1, s1  }
0x8c: {  	s15 =	sshll.u32 s0, $0xA;
	s2 =	sadd.s32 s3, s2  }
0x8d: {  	s2 =	sadd.s32 s2, s15  }
0x8e: {  	[smem:$0x3FB9] =	sst s2  }
0x8f: {  	_ = 	snop  }
0x90: {  	s16 =	sld [smem:$0x3FC8]  }
0x91: {  	s4 =	sld [smem:$0x3FD0];
	(tm) =	ssettm $0x1  }
0x92: {  	s17 =	sld [smem:$0x3FFB];
	_ =	sdelay $0x3  }
0x93: {  	_ =	strace s17  }
0x94: {  	s2 =	sld [smem:$0x3FFC];
	_ =	sdelay $0x3  }
0x95: {  	_ =	strace s2  }
0x96: {  	s2 =	sld [smem:$0x3FFD];
	_ =	sdelay $0x3  }
0x97: {  	_ =	strace s2  }
0x98: {  	_ =	strace $0x8FFFFFFF  }
0x99: {  	s18 =	sld [smem:$0x3FDB];
	_ =	sdelay $0x1  }
0x9a: {  	s5 =	simm.s32 $_scs_section_size  }
0x9b: {  	s6 =	simm.s32 $_size__tile_overlayer_lowered;
	s7 =	simm.s32 $_tile_overlayer_lowered  }
0x9c: {  	s8 =	simm.s32 $0x1BFF;
	s19 =	sshll.u32 s7, $0x1;
	s5 =	sadd.s32 s5, s18  }
0x9d: {  	s20 =	simm.s32 $0x0;
	s6 =	sshll.u32 s6, $0x1;
	s7 =	sadd.s32 s19, s5  }
0x9e: {  	[timem:s20], [sflag:s8] =	dma.local [hbm:s7], s6  }
0x9f: {  	_ =	swait.ge [sflag:s8], s6  }
0xa0: {  	s6 =	ssub.s32 $0x0, s6;
	[sflag:s8] =	ssyncset.done $0x0  }
0xa1: {  	[sflag:s8] =	ssyncadd.s32 s6;
	_ =	sdelay $0x1  }
0xa2: {  	s21 =	simm.s32 $0x1B8B  }
0xa3: {  	_ =	swait.ge [sflag:s21], $0x1  }
0xa4: {  	[sflag:s21] =	ssyncset.done $0x0  }
0xa5: {  	s22 =	sld [smem:$0x3FFE];
	[sflag:s21] =	ssyncadd.s32 $0xFFFFFFFF  }
0xa6: {  	s24 =	simm.s32 $0x1B8E;
	s23 =	sld [smem:$0x0]  }
0xa7: {  	s25 =	simm.s32 $execute0_lowered;
	[smem:$0x3FD2] =	sst s24  }
0xa8: {  	s8 =	sshll.u32 s25, $0x1;
	_ =	strace $0x80000052;
	[dreg:$0x1] =	wrdreg $0xFFFFFFFF  }
0xa9: {  	s9 =	simm.s32 $_size_execute0_lowered;
	s8 =	sadd.s32 s5, s8;
	[dreg:$0x0] =	wrdreg $0x0  }
0xaa: {  	s9 =	sshll.u32 s9, $0x1;
	[dreg:$0x2] =	wrdreg s8  }
0xab: {  	[dreg:$0x3] =	wrdreg s9  }
0xac: {  	[dreg:$0x4] =	wrdreg $0xC0  }
0xad: {  	s26 =	simm.s32 $execute1_lowered;
	_ =	task [dreg:s20], $0x5FFFF  }
0xae: {  	s8 =	sshll.u32 s26, $0x1;
	[dreg:$0x1] =	wrdreg $0xFFFFFFFF  }
0xaf: {  	s5 =	sadd.s32 s5, s8;
	[dreg:$0x0] =	wrdreg $0x60  }
0xb0: {  	[dreg:$0x2] =	wrdreg s5  }
0xb1: {  	[dreg:$0x3] =	wrdreg s4  }
0xb2: {  	[dreg:$0x4] =	wrdreg s22  }
0xb3: {  	[dreg:$0x5] =	wrdreg $0x9  }
0xb4: {  	_ =	task.clear_ibuf [dreg:s20], $0x6FFFF;
	_ =	strace $0x90000052  }
0xb5: {  	s28 =	simm.s32 $0x9;
	_ =	strace $0x80000054  }
0xb6: {  	_ =	swait.ge [sflag:s28], $0x1  }
0xb7: {  	[sflag:s28] =	ssyncadd.s32 $0xFFFFFFFF  }
0xb8: {  	_ =	strace $0x90000054  }
0xb9: {  	s4 =	sld [smem:$0x0]  }
0xba: {  	s5 =	sand.u32 $0xFFFFFFFE, s1  }
0xbb: {  	p0 =	sne.s32 s1, s5  }
0xbc: {  	s5 =	sshll.u32 @p0 s5, $0xE  }
0xbd: {  	s5 =	sadd.s32 @p0 $0x11BF3, s5;
	s8 =	sshll.u32 @p0 s4, $0x11  }
0xbe: {  	s5 =	sor.u32 @p0 s8, s5  }
0xbf: {  	[sflag:s5] =	ssyncadd.remote.s32 @p0 $0x1;
	_ =	sdelay $0x1  }
0xc0: {  	s5 =	simm.s32 @p0 $0x1BF3  }
0xc1: {  	_ =	swait.eq @p0 [sflag:s5], $0x1  }
0xc2: {  	[sflag:s5] =	ssyncadd.s32 @p0 $0xFFFFFFFF  }
0xc3: {  	s8 =	sshll.u32 @!p0 s1, $0xE  }
0xc4: {  	s8 =	sor.u32 @!p0 $0x4000, s8;
	s5 =	simm.s32 @!p0 $0x1BF3  }
0xc5: {  	s4 =	sshll.u32 @!p0 s4, $0x11;
	s8 =	sadd.s32 @!p0 $0x11BF3, s8;
	_ =	swait.eq @!p0 [sflag:s5], $0x1  }
0xc6: {  	s4 =	sor.u32 @!p0 s4, s8;
	[sflag:s5] =	ssyncadd.s32 @!p0 $0xFFFFFFFF  }
0xc7: {  	[sflag:s4] =	ssyncadd.remote.s32 @!p0 $0x1  }
0xc8: {  	_ =	strace $0x80000055;
	[dreg:$0x1] =	wrdreg $0xFFFFFFFF  }
0xc9: {  	[dreg:$0x0] =	wrdreg $0x2030  }
0xca: {  	[dreg:$0x2] =	wrdreg s22  }
0xcb: {  	[dreg:$0x3] =	wrdreg s16  }
0xcc: {  	[dreg:$0x4] =	wrdreg s1  }
0xcd: {  	[dreg:$0x5] =	wrdreg s23  }
0xce: {  	[dreg:$0x6] =	wrdreg $0xA  }
0xcf: {  	_ =	task.clear_ibuf [dreg:s20], $0x7FFFF;
	_ =	strace $0x90000055  }
0xd0: {  	s29 =	simm.s32 $0xA;
	_ =	strace $0x80000057  }
0xd1: {  	_ =	swait.ge [sflag:s29], $0x1  }
0xd2: {  	[sflag:s29] =	ssyncadd.s32 $0xFFFFFFFF  }
0xd3: {  	_ =	strace $0x90000057  }
0xd4: {  	_ =	sfence  }
0xd5: {  	s30 =	sld [smem:$0x0];
	_ =	sdelay $0x2  }
0xd6: {  	s31 =	sshll.u32 s1, $0xD;
	s1 =	sshrl.u32 s1, $0x2  }
0xd7: {  	s4 =	sand.u32 $0x4000, s31;
	s1 =	sadd.s32 s1, s30  }
0xd8: {  	s0 =	sor.u32 s4, s0;
	s1 =	sshll.u32 s1, $0x11  }
0xd9: {  	s0 =	sor.u32 s1, s0  }
0xda: {  	s0 =	sadd.s32 $0x8F2B, s0  }
0xdb: {  	[sflag:s0] =	ssyncadd.remote.s32 $0x1  }
0xdc: {  	_ =	sfence.sel $0xFFFF  }
0xdd: {  	[dreg:$0x0] =	wrdreg $0xFFFFFFFF;
	(pc) =	sbr.abs _section_cstart, $3  }
0xde: {  	[dreg:$0x1] =	wrdreg $0xFFFFFFFF  }
0xdf: {  	_ =	task.clear_ibuf [dreg:s20], $0x2FFFF;
	_ =	strace $0x9FFFFFFF  }
0xe0: {  	(tm) =	ssettm $0x7FFFFFFF  }
0xe1: {  	_ =	shalt  }
tec
execute0_lowered:
.L_overlay_start_1:
0x0: {  	(tag) =	ssettag $0x1  }
0x1: {  	s3 =	rddreg [dreg:$0x0]  }
0x2: {  	s2 =	rddreg [dreg:$0x1]  }
0x3: {  	s5 =	rddreg [dreg:$0x2]  }
0x4: {  	s0 =	rddreg [dreg:$0x3];
	s4 =	stileid.u32;
	[bflag:$0x3] =	sbarrier.arrive $0xFFFF  }
0x5: {  	s1 =	simm.s32 $_size_execute1_lowered;
	s30 =	srdreg.scid;
	p0 =	sne.s32 s4, $0x0  }
0x6: {  	s1 =	sshll.u32 s1, $0x1;
	s6 =	simm.s32 @!p0 $0x1C3F;
	s7 =	simm.s32 @!p0 $0x4060  }
0x7: {  	[timem:s7], [sflag:s6] =	dma.local @!p0 [hbm:s3], s1  }
0x8: {  	s3 =	sshll.u32 s30, $0x3  }
0x9: {  	s4 =	sshll.u32 s4, $0x4;
	s3 =	sand.u32 $0x8, s3  }
0xa: {  	s31 =	simm.s32 $0x2;
	s8 =	simm.s32 $0x0;
	s3 =	sor.u32 s4, s3  }
0xb: {  	s9 =	simm.s32 $0x400;
	s11 =	simm.s32 $0x0;
	s6 =	ssub.s32 $0x8, s3  }
.Ltmp0:
0xc: {  	s10 =	simm.s32 $0x0;
	p1 =	sgt.s32 s6, $0x0;
	(pc) =	sbr.rel .LBB2_1-.Ltmp0, $4  }
0xd: {  	s5 =	sadd.s32 $0xC800, s5;
	s7 =	simm.s32 $0x3;
	s6 =	simm.s32 @!p1 $0x0  }
0xe: {  	_ =	strace $0x80000053;
	s4 =	simm.s32 $0x1;
	s6 =	sand.u32 $0xF8, s6  }
0xf: {  	[sflag:s4] =	ssyncpa.u1 $0x0;
	p1 =	sne.s32 s6, $0x0;
	s6 =	simm.s32 $0x1  }
0x10: {  	[sflag:s31] =	ssyncpa.u1 $0x0;
	s6 =	simm.s32 @!p1 $0x0;
	s7 =	simm.s32 @!p1 $0x2  }
.LBB2_4:
0x11: {  	v5 =	vld [tilespmem:s13+$0x70];
	[tilespmem:s12+$0x420] =	vst v2  }
0x12: {  	v57 =	vld [tilespmem:s13+$0x0];
	[tilespmem:s12+$0x430] =	vst v0  }
0x13: {  	v58 =	vld [tilespmem:s13+$0x10];
	[tilespmem:s12+$0x440] =	vst v1  }
0x14: {  	v59 =	vld [tilespmem:s13+$0x20];
	[tilespmem:s12+$0x450] =	vst v3  }
0x15: {  	v60 =	vld [tilespmem:s13+$0x30];
	[tilespmem:s12+$0x460] =	vst v4  }
0x16: {  	v61 =	vld [tilespmem:s13+$0x40];
	[tilespmem:s13+$0x470] =	vst v5  }
0x17: {  	v62 =	vld [tilespmem:s13+$0x50];
	[tilespmem:s13+$0x400] =	vst v57  }
0x18: {  	v63 =	vld [tilespmem:s13+$0x60];
	[tilespmem:s13+$0x410] =	vst v58  }
0x19: {  	[tilespmem:s13+$0x420] =	vst v59  }
0x1a: {  	[tilespmem:s13+$0x430] =	vst v60  }
0x1b: {  	s11 =	sshll.u32 s11, $0x4;
	[tilespmem:s13+$0x440] =	vst v61  }
0x1c: {  	s11 =	sand.u32 $0x70, s11;
	[tilespmem:s13+$0x450] =	vst v62  }
0x1d: {  	s11 =	sadd.s32 s5, s11;
	[tilespmem:s13+$0x460] =	vst v63  }
0x1e: {  	[hbm4b:s11+s8] =	stream.linear.scatter [tilespmem:s9], [sflag:$0x2], $0x400, $0x38;
	[tilespmem:$0x800] =	vst v63  }
.LBB2_5:
0x1f: {  	p1 =	slt.u32 s10, $0x2;
	s10 =	sadd.s32 $0x1, s10  }
0x20: {  	p2 =	sne.s32 s10, s7  }
.Ltmp1:
0x21: {  	_ = 	snop;
	(pc) =	sbr.rel @!p2 .LBB2_6-.Ltmp1, $4  }
0x22: {  	s11 =	simm.s32 @!p1 $0x2  }
0x23: {  	_ =	swait.ge @!p1 [sflag:s11], $0x400  }
0x24: {  	[sflag:s11] =	ssyncset.done @!p1 $0x0  }
0x25: {  	[sflag:s11] =	ssyncadd.s32 @!p1 $0xFFFFFC00;
	s11 =	smov.u32 s3  }
.LBB2_1:
0x26: {  	p1 =	sge.u32 s10, s6  }
0x27: {  	s31 =	sadd.s32 $0xFFFFFFFF, s10;
	s12 =	simm.s32 @!p1 $0x0  }
0x28: {  	[tilespmem:s12], [sflag:$0x1] =	stream.linear.gather @!p1 [hbm4b:s2+s12], $0x400, $0x38;
	[tilespmem:$0x800] =	vst v63  }
0x29: {  	p1 =	sge.u32 s31, s6  }
.Ltmp2:
0x2a: {  	_ = 	snop;
	(pc) =	sbr.rel @p1 .LBB2_5-.Ltmp2, $1  }
0x2b: {  	_ =	sdelay $0x3  }
0x2c: {  	p1 =	seq.s32 s10, $0x1;
	s12 =	simm.s32 $0x400  }
0x2d: {  	s12 =	simm.s32 @!p1 $0x0  }
0x2e: {  	s13 =	simm.s32 $0xFFFFFC00;
	_ =	swait.ge [sflag:s4], s12  }
0x2f: {  	s13 =	simm.s32 @!p1 $0x0;
	[sflag:s4] =	ssyncset.done $0x0  }
0x30: {  	s12 =	simm.s32 $0x0;
	[sflag:s4] =	ssyncadd.s32 s13  }
0x31: {  	v3 =	vld [tilespmem:s12+$0x70]  }
0x32: {  	v4 =	vld [tilespmem:s12+$0x0]  }
0x33: {  	v5 =	vld [tilespmem:s12+$0x10]  }
0x34: {  	v2 =	vld [tilespmem:s12+$0x20]  }
0x35: {  	v0 =	vld [tilespmem:s12+$0x30]  }
0x36: {  	v1 =	vld [tilespmem:s12+$0x40];
	[tilespmem:s12+$0x470] =	vst v3  }
0x37: {  	[tilespmem:s12+$0x400] =	vst v4;
	v3 =	vld [tilespmem:s12+$0x50]  }
0x38: {  	s14 =	simm.s32 $0x400;
	s13 =	simm.s32 $0x80;
	[tilespmem:s12+$0x410] =	vst v5;
	v4 =	vld [tilespmem:s12+$0x60]  }
.LBB2_3:
0x39: {  	p1 =	sne.s32 s14, $0xE00;
	v5 =	vld [tilespmem:s13+$0x70];
	[tilespmem:s12+$0x420] =	vst v2  }
0x3a: {  	v6 =	vld [tilespmem:s13+$0x0];
	[tilespmem:s12+$0x430] =	vst v0  }
0x3b: {  	v7 =	vld [tilespmem:s13+$0x10];
	[tilespmem:s12+$0x440] =	vst v1  }
.Ltmp3:
0x3c: {  	v2 =	vld [tilespmem:s13+$0x20];
	[tilespmem:s12+$0x450] =	vst v3;
	(pc) =	sbr.rel @p1 .LBB2_3-.Ltmp3, $4  }
0x3d: {  	v0 =	vld [tilespmem:s13+$0x30];
	[tilespmem:s12+$0x460] =	vst v4;
	s12 =	smov.u32 s13  }
0x3e: {  	v1 =	vld [tilespmem:s12+$0x40];
	[tilespmem:s12+$0x470] =	vst v5  }
0x3f: {  	[tilespmem:s12+$0x400] =	vst v6;
	v3 =	vld [tilespmem:s12+$0x50]  }
0x40: {  	s13 =	sshra.s32 s14, $0x2;
	s14 =	sadd.s32 $0x200, s14;
	[tilespmem:s12+$0x410] =	vst v7;
	v4 =	vld [tilespmem:s12+$0x60]  }
.Ltmp4:
0x41: {  	_ = 	snop;
	(pc) =	sbr.rel .LBB2_4-.Ltmp4, $1  }
0x42: {  	_ =	sdelay $0x3  }
.LBB2_6:
0x43: {  	_ =	sfence.sel $0x180000  }
0x44: {  	s2 =	simm.s32 $0x1;
	[bflag:$0x0] =	sbarrier.arrive $0xFFFF  }
0x45: {  	s31 =	simm.s32 $0x2;
	[sflag:s2] =	ssyncpa.u1 $0x1  }
0x46: {  	[sflag:s31] =	ssyncpa.u1 $0x1  }
0x47: {  	_ =	strace $0x90000053  }
0x48: {  	s0 =	sadd.s32 @!p0 $0x100000, s0;
	[bflag:$0x2] =	sbarrier.arrive $0xFFFF  }
0x49: {  	[sflag:s0] =	ssyncadd.tile.s32 @!p0 $0x1;
	s0 =	simm.s32 @!p0 $0x3F  }
0x4a: {  	_ =	swait.ge @!p0 [sflag:s0], s1  }
0x4b: {  	s1 =	ssub.s32 @!p0 $0x0, s1;
	[sflag:s0] =	ssyncset.done @!p0 $0x0  }
0x4c: {  	[sflag:s0] =	ssyncadd.s32 @!p0 s1  }
0x4d: {  	[bflag:$0x3] =	sbarrier.arrive $0xFFFF  }
0x4e: {  	_ =	shalt  }
.Lfunc_end2:
execute1_lowered:
.L_overlay_start_2:
0x4f: {  	(tag) =	ssettag $0x2  }
0x50: {  	s0 =	rddreg [dreg:$0x0]  }
0x51: {  	s31 =	rddreg [dreg:$0x1]  }
0x52: {  	s2 =	rddreg [dreg:$0x2];
	_ =	strace $0x80000056;
	s1 =	simm.s32 $0x1  }
0x53: {  	s9 =	simm.s32 $0x108;
	v0 =	vimm.s32 $0x0;
	[sflag:s1] =	ssyncpa.u1 $0x0  }
0x54: {  	[tilespmem:s9+$0x70] =	vst v0  }
0x55: {  	[tilespmem:s9+$0x60] =	vst v0  }
0x56: {  	[tilespmem:s9+$0x50] =	vst v0  }
0x57: {  	[tilespmem:s9+$0x40] =	vst v0  }
0x58: {  	[tilespmem:s9+$0x30] =	vst v0  }
0x59: {  	s1 =	sadd.s32 $0xC800, s0;
	s15 =	sadd.s32 $0x6400, s0;
	[tilespmem:s9+$0x20] =	vst v0  }
0x5a: {  	s14 =	sadd.s32 $0x9600, s0;
	s5 =	sand.u32 $0x1, s2;
	s0 =	simm.s32 $0x40;
	[tilespmem:s9+$0x10] =	vst v0  }
.LBB3_1:
0x5b: {  	s0 =	sadd.s32 $0x40, s0;
	[tilespmem:s9+$0x0] =	vst v0;
	s9 =	sadd.s32 $0x80, s9  }
0x5c: {  	p0 =	slt.u32 s0, $0x3C40;
	[tilespmem:s9+$0x70] =	vst v0  }
0x5d: {  	[tilespmem:s9+$0x60] =	vst v0  }
.Ltmp5:
0x5e: {  	[tilespmem:s9+$0x50] =	vst v0;
	(pc) =	sbr.rel @p0 .LBB3_1-.Ltmp5, $4  }
0x5f: {  	[tilespmem:s9+$0x40] =	vst v0  }
0x60: {  	[tilespmem:s9+$0x30] =	vst v0  }
0x61: {  	[tilespmem:s9+$0x20] =	vst v0  }
0x62: {  	[tilespmem:s9+$0x10] =	vst v0  }
0x63: {  	s6 =	stileid.u32  }
0x64: {  	s0 =	simm.s32 $0x1;
	p0 =	sne.s32 s6, $0x0;
	s2 =	smul.u32 $0xD, s6  }
0x65: {  	s0 =	simm.s32 @!p0 $0x0  }
0x66: {  	s0 =	sadd.s32 s0, s2  }
0x67: {  	p1 =	seq.s32 s6, $0x0;
	s7 =	smul.u32 $0xF0, s0;
	s0 =	simm.s32 $0xD20  }
0x68: {  	s0 =	simm.s32 @!p1 $0xC30  }
0x69: {  	s0 =	sadd.s32 s0, s7  }
0x6a: {  	s8 =	smin.u32 s0, $0xC350  }
0x6b: {  	s0 =	ssub.s32 s8, s7  }
0x6c: {  	p1 =	sgt.s32 s0, $0x0  }
0x6d: {  	s3 =	simm.s32 $0x2;
	s10 =	simm.s32 $0x9;
	s0 =	simm.s32 @!p1 $0x0  }
0x6e: {  	s4 =	simm.s32 $0xA;
	s11 =	simm.s32 $0xB;
	s28 =	smul.u32 $0x8889, s0  }
0x6f: {  	[dreg:$0x5] =	wrdreg s5;
	s30 =	smul.u32 $0x186A, s5;
	s12 =	simm.s32 $0x1  }
0x70: {  	s22 =	simm.s32 $0x0;
	s18 =	simm.s32 $0xC;
	s2 =	sshrl.u32 s28, $0x17  }
0x71: {  	s20 =	simm.s32 $0x0;
	s21 =	simm.s32 $0x0;
	s29 =	smul.u32 $0xF0, s2  }
.Ltmp6:
0x72: {  	[tilespmem:s9+$0x0] =	vst v0;
	v0 =	vimm.s32 $0xFFFFFFFF;
	[sflag:s3] =	ssyncpa.u1 $0x0;
	s16 =	sshll.u32 s6, $0x8;
	(pc) =	sbr.rel .LBB3_3-.Ltmp6, $4  }
0x73: {  	[tilespmem:$0xF208] =	vst v0;
	[sflag:s10] =	ssyncpa.u1 $0x0;
	p1 =	sne.s32 s0, s29;
	s0 =	simm.s32 $0x1  }
0x74: {  	s14 =	sadd.s32 s30, s14;
	[sflag:s4] =	ssyncpa.u1 $0x0;
	s0 =	simm.s32 @!p1 $0x0  }
0x75: {  	s15 =	sadd.s32 s30, s15;
	[sflag:s11] =	ssyncpa.u1 $0x0;
	s13 =	sadd.s32 s2, s0  }
0x76: {  	v0 =	vlaneseq.u32;
	s19 =	smov.u32 s7;
	p1 =	por $0x0, $0x0;
	s17 =	sadd.s32 $0x1, s13  }
.LBB3_18:
0x77: {  	s0 =	sshrl.u32 s31, $0x2;
	s31 =	smov.u32 s9  }
.LBB3_20:
0x78: {  	_ =	swait.ge [sflag:s18], s0  }
0x79: {  	s29 =	ssub.s32 $0x0, s0;
	v1 =	vmov s24;
	vm0 =	veq.s32 v0, $0x0;
	[sflag:s18] =	ssyncset.done $0x0  }
0x7a: {  	vm15 =	veq.s32 v0, $0x2;
	v1 =	vsel vm0, s30, v1;
	[sflag:s18] =	ssyncadd.s32 s29  }
0x7b: {  	v1 =	vsel vm15, s22, v1;
	[sflag:s18] =	ssyncpa.u1 $0x1  }
0x7c: {  	[tilespmem:$0xF208] =	vst v1  }
.LBB3_21:
0x7d: {  	s0 =	sadd.s32 $0xF0, s19  }
0x7e: {  	s2 =	smov.u32 s7;
	p2 =	slt.s32 s0, s8  }
0x7f: {  	s2 =	smov.u32 @p2 s0;
	p2 =	sne.s32 s21, s17  }
.Ltmp7:
0x80: {  	_ = 	snop;
	(pc) =	sbr.rel @!p2 .LBB3_22-.Ltmp7, $3  }
0x81: {  	_ =	sdelay $0x1  }
0x82: {  	s22 =	smov.u32 s20;
	s30 =	sadd.s32 $0x1, s21;
	s20 =	smov.u32 s19  }
0x83: {  	p1 =	por !p1, !p1;
	s21 =	smov.u32 s30;
	s19 =	smov.u32 s2  }
.LBB3_3:
0x84: {  	p2 =	sge.u32 s21, s13  }
0x85: {  	s0 =	smulhi.u32 @!p2 $0xAAAAAAAB, s21  }
0x86: {  	s2 =	smov.u32 s19;
	p3 =	sgt.s32 @!p2 s19, $0xC260  }
0x87: {  	s3 =	sshra.s32 @!p2 s19, $0x1F;
	p3 =	por !p3, p2;
	s0 =	sshrl.u32 @!p2 s0, $0x1  }
0x88: {  	s3 =	sand.u32 @!p2 s3, s19;
	s2 =	simm.s32 @p3 $0xC260;
	s0 =	smul.u32 @!p2 $0x3, s0  }
0x89: {  	s2 =	ssub.s32 @!p2 s2, s3  }
0x8a: {  	s2 =	sadd.s32 @!p2 $0xFFFF3DA0, s2;
	s0 =	ssub.s32 @!p2 s21, s0  }
0x8b: {  	s3 =	sshll.u32 @!p2 s2, $0x2;
	p3 =	sgt.s32 @!p2 s2, $0xEF;
	s0 =	smul.u32 @!p2 $0x3C0, s0  }
0x8c: {  	s4 =	sand.u32 @!p2 $0x7, s19;
	s2 =	ssub.s32 @!p2 $0x3C0, s3;
	p3 =	por !p3, p2  }
0x8d: {  	s3 =	sshrl.u32 @!p2 s19, $0x3;
	s2 =	sshrl.u32 @!p2 s2, $0x2;
	s0 =	sshrl.u32 @!p2 s0, $0x2  }
0x8e: {  	s3 =	sadd.s32 @!p2 s3, s14;
	s2 =	simm.s32 @!p3 $0x0;
	s0 =	sadd.s32 @!p2 $0x10248, s0  }
0x8f: {  	[tilespmem:s0], [sflag:$0xA] =	stream.linear.gather @!p2 [hbm4b:s3+s4], s2, $0x38;
	[tilespmem:$0x1F6F8] =	vst v63  }
0x90: {  	s0 =	sadd.s32 $0xFFFFFFFF, s21  }
0x91: {  	p2 =	sge.u32 s0, s13  }
0x92: {  	p3 =	sgt.s32 @!p2 s20, $0xC260  }
0x93: {  	s2 =	smov.u32 s20;
	s3 =	sshra.s32 @!p2 s20, $0x1F;
	p3 =	por !p3, p2  }
0x94: {  	s3 =	sand.u32 @!p2 s3, s20;
	s2 =	simm.s32 @p3 $0xC260  }
0x95: {  	s2 =	ssub.s32 @!p2 s2, s3  }
0x96: {  	s2 =	sadd.s32 @!p2 $0xFFFF3DA0, s2  }
0x97: {  	s4 =	sand.u32 @!p2 $0x1, s0;
	s3 =	sshll.u32 @!p2 s2, $0x2  }
0x98: {  	p3 =	sgt.s32 @!p2 s2, $0xEF;
	s2 =	ssub.s32 @!p2 $0x3C0, s3;
	s3 =	smulhi.u32 @!p2 $0xAAAAAAAB, s0  }
0x99: {  	s23 =	smul.u32 @!p2 $0x3C0, s4;
	p3 =	por !p3, p2;
	s2 =	sshrl.u32 @!p2 s2, $0x2  }
0x9a: {  	s5 =	simm.s32 @!p2 $0xA;
	s2 =	simm.s32 @!p3 $0x0;
	s3 =	sshrl.u32 @!p2 s3, $0x1  }
0x9b: {  	s23 =	sshrl.u32 @!p2 s23, $0x2;
	_ =	swait.ge @!p2 [sflag:s5], s2;
	s3 =	smul.u32 @!p2 $0x3, s3  }
0x9c: {  	s23 =	sadd.s32 @!p2 $0x10518, s23;
	s24 =	ssub.s32 @!p2 $0x0, s2;
	[sflag:s5] =	ssyncset.done @!p2 $0x0  }
0x9d: {  	[sflag:s5] =	ssyncadd.s32 @!p2 s24;
	s5 =	sshrl.u32 @!p2 s20, $0x3;
	s0 =	ssub.s32 @!p2 s0, s3  }
0x9e: {  	s24 =	sand.u32 @!p2 $0x7, s20;
	s5 =	sadd.s32 @!p2 s5, s15;
	s0 =	smul.u32 @!p2 $0x3C0, s0  }
0x9f: {  	[tilespmem:s23], [sflag:$0xB] =	stream.linear.gather @!p2 [hbm4b:s5+s24], s2, $0x38;
	[tilespmem:$0x1F6F8] =	vst v63  }
0xa0: {  	s3 =	ssub.s32 @!p2 $0xC350, s20;
	s2 =	smul.u32 @!p2 $0x1E000, s4  }
0xa1: {  	p3 =	slt.s32 @!p2 s3, $0xF0  }
0xa2: {  	p3 =	por !p3, p2;
	s0 =	sshrl.u32 @!p2 s0, $0x2;
	s2 =	sshrl.u32 @!p2 s2, $0x2  }
0xa3: {  	s3 =	simm.s32 @p3 $0xF0;
	s0 =	sadd.s32 @!p2 $0x10248, s0;
	s2 =	sor.u32 @!p2 $0x106F8, s2  }
0xa4: {  	[tilespmem:s2], [sflag:$0x9] =	stream.indirect.gather @!p2 [hbm4b:s31+s3], $0x80, s0, s3, $0xb8;
	[tilespmem:$0x1F6F8] =	vst v63  }
0xa5: {  	p2 =	slt.u32 s21, $0x2  }
.Ltmp8:
0xa6: {  	_ = 	snop;
	(pc) =	sbr.rel @p2 .LBB3_21-.Ltmp8, $1  }
0xa7: {  	_ =	sdelay $0x3  }
0xa8: {  	p2 =	sgt.s32 s22, $0xC260  }
0xa9: {  	s0 =	smov.u32 s22;
	s2 =	sshra.s32 s22, $0x1F;
	s3 =	ssub.s32 $0xC350, s22  }
0xaa: {  	s0 =	simm.s32 @!p2 $0xC260;
	s2 =	sand.u32 s2, s22;
	p2 =	slt.s32 s3, $0xF0  }
0xab: {  	s0 =	ssub.s32 s0, s2;
	s3 =	simm.s32 @!p2 $0xF0  }
0xac: {  	s0 =	sadd.s32 $0xFFFF3DA0, s0;
	s24 =	sshll.u32 s3, $0x7  }
0xad: {  	s25 =	sshll.u32 s0, $0x2;
	s2 =	sand.u32 $0x3FFFFF80, s24  }
0xae: {  	p2 =	sgt.s32 s0, $0xEF;
	s26 =	ssub.s32 $0x3C0, s25;
	_ =	swait.ge [sflag:s10], s2  }
0xaf: {  	s2 =	ssub.s32 $0x0, s2;
	[sflag:s10] =	ssyncset.done $0x0;
	s0 =	sshrl.u32 s26, $0x2  }
0xb0: {  	[sflag:s10] =	ssyncadd.s32 s2;
	s0 =	simm.s32 @p2 $0x0  }
0xb1: {  	_ =	swait.ge [sflag:s11], s0  }
0xb2: {  	s0 =	ssub.s32 $0x0, s0;
	[sflag:s11] =	ssyncset.done $0x0  }
0xb3: {  	[sflag:s11] =	ssyncadd.s32 s0  }
0xb4: {  	v1 =	vld [tilespmem:$0xF208];
	_ =	sdelay $0x4  }
0xb5: {  	(v2sf) =	vpush v1, $0x0  }
0xb6: {  	(v2sf) =	vpush v1, $0x1  }
0xb7: {  	(v2sf) =	vpush v1, $0x2;
	_ =	sdelay $0x3  }
0xb8: {  	s0 =	sadd.s32 $0xF0, s22  }
0xb9: {  	s2 =	ssub.s32 $0x186A0, s22;
	p2 =	slt.s32 s8, s0  }
0xba: {  	s0 =	smov.u32 @p2 s8;
	p2 =	sgt.s32 s2, $0x0  }
0xbb: {  	s26 =	ssub.s32 s0, s22;
	s2 =	simm.s32 @!p2 $0x0  }
0xbc: {  	p2 =	slt.s32 s2, s26  }
0xbd: {  	s26 =	smov.u32 @p2 s2  }
0xbe: {  	s25 =	simm.s32 $0x1;
	p2 =	slt.s32 s26, $0x1  }
.Ltmp9:
0xbf: {  	s25 =	simm.s32 @!p1 $0x0;
	(pc) =	sbr.rel @p2 .LBB3_8-.Ltmp9, $4  }
0xc0: {  	s29 =	smul.u32 $0x3C0, s25  }
0xc1: {  	s28 =	spop (v2sf)  }
0xc2: {  	s0 =	sshrl.u32 s29, $0x2;
	s30 =	spop (v2sf)  }
0xc3: {  	s23 =	sadd.s32 $0x10518, s0;
	s22 =	spop (v2sf)  }
0xc4: {  	s0 =	smin.u32 s26, $0x10  }
0xc5: {  	v1 =	vmov s0  }
0xc6: {  	p3 =	sgt.s32 s26, $0x10;
	vm1 =	vgt.u32 v1, v0  }
.Ltmp10:
0xc7: {  	_ = 	snop;
	(pc) =	sbr.rel @!p3 .LBB3_7-.Ltmp10, $2  }
0xc8: {  	_ =	sdelay $0x2  }
0xc9: {  	s4 =	simm.s32 $0x10;
	s24 =	sadd.s32 $0xFFFFFFF0, s26;
	s0 =	smov.u32 s23;
	vm0 =	vmmov vm1  }
.LBB3_6:
0xca: {  	s2 =	smin.u32 s24, $0x10;
	s4 =	sadd.s32 $0x10, s4;
	v1 =	vld.msk [tilespmem:s0+$0x0 ss:$0x1], vm1  }
0xcb: {  	v2 =	vmov s2;
	p3 =	slt.s32 s4, s26  }
0xcc: {  	vm1 =	vgt.u32 v2, v0  }
.Ltmp11:
0xcd: {  	(pc) =	sbr.rel @p3 .LBB3_6-.Ltmp11, $3  }
0xce: {  	_ =	sdelay $0x1  }
0xcf: {  	v1 =	vshll.u32 v1, $0x4  }
0xd0: {  	s24 =	sadd.s32 $0xFFFFFFF0, s24;
	[tilespmem:s0+$0x0] =	vst.msk vm0, v1;
	s0 =	sadd.s32 $0x10, s0;
	vm0 =	vmmov vm1  }
.LBB3_7:
0xd1: {  	_ =	sdelay $0x4  }
0xd2: {  	v1 =	vld.msk [tilespmem:s0+$0x0 ss:$0x1], vm1;
	_ =	sdelay $0x4  }
0xd3: {  	v1 =	vshll.u32 v1, $0x4  }
0xd4: {  	[tilespmem:s0+$0x0] =	vst.msk vm0, v1  }
.LBB3_8:
0xd5: {  	s0 =	sand.u32 $0x1, s21  }
0xd6: {  	s0 =	smul.u32 $0xF0, s0  }
0xd7: {  	p3 =	sne.s32 s30, $0xFFFFFFFF  }
0xd8: {  	v1 =	vld.msk @!p3 [tilespmem:s0+$0x10518], $0x1;
	_ =	sdelay $0x4  }
0xd9: {  	(v2sf) =	vpush @!p3 v1, $0x0;
	_ =	sdelay $0xc  }
.Ltmp12:
0xda: {  	_ = 	snop;
	(pc) =	sbr.rel @p2 .LBB3_19-.Ltmp12, $4  }
0xdb: {  	_ = 	snop  }
0xdc: {  	s29 =	spop @!p3 (v2sf)  }
0xdd: {  	s22 =	simm.s32 @!p3 $0x0;
	s24 =	smov.u32 s29  }
0xde: {  	[sflag:s18] =	ssyncpa.u1 $0x0;
	s29 =	smov.u32 @p3 s28;
	s24 =	smov.u32 @p3 s30  }
0xdf: {  	v1 =	vld.msk [tilespmem:s23+$0x0], $0x1;
	_ =	sdelay $0x4  }
0xe0: {  	(v2sf) =	vpush v1, $0x0;
	_ =	sdelay $0xe  }
0xe1: {  	s2 =	smul.u32 $0x1E000, s25;
	s0 =	spop (v2sf)  }
0xe2: {  	s26 =	ssub.s32 $0x0, s26;
	p2 =	seq.s32 s29, s0  }
0xe3: {  	s30 =	sadd.s32 $0x1, s26;
	s2 =	sshrl.u32 s2, $0x2;
	p3 =	sgt.s32 @!p2 s29, $0x0  }
0xe4: {  	s25 =	sor.u32 $0x10738, s2;
	s2 =	smov.u32 s29;
	p3 =	por !p3, p2  }
0xe5: {  	s2 =	simm.s32 @p3 $0x0;
	p3 =	seq.s32 s30, $0x0  }
.Ltmp13:
0xe6: {  	_ = 	snop;
	(pc) =	sbr.rel @p3 .LBB3_11-.Ltmp13, $4  }
0xe7: {  	s9 =	smov.u32 s31  }
0xe8: {  	s28 =	simm.s32 $0x0;
	s31 =	sadd.s32 $0x1, s23;
	s2 =	smin.u32 @!p2 s2, $0x70  }
0xe9: {  	s4 =	simm.s32 @!p2 $0x1;
	s5 =	simm.s32 @!p2 $0x7988;
	s3 =	sand.u32 @!p2 $0x78, s2  }
0xea: {  	s4 =	smov.u32 @p2 s28;
	s2 =	sand.u32 @!p2 $0x7, s2;
	s3 =	sadd.s32 @!p2 s1, s3  }
.LBB3_10:
0xeb: {  	s6 =	smov.u32 s4  }
0xec: {  	[tilespmem:s5], [sflag:$0x2] =	stream.linear.gather @!p2 [hbm4b:s3+s2], $0x80, $0x38;
	[tilespmem:$0x1F6F8] =	vst v63  }
0xed: {  	s30 =	sadd.s32 $0x1, s30;
	s2 =	smov.u32 s0;
	v1 =	vld.msk [tilespmem:s31+$0x0], $0x1  }
0xee: {  	p3 =	seq.s32 s30, $0x0;
	_ =	sdelay $0x3  }
0xef: {  	(v2sf) =	vpush v1, $0x0;
	_ =	sdelay $0xe  }
0xf0: {  	s0 =	spop (v2sf)  }
0xf1: {  	p2 =	seq.s32 s2, s0  }
0xf2: {  	p4 =	sgt.s32 @!p2 s2, $0x0;
	s3 =	sshll.u32 @!p2 s4, $0x9;
	s4 =	sadd.s32 @!p2 $0x1, s4  }
.Ltmp14:
0xf3: {  	p4 =	por !p4, p2;
	s3 =	sshra.s32 @!p2 s3, $0x2;
	(pc) =	sbr.rel @!p3 .LBB3_10-.Ltmp14, $4  }
0xf4: {  	s4 =	smov.u32 @p2 s6;
	s2 =	simm.s32 @p4 $0x0;
	s5 =	sadd.s32 @!p2 $0x7988, s3  }
0xf5: {  	s2 =	smin.u32 @!p2 s2, $0x70  }
0xf6: {  	s3 =	sand.u32 @!p2 $0x78, s2;
	s2 =	sand.u32 @!p2 $0x7, s2  }
0xf7: {  	s31 =	sadd.s32 $0x1, s31;
	s3 =	sadd.s32 @!p2 s1, s3  }
.LBB3_11:
0xf8: {  	[tilespmem:s5], [sflag:$0x2] =	stream.linear.gather @!p2 [hbm4b:s3+s2], $0x80, $0x38;
	[tilespmem:$0x1F6F8] =	vst v63  }
.Ltmp15:
0xf9: {  	s0 =	sshll.u32 s4, $0x7;
	(pc) =	sbr.rel .LBB3_12-.Ltmp15, $4  }
0xfa: {  	s30 =	simm.s32 $0x2;
	s0 =	sand.u32 $0x3FFFFF80, s0  }
0xfb: {  	_ =	swait.ge [sflag:s30], s0  }
0xfc: {  	s0 =	ssub.s32 $0x0, s0;
	[sflag:s30] =	ssyncset.done $0x0  }
0xfd: {  	s31 =	simm.s32 $0x0;
	[sflag:s30] =	ssyncadd.s32 s0  }
.LBB3_13:
0xfe: {  	v1 =	vld [tilespmem:s25+$0xFFFFFFC0];
	_ =	sdelay $0x3  }
0xff: {  	s0 =	sshra.s32 s0, $0x2  }
0x100: {  	[tilespmem:s0+$0x108] =	vst.add.f32.msk $0xffff, v1  }
0x101: {  	v1 =	vld [tilespmem:s25+$0xFFFFFFD0];
	_ =	sdelay $0x4  }
0x102: {  	[tilespmem:s0+$0x118] =	vst.add.f32.msk $0xffff, v1  }
0x103: {  	v1 =	vld [tilespmem:s25+$0xFFFFFFE0];
	_ =	sdelay $0x4  }
0x104: {  	[tilespmem:s0+$0x128] =	vst.add.f32.msk $0xffff, v1  }
0x105: {  	v1 =	vld [tilespmem:s25+$0xFFFFFFF0];
	_ =	sdelay $0x4  }
0x106: {  	[tilespmem:s0+$0x138] =	vst.add.f32.msk $0xffff, v1  }
0x107: {  	v1 =	vld [tilespmem:s25+$0x0];
	_ =	sdelay $0x4  }
0x108: {  	[tilespmem:s0+$0x148] =	vst.add.f32.msk $0xffff, v1  }
0x109: {  	v1 =	vld [tilespmem:s25+$0x10];
	_ =	sdelay $0x4  }
0x10a: {  	[tilespmem:s0+$0x158] =	vst.add.f32.msk $0xffff, v1  }
0x10b: {  	v1 =	vld [tilespmem:s25+$0x20];
	_ =	sdelay $0x4  }
0x10c: {  	[tilespmem:s0+$0x168] =	vst.add.f32.msk $0xffff, v1  }
0x10d: {  	v1 =	vld [tilespmem:s25+$0x30];
	_ =	sdelay $0x4  }
0x10e: {  	[tilespmem:s0+$0x178] =	vst.add.f32.msk $0xffff, v1  }
.LBB3_17:
0x10f: {  	s26 =	sadd.s32 $0x1, s26  }
0x110: {  	p2 =	seq.s32 s26, $0x0  }
.Ltmp16:
0x111: {  	_ = 	snop;
	(pc) =	sbr.rel @p2 .LBB3_18-.Ltmp16, $2  }
0x112: {  	_ =	sdelay $0x2  }
0x113: {  	s23 =	sadd.s32 $0x1, s23;
	s25 =	sadd.s32 $0x80, s25;
	s29 =	smov.u32 s30  }
.LBB3_12:
0x114: {  	v1 =	vld.msk [tilespmem:s23+$0x0], $0x1;
	_ =	sdelay $0x4  }
0x115: {  	(v2sf) =	vpush v1, $0x0;
	_ =	sdelay $0xe  }
0x116: {  	s30 =	spop (v2sf)  }
0x117: {  	p2 =	sne.s32 s29, s30  }
.Ltmp17:
0x118: {  	_ = 	snop;
	(pc) =	sbr.rel @!p2 .LBB3_13-.Ltmp17, $2  }
0x119: {  	_ =	sdelay $0x2  }
0x11a: {  	s0 =	sshll.u32 s22, $0x9  }
0x11b: {  	p2 =	seq.s32 s29, s24  }
.Ltmp18:
0x11c: {  	_ = 	snop;
	(pc) =	sbr.rel @!p2 .LBB3_15-.Ltmp18, $1  }
0x11d: {  	_ =	sdelay $0x3  }
0x11e: {  	s0 =	sshra.s32 s0, $0x2  }
.Ltmp19:
0x11f: {  	s0 =	sadd.s32 $0x108, s0;
	(pc) =	sbr.rel .LBB3_16-.Ltmp19, $4  }
0x120: {  	[spmem:s16] =	stream.linear.scatter [tilespmem:s0], [sflag:$0x1], $0x80, $0x38;
	[tilespmem:$0x1F6F8] =	vst v63  }
0x121: {  	_ =	swait.ge [sflag:s12], $0x80  }
0x122: {  	[sflag:s12] =	ssyncset.done $0x0  }
0x123: {  	[sflag:s12] =	ssyncadd.s32 $0xFFFFFF80  }
.LBB3_15:
0x124: {  	s2 =	sshll.u32 s28, $0x9  }
0x125: {  	s2 =	sshra.s32 s2, $0x2  }
0x126: {  	v1 =	vld [tilespmem:s2+$0x7988];
	_ =	sdelay $0x3  }
0x127: {  	s0 =	sshra.s32 s0, $0x2  }
0x128: {  	[tilespmem:s0+$0x108] =	vst.add.f32.msk $0xffff, v1  }
0x129: {  	v1 =	vld [tilespmem:s2+$0x7998];
	_ =	sdelay $0x4  }
0x12a: {  	[tilespmem:s0+$0x118] =	vst.add.f32.msk $0xffff, v1  }
0x12b: {  	v1 =	vld [tilespmem:s2+$0x79A8];
	_ =	sdelay $0x4  }
0x12c: {  	[tilespmem:s0+$0x128] =	vst.add.f32.msk $0xffff, v1  }
0x12d: {  	v1 =	vld [tilespmem:s2+$0x79B8];
	_ =	sdelay $0x4  }
0x12e: {  	[tilespmem:s0+$0x138] =	vst.add.f32.msk $0xffff, v1  }
0x12f: {  	v1 =	vld [tilespmem:s2+$0x79C8];
	_ =	sdelay $0x4  }
0x130: {  	[tilespmem:s0+$0x148] =	vst.add.f32.msk $0xffff, v1  }
0x131: {  	v1 =	vld [tilespmem:s2+$0x79D8];
	_ =	sdelay $0x4  }
0x132: {  	[tilespmem:s0+$0x158] =	vst.add.f32.msk $0xffff, v1  }
0x133: {  	v1 =	vld [tilespmem:s2+$0x79E8];
	_ =	sdelay $0x4  }
0x134: {  	[tilespmem:s0+$0x168] =	vst.add.f32.msk $0xffff, v1  }
0x135: {  	v1 =	vld [tilespmem:s2+$0x79F8];
	_ =	sdelay $0x2  }
0x136: {  	p2 =	sgt.u32 s29, $0x70  }
0x137: {  	s2 =	sand.u32 @!p2 $0x78, s29  }
0x138: {  	s3 =	sadd.s32 $0x108, s0;
	[tilespmem:s0+$0x178] =	vst.add.f32.msk $0xffff, v1;
	s0 =	sadd.s32 @!p2 s1, s2;
	s2 =	sand.u32 @!p2 $0x7, s29  }
0x139: {  	[hbm4b:s0+s2] =	stream.linear.scatter @!p2 [tilespmem:s3], [sflag:$0xC], $0x80, $0x38;
	[tilespmem:$0x1F6F8] =	vst v63  }
0x13a: {  	s0 =	simm.s32 $0x0  }
0x13b: {  	s0 =	simm.s32 @!p2 $0x200  }
0x13c: {  	s31 =	sadd.s32 s0, s31  }
.LBB3_16:
0x13d: {  	s0 =	sadd.s32 $0x1, s22  }
0x13e: {  	s2 =	smulhi.u32 $0x88888889, s0;
	_ =	sdelay $0x1  }
0x13f: {  	v1 =	vld [tilespmem:s25+$0xFFFFFFC0];
	s2 =	sshrl.u32 s2, $0x7  }
0x140: {  	s2 =	smul.u32 $0xF0, s2;
	_ =	sdelay $0x1  }
0x141: {  	s22 =	ssub.s32 s0, s2  }
0x142: {  	s0 =	sshll.u32 s22, $0x7  }
0x143: {  	[tilespmem:s0+$0x108] =	vst v1  }
0x144: {  	v1 =	vld [tilespmem:s25+$0xFFFFFFD0];
	_ =	sdelay $0x4  }
0x145: {  	[tilespmem:s0+$0x118] =	vst v1  }
0x146: {  	v1 =	vld [tilespmem:s25+$0xFFFFFFE0];
	_ =	sdelay $0x4  }
0x147: {  	[tilespmem:s0+$0x128] =	vst v1  }
0x148: {  	v1 =	vld [tilespmem:s25+$0xFFFFFFF0];
	_ =	sdelay $0x4  }
0x149: {  	[tilespmem:s0+$0x138] =	vst v1  }
0x14a: {  	v1 =	vld [tilespmem:s25+$0x0];
	_ =	sdelay $0x4  }
0x14b: {  	[tilespmem:s0+$0x148] =	vst v1  }
0x14c: {  	v1 =	vld [tilespmem:s25+$0x10];
	_ =	sdelay $0x4  }
0x14d: {  	[tilespmem:s0+$0x158] =	vst v1  }
0x14e: {  	v1 =	vld [tilespmem:s25+$0x20];
	_ =	sdelay $0x4  }
0x14f: {  	[tilespmem:s0+$0x168] =	vst v1  }
0x150: {  	v1 =	vld [tilespmem:s25+$0x30]  }
.Ltmp20:
0x151: {  	_ = 	snop;
	(pc) =	sbr.rel .LBB3_17-.Ltmp20, $2  }
0x152: {  	_ =	sdelay $0x2  }
0x153: {  	s28 =	sadd.s32 $0x1, s28;
	[tilespmem:s0+$0x178] =	vst v1  }
.LBB3_19:
.Ltmp21:
0x154: {  	(pc) =	sbr.rel .LBB3_20-.Ltmp21, $4  }
0x155: {  	_ = 	snop  }
0x156: {  	s0 =	simm.s32 $0x2  }
0x157: {  	_ =	swait.ge [sflag:s0], $0x0  }
0x158: {  	s30 =	smov.u32 s29;
	[sflag:s0] =	ssyncset.done $0x0;
	s0 =	simm.s32 $0x0  }
.LBB3_22:
0x159: {  	_ =	sfence.sel $0x180000  }
0x15a: {  	s0 =	simm.s32 $0x9;
	[bflag:$0x0] =	sbarrier.arrive $0xFFFF  }
0x15b: {  	s24 =	simm.s32 $0xA;
	[sflag:s0] =	ssyncpa.u1 $0x1  }
0x15c: {  	s25 =	simm.s32 $0xB;
	[sflag:s24] =	ssyncpa.u1 $0x1  }
0x15d: {  	s26 =	simm.s32 $0x2;
	[sflag:s25] =	ssyncpa.u1 $0x1  }
0x15e: {  	[sflag:s26] =	ssyncpa.u1 $0x1  }
0x15f: {  	v0 =	vld [tilespmem:$0xF208];
	_ =	sdelay $0x4  }
0x160: {  	(v2sf) =	vpush v0, $0x0  }
0x161: {  	(v2sf) =	vpush v0, $0x1;
	_ =	sdelay $0x1  }
0x162: {  	(v2sf) =	vpush v0, $0x2;
	_ =	sdelay $0xb  }
0x163: {  	s0 =	spop (v2sf)  }
0x164: {  	s2 =	spop (v2sf)  }
0x165: {  	s3 =	smov.u32 s0;
	p1 =	sne.s32 s0, s2  }
0x166: {  	s4 =	spop (v2sf);
	s3 =	simm.s32 @!p1 $0xFFFFFFFF  }
0x167: {  	v2 =	vimm.s32 $0x1;
	v3 =	vlaneseq.u32;
	p1 =	seq.s32 s4, $0xFFFFFFFF;
	v1 =	vmov s3  }
0x168: {  	s16 =	stileid.u32;
	v0 =	vperm.xlane v0, v2;
	p2 =	sne.s32 @!p1 s0, s2;
	v1 =	vperm.xlane v1, v3  }
0x169: {  	vm0 =	vcmask $0x3F04;
	s6 =	simm.s32 $0xF208;
	s0 =	simm.s32 @!p1 $0x1;
	p2 =	por !p2, p1  }
0x16a: {  	s3 =	sshll.u32 s16, $0x1;
	s2 =	sshll.u32 @!p1 s4, $0x9;
	s0 =	simm.s32 @p2 $0x0;
	v0 =	vsel vm0, v1, v0  }
0x16b: {  	s5 =	sor.u32 $0x1000, s3;
	s2 =	sshra.s32 @!p1 s2, $0x2;
	s0 =	sor.u32 @!p1 s0, s3;
	[tilespmem:$0xF208] =	vst v0  }
0x16c: {  	[spmem:s5] =	stream.linear.scatter [tilespmem:s6], [sflag:$0x1], $0x2, $0x38;
	[tilespmem:$0x1F6F8] =	vst v63  }
0x16d: {  	s2 =	sadd.s32 @!p1 $0x108, s2;
	s0 =	sshll.u32 @!p1 s0, $0x7  }
0x16e: {  	[spmem:s0] =	stream.linear.scatter @!p1 [tilespmem:s2], [sflag:$0x1], $0x80, $0x38;
	[tilespmem:$0x1F6F8] =	vst v63  }
0x16f: {  	s0 =	simm.s32 @!p1 $0x82  }
0x170: {  	s28 =	simm.s32 $0x1;
	s0 =	simm.s32 @p1 $0x2  }
0x171: {  	_ =	swait.ge [sflag:s28], s0  }
0x172: {  	s0 =	ssub.s32 $0x0, s0;
	[sflag:s28] =	ssyncset.done $0x0  }
0x173: {  	[sflag:s28] =	ssyncadd.s32 s0  }
.Ltmp22:
0x174: {  	_ =	sfence.stream.spmem;
	(pc) =	sbr.rel @p0 .LBB3_39-.Ltmp22, $4  }
0x175: {  	s29 =	simm.s32 $0x3;
	[bflag:$0x0] =	sbarrier.arrive $0xFFFF  }
0x176: {  	s30 =	simm.s32 $0x4;
	[sflag:s29] =	ssyncpa.u1 $0x1  }
0x177: {  	s31 =	simm.s32 $0x3C;
	[sflag:s30] =	ssyncpa.u1 $0x1  }
0x178: {  	s15 =	rddreg [dreg:$0x5];
	[sflag:s31] =	ssyncpa.u1 $0x1  }
0x179: {  	_ =	sfence.stream.spmem;
	s0 =	simm.s32 $0x5  }
0x17a: {  	s2 =	simm.s32 $0x1000;
	s3 =	simm.s32 $0xF218;
	[sflag:s0] =	ssyncpa.u1 $0x0  }
0x17b: {  	[tilespmem:s3], [sflag:$0x5] =	stream.linear.gather [spmem:s2], $0x20, $0x38;
	[tilespmem:$0x1F6F8] =	vst v63  }
0x17c: {  	s26 =	simm.s32 $0x0;
	s28 =	simm.s32 $0xF238  }
0x17d: {  	[tilespmem:s28], [sflag:$0x5] =	stream.linear.gather [spmem:s26], $0x1000, $0x38;
	[tilespmem:$0x1F6F8] =	vst v63  }
0x17e: {  	_ =	swait.ge [sflag:s0], $0x1020  }
0x17f: {  	[sflag:s0] =	ssyncset.done $0x0  }
0x180: {  	s29 =	simm.s32 $0x0;
	[sflag:s0] =	ssyncadd.s32 $0xFFFFEFE0  }
0x181: {  	v0 =	vld.msk [tilespmem:s29+$0xF218], $0x1;
	_ =	sdelay $0x1  }
0x182: {  	s30 =	simm.s32 $0x1  }
0x183: {  	v1 =	vld.msk [tilespmem:s30+$0xF218], $0x1;
	_ =	sdelay $0x1  }
0x184: {  	(v2sf) =	vpush v0, $0x0;
	_ =	sdelay $0x2  }
0x185: {  	(v2sf) =	vpush v1, $0x0;
	_ =	sdelay $0x2  }
0x186: {  	s31 =	simm.s32 $0x2  }
0x187: {  	v0 =	vld.msk [tilespmem:s31+$0xF218], $0x1;
	_ =	sdelay $0x2  }
0x188: {  	s4 =	simm.s32 $0xFFFFFFFF;
	s5 =	simm.s32 $0xFFFFFFFF;
	s0 =	simm.s32 $0xC  }
.LBB3_24:
0x189: {  	s2 =	smov.u32 s5;
	s3 =	smov.u32 s4  }
0x18a: {  	s4 =	sshra.s32 s0, $0x2;
	p1 =	sne.s32 s0, $0x7C;
	s0 =	sadd.s32 $0x4, s0;
	(v2sf) =	vpush v0, $0x0  }
0x18b: {  	v0 =	vld.msk [tilespmem:s4+$0xF218], $0x1  }
.Ltmp23:
0x18c: {  	(pc) =	sbr.rel @p1 .LBB3_24-.Ltmp23, $4  }
0x18d: {  	s5 =	spop (v2sf)  }
0x18e: {  	p2 =	sne.s32 s3, $0xFFFFFFFF;
	s4 =	smov.u32 s5  }
0x18f: {  	p3 =	seq.s32 s5, $0xFFFFFFFF;
	s4 =	smov.u32 @p2 s3  }
0x190: {  	s5 =	smov.u32 @p3 s2;
	s4 =	smov.u32 @p3 s3  }
0x191: {  	(v2sf) =	vpush v0, $0x0;
	_ =	sdelay $0x8  }
0x192: {  	s0 =	spop (v2sf)  }
0x193: {  	p1 =	sne.s32 s4, $0xFFFFFFFF;
	s2 =	smov.u32 s0  }
0x194: {  	s9 =	simm.s32 $0x6;
	p2 =	seq.s32 s0, $0xFFFFFFFF;
	s2 =	smov.u32 @p1 s4  }
0x195: {  	s6 =	simm.s32 $0x0;
	s2 =	smov.u32 @p2 s4;
	s3 =	spop (v2sf)  }
0x196: {  	s0 =	smov.u32 @p2 s5;
	p1 =	sne.s32 s2, $0xFFFFFFFF;
	s4 =	smov.u32 s3  }
.Ltmp24:
0x197: {  	p2 =	seq.s32 s3, $0xFFFFFFFF;
	s4 =	smov.u32 @p1 s2;
	(pc) =	sbr.rel .LBB3_26-.Ltmp24, $4  }
0x198: {  	s10 =	simm.s32 $0xF188;
	s4 =	smov.u32 @p2 s2;
	s7 =	spop (v2sf)  }
0x199: {  	s11 =	simm.s32 $0x0;
	p1 =	sne.s32 s4, $0xFFFFFFFF;
	s8 =	smov.u32 s7  }
0x19a: {  	s3 =	smov.u32 @p2 s0;
	p2 =	seq.s32 s7, $0xFFFFFFFF;
	s8 =	smov.u32 @p1 s4  }
0x19b: {  	[sflag:s9] =	ssyncpa.u1 $0x0;
	s7 =	smov.u32 @p2 s3;
	s8 =	smov.u32 @p2 s4  }
.LBB3_32:
0x19c: {  	p1 =	sgt.u32 s12, $0x70  }
0x19d: {  	p2 =	seq.s32 @!p1 s12, s8  }
0x19e: {  	p1 =	por p1, p2  }
0x19f: {  	p2 =	sne.s32 @!p1 s12, s7  }
0x1a0: {  	p1 =	por p1, !p2  }
0x1a1: {  	s0 =	sshll.u32 @p1 s11, $0x9  }
0x1a2: {  	s0 =	sand.u32 @!p1 $0x78, s12  }
0x1a3: {  	s2 =	sand.u32 @!p1 $0x7, s12;
	s0 =	sadd.s32 @!p1 s1, s0  }
0x1a4: {  	[tilespmem:s10], [sflag:$0x6] =	stream.linear.gather @!p1 [hbm4b:s0+s2], $0x80, $0x38;
	[tilespmem:$0x1F6F8] =	vst v63  }
0x1a5: {  	_ =	swait.ge @!p1 [sflag:s9], $0x80  }
0x1a6: {  	[sflag:s9] =	ssyncset.done @!p1 $0x0  }
0x1a7: {  	[sflag:s9] =	ssyncadd.s32 @!p1 $0xFFFFFF80  }
0x1a8: {  	v1 =	vld @!p1 [tilespmem:$0xF188];
	_ =	sdelay $0x2  }
0x1a9: {  	s0 =	sshll.u32 @!p1 s11, $0x9  }
0x1aa: {  	s2 =	sshrl.u32 @!p1 s0, $0x2  }
0x1ab: {  	[tilespmem:s2+$0xF238] =	vst.add.f32.msk @!p1 $0xffff, v1  }
0x1ac: {  	v1 =	vld @!p1 [tilespmem:$0xF198];
	_ =	sdelay $0x4  }
0x1ad: {  	[tilespmem:s2+$0xF248] =	vst.add.f32.msk @!p1 $0xffff, v1  }
0x1ae: {  	v1 =	vld @!p1 [tilespmem:$0xF1A8];
	_ =	sdelay $0x4  }
0x1af: {  	[tilespmem:s2+$0xF258] =	vst.add.f32.msk @!p1 $0xffff, v1  }
0x1b0: {  	v1 =	vld @!p1 [tilespmem:$0xF1B8];
	_ =	sdelay $0x4  }
0x1b1: {  	[tilespmem:s2+$0xF268] =	vst.add.f32.msk @!p1 $0xffff, v1  }
0x1b2: {  	v1 =	vld @!p1 [tilespmem:$0xF1C8];
	_ =	sdelay $0x4  }
0x1b3: {  	[tilespmem:s2+$0xF278] =	vst.add.f32.msk @!p1 $0xffff, v1  }
0x1b4: {  	v1 =	vld @!p1 [tilespmem:$0xF1D8];
	_ =	sdelay $0x4  }
0x1b5: {  	[tilespmem:s2+$0xF288] =	vst.add.f32.msk @!p1 $0xffff, v1  }
0x1b6: {  	v1 =	vld @!p1 [tilespmem:$0xF1E8];
	_ =	sdelay $0x4  }
0x1b7: {  	[tilespmem:s2+$0xF298] =	vst.add.f32.msk @!p1 $0xffff, v1  }
0x1b8: {  	v1 =	vld @!p1 [tilespmem:$0xF1F8];
	_ =	sdelay $0x4  }
0x1b9: {  	[tilespmem:s2+$0xF2A8] =	vst.add.f32.msk @!p1 $0xffff, v1  }
0x1ba: {  	s0 =	sshrl.u32 s0, $0x2;
	[tilespmem:s6+$0xF218] =	vst.msk $0x1, v0  }
0x1bb: {  	v0 =	vld [tilespmem:s0+$0xF238];
	_ =	sdelay $0x2  }
0x1bc: {  	s31 =	sshll.u32 s6, $0x9  }
0x1bd: {  	s2 =	sshra.s32 s31, $0x2  }
0x1be: {  	[tilespmem:s2+$0xF238] =	vst v0  }
0x1bf: {  	v0 =	vld [tilespmem:s0+$0xF248];
	_ =	sdelay $0x4  }
0x1c0: {  	[tilespmem:s2+$0xF248] =	vst v0  }
0x1c1: {  	v0 =	vld [tilespmem:s0+$0xF258];
	_ =	sdelay $0x4  }
0x1c2: {  	[tilespmem:s2+$0xF258] =	vst v0  }
0x1c3: {  	v0 =	vld [tilespmem:s0+$0xF268];
	_ =	sdelay $0x4  }
0x1c4: {  	[tilespmem:s2+$0xF268] =	vst v0  }
0x1c5: {  	v0 =	vld [tilespmem:s0+$0xF278];
	_ =	sdelay $0x4  }
0x1c6: {  	[tilespmem:s2+$0xF278] =	vst v0  }
0x1c7: {  	v0 =	vld [tilespmem:s0+$0xF288];
	_ =	sdelay $0x4  }
0x1c8: {  	[tilespmem:s2+$0xF288] =	vst v0  }
0x1c9: {  	v0 =	vld [tilespmem:s0+$0xF298];
	_ =	sdelay $0x4  }
0x1ca: {  	[tilespmem:s2+$0xF298] =	vst v0  }
0x1cb: {  	v0 =	vld [tilespmem:s0+$0xF2A8];
	_ =	sdelay $0x4  }
0x1cc: {  	s6 =	sadd.s32 $0x1, s6;
	[tilespmem:s2+$0xF2A8] =	vst v0  }
.LBB3_33:
0x1cd: {  	s11 =	sadd.s32 $0x1, s11  }
0x1ce: {  	p1 =	sne.s32 s11, $0x20  }
.Ltmp25:
0x1cf: {  	_ = 	snop;
	(pc) =	sbr.rel @!p1 .LBB3_34-.Ltmp25, $1  }
0x1d0: {  	_ =	sdelay $0x3  }
.LBB3_26:
0x1d1: {  	v0 =	vld.msk [tilespmem:s11+$0xF218], $0x1;
	_ =	sdelay $0x4  }
0x1d2: {  	(v2sf) =	vpush v0, $0x0;
	_ =	sdelay $0xe  }
0x1d3: {  	s12 =	spop (v2sf)  }
0x1d4: {  	p1 =	seq.s32 s12, $0xFFFFFFFF  }
.Ltmp26:
0x1d5: {  	_ = 	snop;
	(pc) =	sbr.rel @p1 .LBB3_33-.Ltmp26, $1  }
0x1d6: {  	_ =	sdelay $0x3  }
0x1d7: {  	p1 =	slt.s32 s6, $0x1  }
.Ltmp27:
0x1d8: {  	_ = 	snop;
	(pc) =	sbr.rel @p1 .LBB3_32-.Ltmp27, $1  }
0x1d9: {  	_ =	sdelay $0x3  }
0x1da: {  	s13 =	simm.s32 $0xF218;
	p1 =	por $0x0, $0x0  }
0x1db: {  	v1 =	vld.msk @!p1 [tilespmem:s13+$0x0], $0x1;
	_ =	sdelay $0x4  }
0x1dc: {  	(v2sf) =	vpush @!p1 v1, $0x0;
	_ =	sdelay $0xd  }
0x1dd: {  	p3 =	sne.s32 s6, $0x1  }
.Ltmp28:
0x1de: {  	s0 =	spop @!p1 (v2sf);
	(pc) =	sbr.rel @!p3 .LBB3_30-.Ltmp28, $4  }
0x1df: {  	p2 =	seq.s32 @!p1 s12, s0  }
0x1e0: {  	s14 =	simm.s32 $0x0;
	p2 =	por !p2, p1  }
0x1e1: {  	s2 =	simm.s32 $0xFFFFFFFF;
	s14 =	simm.s32 @p2 $0xFFFFFFFF  }
0x1e2: {  	s0 =	simm.s32 $0x1;
	s14 =	smov.u32 @p1 s2  }
.LBB3_29:
0x1e3: {  	s2 =	smov.u32 s14;
	p1 =	sne.s32 s14, $0xFFFFFFFF  }
0x1e4: {  	s13 =	sadd.s32 $0x1, s13;
	s14 =	smov.u32 s0;
	s0 =	sadd.s32 $0x1, s0  }
0x1e5: {  	p2 =	sne.s32 s6, s0;
	v1 =	vld.msk @!p1 [tilespmem:s13+$0x0], $0x1;
	_ =	sdelay $0x4  }
0x1e6: {  	(v2sf) =	vpush @!p1 v1, $0x0;
	_ =	sdelay $0xe  }
.Ltmp29:
0x1e7: {  	s3 =	spop @!p1 (v2sf);
	(pc) =	sbr.rel @p2 .LBB3_29-.Ltmp29, $4  }
0x1e8: {  	p3 =	seq.s32 @!p1 s12, s3  }
0x1e9: {  	p3 =	por !p3, p1  }
0x1ea: {  	s14 =	simm.s32 @p3 $0xFFFFFFFF  }
0x1eb: {  	s14 =	smov.u32 @p1 s2  }
.LBB3_30:
0x1ec: {  	p1 =	seq.s32 s14, $0xFFFFFFFF  }
.Ltmp30:
0x1ed: {  	_ = 	snop;
	(pc) =	sbr.rel @p1 .LBB3_32-.Ltmp30, $1  }
0x1ee: {  	_ =	sdelay $0x3  }
0x1ef: {  	s0 =	sshll.u32 s11, $0x7  }
0x1f0: {  	s0 =	sand.u32 $0x3FFFFF80, s0  }
0x1f1: {  	v0 =	vld [tilespmem:s0+$0xF238];
	_ =	sdelay $0x2  }
0x1f2: {  	s2 =	sshll.u32 s14, $0x9  }
0x1f3: {  	s2 =	sshra.s32 s2, $0x2  }
0x1f4: {  	[tilespmem:s2+$0xF238] =	vst.add.f32.msk $0xffff, v0  }
0x1f5: {  	v0 =	vld [tilespmem:s0+$0xF248];
	_ =	sdelay $0x4  }
0x1f6: {  	[tilespmem:s2+$0xF248] =	vst.add.f32.msk $0xffff, v0  }
0x1f7: {  	v0 =	vld [tilespmem:s0+$0xF258];
	_ =	sdelay $0x4  }
0x1f8: {  	[tilespmem:s2+$0xF258] =	vst.add.f32.msk $0xffff, v0  }
0x1f9: {  	v0 =	vld [tilespmem:s0+$0xF268];
	_ =	sdelay $0x4  }
0x1fa: {  	[tilespmem:s2+$0xF268] =	vst.add.f32.msk $0xffff, v0  }
0x1fb: {  	v0 =	vld [tilespmem:s0+$0xF278];
	_ =	sdelay $0x4  }
0x1fc: {  	[tilespmem:s2+$0xF278] =	vst.add.f32.msk $0xffff, v0  }
0x1fd: {  	v0 =	vld [tilespmem:s0+$0xF288];
	_ =	sdelay $0x4  }
0x1fe: {  	[tilespmem:s2+$0xF288] =	vst.add.f32.msk $0xffff, v0  }
0x1ff: {  	v0 =	vld [tilespmem:s0+$0xF298];
	_ =	sdelay $0x4  }
0x200: {  	[tilespmem:s2+$0xF298] =	vst.add.f32.msk $0xffff, v0  }
0x201: {  	v0 =	vld [tilespmem:s0+$0xF2A8]  }
.Ltmp31:
0x202: {  	_ = 	snop;
	(pc) =	sbr.rel .LBB3_33-.Ltmp31, $2  }
0x203: {  	_ =	sdelay $0x2  }
0x204: {  	[tilespmem:s2+$0xF2A8] =	vst.add.f32.msk $0xffff, v0  }
.LBB3_34:
0x205: {  	s0 =	simm.s32 $0x6;
	p1 =	seq.s32 s6, $0x0  }
0x206: {  	[sflag:s0] =	ssyncpa.u1 $0x1;
	v0 =	vimm.s32 @p1 $0xFFFFFFFF  }
0x207: {  	s9 =	sadd.s32 $0xFFFFFFFF, s6;
	[tilespmem:$0x10238] =	vst @p1 v0  }
0x208: {  	v0 =	vld.msk @!p1 [tilespmem:s9+$0xF218], $0x1;
	_ =	sdelay $0x1  }
0x209: {  	v1 =	vld.msk @!p1 [tilespmem:$0xF218], $0x1;
	_ =	sdelay $0x2  }
0x20a: {  	p2 =	seq.s32 @!p1 s9, $0x0;
	v0 =	vbroadcast @!p1 v0, $0x0  }
0x20b: {  	vm0 =	vmmov @!p1 $0x1;
	p2 =	por !p2, p1  }
0x20c: {  	v1 =	vnsel @!p1 vm0, $0xFFFFFFFF, v1;
	vm0 =	vcmask @!p1 $0x308;
	v0 =	vpsel !p2, $0xFFFFFFFF, v0  }
0x20d: {  	p2 =	sne.s32 @!p1 s8, s7;
	v0 =	vsel @!p1 vm0, v1, v0  }
0x20e: {  	s0 =	simm.s32 @!p1 $0xF238;
	s2 =	simm.s32 @!p1 $0x0;
	p3 =	por !p2, p1;
	[tilespmem:$0x10238] =	vst @!p1 v0  }
0x20f: {  	[spmem:s2] =	stream.linear.scatter @!p1 [tilespmem:s0], [sflag:$0x1], $0x80, $0x38;
	[tilespmem:$0x1F6F8] =	vst v63  }
0x210: {  	s0 =	sshll.u32 @!p3 s9, $0x9  }
0x211: {  	s0 =	sshra.s32 @!p3 s0, $0x2  }
0x212: {  	s2 =	simm.s32 @!p3 $0x80;
	s0 =	sadd.s32 @!p3 $0xF238, s0  }
0x213: {  	[spmem:s2] =	stream.linear.scatter @!p3 [tilespmem:s0], [sflag:$0x1], $0x80, $0x38;
	[tilespmem:$0x1F6F8] =	vst v63  }
0x214: {  	s0 =	simm.s32 @!p3 $0x1  }
0x215: {  	_ =	swait.ge @!p3 [sflag:s0], $0x100  }
0x216: {  	p1 =	por p2, p1;
	[sflag:s0] =	ssyncset.done @!p3 $0x0  }
0x217: {  	[sflag:s0] =	ssyncadd.s32 @!p3 $0xFFFFFF00;
	s0 =	simm.s32 @!p1 $0x1  }
0x218: {  	_ =	swait.ge @!p1 [sflag:s0], $0x80  }
0x219: {  	s29 =	simm.s32 $0x10238;
	[sflag:s0] =	ssyncset.done @!p1 $0x0  }
0x21a: {  	s30 =	simm.s32 $0x1000;
	s31 =	simm.s32 $0x1;
	[sflag:s0] =	ssyncadd.s32 @!p1 $0xFFFFFF80  }
0x21b: {  	[spmem:s30] =	stream.linear.scatter [tilespmem:s29], [sflag:$0x1], $0x10, $0x38;
	[tilespmem:$0x1F6F8] =	vst v63  }
0x21c: {  	_ =	swait.ge [sflag:s31], $0x10  }
0x21d: {  	[sflag:s31] =	ssyncset.done $0x0  }
0x21e: {  	p1 =	seq.s32 s15, $0x0;
	s8 =	rddreg [dreg:$0x2];
	[sflag:s31] =	ssyncadd.s32 $0xFFFFFFF0  }
0x21f: {  	s2 =	sshll.u32 @p1 s8, $0xE;
	s7 =	rddreg [dreg:$0x3]  }
0x220: {  	s0 =	sadd.s32 @p1 $0x15C3C, s2;
	s2 =	sshll.u32 @p1 s7, $0x11  }
0x221: {  	_ =	sfence.stream.spmem;
	s0 =	sor.u32 @p1 s2, s0  }
0x222: {  	[sflag:s0] =	ssyncadd.remote.s32 @p1 $0x1;
	s0 =	simm.s32 @p1 $0x4  }
0x223: {  	s3 =	simm.s32 @!p1 $0x3C;
	s2 =	sand.u32 $0xFFFFFFFE, s8;
	_ =	swait.ge @p1 [sflag:s0], $0x22  }
0x224: {  	s4 =	simm.s32 @!p1 $0x0;
	s2 =	sadd.s32 @!p1 $0x4, s2;
	[sflag:s0] =	ssyncset.done @p1 $0x0  }
0x225: {  	s5 =	simm.s32 @!p1 $0x100;
	[sflag:s0] =	ssyncadd.s32 @p1 $0xFFFFFFDE;
	s0 =	sshll.u32 @!p1 s2, $0x1A  }
0x226: {  	s2 =	sshll.u32 @!p1 s2, $0xD;
	s0 =	sor.u32 @!p1 s0, s7;
	_ =	swait.eq @!p1 [sflag:s3], $0x1  }
0x227: {  	s2 =	sor.u32 @!p1 $0x1C04, s2;
	s3 =	simm.s32 @!p1 $0x1C03;
	s0 =	sor.u32 @!p1 $0x80004000, s0  }
0x228: {  	[spmem:s5], [sflag:s2] =	dma.general @!p1 [spmem:s4], [sflag:s3], length:$0x20, [dreg:$0x0], stride_count:$0x0, ici_dest:s0, dma_misc:DstOpCode:WRITE  }
0x229: {  	p2 =	slt.s32 s9, $0x2;
	s4 =	simm.s32 @!p1 $0x200;
	s5 =	simm.s32 @!p1 $0x202  }
0x22a: {  	[spmem:s5], [sflag:s2] =	dma.general @!p1 [spmem:s4], [sflag:s3], length:$0x2, [dreg:$0x0], stride_count:$0x0, ici_dest:s0, dma_misc:DstOpCode:WRITE  }
.Ltmp32:
0x22b: {  	s0 =	simm.s32 @!p1 $0x3;
	(pc) =	sbr.rel @p2 .LBB3_38-.Ltmp32, $4  }
0x22c: {  	s2 =	sshll.u32 @!p1 s8, $0xE;
	_ =	swait.ge @!p1 [sflag:s0], $0x22  }
0x22d: {  	s3 =	sshll.u32 @!p1 s7, $0x11;
	s2 =	sadd.s32 @!p1 $0x11C3C, s2;
	[sflag:s0] =	ssyncset.done @!p1 $0x0  }
0x22e: {  	[sflag:s0] =	ssyncadd.s32 @!p1 $0xFFFFFFDE;
	s0 =	sor.u32 @!p1 s3, s2  }
0x22f: {  	[sflag:s0] =	ssyncadd.remote.s32 @!p1 $0xFFFFFFFF;
	s0 =	simm.s32 $0x0  }
0x230: {  	s0 =	simm.s32 $0xF219  }
0x231: {  	v0 =	vld.msk [tilespmem:s0+$0x0], $0x1;
	_ =	sdelay $0x4  }
0x232: {  	(v2sf) =	vpush v0, $0x0;
	_ =	sdelay $0xb  }
0x233: {  	s31 =	sadd.s32 $0xFFFFFFFE, s6  }
0x234: {  	s0 =	sadd.s32 $0xFFFFFFFF, s31  }
0x235: {  	p2 =	sne.s32 s0, $0x0  }
.Ltmp33:
0x236: {  	s2 =	spop (v2sf);
	(pc) =	sbr.rel @!p2 .LBB3_37-.Ltmp33, $4  }
0x237: {  	s4 =	simm.s32 $0xF2B8;
	s7 =	simm.s32 $0x0;
	p1 =	sgt.u32 s2, $0x70  }
0x238: {  	s5 =	simm.s32 $0x0;
	s6 =	simm.s32 $0xF21A;
	s3 =	sand.u32 @!p1 $0x78, s2  }
0x239: {  	s2 =	sand.u32 @!p1 $0x7, s2;
	s7 =	simm.s32 @!p1 $0x200;
	s3 =	sadd.s32 @!p1 s1, s3  }
0x23a: {  	[hbm4b:s3+s2] =	stream.linear.scatter @!p1 [tilespmem:s4], [sflag:$0x5], $0x80, $0x38;
	[tilespmem:$0x1F6F8] =	vst v63  }
.LBB3_36:
0x23b: {  	v0 =	vld.msk [tilespmem:s6+$0x0], $0x1;
	s0 =	sadd.s32 $0xFFFFFFFF, s0;
	s5 =	sadd.s32 s5, s7  }
0x23c: {  	p1 =	sne.s32 s0, $0x0;
	_ =	sdelay $0x3  }
0x23d: {  	(v2sf) =	vpush v0, $0x0;
	_ =	sdelay $0xe  }
.Ltmp34:
0x23e: {  	s2 =	spop (v2sf);
	(pc) =	sbr.rel @p1 .LBB3_36-.Ltmp34, $4  }
0x23f: {  	s7 =	simm.s32 $0x0;
	p2 =	sgt.u32 s2, $0x70  }
0x240: {  	s4 =	sadd.s32 $0x80, s4;
	s7 =	simm.s32 @!p2 $0x200;
	s3 =	sand.u32 @!p2 $0x78, s2  }
0x241: {  	s6 =	sadd.s32 $0x1, s6;
	s2 =	sand.u32 @!p2 $0x7, s2;
	s3 =	sadd.s32 @!p2 s1, s3  }
0x242: {  	[hbm4b:s3+s2] =	stream.linear.scatter @!p2 [tilespmem:s4], [sflag:$0x5], $0x80, $0x38;
	[tilespmem:$0x1F6F8] =	vst v63  }
.LBB3_37:
0x243: {  	s0 =	sadd.s32 s5, s7  }
0x244: {  	s0 =	sshrl.u32 s0, $0x2  }
.LBB3_38:
0x245: {  	s2 =	simm.s32 $0x5  }
0x246: {  	_ =	swait.ge [sflag:s2], s0  }
0x247: {  	s31 =	ssub.s32 $0x0, s0;
	[sflag:s2] =	ssyncset.done $0x0  }
0x248: {  	[sflag:s2] =	ssyncadd.s32 s31  }
0x249: {  	[sflag:s2] =	ssyncpa.u1 $0x1  }
.LBB3_39:
0x24a: {  	s0 =	sor.u32 s15, s16  }
0x24b: {  	p1 =	sne.s32 s0, $0x0  }
.Ltmp35:
0x24c: {  	_ = 	snop;
	(pc) =	sbr.rel @p1 .LBB3_54-.Ltmp35, $3  }
0x24d: {  	_ =	sdelay $0x1  }
0x24e: {  	[bflag:$0x0] =	sbarrier.arrive $0xFFFF  }
0x24f: {  	_ =	sfence  }
0x250: {  	s0 =	simm.s32 $0x7  }
0x251: {  	s2 =	simm.s32 $0x1000;
	s3 =	simm.s32 $0xF218;
	[sflag:s0] =	ssyncpa.u1 $0x0  }
0x252: {  	[tilespmem:s3], [sflag:$0x7] =	stream.linear.gather [spmem:s2], $0x20, $0x38;
	[tilespmem:$0x1F6F8] =	vst v63  }
0x253: {  	s30 =	simm.s32 $0xF238;
	s2 =	simm.s32 $0x0  }
0x254: {  	[tilespmem:s30], [sflag:$0x7] =	stream.linear.gather [spmem:s2], $0x1000, $0x38;
	[tilespmem:$0x1F6F8] =	vst v63  }
.Ltmp36:
0x255: {  	_ = 	snop;
	(pc) =	sbr.rel .LBB3_41-.Ltmp36, $4  }
0x256: {  	_ =	swait.ge [sflag:s0], $0x1020  }
0x257: {  	[sflag:s0] =	ssyncset.done $0x0  }
0x258: {  	s31 =	simm.s32 $0x8;
	[sflag:s0] =	ssyncadd.s32 $0xFFFFEFE0  }
0x259: {  	s3 =	simm.s32 $0x0;
	[sflag:s31] =	ssyncpa.u1 $0x0  }
.LBB3_47:
0x25a: {  	p1 =	slt.u32 s4, $0x71  }
0x25b: {  	s0 =	sand.u32 @p1 $0x78, s4  }
0x25c: {  	s4 =	sand.u32 @p1 $0x7, s4;
	s5 =	simm.s32 @p1 $0xF188;
	s0 =	sadd.s32 @p1 s1, s0  }
0x25d: {  	[tilespmem:s5], [sflag:$0x8] =	stream.linear.gather @p1 [hbm4b:s0+s4], $0x80, $0x38;
	[tilespmem:$0x1F6F8] =	vst v63  }
0x25e: {  	s0 =	simm.s32 @p1 $0x8  }
0x25f: {  	_ =	swait.ge @p1 [sflag:s0], $0x80  }
0x260: {  	[sflag:s0] =	ssyncset.done @p1 $0x0  }
0x261: {  	[sflag:s0] =	ssyncadd.s32 @p1 $0xFFFFFF80  }
0x262: {  	v1 =	vld @p1 [tilespmem:$0xF188];
	_ =	sdelay $0x2  }
0x263: {  	s0 =	sshll.u32 @p1 s3, $0x9  }
0x264: {  	s4 =	sshrl.u32 @p1 s0, $0x2  }
0x265: {  	[tilespmem:s4+$0xF238] =	vst.add.f32.msk @p1 $0xffff, v1  }
0x266: {  	v1 =	vld @p1 [tilespmem:$0xF198];
	_ =	sdelay $0x4  }
0x267: {  	[tilespmem:s4+$0xF248] =	vst.add.f32.msk @p1 $0xffff, v1  }
0x268: {  	v1 =	vld @p1 [tilespmem:$0xF1A8];
	_ =	sdelay $0x4  }
0x269: {  	[tilespmem:s4+$0xF258] =	vst.add.f32.msk @p1 $0xffff, v1  }
0x26a: {  	v1 =	vld @p1 [tilespmem:$0xF1B8];
	_ =	sdelay $0x4  }
0x26b: {  	[tilespmem:s4+$0xF268] =	vst.add.f32.msk @p1 $0xffff, v1  }
0x26c: {  	v1 =	vld @p1 [tilespmem:$0xF1C8];
	_ =	sdelay $0x4  }
0x26d: {  	[tilespmem:s4+$0xF278] =	vst.add.f32.msk @p1 $0xffff, v1  }
0x26e: {  	v1 =	vld @p1 [tilespmem:$0xF1D8];
	_ =	sdelay $0x4  }
0x26f: {  	[tilespmem:s4+$0xF288] =	vst.add.f32.msk @p1 $0xffff, v1  }
0x270: {  	v1 =	vld @p1 [tilespmem:$0xF1E8];
	_ =	sdelay $0x4  }
0x271: {  	[tilespmem:s4+$0xF298] =	vst.add.f32.msk @p1 $0xffff, v1  }
0x272: {  	v1 =	vld @p1 [tilespmem:$0xF1F8];
	_ =	sdelay $0x3  }
0x273: {  	s5 =	sshll.u32 @!p1 s3, $0x9  }
0x274: {  	s5 =	smov.u32 @p1 s0;
	[tilespmem:s4+$0xF2A8] =	vst.add.f32.msk @p1 $0xffff, v1  }
0x275: {  	s0 =	sshrl.u32 s5, $0x2;
	[tilespmem:s2+$0xF218] =	vst.msk $0x1, v0  }
0x276: {  	v0 =	vld [tilespmem:s0+$0xF238];
	_ =	sdelay $0x2  }
0x277: {  	s31 =	sshll.u32 s2, $0x9  }
0x278: {  	s4 =	sshra.s32 s31, $0x2  }
0x279: {  	[tilespmem:s4+$0xF238] =	vst v0  }
0x27a: {  	v0 =	vld [tilespmem:s0+$0xF248];
	_ =	sdelay $0x4  }
0x27b: {  	[tilespmem:s4+$0xF248] =	vst v0  }
0x27c: {  	v0 =	vld [tilespmem:s0+$0xF258];
	_ =	sdelay $0x4  }
0x27d: {  	[tilespmem:s4+$0xF258] =	vst v0  }
0x27e: {  	v0 =	vld [tilespmem:s0+$0xF268];
	_ =	sdelay $0x4  }
0x27f: {  	[tilespmem:s4+$0xF268] =	vst v0  }
0x280: {  	v0 =	vld [tilespmem:s0+$0xF278];
	_ =	sdelay $0x4  }
0x281: {  	[tilespmem:s4+$0xF278] =	vst v0  }
0x282: {  	v0 =	vld [tilespmem:s0+$0xF288];
	_ =	sdelay $0x4  }
0x283: {  	[tilespmem:s4+$0xF288] =	vst v0  }
0x284: {  	v0 =	vld [tilespmem:s0+$0xF298];
	_ =	sdelay $0x4  }
0x285: {  	[tilespmem:s4+$0xF298] =	vst v0  }
0x286: {  	v0 =	vld [tilespmem:s0+$0xF2A8];
	_ =	sdelay $0x4  }
0x287: {  	s2 =	sadd.s32 $0x1, s2;
	[tilespmem:s4+$0xF2A8] =	vst v0  }
.LBB3_48:
0x288: {  	s3 =	sadd.s32 $0x1, s3  }
0x289: {  	p1 =	sne.s32 s3, $0x20  }
.Ltmp37:
0x28a: {  	_ = 	snop;
	(pc) =	sbr.rel @!p1 .LBB3_49-.Ltmp37, $1  }
0x28b: {  	_ =	sdelay $0x3  }
.LBB3_41:
0x28c: {  	v0 =	vld.msk [tilespmem:s3+$0xF218], $0x1;
	_ =	sdelay $0x4  }
0x28d: {  	(v2sf) =	vpush v0, $0x0;
	_ =	sdelay $0xe  }
0x28e: {  	s4 =	spop (v2sf)  }
0x28f: {  	p1 =	seq.s32 s4, $0xFFFFFFFF  }
.Ltmp38:
0x290: {  	_ = 	snop;
	(pc) =	sbr.rel @p1 .LBB3_48-.Ltmp38, $1  }
0x291: {  	_ =	sdelay $0x3  }
0x292: {  	p1 =	slt.s32 s2, $0x1  }
.Ltmp39:
0x293: {  	_ = 	snop;
	(pc) =	sbr.rel @p1 .LBB3_47-.Ltmp39, $1  }
0x294: {  	_ =	sdelay $0x3  }
0x295: {  	s5 =	simm.s32 $0xF218;
	p1 =	por $0x0, $0x0  }
0x296: {  	v1 =	vld.msk @!p1 [tilespmem:s5+$0x0], $0x1;
	_ =	sdelay $0x4  }
0x297: {  	(v2sf) =	vpush @!p1 v1, $0x0;
	_ =	sdelay $0xd  }
0x298: {  	p3 =	sne.s32 s2, $0x1  }
.Ltmp40:
0x299: {  	s0 =	spop @!p1 (v2sf);
	(pc) =	sbr.rel @!p3 .LBB3_45-.Ltmp40, $4  }
0x29a: {  	p2 =	seq.s32 @!p1 s4, s0  }
0x29b: {  	s6 =	simm.s32 $0x0;
	p2 =	por !p2, p1  }
0x29c: {  	s7 =	simm.s32 $0xFFFFFFFF;
	s6 =	simm.s32 @p2 $0xFFFFFFFF  }
0x29d: {  	s0 =	simm.s32 $0x1;
	s6 =	smov.u32 @p1 s7  }
.LBB3_44:
0x29e: {  	s7 =	smov.u32 s6;
	p1 =	sne.s32 s6, $0xFFFFFFFF  }
0x29f: {  	s5 =	sadd.s32 $0x1, s5;
	s6 =	smov.u32 s0;
	s0 =	sadd.s32 $0x1, s0  }
0x2a0: {  	p2 =	sne.s32 s2, s0;
	v1 =	vld.msk @!p1 [tilespmem:s5+$0x0], $0x1;
	_ =	sdelay $0x4  }
0x2a1: {  	(v2sf) =	vpush @!p1 v1, $0x0;
	_ =	sdelay $0xe  }
.Ltmp41:
0x2a2: {  	s8 =	spop @!p1 (v2sf);
	(pc) =	sbr.rel @p2 .LBB3_44-.Ltmp41, $4  }
0x2a3: {  	p3 =	seq.s32 @!p1 s4, s8  }
0x2a4: {  	p3 =	por !p3, p1  }
0x2a5: {  	s6 =	simm.s32 @p3 $0xFFFFFFFF  }
0x2a6: {  	s6 =	smov.u32 @p1 s7  }
.LBB3_45:
0x2a7: {  	p1 =	seq.s32 s6, $0xFFFFFFFF  }
.Ltmp42:
0x2a8: {  	_ = 	snop;
	(pc) =	sbr.rel @p1 .LBB3_47-.Ltmp42, $1  }
0x2a9: {  	_ =	sdelay $0x3  }
0x2aa: {  	s0 =	sshll.u32 s3, $0x7  }
0x2ab: {  	s0 =	sand.u32 $0x3FFFFF80, s0  }
0x2ac: {  	v0 =	vld [tilespmem:s0+$0xF238];
	_ =	sdelay $0x2  }
0x2ad: {  	s4 =	sshll.u32 s6, $0x9  }
0x2ae: {  	s4 =	sshra.s32 s4, $0x2  }
0x2af: {  	[tilespmem:s4+$0xF238] =	vst.add.f32.msk $0xffff, v0  }
0x2b0: {  	v0 =	vld [tilespmem:s0+$0xF248];
	_ =	sdelay $0x4  }
0x2b1: {  	[tilespmem:s4+$0xF248] =	vst.add.f32.msk $0xffff, v0  }
0x2b2: {  	v0 =	vld [tilespmem:s0+$0xF258];
	_ =	sdelay $0x4  }
0x2b3: {  	[tilespmem:s4+$0xF258] =	vst.add.f32.msk $0xffff, v0  }
0x2b4: {  	v0 =	vld [tilespmem:s0+$0xF268];
	_ =	sdelay $0x4  }
0x2b5: {  	[tilespmem:s4+$0xF268] =	vst.add.f32.msk $0xffff, v0  }
0x2b6: {  	v0 =	vld [tilespmem:s0+$0xF278];
	_ =	sdelay $0x4  }
0x2b7: {  	[tilespmem:s4+$0xF278] =	vst.add.f32.msk $0xffff, v0  }
0x2b8: {  	v0 =	vld [tilespmem:s0+$0xF288];
	_ =	sdelay $0x4  }
0x2b9: {  	[tilespmem:s4+$0xF288] =	vst.add.f32.msk $0xffff, v0  }
0x2ba: {  	v0 =	vld [tilespmem:s0+$0xF298];
	_ =	sdelay $0x4  }
0x2bb: {  	[tilespmem:s4+$0xF298] =	vst.add.f32.msk $0xffff, v0  }
0x2bc: {  	v0 =	vld [tilespmem:s0+$0xF2A8]  }
.Ltmp43:
0x2bd: {  	_ = 	snop;
	(pc) =	sbr.rel .LBB3_48-.Ltmp43, $2  }
0x2be: {  	_ =	sdelay $0x2  }
0x2bf: {  	[tilespmem:s4+$0xF2A8] =	vst.add.f32.msk $0xffff, v0  }
.LBB3_49:
0x2c0: {  	p1 =	slt.s32 s2, $0x1  }
.Ltmp44:
0x2c1: {  	_ = 	snop;
	(pc) =	sbr.rel @p1 .LBB3_53-.Ltmp44, $3  }
0x2c2: {  	_ =	sdelay $0x1  }
0x2c3: {  	s0 =	simm.s32 $0x8  }
0x2c4: {  	s3 =	simm.s32 $0x0;
	[sflag:s0] =	ssyncpa.u1 $0x1  }
0x2c5: {  	s0 =	simm.s32 $0xF218  }
0x2c6: {  	v0 =	vld.msk [tilespmem:s0+$0x0], $0x1;
	_ =	sdelay $0x4  }
0x2c7: {  	(v2sf) =	vpush v0, $0x0;
	_ =	sdelay $0xe  }
0x2c8: {  	s0 =	sadd.s32 $0xFFFFFFFF, s2;
	s5 =	spop (v2sf)  }
0x2c9: {  	p2 =	sne.s32 s0, $0x0;
	p1 =	sgt.u32 s5, $0x70  }
.Ltmp45:
0x2ca: {  	s6 =	sand.u32 @!p1 $0x78, s5;
	(pc) =	sbr.rel @!p2 .LBB3_52-.Ltmp45, $4  }
0x2cb: {  	s4 =	simm.s32 $0xF238;
	s5 =	sand.u32 @!p1 $0x7, s5;
	s2 =	sadd.s32 @!p1 s1, s6  }
0x2cc: {  	[hbm4b:s2+s5] =	stream.linear.scatter @!p1 [tilespmem:s4], [sflag:$0x7], $0x80, $0x38;
	[tilespmem:$0x1F6F8] =	vst v63  }
0x2cd: {  	s5 =	simm.s32 $0x0  }
0x2ce: {  	s2 =	simm.s32 $0xF219;
	s5 =	simm.s32 @!p1 $0x200  }
.LBB3_51:
0x2cf: {  	v0 =	vld.msk [tilespmem:s2+$0x0], $0x1;
	s0 =	sadd.s32 $0xFFFFFFFF, s0;
	s3 =	sadd.s32 s3, s5  }
0x2d0: {  	p1 =	sne.s32 s0, $0x0;
	_ =	sdelay $0x3  }
0x2d1: {  	(v2sf) =	vpush v0, $0x0;
	_ =	sdelay $0xe  }
.Ltmp46:
0x2d2: {  	s6 =	spop (v2sf);
	(pc) =	sbr.rel @p1 .LBB3_51-.Ltmp46, $4  }
0x2d3: {  	s5 =	simm.s32 $0x0;
	p2 =	sgt.u32 s6, $0x70  }
0x2d4: {  	s4 =	sadd.s32 $0x80, s4;
	s5 =	simm.s32 @!p2 $0x200;
	s7 =	sand.u32 @!p2 $0x78, s6  }
0x2d5: {  	s2 =	sadd.s32 $0x1, s2;
	s6 =	sand.u32 @!p2 $0x7, s6;
	s7 =	sadd.s32 @!p2 s1, s7  }
0x2d6: {  	[hbm4b:s7+s6] =	stream.linear.scatter @!p2 [tilespmem:s4], [sflag:$0x7], $0x80, $0x38;
	[tilespmem:$0x1F6F8] =	vst v63  }
.LBB3_52:
0x2d7: {  	s0 =	sadd.s32 s3, s5  }
0x2d8: {  	s3 =	sshrl.u32 s0, $0x2  }
.LBB3_53:
0x2d9: {  	s0 =	simm.s32 $0x7  }
0x2da: {  	_ =	swait.ge [sflag:s0], s3  }
0x2db: {  	s1 =	ssub.s32 $0x0, s3;
	[sflag:s0] =	ssyncset.done $0x0  }
0x2dc: {  	[sflag:s0] =	ssyncadd.s32 s1  }
0x2dd: {  	[sflag:s0] =	ssyncpa.u1 $0x1  }
.LBB3_54:
0x2de: {  	_ =	sfence;
	s0 =	simm.s32 $0x1  }
0x2df: {  	[sflag:s0] =	ssyncpa.u1 $0x1  }
0x2e0: {  	_ =	strace $0x90000056  }
0x2e1: {  	[bflag:$0x2] =	sbarrier.arrive $0xFFFF  }
0x2e2: {  	s0 =	rddreg [dreg:$0x4]  }
0x2e3: {  	s0 =	sadd.s32 @!p0 $0x100000, s0  }
0x2e4: {  	[sflag:s0] =	ssyncadd.tile.s32 @!p0 $0x1;
	_ =	shalt  }
.Lfunc_end3:
_tile_overlayer_lowered:
.L_overlay_start_3:
0x2e5: {  	(tag) =	ssettag $0x3  }
0x2e6: {  	s0 =	rddreg [dreg:$0x0];
	s2 =	stileid.u32  }
0x2e7: {  	s1 =	rddreg [dreg:$0x1];
	p0 =	sne.s32 s2, $0x0  }
0x2e8: {  	s3 =	rddreg [dreg:$0x2];
	[bflag:$0x3] =	sbarrier.arrive $0xFFFF;
	s2 =	simm.s32 @!p0 $0x1C01  }
0x2e9: {  	[timem:s3], [sflag:s2] =	dma.local @!p0 [hbm:s0], s1  }
0x2ea: {  	s0 =	simm.s32 @!p0 $0x1  }
0x2eb: {  	_ =	swait.ge @!p0 [sflag:s0], s1  }
0x2ec: {  	s1 =	ssub.s32 @!p0 $0x0, s1;
	[sflag:s0] =	ssyncset.done @!p0 $0x0  }
0x2ed: {  	[sflag:s0] =	ssyncadd.s32 @!p0 s1  }
0x2ee: {  	[bflag:$0x3] =	sbarrier.arrive $0xFFFF  }
0x2ef: {  	_ =	shalt  }

// kernel: scatter_offload_async_start.3
scs
__scs_entry_jumppad:
0x0: {  	(pc) =	sbr.rel $0x88, $3  }
0x1: {  	(tag) =	ssettag $0x0;
	lr =	simm.s32 $0x1  }
0x2: {  	[smem:$0x3F92] =	sst lr;
	_ =	strace $0xD0000000  }
0x3: {  	_ = 	snop  }
0x4: {  	_ = 	snop  }
0x5: {  	_ = 	snop  }
0x6: {  	_ = 	snop  }
0x7: {  	_ = 	snop  }
__scs_overlays_trampoline_lowered:
0x8: {  	[smem:$0x3FA1] =	sst s0  }
0x9: {  	[smem:$0x3FA2] =	sst s1  }
0xa: {  	[smem:$0x3FA3] =	sst s2  }
0xb: {  	[smem:$0x3FA4] =	sst s3  }
0xc: {  	[smem:$0x3FA5] =	sst s4  }
0xd: {  	[smem:$0x3FA6] =	sst s5  }
0xe: {  	[smem:$0x3FA7] =	sst s6  }
0xf: {  	[smem:$0x3FA8] =	sst s7  }
0x10: {  	[smem:$0x3FA9] =	sst s8  }
0x11: {  	[smem:$0x3FAA] =	sst s9;
	s0 =	simm.s32 @!p0 $0x0  }
0x12: {  	s1 =	sld [smem:$0x3F90];
	s0 =	simm.s32 @p0 $0x1  }
0x13: {  	[smem:$0x3FAB] =	sst s0;
	s0 =	simm.s32 @!p1 $0x0  }
0x14: {  	s2 =	sld [smem:$0x3F8F];
	s0 =	simm.s32 @p1 $0x1  }
0x15: {  	[smem:$0x3FAC] =	sst s0;
	s0 =	simm.s32 @!p2 $0x0  }
0x16: {  	s3 =	sld [smem:$0x3FDB];
	s0 =	simm.s32 @p2 $0x1  }
0x17: {  	s4 =	simm.s32 $0x1BF5;
	[smem:$0x3FAE] =	sst s0  }
0x18: {  	s0 =	sld [smem:$0x3F91];
	_ =	swait.ge [sflag:s4], $0x0  }
0x19: {  	s7 =	sld [smem:$0x3F92]  }
0x1a: {  	s8 =	sadd.s32 $0xFFFFE003, lr  }
0x1b: {  	s9 =	sadd.s32 $0xFFFFFEF7, lr;
	s5 =	simm.s32 $0xFFFFFFFF;
	p2 =	slt.u32 s8, $0xFFFFF086  }
0x1c: {  	p1 =	slt.u32 s9, $0xF7A;
	s5 =	simm.s32 @!p2 $0x0  }
0x1d: {  	s5 =	simm.s32 @p1 $0x1;
	p0 =	seq.s32 s7, s2  }
0x1e: {  	s7 =	smul.u32 @!p0 $0xF7A, s2;
	p2 =	seq.s32 @!p0 s5, $0x0  }
0x1f: {  	s9 =	smul.u32 $0xF7A, s1;
	s8 =	simm.s32 @!p0 $0x1BF5;
	p2 =	por !p2, p0  }
0x20: {  	[sflag:s8] =	ssyncset.s32 @!p0 $0xFFFFF086;
	s6 =	sadd.s32 @!p0 s3, s7;
	s7 =	simm.s32 @!p0 $0x108  }
0x21: {  	s3 =	sadd.s32 s3, s9;
	s6 =	sadd.s32 @!p0 $0x88, s6;
	s7 =	simm.s32 @p2 $0x1082  }
0x22: {  	[simem:s7], [sflag:s8] =	dma.local @!p0 [hbm:s6], $0xF7A  }
0x23: {  	s9 =	sor.u32 $0xD0000000, s2;
	s6 =	simm.s32 $0x108;
	_ =	swait.ge @!p0 [sflag:s8], $0x0  }
0x24: {  	s3 =	sadd.s32 $0x88, s3;
	s6 =	simm.s32 @!p1 $0x1082;
	[sflag:s4] =	ssyncset.s32 $0xFFFFF086  }
0x25: {  	[simem:s6], [sflag:s4] =	dma.local [hbm:s3], $0xF7A  }
0x26: {  	[smem:$0x3F92] =	sst s1;
	(tag) =	ssettag s2;
	_ =	strace s9  }
0x27: {  	s1 =	sld [smem:$0x3FA2]  }
0x28: {  	s2 =	sld [smem:$0x3FA3]  }
0x29: {  	s4 =	sld [smem:$0x3FA5]  }
0x2a: {  	p0 =	seq.s32 s5, $0x0;
	s5 =	sld [smem:$0x3FA6]  }
0x2b: {  	s6 =	sld [smem:$0x3FA7]  }
0x2c: {  	s7 =	sld [smem:$0x3FA8]  }
0x2d: {  	s3 =	simm.s32 $0x108;
	s8 =	sld [smem:$0x3FA9]  }
0x2e: {  	s3 =	simm.s32 @!p0 $0x1082;
	s9 =	sld [smem:$0x3FAA]  }
0x2f: {  	lr =	sadd.s32 s0, s3;
	s0 =	sld [smem:$0x3FA1]  }
0x30: {  	s3 =	sld [smem:$0x3FA4]  }
0x31: {  	[smem:$0x3FAD] =	sst s10  }
0x32: {  	s10 =	sld [smem:$0x3FAB];
	_ =	sdelay $0x3  }
0x33: {  	p0 =	seq.s32 s10, $0x1;
	s10 =	sld [smem:$0x3FAD];
	_ =	sdelay $0x3  }
0x34: {  	[smem:$0x3FAD] =	sst s10  }
0x35: {  	s10 =	sld [smem:$0x3FAC];
	_ =	sdelay $0x3  }
0x36: {  	p1 =	seq.s32 s10, $0x1;
	s10 =	sld [smem:$0x3FAD];
	_ =	sdelay $0x3  }
0x37: {  	[smem:$0x3FAD] =	sst s10  }
0x38: {  	s10 =	sld [smem:$0x3FAE]  }
0x39: {  	_ = 	snop;
	(pc) =	sbr.ind lr, $3  }
0x3a: {  	_ = 	snop  }
0x3b: {  	_ = 	snop  }
0x3c: {  	p2 =	seq.s32 s10, $0x1;
	s10 =	sld [smem:$0x3FAD]  }
0x3d: {  	_ =	shalt  }
0x3e: {  	_ =	shalt  }
0x3f: {  	_ =	shalt  }
0x40: {  	_ =	shalt  }
0x41: {  	_ =	shalt  }
0x42: {  	_ =	shalt  }
0x43: {  	_ =	shalt  }
0x44: {  	_ =	shalt  }
0x45: {  	_ =	shalt  }
0x46: {  	_ =	shalt  }
0x47: {  	_ =	shalt  }
0x48: {  	_ =	shalt  }
0x49: {  	_ =	shalt  }
0x4a: {  	_ =	shalt  }
0x4b: {  	_ =	shalt  }
0x4c: {  	_ =	shalt  }
0x4d: {  	_ =	shalt  }
0x4e: {  	_ =	shalt  }
0x4f: {  	_ =	shalt  }
0x50: {  	_ =	shalt  }
0x51: {  	_ =	shalt  }
0x52: {  	_ =	shalt  }
0x53: {  	_ =	shalt  }
0x54: {  	_ =	shalt  }
0x55: {  	_ =	shalt  }
0x56: {  	_ =	shalt  }
0x57: {  	_ =	shalt  }
0x58: {  	_ =	shalt  }
0x59: {  	_ =	shalt  }
0x5a: {  	_ =	shalt  }
0x5b: {  	_ =	shalt  }
0x5c: {  	_ =	shalt  }
0x5d: {  	_ =	shalt  }
0x5e: {  	_ =	shalt  }
0x5f: {  	_ =	shalt  }
0x60: {  	_ =	shalt  }
0x61: {  	_ =	shalt  }
0x62: {  	_ =	shalt  }
0x63: {  	_ =	shalt  }
0x64: {  	_ =	shalt  }
0x65: {  	_ =	shalt  }
0x66: {  	_ =	shalt  }
0x67: {  	_ =	shalt  }
0x68: {  	_ =	shalt  }
0x69: {  	_ =	shalt  }
0x6a: {  	_ =	shalt  }
0x6b: {  	_ =	shalt  }
0x6c: {  	_ =	shalt  }
0x6d: {  	_ =	shalt  }
0x6e: {  	_ =	shalt  }
0x6f: {  	_ =	shalt  }
0x70: {  	_ =	shalt  }
0x71: {  	_ =	shalt  }
0x72: {  	_ =	shalt  }
0x73: {  	_ =	shalt  }
0x74: {  	_ =	shalt  }
0x75: {  	_ =	shalt  }
0x76: {  	_ =	shalt  }
0x77: {  	_ =	shalt  }
0x78: {  	_ =	shalt  }
0x79: {  	_ =	shalt  }
0x7a: {  	_ =	shalt  }
0x7b: {  	_ =	shalt  }
0x7c: {  	_ =	shalt  }
0x7d: {  	_ =	shalt  }
0x7e: {  	_ =	shalt  }
0x7f: {  	_ =	shalt  }
0x80: {  	_ =	shalt  }
0x81: {  	_ =	shalt  }
0x82: {  	_ =	shalt  }
0x83: {  	_ =	shalt  }
0x84: {  	_ =	shalt  }
0x85: {  	_ =	shalt  }
0x86: {  	_ =	shalt  }
0x87: {  	_ =	shalt  }
.Lfunc_end0:
.L_simem_size_0:
called_computation.3_lowered:
.L_overlay_start_0:
0x88: {  	s2 =	sld [smem:$0x3FD9]  }
0x89: {  	s3 =	sld [smem:$0x3FFE];
	_ =	sdelay $0x1  }
0x8a: {  	s1 =	srdreg.scid  }
0x8b: {  	s0 =	sand.u32 $0x1, s1  }
0x8c: {  	s15 =	sshll.u32 s0, $0xA;
	s2 =	sadd.s32 s3, s2  }
0x8d: {  	s2 =	sadd.s32 s2, s15  }
0x8e: {  	[smem:$0x3FB9] =	sst s2  }
0x8f: {  	_ = 	snop  }
0x90: {  	s16 =	sld [smem:$0x3FC8]  }
0x91: {  	s4 =	sld [smem:$0x3FD0];
	(tm) =	ssettm $0x1  }
0x92: {  	s17 =	sld [smem:$0x3FFB];
	_ =	sdelay $0x3  }
0x93: {  	_ =	strace s17  }
0x94: {  	s2 =	sld [smem:$0x3FFC];
	_ =	sdelay $0x3  }
0x95: {  	_ =	strace s2  }
0x96: {  	s2 =	sld [smem:$0x3FFD];
	_ =	sdelay $0x3  }
0x97: {  	_ =	strace s2  }
0x98: {  	_ =	strace $0x8FFFFFFF  }
0x99: {  	s18 =	sld [smem:$0x3FDB];
	_ =	sdelay $0x1  }
0x9a: {  	s5 =	simm.s32 $_scs_section_size  }
0x9b: {  	s6 =	simm.s32 $_size__tile_overlayer_lowered;
	s7 =	simm.s32 $_tile_overlayer_lowered  }
0x9c: {  	s8 =	simm.s32 $0x1BFF;
	s19 =	sshll.u32 s7, $0x1;
	s5 =	sadd.s32 s5, s18  }
0x9d: {  	s20 =	simm.s32 $0x0;
	s6 =	sshll.u32 s6, $0x1;
	s7 =	sadd.s32 s19, s5  }
0x9e: {  	[timem:s20], [sflag:s8] =	dma.local [hbm:s7], s6  }
0x9f: {  	_ =	swait.ge [sflag:s8], s6  }
0xa0: {  	s6 =	ssub.s32 $0x0, s6;
	[sflag:s8] =	ssyncset.done $0x0  }
0xa1: {  	[sflag:s8] =	ssyncadd.s32 s6;
	_ =	sdelay $0x1  }
0xa2: {  	s21 =	simm.s32 $0x1B8B  }
0xa3: {  	_ =	swait.ge [sflag:s21], $0x1  }
0xa4: {  	[sflag:s21] =	ssyncset.done $0x0  }
0xa5: {  	s22 =	sld [smem:$0x3FFE];
	[sflag:s21] =	ssyncadd.s32 $0xFFFFFFFF  }
0xa6: {  	s24 =	simm.s32 $0x1B8E;
	s23 =	sld [smem:$0x0]  }
0xa7: {  	s25 =	simm.s32 $execute0_lowered;
	[smem:$0x3FD2] =	sst s24  }
0xa8: {  	s8 =	sshll.u32 s25, $0x1;
	_ =	strace $0x80000058;
	[dreg:$0x1] =	wrdreg $0xFFFFFFFF  }
0xa9: {  	s9 =	simm.s32 $_size_execute0_lowered;
	s8 =	sadd.s32 s5, s8;
	[dreg:$0x0] =	wrdreg $0x0  }
0xaa: {  	s9 =	sshll.u32 s9, $0x1;
	[dreg:$0x2] =	wrdreg s8  }
0xab: {  	[dreg:$0x3] =	wrdreg s9  }
0xac: {  	[dreg:$0x4] =	wrdreg $0xC0  }
0xad: {  	s26 =	simm.s32 $execute1_lowered;
	_ =	task [dreg:s20], $0x5FFFF  }
0xae: {  	s8 =	sshll.u32 s26, $0x1;
	[dreg:$0x1] =	wrdreg $0xFFFFFFFF  }
0xaf: {  	s5 =	sadd.s32 s5, s8;
	[dreg:$0x0] =	wrdreg $0x60  }
0xb0: {  	[dreg:$0x2] =	wrdreg s5  }
0xb1: {  	[dreg:$0x3] =	wrdreg s4  }
0xb2: {  	[dreg:$0x4] =	wrdreg s22  }
0xb3: {  	[dreg:$0x5] =	wrdreg $0x9  }
0xb4: {  	_ =	task.clear_ibuf [dreg:s20], $0x6FFFF;
	_ =	strace $0x90000058  }
0xb5: {  	s28 =	simm.s32 $0x9;
	_ =	strace $0x8000005A  }
0xb6: {  	_ =	swait.ge [sflag:s28], $0x1  }
0xb7: {  	[sflag:s28] =	ssyncadd.s32 $0xFFFFFFFF  }
0xb8: {  	_ =	strace $0x9000005A  }
0xb9: {  	s4 =	sld [smem:$0x0]  }
0xba: {  	s5 =	sand.u32 $0xFFFFFFFE, s1  }
0xbb: {  	p0 =	sne.s32 s1, s5  }
0xbc: {  	s5 =	sshll.u32 @p0 s5, $0xE  }
0xbd: {  	s5 =	sadd.s32 @p0 $0x11BF3, s5;
	s8 =	sshll.u32 @p0 s4, $0x11  }
0xbe: {  	s5 =	sor.u32 @p0 s8, s5  }
0xbf: {  	[sflag:s5] =	ssyncadd.remote.s32 @p0 $0x1;
	_ =	sdelay $0x1  }
0xc0: {  	s5 =	simm.s32 @p0 $0x1BF3  }
0xc1: {  	_ =	swait.eq @p0 [sflag:s5], $0x1  }
0xc2: {  	[sflag:s5] =	ssyncadd.s32 @p0 $0xFFFFFFFF  }
0xc3: {  	s8 =	sshll.u32 @!p0 s1, $0xE  }
0xc4: {  	s8 =	sor.u32 @!p0 $0x4000, s8;
	s5 =	simm.s32 @!p0 $0x1BF3  }
0xc5: {  	s4 =	sshll.u32 @!p0 s4, $0x11;
	s8 =	sadd.s32 @!p0 $0x11BF3, s8;
	_ =	swait.eq @!p0 [sflag:s5], $0x1  }
0xc6: {  	s4 =	sor.u32 @!p0 s4, s8;
	[sflag:s5] =	ssyncadd.s32 @!p0 $0xFFFFFFFF  }
0xc7: {  	[sflag:s4] =	ssyncadd.remote.s32 @!p0 $0x1  }
0xc8: {  	_ =	strace $0x8000005B;
	[dreg:$0x1] =	wrdreg $0xFFFFFFFF  }
0xc9: {  	[dreg:$0x0] =	wrdreg $0x2030  }
0xca: {  	[dreg:$0x2] =	wrdreg s22  }
0xcb: {  	[dreg:$0x3] =	wrdreg s16  }
0xcc: {  	[dreg:$0x4] =	wrdreg s1  }
0xcd: {  	[dreg:$0x5] =	wrdreg s23  }
0xce: {  	[dreg:$0x6] =	wrdreg $0xA  }
0xcf: {  	_ =	task.clear_ibuf [dreg:s20], $0x7FFFF;
	_ =	strace $0x9000005B  }
0xd0: {  	s29 =	simm.s32 $0xA;
	_ =	strace $0x8000005D  }
0xd1: {  	_ =	swait.ge [sflag:s29], $0x1  }
0xd2: {  	[sflag:s29] =	ssyncadd.s32 $0xFFFFFFFF  }
0xd3: {  	_ =	strace $0x9000005D  }
0xd4: {  	_ =	sfence  }
0xd5: {  	s30 =	sld [smem:$0x0];
	_ =	sdelay $0x2  }
0xd6: {  	s31 =	sshll.u32 s1, $0xD;
	s1 =	sshrl.u32 s1, $0x2  }
0xd7: {  	s4 =	sand.u32 $0x4000, s31;
	s1 =	sadd.s32 s1, s30  }
0xd8: {  	s0 =	sor.u32 s4, s0;
	s1 =	sshll.u32 s1, $0x11  }
0xd9: {  	s0 =	sor.u32 s1, s0  }
0xda: {  	s0 =	sadd.s32 $0x8F2B, s0  }
0xdb: {  	[sflag:s0] =	ssyncadd.remote.s32 $0x1  }
0xdc: {  	_ =	sfence.sel $0xFFFF  }
0xdd: {  	[dreg:$0x0] =	wrdreg $0xFFFFFFFF;
	(pc) =	sbr.abs _section_cstart, $3  }
0xde: {  	[dreg:$0x1] =	wrdreg $0xFFFFFFFF  }
0xdf: {  	_ =	task.clear_ibuf [dreg:s20], $0x2FFFF;
	_ =	strace $0x9FFFFFFF  }
0xe0: {  	(tm) =	ssettm $0x7FFFFFFF  }
0xe1: {  	_ =	shalt  }
tec
execute0_lowered:
.L_overlay_start_1:
0x0: {  	(tag) =	ssettag $0x1  }
0x1: {  	s3 =	rddreg [dreg:$0x0]  }
0x2: {  	s2 =	rddreg [dreg:$0x1]  }
0x3: {  	s5 =	rddreg [dreg:$0x2]  }
0x4: {  	s0 =	rddreg [dreg:$0x3];
	s4 =	stileid.u32;
	[bflag:$0x3] =	sbarrier.arrive $0xFFFF  }
0x5: {  	s1 =	simm.s32 $_size_execute1_lowered;
	s30 =	srdreg.scid;
	p0 =	sne.s32 s4, $0x0  }
0x6: {  	s1 =	sshll.u32 s1, $0x1;
	s6 =	simm.s32 @!p0 $0x1C3F;
	s7 =	simm.s32 @!p0 $0x4060  }
0x7: {  	[timem:s7], [sflag:s6] =	dma.local @!p0 [hbm:s3], s1  }
0x8: {  	s3 =	sshll.u32 s30, $0x3  }
0x9: {  	s4 =	sshll.u32 s4, $0x4;
	s3 =	sand.u32 $0x8, s3  }
0xa: {  	s31 =	simm.s32 $0x2;
	s8 =	simm.s32 $0x0;
	s3 =	sor.u32 s4, s3  }
0xb: {  	s9 =	simm.s32 $0x400;
	s11 =	simm.s32 $0x0;
	s6 =	ssub.s32 $0x8, s3  }
.Ltmp0:
0xc: {  	s10 =	simm.s32 $0x0;
	p1 =	sgt.s32 s6, $0x0;
	(pc) =	sbr.rel .LBB2_1-.Ltmp0, $4  }
0xd: {  	s5 =	sadd.s32 $0xC800, s5;
	s7 =	simm.s32 $0x3;
	s6 =	simm.s32 @!p1 $0x0  }
0xe: {  	_ =	strace $0x80000059;
	s4 =	simm.s32 $0x1;
	s6 =	sand.u32 $0xF8, s6  }
0xf: {  	[sflag:s4] =	ssyncpa.u1 $0x0;
	p1 =	sne.s32 s6, $0x0;
	s6 =	simm.s32 $0x1  }
0x10: {  	[sflag:s31] =	ssyncpa.u1 $0x0;
	s6 =	simm.s32 @!p1 $0x0;
	s7 =	simm.s32 @!p1 $0x2  }
.LBB2_4:
0x11: {  	v5 =	vld [tilespmem:s13+$0x70];
	[tilespmem:s12+$0x420] =	vst v2  }
0x12: {  	v57 =	vld [tilespmem:s13+$0x0];
	[tilespmem:s12+$0x430] =	vst v0  }
0x13: {  	v58 =	vld [tilespmem:s13+$0x10];
	[tilespmem:s12+$0x440] =	vst v1  }
0x14: {  	v59 =	vld [tilespmem:s13+$0x20];
	[tilespmem:s12+$0x450] =	vst v3  }
0x15: {  	v60 =	vld [tilespmem:s13+$0x30];
	[tilespmem:s12+$0x460] =	vst v4  }
0x16: {  	v61 =	vld [tilespmem:s13+$0x40];
	[tilespmem:s13+$0x470] =	vst v5  }
0x17: {  	v62 =	vld [tilespmem:s13+$0x50];
	[tilespmem:s13+$0x400] =	vst v57  }
0x18: {  	v63 =	vld [tilespmem:s13+$0x60];
	[tilespmem:s13+$0x410] =	vst v58  }
0x19: {  	[tilespmem:s13+$0x420] =	vst v59  }
0x1a: {  	[tilespmem:s13+$0x430] =	vst v60  }
0x1b: {  	s11 =	sshll.u32 s11, $0x4;
	[tilespmem:s13+$0x440] =	vst v61  }
0x1c: {  	s11 =	sand.u32 $0x70, s11;
	[tilespmem:s13+$0x450] =	vst v62  }
0x1d: {  	s11 =	sadd.s32 s5, s11;
	[tilespmem:s13+$0x460] =	vst v63  }
0x1e: {  	[hbm4b:s11+s8] =	stream.linear.scatter [tilespmem:s9], [sflag:$0x2], $0x400, $0x38;
	[tilespmem:$0x800] =	vst v63  }
.LBB2_5:
0x1f: {  	p1 =	slt.u32 s10, $0x2;
	s10 =	sadd.s32 $0x1, s10  }
0x20: {  	p2 =	sne.s32 s10, s7  }
.Ltmp1:
0x21: {  	_ = 	snop;
	(pc) =	sbr.rel @!p2 .LBB2_6-.Ltmp1, $4  }
0x22: {  	s11 =	simm.s32 @!p1 $0x2  }
0x23: {  	_ =	swait.ge @!p1 [sflag:s11], $0x400  }
0x24: {  	[sflag:s11] =	ssyncset.done @!p1 $0x0  }
0x25: {  	[sflag:s11] =	ssyncadd.s32 @!p1 $0xFFFFFC00;
	s11 =	smov.u32 s3  }
.LBB2_1:
0x26: {  	p1 =	sge.u32 s10, s6  }
0x27: {  	s31 =	sadd.s32 $0xFFFFFFFF, s10;
	s12 =	simm.s32 @!p1 $0x0  }
0x28: {  	[tilespmem:s12], [sflag:$0x1] =	stream.linear.gather @!p1 [hbm4b:s2+s12], $0x400, $0x38;
	[tilespmem:$0x800] =	vst v63  }
0x29: {  	p1 =	sge.u32 s31, s6  }
.Ltmp2:
0x2a: {  	_ = 	snop;
	(pc) =	sbr.rel @p1 .LBB2_5-.Ltmp2, $1  }
0x2b: {  	_ =	sdelay $0x3  }
0x2c: {  	p1 =	seq.s32 s10, $0x1;
	s12 =	simm.s32 $0x400  }
0x2d: {  	s12 =	simm.s32 @!p1 $0x0  }
0x2e: {  	s13 =	simm.s32 $0xFFFFFC00;
	_ =	swait.ge [sflag:s4], s12  }
0x2f: {  	s13 =	simm.s32 @!p1 $0x0;
	[sflag:s4] =	ssyncset.done $0x0  }
0x30: {  	s12 =	simm.s32 $0x0;
	[sflag:s4] =	ssyncadd.s32 s13  }
0x31: {  	v3 =	vld [tilespmem:s12+$0x70]  }
0x32: {  	v4 =	vld [tilespmem:s12+$0x0]  }
0x33: {  	v5 =	vld [tilespmem:s12+$0x10]  }
0x34: {  	v2 =	vld [tilespmem:s12+$0x20]  }
0x35: {  	v0 =	vld [tilespmem:s12+$0x30]  }
0x36: {  	v1 =	vld [tilespmem:s12+$0x40];
	[tilespmem:s12+$0x470] =	vst v3  }
0x37: {  	[tilespmem:s12+$0x400] =	vst v4;
	v3 =	vld [tilespmem:s12+$0x50]  }
0x38: {  	s14 =	simm.s32 $0x400;
	s13 =	simm.s32 $0x80;
	[tilespmem:s12+$0x410] =	vst v5;
	v4 =	vld [tilespmem:s12+$0x60]  }
.LBB2_3:
0x39: {  	p1 =	sne.s32 s14, $0xE00;
	v5 =	vld [tilespmem:s13+$0x70];
	[tilespmem:s12+$0x420] =	vst v2  }
0x3a: {  	v6 =	vld [tilespmem:s13+$0x0];
	[tilespmem:s12+$0x430] =	vst v0  }
0x3b: {  	v7 =	vld [tilespmem:s13+$0x10];
	[tilespmem:s12+$0x440] =	vst v1  }
.Ltmp3:
0x3c: {  	v2 =	vld [tilespmem:s13+$0x20];
	[tilespmem:s12+$0x450] =	vst v3;
	(pc) =	sbr.rel @p1 .LBB2_3-.Ltmp3, $4  }
0x3d: {  	v0 =	vld [tilespmem:s13+$0x30];
	[tilespmem:s12+$0x460] =	vst v4;
	s12 =	smov.u32 s13  }
0x3e: {  	v1 =	vld [tilespmem:s12+$0x40];
	[tilespmem:s12+$0x470] =	vst v5  }
0x3f: {  	[tilespmem:s12+$0x400] =	vst v6;
	v3 =	vld [tilespmem:s12+$0x50]  }
0x40: {  	s13 =	sshra.s32 s14, $0x2;
	s14 =	sadd.s32 $0x200, s14;
	[tilespmem:s12+$0x410] =	vst v7;
	v4 =	vld [tilespmem:s12+$0x60]  }
.Ltmp4:
0x41: {  	_ = 	snop;
	(pc) =	sbr.rel .LBB2_4-.Ltmp4, $1  }
0x42: {  	_ =	sdelay $0x3  }
.LBB2_6:
0x43: {  	_ =	sfence.sel $0x180000  }
0x44: {  	s2 =	simm.s32 $0x1;
	[bflag:$0x0] =	sbarrier.arrive $0xFFFF  }
0x45: {  	s31 =	simm.s32 $0x2;
	[sflag:s2] =	ssyncpa.u1 $0x1  }
0x46: {  	[sflag:s31] =	ssyncpa.u1 $0x1  }
0x47: {  	_ =	strace $0x90000059  }
0x48: {  	s0 =	sadd.s32 @!p0 $0x100000, s0;
	[bflag:$0x2] =	sbarrier.arrive $0xFFFF  }
0x49: {  	[sflag:s0] =	ssyncadd.tile.s32 @!p0 $0x1;
	s0 =	simm.s32 @!p0 $0x3F  }
0x4a: {  	_ =	swait.ge @!p0 [sflag:s0], s1  }
0x4b: {  	s1 =	ssub.s32 @!p0 $0x0, s1;
	[sflag:s0] =	ssyncset.done @!p0 $0x0  }
0x4c: {  	[sflag:s0] =	ssyncadd.s32 @!p0 s1  }
0x4d: {  	[bflag:$0x3] =	sbarrier.arrive $0xFFFF  }
0x4e: {  	_ =	shalt  }
.Lfunc_end2:
execute1_lowered:
.L_overlay_start_2:
0x4f: {  	(tag) =	ssettag $0x2  }
0x50: {  	s0 =	rddreg [dreg:$0x0]  }
0x51: {  	s31 =	rddreg [dreg:$0x1]  }
0x52: {  	s2 =	rddreg [dreg:$0x2];
	_ =	strace $0x8000005C;
	s1 =	simm.s32 $0x1  }
0x53: {  	s9 =	simm.s32 $0x108;
	v0 =	vimm.s32 $0x0;
	[sflag:s1] =	ssyncpa.u1 $0x0  }
0x54: {  	[tilespmem:s9+$0x70] =	vst v0  }
0x55: {  	[tilespmem:s9+$0x60] =	vst v0  }
0x56: {  	[tilespmem:s9+$0x50] =	vst v0  }
0x57: {  	[tilespmem:s9+$0x40] =	vst v0  }
0x58: {  	[tilespmem:s9+$0x30] =	vst v0  }
0x59: {  	s1 =	sadd.s32 $0xC800, s0;
	s15 =	sadd.s32 $0x6400, s0;
	[tilespmem:s9+$0x20] =	vst v0  }
0x5a: {  	s14 =	sadd.s32 $0x9600, s0;
	s5 =	sand.u32 $0x1, s2;
	s0 =	simm.s32 $0x40;
	[tilespmem:s9+$0x10] =	vst v0  }
.LBB3_1:
0x5b: {  	s0 =	sadd.s32 $0x40, s0;
	[tilespmem:s9+$0x0] =	vst v0;
	s9 =	sadd.s32 $0x80, s9  }
0x5c: {  	p0 =	slt.u32 s0, $0x3C40;
	[tilespmem:s9+$0x70] =	vst v0  }
0x5d: {  	[tilespmem:s9+$0x60] =	vst v0  }
.Ltmp5:
0x5e: {  	[tilespmem:s9+$0x50] =	vst v0;
	(pc) =	sbr.rel @p0 .LBB3_1-.Ltmp5, $4  }
0x5f: {  	[tilespmem:s9+$0x40] =	vst v0  }
0x60: {  	[tilespmem:s9+$0x30] =	vst v0  }
0x61: {  	[tilespmem:s9+$0x20] =	vst v0  }
0x62: {  	[tilespmem:s9+$0x10] =	vst v0  }
0x63: {  	s6 =	stileid.u32  }
0x64: {  	s0 =	simm.s32 $0x1;
	p0 =	sne.s32 s6, $0x0;
	s2 =	smul.u32 $0xD, s6  }
0x65: {  	s0 =	simm.s32 @!p0 $0x0  }
0x66: {  	s0 =	sadd.s32 s0, s2  }
0x67: {  	p1 =	seq.s32 s6, $0x0;
	s7 =	smul.u32 $0xF0, s0;
	s0 =	simm.s32 $0xD20  }
0x68: {  	s0 =	simm.s32 @!p1 $0xC30  }
0x69: {  	s0 =	sadd.s32 s0, s7  }
0x6a: {  	s8 =	smin.u32 s0, $0xC350  }
0x6b: {  	s0 =	ssub.s32 s8, s7  }
0x6c: {  	p1 =	sgt.s32 s0, $0x0  }
0x6d: {  	s3 =	simm.s32 $0x2;
	s10 =	simm.s32 $0x9;
	s0 =	simm.s32 @!p1 $0x0  }
0x6e: {  	s4 =	simm.s32 $0xA;
	s11 =	simm.s32 $0xB;
	s28 =	smul.u32 $0x8889, s0  }
0x6f: {  	[dreg:$0x5] =	wrdreg s5;
	s30 =	smul.u32 $0x186A, s5;
	s12 =	simm.s32 $0x1  }
0x70: {  	s22 =	simm.s32 $0x0;
	s18 =	simm.s32 $0xC;
	s2 =	sshrl.u32 s28, $0x17  }
0x71: {  	s20 =	simm.s32 $0x0;
	s21 =	simm.s32 $0x0;
	s29 =	smul.u32 $0xF0, s2  }
.Ltmp6:
0x72: {  	[tilespmem:s9+$0x0] =	vst v0;
	v0 =	vimm.s32 $0xFFFFFFFF;
	[sflag:s3] =	ssyncpa.u1 $0x0;
	s16 =	sshll.u32 s6, $0x8;
	(pc) =	sbr.rel .LBB3_3-.Ltmp6, $4  }
0x73: {  	[tilespmem:$0xF208] =	vst v0;
	[sflag:s10] =	ssyncpa.u1 $0x0;
	p1 =	sne.s32 s0, s29;
	s0 =	simm.s32 $0x1  }
0x74: {  	s14 =	sadd.s32 s30, s14;
	[sflag:s4] =	ssyncpa.u1 $0x0;
	s0 =	simm.s32 @!p1 $0x0  }
0x75: {  	s15 =	sadd.s32 s30, s15;
	[sflag:s11] =	ssyncpa.u1 $0x0;
	s13 =	sadd.s32 s2, s0  }
0x76: {  	v0 =	vlaneseq.u32;
	s19 =	smov.u32 s7;
	p1 =	por $0x0, $0x0;
	s17 =	sadd.s32 $0x1, s13  }
.LBB3_18:
0x77: {  	s0 =	sshrl.u32 s31, $0x2;
	s31 =	smov.u32 s9  }
.LBB3_20:
0x78: {  	_ =	swait.ge [sflag:s18], s0  }
0x79: {  	s29 =	ssub.s32 $0x0, s0;
	v1 =	vmov s24;
	vm0 =	veq.s32 v0, $0x0;
	[sflag:s18] =	ssyncset.done $0x0  }
0x7a: {  	vm15 =	veq.s32 v0, $0x2;
	v1 =	vsel vm0, s30, v1;
	[sflag:s18] =	ssyncadd.s32 s29  }
0x7b: {  	v1 =	vsel vm15, s22, v1;
	[sflag:s18] =	ssyncpa.u1 $0x1  }
0x7c: {  	[tilespmem:$0xF208] =	vst v1  }
.LBB3_21:
0x7d: {  	s0 =	sadd.s32 $0xF0, s19  }
0x7e: {  	s2 =	smov.u32 s7;
	p2 =	slt.s32 s0, s8  }
0x7f: {  	s2 =	smov.u32 @p2 s0;
	p2 =	sne.s32 s21, s17  }
.Ltmp7:
0x80: {  	_ = 	snop;
	(pc) =	sbr.rel @!p2 .LBB3_22-.Ltmp7, $3  }
0x81: {  	_ =	sdelay $0x1  }
0x82: {  	s22 =	smov.u32 s20;
	s30 =	sadd.s32 $0x1, s21;
	s20 =	smov.u32 s19  }
0x83: {  	p1 =	por !p1, !p1;
	s21 =	smov.u32 s30;
	s19 =	smov.u32 s2  }
.LBB3_3:
0x84: {  	p2 =	sge.u32 s21, s13  }
0x85: {  	s0 =	smulhi.u32 @!p2 $0xAAAAAAAB, s21  }
0x86: {  	s2 =	smov.u32 s19;
	p3 =	sgt.s32 @!p2 s19, $0xC260  }
0x87: {  	s3 =	sshra.s32 @!p2 s19, $0x1F;
	p3 =	por !p3, p2;
	s0 =	sshrl.u32 @!p2 s0, $0x1  }
0x88: {  	s3 =	sand.u32 @!p2 s3, s19;
	s2 =	simm.s32 @p3 $0xC260;
	s0 =	smul.u32 @!p2 $0x3, s0  }
0x89: {  	s2 =	ssub.s32 @!p2 s2, s3  }
0x8a: {  	s2 =	sadd.s32 @!p2 $0xFFFF3DA0, s2;
	s0 =	ssub.s32 @!p2 s21, s0  }
0x8b: {  	s3 =	sshll.u32 @!p2 s2, $0x2;
	p3 =	sgt.s32 @!p2 s2, $0xEF;
	s0 =	smul.u32 @!p2 $0x3C0, s0  }
0x8c: {  	s4 =	sand.u32 @!p2 $0x7, s19;
	s2 =	ssub.s32 @!p2 $0x3C0, s3;
	p3 =	por !p3, p2  }
0x8d: {  	s3 =	sshrl.u32 @!p2 s19, $0x3;
	s2 =	sshrl.u32 @!p2 s2, $0x2;
	s0 =	sshrl.u32 @!p2 s0, $0x2  }
0x8e: {  	s3 =	sadd.s32 @!p2 s3, s14;
	s2 =	simm.s32 @!p3 $0x0;
	s0 =	sadd.s32 @!p2 $0x10248, s0  }
0x8f: {  	[tilespmem:s0], [sflag:$0xA] =	stream.linear.gather @!p2 [hbm4b:s3+s4], s2, $0x38;
	[tilespmem:$0x1F6F8] =	vst v63  }
0x90: {  	s0 =	sadd.s32 $0xFFFFFFFF, s21  }
0x91: {  	p2 =	sge.u32 s0, s13  }
0x92: {  	p3 =	sgt.s32 @!p2 s20, $0xC260  }
0x93: {  	s2 =	smov.u32 s20;
	s3 =	sshra.s32 @!p2 s20, $0x1F;
	p3 =	por !p3, p2  }
0x94: {  	s3 =	sand.u32 @!p2 s3, s20;
	s2 =	simm.s32 @p3 $0xC260  }
0x95: {  	s2 =	ssub.s32 @!p2 s2, s3  }
0x96: {  	s2 =	sadd.s32 @!p2 $0xFFFF3DA0, s2  }
0x97: {  	s4 =	sand.u32 @!p2 $0x1, s0;
	s3 =	sshll.u32 @!p2 s2, $0x2  }
0x98: {  	p3 =	sgt.s32 @!p2 s2, $0xEF;
	s2 =	ssub.s32 @!p2 $0x3C0, s3;
	s3 =	smulhi.u32 @!p2 $0xAAAAAAAB, s0  }
0x99: {  	s23 =	smul.u32 @!p2 $0x3C0, s4;
	p3 =	por !p3, p2;
	s2 =	sshrl.u32 @!p2 s2, $0x2  }
0x9a: {  	s5 =	simm.s32 @!p2 $0xA;
	s2 =	simm.s32 @!p3 $0x0;
	s3 =	sshrl.u32 @!p2 s3, $0x1  }
0x9b: {  	s23 =	sshrl.u32 @!p2 s23, $0x2;
	_ =	swait.ge @!p2 [sflag:s5], s2;
	s3 =	smul.u32 @!p2 $0x3, s3  }
0x9c: {  	s23 =	sadd.s32 @!p2 $0x10518, s23;
	s24 =	ssub.s32 @!p2 $0x0, s2;
	[sflag:s5] =	ssyncset.done @!p2 $0x0  }
0x9d: {  	[sflag:s5] =	ssyncadd.s32 @!p2 s24;
	s5 =	sshrl.u32 @!p2 s20, $0x3;
	s0 =	ssub.s32 @!p2 s0, s3  }
0x9e: {  	s24 =	sand.u32 @!p2 $0x7, s20;
	s5 =	sadd.s32 @!p2 s5, s15;
	s0 =	smul.u32 @!p2 $0x3C0, s0  }
0x9f: {  	[tilespmem:s23], [sflag:$0xB] =	stream.linear.gather @!p2 [hbm4b:s5+s24], s2, $0x38;
	[tilespmem:$0x1F6F8] =	vst v63  }
0xa0: {  	s3 =	ssub.s32 @!p2 $0xC350, s20;
	s2 =	smul.u32 @!p2 $0x1E000, s4  }
0xa1: {  	p3 =	slt.s32 @!p2 s3, $0xF0  }
0xa2: {  	p3 =	por !p3, p2;
	s0 =	sshrl.u32 @!p2 s0, $0x2;
	s2 =	sshrl.u32 @!p2 s2, $0x2  }
0xa3: {  	s3 =	simm.s32 @p3 $0xF0;
	s0 =	sadd.s32 @!p2 $0x10248, s0;
	s2 =	sor.u32 @!p2 $0x106F8, s2  }
0xa4: {  	[tilespmem:s2], [sflag:$0x9] =	stream.indirect.gather @!p2 [hbm4b:s31+s3], $0x80, s0, s3, $0xb8;
	[tilespmem:$0x1F6F8] =	vst v63  }
0xa5: {  	p2 =	slt.u32 s21, $0x2  }
.Ltmp8:
0xa6: {  	_ = 	snop;
	(pc) =	sbr.rel @p2 .LBB3_21-.Ltmp8, $1  }
0xa7: {  	_ =	sdelay $0x3  }
0xa8: {  	p2 =	sgt.s32 s22, $0xC260  }
0xa9: {  	s0 =	smov.u32 s22;
	s2 =	sshra.s32 s22, $0x1F;
	s3 =	ssub.s32 $0xC350, s22  }
0xaa: {  	s0 =	simm.s32 @!p2 $0xC260;
	s2 =	sand.u32 s2, s22;
	p2 =	slt.s32 s3, $0xF0  }
0xab: {  	s0 =	ssub.s32 s0, s2;
	s3 =	simm.s32 @!p2 $0xF0  }
0xac: {  	s0 =	sadd.s32 $0xFFFF3DA0, s0;
	s24 =	sshll.u32 s3, $0x7  }
0xad: {  	s25 =	sshll.u32 s0, $0x2;
	s2 =	sand.u32 $0x3FFFFF80, s24  }
0xae: {  	p2 =	sgt.s32 s0, $0xEF;
	s26 =	ssub.s32 $0x3C0, s25;
	_ =	swait.ge [sflag:s10], s2  }
0xaf: {  	s2 =	ssub.s32 $0x0, s2;
	[sflag:s10] =	ssyncset.done $0x0;
	s0 =	sshrl.u32 s26, $0x2  }
0xb0: {  	[sflag:s10] =	ssyncadd.s32 s2;
	s0 =	simm.s32 @p2 $0x0  }
0xb1: {  	_ =	swait.ge [sflag:s11], s0  }
0xb2: {  	s0 =	ssub.s32 $0x0, s0;
	[sflag:s11] =	ssyncset.done $0x0  }
0xb3: {  	[sflag:s11] =	ssyncadd.s32 s0  }
0xb4: {  	v1 =	vld [tilespmem:$0xF208];
	_ =	sdelay $0x4  }
0xb5: {  	(v2sf) =	vpush v1, $0x0  }
0xb6: {  	(v2sf) =	vpush v1, $0x1  }
0xb7: {  	(v2sf) =	vpush v1, $0x2;
	_ =	sdelay $0x3  }
0xb8: {  	s0 =	sadd.s32 $0xF0, s22  }
0xb9: {  	s2 =	ssub.s32 $0x186A0, s22;
	p2 =	slt.s32 s8, s0  }
0xba: {  	s0 =	smov.u32 @p2 s8;
	p2 =	sgt.s32 s2, $0x0  }
0xbb: {  	s26 =	ssub.s32 s0, s22;
	s2 =	simm.s32 @!p2 $0x0  }
0xbc: {  	p2 =	slt.s32 s2, s26  }
0xbd: {  	s26 =	smov.u32 @p2 s2  }
0xbe: {  	s25 =	simm.s32 $0x1;
	p2 =	slt.s32 s26, $0x1  }
.Ltmp9:
0xbf: {  	s25 =	simm.s32 @!p1 $0x0;
	(pc) =	sbr.rel @p2 .LBB3_8-.Ltmp9, $4  }
0xc0: {  	s29 =	smul.u32 $0x3C0, s25  }
0xc1: {  	s28 =	spop (v2sf)  }
0xc2: {  	s0 =	sshrl.u32 s29, $0x2;
	s30 =	spop (v2sf)  }
0xc3: {  	s23 =	sadd.s32 $0x10518, s0;
	s22 =	spop (v2sf)  }
0xc4: {  	s0 =	smin.u32 s26, $0x10  }
0xc5: {  	v1 =	vmov s0  }
0xc6: {  	p3 =	sgt.s32 s26, $0x10;
	vm1 =	vgt.u32 v1, v0  }
.Ltmp10:
0xc7: {  	_ = 	snop;
	(pc) =	sbr.rel @!p3 .LBB3_7-.Ltmp10, $2  }
0xc8: {  	_ =	sdelay $0x2  }
0xc9: {  	s4 =	simm.s32 $0x10;
	s24 =	sadd.s32 $0xFFFFFFF0, s26;
	s0 =	smov.u32 s23;
	vm0 =	vmmov vm1  }
.LBB3_6:
0xca: {  	s2 =	smin.u32 s24, $0x10;
	s4 =	sadd.s32 $0x10, s4;
	v1 =	vld.msk [tilespmem:s0+$0x0 ss:$0x1], vm1  }
0xcb: {  	v2 =	vmov s2;
	p3 =	slt.s32 s4, s26  }
0xcc: {  	vm1 =	vgt.u32 v2, v0  }
.Ltmp11:
0xcd: {  	(pc) =	sbr.rel @p3 .LBB3_6-.Ltmp11, $3  }
0xce: {  	_ =	sdelay $0x1  }
0xcf: {  	v1 =	vshll.u32 v1, $0x4  }
0xd0: {  	s24 =	sadd.s32 $0xFFFFFFF0, s24;
	[tilespmem:s0+$0x0] =	vst.msk vm0, v1;
	s0 =	sadd.s32 $0x10, s0;
	vm0 =	vmmov vm1  }
.LBB3_7:
0xd1: {  	_ =	sdelay $0x4  }
0xd2: {  	v1 =	vld.msk [tilespmem:s0+$0x0 ss:$0x1], vm1;
	_ =	sdelay $0x4  }
0xd3: {  	v1 =	vshll.u32 v1, $0x4  }
0xd4: {  	[tilespmem:s0+$0x0] =	vst.msk vm0, v1  }
.LBB3_8:
0xd5: {  	s0 =	sand.u32 $0x1, s21  }
0xd6: {  	s0 =	smul.u32 $0xF0, s0  }
0xd7: {  	p3 =	sne.s32 s30, $0xFFFFFFFF  }
0xd8: {  	v1 =	vld.msk @!p3 [tilespmem:s0+$0x10518], $0x1;
	_ =	sdelay $0x4  }
0xd9: {  	(v2sf) =	vpush @!p3 v1, $0x0;
	_ =	sdelay $0xc  }
.Ltmp12:
0xda: {  	_ = 	snop;
	(pc) =	sbr.rel @p2 .LBB3_19-.Ltmp12, $4  }
0xdb: {  	_ = 	snop  }
0xdc: {  	s29 =	spop @!p3 (v2sf)  }
0xdd: {  	s22 =	simm.s32 @!p3 $0x0;
	s24 =	smov.u32 s29  }
0xde: {  	[sflag:s18] =	ssyncpa.u1 $0x0;
	s29 =	smov.u32 @p3 s28;
	s24 =	smov.u32 @p3 s30  }
0xdf: {  	v1 =	vld.msk [tilespmem:s23+$0x0], $0x1;
	_ =	sdelay $0x4  }
0xe0: {  	(v2sf) =	vpush v1, $0x0;
	_ =	sdelay $0xe  }
0xe1: {  	s2 =	smul.u32 $0x1E000, s25;
	s0 =	spop (v2sf)  }
0xe2: {  	s26 =	ssub.s32 $0x0, s26;
	p2 =	seq.s32 s29, s0  }
0xe3: {  	s30 =	sadd.s32 $0x1, s26;
	s2 =	sshrl.u32 s2, $0x2;
	p3 =	sgt.s32 @!p2 s29, $0x0  }
0xe4: {  	s25 =	sor.u32 $0x10738, s2;
	s2 =	smov.u32 s29;
	p3 =	por !p3, p2  }
0xe5: {  	s2 =	simm.s32 @p3 $0x0;
	p3 =	seq.s32 s30, $0x0  }
.Ltmp13:
0xe6: {  	_ = 	snop;
	(pc) =	sbr.rel @p3 .LBB3_11-.Ltmp13, $4  }
0xe7: {  	s9 =	smov.u32 s31  }
0xe8: {  	s28 =	simm.s32 $0x0;
	s31 =	sadd.s32 $0x1, s23;
	s2 =	smin.u32 @!p2 s2, $0x70  }
0xe9: {  	s4 =	simm.s32 @!p2 $0x1;
	s5 =	simm.s32 @!p2 $0x7988;
	s3 =	sand.u32 @!p2 $0x78, s2  }
0xea: {  	s4 =	smov.u32 @p2 s28;
	s2 =	sand.u32 @!p2 $0x7, s2;
	s3 =	sadd.s32 @!p2 s1, s3  }
.LBB3_10:
0xeb: {  	s6 =	smov.u32 s4  }
0xec: {  	[tilespmem:s5], [sflag:$0x2] =	stream.linear.gather @!p2 [hbm4b:s3+s2], $0x80, $0x38;
	[tilespmem:$0x1F6F8] =	vst v63  }
0xed: {  	s30 =	sadd.s32 $0x1, s30;
	s2 =	smov.u32 s0;
	v1 =	vld.msk [tilespmem:s31+$0x0], $0x1  }
0xee: {  	p3 =	seq.s32 s30, $0x0;
	_ =	sdelay $0x3  }
0xef: {  	(v2sf) =	vpush v1, $0x0;
	_ =	sdelay $0xe  }
0xf0: {  	s0 =	spop (v2sf)  }
0xf1: {  	p2 =	seq.s32 s2, s0  }
0xf2: {  	p4 =	sgt.s32 @!p2 s2, $0x0;
	s3 =	sshll.u32 @!p2 s4, $0x9;
	s4 =	sadd.s32 @!p2 $0x1, s4  }
.Ltmp14:
0xf3: {  	p4 =	por !p4, p2;
	s3 =	sshra.s32 @!p2 s3, $0x2;
	(pc) =	sbr.rel @!p3 .LBB3_10-.Ltmp14, $4  }
0xf4: {  	s4 =	smov.u32 @p2 s6;
	s2 =	simm.s32 @p4 $0x0;
	s5 =	sadd.s32 @!p2 $0x7988, s3  }
0xf5: {  	s2 =	smin.u32 @!p2 s2, $0x70  }
0xf6: {  	s3 =	sand.u32 @!p2 $0x78, s2;
	s2 =	sand.u32 @!p2 $0x7, s2  }
0xf7: {  	s31 =	sadd.s32 $0x1, s31;
	s3 =	sadd.s32 @!p2 s1, s3  }
.LBB3_11:
0xf8: {  	[tilespmem:s5], [sflag:$0x2] =	stream.linear.gather @!p2 [hbm4b:s3+s2], $0x80, $0x38;
	[tilespmem:$0x1F6F8] =	vst v63  }
.Ltmp15:
0xf9: {  	s0 =	sshll.u32 s4, $0x7;
	(pc) =	sbr.rel .LBB3_12-.Ltmp15, $4  }
0xfa: {  	s30 =	simm.s32 $0x2;
	s0 =	sand.u32 $0x3FFFFF80, s0  }
0xfb: {  	_ =	swait.ge [sflag:s30], s0  }
0xfc: {  	s0 =	ssub.s32 $0x0, s0;
	[sflag:s30] =	ssyncset.done $0x0  }
0xfd: {  	s31 =	simm.s32 $0x0;
	[sflag:s30] =	ssyncadd.s32 s0  }
.LBB3_13:
0xfe: {  	v1 =	vld [tilespmem:s25+$0xFFFFFFC0];
	_ =	sdelay $0x3  }
0xff: {  	s0 =	sshra.s32 s0, $0x2  }
0x100: {  	[tilespmem:s0+$0x108] =	vst.add.f32.msk $0xffff, v1  }
0x101: {  	v1 =	vld [tilespmem:s25+$0xFFFFFFD0];
	_ =	sdelay $0x4  }
0x102: {  	[tilespmem:s0+$0x118] =	vst.add.f32.msk $0xffff, v1  }
0x103: {  	v1 =	vld [tilespmem:s25+$0xFFFFFFE0];
	_ =	sdelay $0x4  }
0x104: {  	[tilespmem:s0+$0x128] =	vst.add.f32.msk $0xffff, v1  }
0x105: {  	v1 =	vld [tilespmem:s25+$0xFFFFFFF0];
	_ =	sdelay $0x4  }
0x106: {  	[tilespmem:s0+$0x138] =	vst.add.f32.msk $0xffff, v1  }
0x107: {  	v1 =	vld [tilespmem:s25+$0x0];
	_ =	sdelay $0x4  }
0x108: {  	[tilespmem:s0+$0x148] =	vst.add.f32.msk $0xffff, v1  }
0x109: {  	v1 =	vld [tilespmem:s25+$0x10];
	_ =	sdelay $0x4  }
0x10a: {  	[tilespmem:s0+$0x158] =	vst.add.f32.msk $0xffff, v1  }
0x10b: {  	v1 =	vld [tilespmem:s25+$0x20];
	_ =	sdelay $0x4  }
0x10c: {  	[tilespmem:s0+$0x168] =	vst.add.f32.msk $0xffff, v1  }
0x10d: {  	v1 =	vld [tilespmem:s25+$0x30];
	_ =	sdelay $0x4  }
0x10e: {  	[tilespmem:s0+$0x178] =	vst.add.f32.msk $0xffff, v1  }
.LBB3_17:
0x10f: {  	s26 =	sadd.s32 $0x1, s26  }
0x110: {  	p2 =	seq.s32 s26, $0x0  }
.Ltmp16:
0x111: {  	_ = 	snop;
	(pc) =	sbr.rel @p2 .LBB3_18-.Ltmp16, $2  }
0x112: {  	_ =	sdelay $0x2  }
0x113: {  	s23 =	sadd.s32 $0x1, s23;
	s25 =	sadd.s32 $0x80, s25;
	s29 =	smov.u32 s30  }
.LBB3_12:
0x114: {  	v1 =	vld.msk [tilespmem:s23+$0x0], $0x1;
	_ =	sdelay $0x4  }
0x115: {  	(v2sf) =	vpush v1, $0x0;
	_ =	sdelay $0xe  }
0x116: {  	s30 =	spop (v2sf)  }
0x117: {  	p2 =	sne.s32 s29, s30  }
.Ltmp17:
0x118: {  	_ = 	snop;
	(pc) =	sbr.rel @!p2 .LBB3_13-.Ltmp17, $2  }
0x119: {  	_ =	sdelay $0x2  }
0x11a: {  	s0 =	sshll.u32 s22, $0x9  }
0x11b: {  	p2 =	seq.s32 s29, s24  }
.Ltmp18:
0x11c: {  	_ = 	snop;
	(pc) =	sbr.rel @!p2 .LBB3_15-.Ltmp18, $1  }
0x11d: {  	_ =	sdelay $0x3  }
0x11e: {  	s0 =	sshra.s32 s0, $0x2  }
.Ltmp19:
0x11f: {  	s0 =	sadd.s32 $0x108, s0;
	(pc) =	sbr.rel .LBB3_16-.Ltmp19, $4  }
0x120: {  	[spmem:s16] =	stream.linear.scatter [tilespmem:s0], [sflag:$0x1], $0x80, $0x38;
	[tilespmem:$0x1F6F8] =	vst v63  }
0x121: {  	_ =	swait.ge [sflag:s12], $0x80  }
0x122: {  	[sflag:s12] =	ssyncset.done $0x0  }
0x123: {  	[sflag:s12] =	ssyncadd.s32 $0xFFFFFF80  }
.LBB3_15:
0x124: {  	s2 =	sshll.u32 s28, $0x9  }
0x125: {  	s2 =	sshra.s32 s2, $0x2  }
0x126: {  	v1 =	vld [tilespmem:s2+$0x7988];
	_ =	sdelay $0x3  }
0x127: {  	s0 =	sshra.s32 s0, $0x2  }
0x128: {  	[tilespmem:s0+$0x108] =	vst.add.f32.msk $0xffff, v1  }
0x129: {  	v1 =	vld [tilespmem:s2+$0x7998];
	_ =	sdelay $0x4  }
0x12a: {  	[tilespmem:s0+$0x118] =	vst.add.f32.msk $0xffff, v1  }
0x12b: {  	v1 =	vld [tilespmem:s2+$0x79A8];
	_ =	sdelay $0x4  }
0x12c: {  	[tilespmem:s0+$0x128] =	vst.add.f32.msk $0xffff, v1  }
0x12d: {  	v1 =	vld [tilespmem:s2+$0x79B8];
	_ =	sdelay $0x4  }
0x12e: {  	[tilespmem:s0+$0x138] =	vst.add.f32.msk $0xffff, v1  }
0x12f: {  	v1 =	vld [tilespmem:s2+$0x79C8];
	_ =	sdelay $0x4  }
0x130: {  	[tilespmem:s0+$0x148] =	vst.add.f32.msk $0xffff, v1  }
0x131: {  	v1 =	vld [tilespmem:s2+$0x79D8];
	_ =	sdelay $0x4  }
0x132: {  	[tilespmem:s0+$0x158] =	vst.add.f32.msk $0xffff, v1  }
0x133: {  	v1 =	vld [tilespmem:s2+$0x79E8];
	_ =	sdelay $0x4  }
0x134: {  	[tilespmem:s0+$0x168] =	vst.add.f32.msk $0xffff, v1  }
0x135: {  	v1 =	vld [tilespmem:s2+$0x79F8];
	_ =	sdelay $0x2  }
0x136: {  	p2 =	sgt.u32 s29, $0x70  }
0x137: {  	s2 =	sand.u32 @!p2 $0x78, s29  }
0x138: {  	s3 =	sadd.s32 $0x108, s0;
	[tilespmem:s0+$0x178] =	vst.add.f32.msk $0xffff, v1;
	s0 =	sadd.s32 @!p2 s1, s2;
	s2 =	sand.u32 @!p2 $0x7, s29  }
0x139: {  	[hbm4b:s0+s2] =	stream.linear.scatter @!p2 [tilespmem:s3], [sflag:$0xC], $0x80, $0x38;
	[tilespmem:$0x1F6F8] =	vst v63  }
0x13a: {  	s0 =	simm.s32 $0x0  }
0x13b: {  	s0 =	simm.s32 @!p2 $0x200  }
0x13c: {  	s31 =	sadd.s32 s0, s31  }
.LBB3_16:
0x13d: {  	s0 =	sadd.s32 $0x1, s22  }
0x13e: {  	s2 =	smulhi.u32 $0x88888889, s0;
	_ =	sdelay $0x1  }
0x13f: {  	v1 =	vld [tilespmem:s25+$0xFFFFFFC0];
	s2 =	sshrl.u32 s2, $0x7  }
0x140: {  	s2 =	smul.u32 $0xF0, s2;
	_ =	sdelay $0x1  }
0x141: {  	s22 =	ssub.s32 s0, s2  }
0x142: {  	s0 =	sshll.u32 s22, $0x7  }
0x143: {  	[tilespmem:s0+$0x108] =	vst v1  }
0x144: {  	v1 =	vld [tilespmem:s25+$0xFFFFFFD0];
	_ =	sdelay $0x4  }
0x145: {  	[tilespmem:s0+$0x118] =	vst v1  }
0x146: {  	v1 =	vld [tilespmem:s25+$0xFFFFFFE0];
	_ =	sdelay $0x4  }
0x147: {  	[tilespmem:s0+$0x128] =	vst v1  }
0x148: {  	v1 =	vld [tilespmem:s25+$0xFFFFFFF0];
	_ =	sdelay $0x4  }
0x149: {  	[tilespmem:s0+$0x138] =	vst v1  }
0x14a: {  	v1 =	vld [tilespmem:s25+$0x0];
	_ =	sdelay $0x4  }
0x14b: {  	[tilespmem:s0+$0x148] =	vst v1  }
0x14c: {  	v1 =	vld [tilespmem:s25+$0x10];
	_ =	sdelay $0x4  }
0x14d: {  	[tilespmem:s0+$0x158] =	vst v1  }
0x14e: {  	v1 =	vld [tilespmem:s25+$0x20];
	_ =	sdelay $0x4  }
0x14f: {  	[tilespmem:s0+$0x168] =	vst v1  }
0x150: {  	v1 =	vld [tilespmem:s25+$0x30]  }
.Ltmp20:
0x151: {  	_ = 	snop;
	(pc) =	sbr.rel .LBB3_17-.Ltmp20, $2  }
0x152: {  	_ =	sdelay $0x2  }
0x153: {  	s28 =	sadd.s32 $0x1, s28;
	[tilespmem:s0+$0x178] =	vst v1  }
.LBB3_19:
.Ltmp21:
0x154: {  	(pc) =	sbr.rel .LBB3_20-.Ltmp21, $4  }
0x155: {  	_ = 	snop  }
0x156: {  	s0 =	simm.s32 $0x2  }
0x157: {  	_ =	swait.ge [sflag:s0], $0x0  }
0x158: {  	s30 =	smov.u32 s29;
	[sflag:s0] =	ssyncset.done $0x0;
	s0 =	simm.s32 $0x0  }
.LBB3_22:
0x159: {  	_ =	sfence.sel $0x180000  }
0x15a: {  	s0 =	simm.s32 $0x9;
	[bflag:$0x0] =	sbarrier.arrive $0xFFFF  }
0x15b: {  	s24 =	simm.s32 $0xA;
	[sflag:s0] =	ssyncpa.u1 $0x1  }
0x15c: {  	s25 =	simm.s32 $0xB;
	[sflag:s24] =	ssyncpa.u1 $0x1  }
0x15d: {  	s26 =	simm.s32 $0x2;
	[sflag:s25] =	ssyncpa.u1 $0x1  }
0x15e: {  	[sflag:s26] =	ssyncpa.u1 $0x1  }
0x15f: {  	v0 =	vld [tilespmem:$0xF208];
	_ =	sdelay $0x4  }
0x160: {  	(v2sf) =	vpush v0, $0x0  }
0x161: {  	(v2sf) =	vpush v0, $0x1;
	_ =	sdelay $0x1  }
0x162: {  	(v2sf) =	vpush v0, $0x2;
	_ =	sdelay $0xb  }
0x163: {  	s0 =	spop (v2sf)  }
0x164: {  	s2 =	spop (v2sf)  }
0x165: {  	s3 =	smov.u32 s0;
	p1 =	sne.s32 s0, s2  }
0x166: {  	s4 =	spop (v2sf);
	s3 =	simm.s32 @!p1 $0xFFFFFFFF  }
0x167: {  	v2 =	vimm.s32 $0x1;
	v3 =	vlaneseq.u32;
	p1 =	seq.s32 s4, $0xFFFFFFFF;
	v1 =	vmov s3  }
0x168: {  	s16 =	stileid.u32;
	v0 =	vperm.xlane v0, v2;
	p2 =	sne.s32 @!p1 s0, s2;
	v1 =	vperm.xlane v1, v3  }
0x169: {  	vm0 =	vcmask $0x3F04;
	s6 =	simm.s32 $0xF208;
	s0 =	simm.s32 @!p1 $0x1;
	p2 =	por !p2, p1  }
0x16a: {  	s3 =	sshll.u32 s16, $0x1;
	s2 =	sshll.u32 @!p1 s4, $0x9;
	s0 =	simm.s32 @p2 $0x0;
	v0 =	vsel vm0, v1, v0  }
0x16b: {  	s5 =	sor.u32 $0x1000, s3;
	s2 =	sshra.s32 @!p1 s2, $0x2;
	s0 =	sor.u32 @!p1 s0, s3;
	[tilespmem:$0xF208] =	vst v0  }
0x16c: {  	[spmem:s5] =	stream.linear.scatter [tilespmem:s6], [sflag:$0x1], $0x2, $0x38;
	[tilespmem:$0x1F6F8] =	vst v63  }
0x16d: {  	s2 =	sadd.s32 @!p1 $0x108, s2;
	s0 =	sshll.u32 @!p1 s0, $0x7  }
0x16e: {  	[spmem:s0] =	stream.linear.scatter @!p1 [tilespmem:s2], [sflag:$0x1], $0x80, $0x38;
	[tilespmem:$0x1F6F8] =	vst v63  }
0x16f: {  	s0 =	simm.s32 @!p1 $0x82  }
0x170: {  	s28 =	simm.s32 $0x1;
	s0 =	simm.s32 @p1 $0x2  }
0x171: {  	_ =	swait.ge [sflag:s28], s0  }
0x172: {  	s0 =	ssub.s32 $0x0, s0;
	[sflag:s28] =	ssyncset.done $0x0  }
0x173: {  	[sflag:s28] =	ssyncadd.s32 s0  }
.Ltmp22:
0x174: {  	_ =	sfence.stream.spmem;
	(pc) =	sbr.rel @p0 .LBB3_39-.Ltmp22, $4  }
0x175: {  	s29 =	simm.s32 $0x3;
	[bflag:$0x0] =	sbarrier.arrive $0xFFFF  }
0x176: {  	s30 =	simm.s32 $0x4;
	[sflag:s29] =	ssyncpa.u1 $0x1  }
0x177: {  	s31 =	simm.s32 $0x3C;
	[sflag:s30] =	ssyncpa.u1 $0x1  }
0x178: {  	s15 =	rddreg [dreg:$0x5];
	[sflag:s31] =	ssyncpa.u1 $0x1  }
0x179: {  	_ =	sfence.stream.spmem;
	s0 =	simm.s32 $0x5  }
0x17a: {  	s2 =	simm.s32 $0x1000;
	s3 =	simm.s32 $0xF218;
	[sflag:s0] =	ssyncpa.u1 $0x0  }
0x17b: {  	[tilespmem:s3], [sflag:$0x5] =	stream.linear.gather [spmem:s2], $0x20, $0x38;
	[tilespmem:$0x1F6F8] =	vst v63  }
0x17c: {  	s26 =	simm.s32 $0x0;
	s28 =	simm.s32 $0xF238  }
0x17d: {  	[tilespmem:s28], [sflag:$0x5] =	stream.linear.gather [spmem:s26], $0x1000, $0x38;
	[tilespmem:$0x1F6F8] =	vst v63  }
0x17e: {  	_ =	swait.ge [sflag:s0], $0x1020  }
0x17f: {  	[sflag:s0] =	ssyncset.done $0x0  }
0x180: {  	s29 =	simm.s32 $0x0;
	[sflag:s0] =	ssyncadd.s32 $0xFFFFEFE0  }
0x181: {  	v0 =	vld.msk [tilespmem:s29+$0xF218], $0x1;
	_ =	sdelay $0x1  }
0x182: {  	s30 =	simm.s32 $0x1  }
0x183: {  	v1 =	vld.msk [tilespmem:s30+$0xF218], $0x1;
	_ =	sdelay $0x1  }
0x184: {  	(v2sf) =	vpush v0, $0x0;
	_ =	sdelay $0x2  }
0x185: {  	(v2sf) =	vpush v1, $0x0;
	_ =	sdelay $0x2  }
0x186: {  	s31 =	simm.s32 $0x2  }
0x187: {  	v0 =	vld.msk [tilespmem:s31+$0xF218], $0x1;
	_ =	sdelay $0x2  }
0x188: {  	s4 =	simm.s32 $0xFFFFFFFF;
	s5 =	simm.s32 $0xFFFFFFFF;
	s0 =	simm.s32 $0xC  }
.LBB3_24:
0x189: {  	s2 =	smov.u32 s5;
	s3 =	smov.u32 s4  }
0x18a: {  	s4 =	sshra.s32 s0, $0x2;
	p1 =	sne.s32 s0, $0x7C;
	s0 =	sadd.s32 $0x4, s0;
	(v2sf) =	vpush v0, $0x0  }
0x18b: {  	v0 =	vld.msk [tilespmem:s4+$0xF218], $0x1  }
.Ltmp23:
0x18c: {  	(pc) =	sbr.rel @p1 .LBB3_24-.Ltmp23, $4  }
0x18d: {  	s5 =	spop (v2sf)  }
0x18e: {  	p2 =	sne.s32 s3, $0xFFFFFFFF;
	s4 =	smov.u32 s5  }
0x18f: {  	p3 =	seq.s32 s5, $0xFFFFFFFF;
	s4 =	smov.u32 @p2 s3  }
0x190: {  	s5 =	smov.u32 @p3 s2;
	s4 =	smov.u32 @p3 s3  }
0x191: {  	(v2sf) =	vpush v0, $0x0;
	_ =	sdelay $0x8  }
0x192: {  	s0 =	spop (v2sf)  }
0x193: {  	p1 =	sne.s32 s4, $0xFFFFFFFF;
	s2 =	smov.u32 s0  }
0x194: {  	s9 =	simm.s32 $0x6;
	p2 =	seq.s32 s0, $0xFFFFFFFF;
	s2 =	smov.u32 @p1 s4  }
0x195: {  	s6 =	simm.s32 $0x0;
	s2 =	smov.u32 @p2 s4;
	s3 =	spop (v2sf)  }
0x196: {  	s0 =	smov.u32 @p2 s5;
	p1 =	sne.s32 s2, $0xFFFFFFFF;
	s4 =	smov.u32 s3  }
.Ltmp24:
0x197: {  	p2 =	seq.s32 s3, $0xFFFFFFFF;
	s4 =	smov.u32 @p1 s2;
	(pc) =	sbr.rel .LBB3_26-.Ltmp24, $4  }
0x198: {  	s10 =	simm.s32 $0xF188;
	s4 =	smov.u32 @p2 s2;
	s7 =	spop (v2sf)  }
0x199: {  	s11 =	simm.s32 $0x0;
	p1 =	sne.s32 s4, $0xFFFFFFFF;
	s8 =	smov.u32 s7  }
0x19a: {  	s3 =	smov.u32 @p2 s0;
	p2 =	seq.s32 s7, $0xFFFFFFFF;
	s8 =	smov.u32 @p1 s4  }
0x19b: {  	[sflag:s9] =	ssyncpa.u1 $0x0;
	s7 =	smov.u32 @p2 s3;
	s8 =	smov.u32 @p2 s4  }
.LBB3_32:
0x19c: {  	p1 =	sgt.u32 s12, $0x70  }
0x19d: {  	p2 =	seq.s32 @!p1 s12, s8  }
0x19e: {  	p1 =	por p1, p2  }
0x19f: {  	p2 =	sne.s32 @!p1 s12, s7  }
0x1a0: {  	p1 =	por p1, !p2  }
0x1a1: {  	s0 =	sshll.u32 @p1 s11, $0x9  }
0x1a2: {  	s0 =	sand.u32 @!p1 $0x78, s12  }
0x1a3: {  	s2 =	sand.u32 @!p1 $0x7, s12;
	s0 =	sadd.s32 @!p1 s1, s0  }
0x1a4: {  	[tilespmem:s10], [sflag:$0x6] =	stream.linear.gather @!p1 [hbm4b:s0+s2], $0x80, $0x38;
	[tilespmem:$0x1F6F8] =	vst v63  }
0x1a5: {  	_ =	swait.ge @!p1 [sflag:s9], $0x80  }
0x1a6: {  	[sflag:s9] =	ssyncset.done @!p1 $0x0  }
0x1a7: {  	[sflag:s9] =	ssyncadd.s32 @!p1 $0xFFFFFF80  }
0x1a8: {  	v1 =	vld @!p1 [tilespmem:$0xF188];
	_ =	sdelay $0x2  }
0x1a9: {  	s0 =	sshll.u32 @!p1 s11, $0x9  }
0x1aa: {  	s2 =	sshrl.u32 @!p1 s0, $0x2  }
0x1ab: {  	[tilespmem:s2+$0xF238] =	vst.add.f32.msk @!p1 $0xffff, v1  }
0x1ac: {  	v1 =	vld @!p1 [tilespmem:$0xF198];
	_ =	sdelay $0x4  }
0x1ad: {  	[tilespmem:s2+$0xF248] =	vst.add.f32.msk @!p1 $0xffff, v1  }
0x1ae: {  	v1 =	vld @!p1 [tilespmem:$0xF1A8];
	_ =	sdelay $0x4  }
0x1af: {  	[tilespmem:s2+$0xF258] =	vst.add.f32.msk @!p1 $0xffff, v1  }
0x1b0: {  	v1 =	vld @!p1 [tilespmem:$0xF1B8];
	_ =	sdelay $0x4  }
0x1b1: {  	[tilespmem:s2+$0xF268] =	vst.add.f32.msk @!p1 $0xffff, v1  }
0x1b2: {  	v1 =	vld @!p1 [tilespmem:$0xF1C8];
	_ =	sdelay $0x4  }
0x1b3: {  	[tilespmem:s2+$0xF278] =	vst.add.f32.msk @!p1 $0xffff, v1  }
0x1b4: {  	v1 =	vld @!p1 [tilespmem:$0xF1D8];
	_ =	sdelay $0x4  }
0x1b5: {  	[tilespmem:s2+$0xF288] =	vst.add.f32.msk @!p1 $0xffff, v1  }
0x1b6: {  	v1 =	vld @!p1 [tilespmem:$0xF1E8];
	_ =	sdelay $0x4  }
0x1b7: {  	[tilespmem:s2+$0xF298] =	vst.add.f32.msk @!p1 $0xffff, v1  }
0x1b8: {  	v1 =	vld @!p1 [tilespmem:$0xF1F8];
	_ =	sdelay $0x4  }
0x1b9: {  	[tilespmem:s2+$0xF2A8] =	vst.add.f32.msk @!p1 $0xffff, v1  }
0x1ba: {  	s0 =	sshrl.u32 s0, $0x2;
	[tilespmem:s6+$0xF218] =	vst.msk $0x1, v0  }
0x1bb: {  	v0 =	vld [tilespmem:s0+$0xF238];
	_ =	sdelay $0x2  }
0x1bc: {  	s31 =	sshll.u32 s6, $0x9  }
0x1bd: {  	s2 =	sshra.s32 s31, $0x2  }
0x1be: {  	[tilespmem:s2+$0xF238] =	vst v0  }
0x1bf: {  	v0 =	vld [tilespmem:s0+$0xF248];
	_ =	sdelay $0x4  }
0x1c0: {  	[tilespmem:s2+$0xF248] =	vst v0  }
0x1c1: {  	v0 =	vld [tilespmem:s0+$0xF258];
	_ =	sdelay $0x4  }
0x1c2: {  	[tilespmem:s2+$0xF258] =	vst v0  }
0x1c3: {  	v0 =	vld [tilespmem:s0+$0xF268];
	_ =	sdelay $0x4  }
0x1c4: {  	[tilespmem:s2+$0xF268] =	vst v0  }
0x1c5: {  	v0 =	vld [tilespmem:s0+$0xF278];
	_ =	sdelay $0x4  }
0x1c6: {  	[tilespmem:s2+$0xF278] =	vst v0  }
0x1c7: {  	v0 =	vld [tilespmem:s0+$0xF288];
	_ =	sdelay $0x4  }
0x1c8: {  	[tilespmem:s2+$0xF288] =	vst v0  }
0x1c9: {  	v0 =	vld [tilespmem:s0+$0xF298];
	_ =	sdelay $0x4  }
0x1ca: {  	[tilespmem:s2+$0xF298] =	vst v0  }
0x1cb: {  	v0 =	vld [tilespmem:s0+$0xF2A8];
	_ =	sdelay $0x4  }
0x1cc: {  	s6 =	sadd.s32 $0x1, s6;
	[tilespmem:s2+$0xF2A8] =	vst v0  }
.LBB3_33:
0x1cd: {  	s11 =	sadd.s32 $0x1, s11  }
0x1ce: {  	p1 =	sne.s32 s11, $0x20  }
.Ltmp25:
0x1cf: {  	_ = 	snop;
	(pc) =	sbr.rel @!p1 .LBB3_34-.Ltmp25, $1  }
0x1d0: {  	_ =	sdelay $0x3  }
.LBB3_26:
0x1d1: {  	v0 =	vld.msk [tilespmem:s11+$0xF218], $0x1;
	_ =	sdelay $0x4  }
0x1d2: {  	(v2sf) =	vpush v0, $0x0;
	_ =	sdelay $0xe  }
0x1d3: {  	s12 =	spop (v2sf)  }
0x1d4: {  	p1 =	seq.s32 s12, $0xFFFFFFFF  }
.Ltmp26:
0x1d5: {  	_ = 	snop;
	(pc) =	sbr.rel @p1 .LBB3_33-.Ltmp26, $1  }
0x1d6: {  	_ =	sdelay $0x3  }
0x1d7: {  	p1 =	slt.s32 s6, $0x1  }
.Ltmp27:
0x1d8: {  	_ = 	snop;
	(pc) =	sbr.rel @p1 .LBB3_32-.Ltmp27, $1  }
0x1d9: {  	_ =	sdelay $0x3  }
0x1da: {  	s13 =	simm.s32 $0xF218;
	p1 =	por $0x0, $0x0  }
0x1db: {  	v1 =	vld.msk @!p1 [tilespmem:s13+$0x0], $0x1;
	_ =	sdelay $0x4  }
0x1dc: {  	(v2sf) =	vpush @!p1 v1, $0x0;
	_ =	sdelay $0xd  }
0x1dd: {  	p3 =	sne.s32 s6, $0x1  }
.Ltmp28:
0x1de: {  	s0 =	spop @!p1 (v2sf);
	(pc) =	sbr.rel @!p3 .LBB3_30-.Ltmp28, $4  }
0x1df: {  	p2 =	seq.s32 @!p1 s12, s0  }
0x1e0: {  	s14 =	simm.s32 $0x0;
	p2 =	por !p2, p1  }
0x1e1: {  	s2 =	simm.s32 $0xFFFFFFFF;
	s14 =	simm.s32 @p2 $0xFFFFFFFF  }
0x1e2: {  	s0 =	simm.s32 $0x1;
	s14 =	smov.u32 @p1 s2  }
.LBB3_29:
0x1e3: {  	s2 =	smov.u32 s14;
	p1 =	sne.s32 s14, $0xFFFFFFFF  }
0x1e4: {  	s13 =	sadd.s32 $0x1, s13;
	s14 =	smov.u32 s0;
	s0 =	sadd.s32 $0x1, s0  }
0x1e5: {  	p2 =	sne.s32 s6, s0;
	v1 =	vld.msk @!p1 [tilespmem:s13+$0x0], $0x1;
	_ =	sdelay $0x4  }
0x1e6: {  	(v2sf) =	vpush @!p1 v1, $0x0;
	_ =	sdelay $0xe  }
.Ltmp29:
0x1e7: {  	s3 =	spop @!p1 (v2sf);
	(pc) =	sbr.rel @p2 .LBB3_29-.Ltmp29, $4  }
0x1e8: {  	p3 =	seq.s32 @!p1 s12, s3  }
0x1e9: {  	p3 =	por !p3, p1  }
0x1ea: {  	s14 =	simm.s32 @p3 $0xFFFFFFFF  }
0x1eb: {  	s14 =	smov.u32 @p1 s2  }
.LBB3_30:
0x1ec: {  	p1 =	seq.s32 s14, $0xFFFFFFFF  }
.Ltmp30:
0x1ed: {  	_ = 	snop;
	(pc) =	sbr.rel @p1 .LBB3_32-.Ltmp30, $1  }
0x1ee: {  	_ =	sdelay $0x3  }
0x1ef: {  	s0 =	sshll.u32 s11, $0x7  }
0x1f0: {  	s0 =	sand.u32 $0x3FFFFF80, s0  }
0x1f1: {  	v0 =	vld [tilespmem:s0+$0xF238];
	_ =	sdelay $0x2  }
0x1f2: {  	s2 =	sshll.u32 s14, $0x9  }
0x1f3: {  	s2 =	sshra.s32 s2, $0x2  }
0x1f4: {  	[tilespmem:s2+$0xF238] =	vst.add.f32.msk $0xffff, v0  }
0x1f5: {  	v0 =	vld [tilespmem:s0+$0xF248];
	_ =	sdelay $0x4  }
0x1f6: {  	[tilespmem:s2+$0xF248] =	vst.add.f32.msk $0xffff, v0  }
0x1f7: {  	v0 =	vld [tilespmem:s0+$0xF258];
	_ =	sdelay $0x4  }
0x1f8: {  	[tilespmem:s2+$0xF258] =	vst.add.f32.msk $0xffff, v0  }
0x1f9: {  	v0 =	vld [tilespmem:s0+$0xF268];
	_ =	sdelay $0x4  }
0x1fa: {  	[tilespmem:s2+$0xF268] =	vst.add.f32.msk $0xffff, v0  }
0x1fb: {  	v0 =	vld [tilespmem:s0+$0xF278];
	_ =	sdelay $0x4  }
0x1fc: {  	[tilespmem:s2+$0xF278] =	vst.add.f32.msk $0xffff, v0  }
0x1fd: {  	v0 =	vld [tilespmem:s0+$0xF288];
	_ =	sdelay $0x4  }
0x1fe: {  	[tilespmem:s2+$0xF288] =	vst.add.f32.msk $0xffff, v0  }
0x1ff: {  	v0 =	vld [tilespmem:s0+$0xF298];
	_ =	sdelay $0x4  }
0x200: {  	[tilespmem:s2+$0xF298] =	vst.add.f32.msk $0xffff, v0  }
0x201: {  	v0 =	vld [tilespmem:s0+$0xF2A8]  }
.Ltmp31:
0x202: {  	_ = 	snop;
	(pc) =	sbr.rel .LBB3_33-.Ltmp31, $2  }
0x203: {  	_ =	sdelay $0x2  }
0x204: {  	[tilespmem:s2+$0xF2A8] =	vst.add.f32.msk $0xffff, v0  }
.LBB3_34:
0x205: {  	s0 =	simm.s32 $0x6;
	p1 =	seq.s32 s6, $0x0  }
0x206: {  	[sflag:s0] =	ssyncpa.u1 $0x1;
	v0 =	vimm.s32 @p1 $0xFFFFFFFF  }
0x207: {  	s9 =	sadd.s32 $0xFFFFFFFF, s6;
	[tilespmem:$0x10238] =	vst @p1 v0  }
0x208: {  	v0 =	vld.msk @!p1 [tilespmem:s9+$0xF218], $0x1;
	_ =	sdelay $0x1  }
0x209: {  	v1 =	vld.msk @!p1 [tilespmem:$0xF218], $0x1;
	_ =	sdelay $0x2  }
0x20a: {  	p2 =	seq.s32 @!p1 s9, $0x0;
	v0 =	vbroadcast @!p1 v0, $0x0  }
0x20b: {  	vm0 =	vmmov @!p1 $0x1;
	p2 =	por !p2, p1  }
0x20c: {  	v1 =	vnsel @!p1 vm0, $0xFFFFFFFF, v1;
	vm0 =	vcmask @!p1 $0x308;
	v0 =	vpsel !p2, $0xFFFFFFFF, v0  }
0x20d: {  	p2 =	sne.s32 @!p1 s8, s7;
	v0 =	vsel @!p1 vm0, v1, v0  }
0x20e: {  	s0 =	simm.s32 @!p1 $0xF238;
	s2 =	simm.s32 @!p1 $0x0;
	p3 =	por !p2, p1;
	[tilespmem:$0x10238] =	vst @!p1 v0  }
0x20f: {  	[spmem:s2] =	stream.linear.scatter @!p1 [tilespmem:s0], [sflag:$0x1], $0x80, $0x38;
	[tilespmem:$0x1F6F8] =	vst v63  }
0x210: {  	s0 =	sshll.u32 @!p3 s9, $0x9  }
0x211: {  	s0 =	sshra.s32 @!p3 s0, $0x2  }
0x212: {  	s2 =	simm.s32 @!p3 $0x80;
	s0 =	sadd.s32 @!p3 $0xF238, s0  }
0x213: {  	[spmem:s2] =	stream.linear.scatter @!p3 [tilespmem:s0], [sflag:$0x1], $0x80, $0x38;
	[tilespmem:$0x1F6F8] =	vst v63  }
0x214: {  	s0 =	simm.s32 @!p3 $0x1  }
0x215: {  	_ =	swait.ge @!p3 [sflag:s0], $0x100  }
0x216: {  	p1 =	por p2, p1;
	[sflag:s0] =	ssyncset.done @!p3 $0x0  }
0x217: {  	[sflag:s0] =	ssyncadd.s32 @!p3 $0xFFFFFF00;
	s0 =	simm.s32 @!p1 $0x1  }
0x218: {  	_ =	swait.ge @!p1 [sflag:s0], $0x80  }
0x219: {  	s29 =	simm.s32 $0x10238;
	[sflag:s0] =	ssyncset.done @!p1 $0x0  }
0x21a: {  	s30 =	simm.s32 $0x1000;
	s31 =	simm.s32 $0x1;
	[sflag:s0] =	ssyncadd.s32 @!p1 $0xFFFFFF80  }
0x21b: {  	[spmem:s30] =	stream.linear.scatter [tilespmem:s29], [sflag:$0x1], $0x10, $0x38;
	[tilespmem:$0x1F6F8] =	vst v63  }
0x21c: {  	_ =	swait.ge [sflag:s31], $0x10  }
0x21d: {  	[sflag:s31] =	ssyncset.done $0x0  }
0x21e: {  	p1 =	seq.s32 s15, $0x0;
	s8 =	rddreg [dreg:$0x2];
	[sflag:s31] =	ssyncadd.s32 $0xFFFFFFF0  }
0x21f: {  	s2 =	sshll.u32 @p1 s8, $0xE;
	s7 =	rddreg [dreg:$0x3]  }
0x220: {  	s0 =	sadd.s32 @p1 $0x15C3C, s2;
	s2 =	sshll.u32 @p1 s7, $0x11  }
0x221: {  	_ =	sfence.stream.spmem;
	s0 =	sor.u32 @p1 s2, s0  }
0x222: {  	[sflag:s0] =	ssyncadd.remote.s32 @p1 $0x1;
	s0 =	simm.s32 @p1 $0x4  }
0x223: {  	s3 =	simm.s32 @!p1 $0x3C;
	s2 =	sand.u32 $0xFFFFFFFE, s8;
	_ =	swait.ge @p1 [sflag:s0], $0x22  }
0x224: {  	s4 =	simm.s32 @!p1 $0x0;
	s2 =	sadd.s32 @!p1 $0x4, s2;
	[sflag:s0] =	ssyncset.done @p1 $0x0  }
0x225: {  	s5 =	simm.s32 @!p1 $0x100;
	[sflag:s0] =	ssyncadd.s32 @p1 $0xFFFFFFDE;
	s0 =	sshll.u32 @!p1 s2, $0x1A  }
0x226: {  	s2 =	sshll.u32 @!p1 s2, $0xD;
	s0 =	sor.u32 @!p1 s0, s7;
	_ =	swait.eq @!p1 [sflag:s3], $0x1  }
0x227: {  	s2 =	sor.u32 @!p1 $0x1C04, s2;
	s3 =	simm.s32 @!p1 $0x1C03;
	s0 =	sor.u32 @!p1 $0x80004000, s0  }
0x228: {  	[spmem:s5], [sflag:s2] =	dma.general @!p1 [spmem:s4], [sflag:s3], length:$0x20, [dreg:$0x0], stride_count:$0x0, ici_dest:s0, dma_misc:DstOpCode:WRITE  }
0x229: {  	p2 =	slt.s32 s9, $0x2;
	s4 =	simm.s32 @!p1 $0x200;
	s5 =	simm.s32 @!p1 $0x202  }
0x22a: {  	[spmem:s5], [sflag:s2] =	dma.general @!p1 [spmem:s4], [sflag:s3], length:$0x2, [dreg:$0x0], stride_count:$0x0, ici_dest:s0, dma_misc:DstOpCode:WRITE  }
.Ltmp32:
0x22b: {  	s0 =	simm.s32 @!p1 $0x3;
	(pc) =	sbr.rel @p2 .LBB3_38-.Ltmp32, $4  }
0x22c: {  	s2 =	sshll.u32 @!p1 s8, $0xE;
	_ =	swait.ge @!p1 [sflag:s0], $0x22  }
0x22d: {  	s3 =	sshll.u32 @!p1 s7, $0x11;
	s2 =	sadd.s32 @!p1 $0x11C3C, s2;
	[sflag:s0] =	ssyncset.done @!p1 $0x0  }
0x22e: {  	[sflag:s0] =	ssyncadd.s32 @!p1 $0xFFFFFFDE;
	s0 =	sor.u32 @!p1 s3, s2  }
0x22f: {  	[sflag:s0] =	ssyncadd.remote.s32 @!p1 $0xFFFFFFFF;
	s0 =	simm.s32 $0x0  }
0x230: {  	s0 =	simm.s32 $0xF219  }
0x231: {  	v0 =	vld.msk [tilespmem:s0+$0x0], $0x1;
	_ =	sdelay $0x4  }
0x232: {  	(v2sf) =	vpush v0, $0x0;
	_ =	sdelay $0xb  }
0x233: {  	s31 =	sadd.s32 $0xFFFFFFFE, s6  }
0x234: {  	s0 =	sadd.s32 $0xFFFFFFFF, s31  }
0x235: {  	p2 =	sne.s32 s0, $0x0  }
.Ltmp33:
0x236: {  	s2 =	spop (v2sf);
	(pc) =	sbr.rel @!p2 .LBB3_37-.Ltmp33, $4  }
0x237: {  	s4 =	simm.s32 $0xF2B8;
	s7 =	simm.s32 $0x0;
	p1 =	sgt.u32 s2, $0x70  }
0x238: {  	s5 =	simm.s32 $0x0;
	s6 =	simm.s32 $0xF21A;
	s3 =	sand.u32 @!p1 $0x78, s2  }
0x239: {  	s2 =	sand.u32 @!p1 $0x7, s2;
	s7 =	simm.s32 @!p1 $0x200;
	s3 =	sadd.s32 @!p1 s1, s3  }
0x23a: {  	[hbm4b:s3+s2] =	stream.linear.scatter @!p1 [tilespmem:s4], [sflag:$0x5], $0x80, $0x38;
	[tilespmem:$0x1F6F8] =	vst v63  }
.LBB3_36:
0x23b: {  	v0 =	vld.msk [tilespmem:s6+$0x0], $0x1;
	s0 =	sadd.s32 $0xFFFFFFFF, s0;
	s5 =	sadd.s32 s5, s7  }
0x23c: {  	p1 =	sne.s32 s0, $0x0;
	_ =	sdelay $0x3  }
0x23d: {  	(v2sf) =	vpush v0, $0x0;
	_ =	sdelay $0xe  }
.Ltmp34:
0x23e: {  	s2 =	spop (v2sf);
	(pc) =	sbr.rel @p1 .LBB3_36-.Ltmp34, $4  }
0x23f: {  	s7 =	simm.s32 $0x0;
	p2 =	sgt.u32 s2, $0x70  }
0x240: {  	s4 =	sadd.s32 $0x80, s4;
	s7 =	simm.s32 @!p2 $0x200;
	s3 =	sand.u32 @!p2 $0x78, s2  }
0x241: {  	s6 =	sadd.s32 $0x1, s6;
	s2 =	sand.u32 @!p2 $0x7, s2;
	s3 =	sadd.s32 @!p2 s1, s3  }
0x242: {  	[hbm4b:s3+s2] =	stream.linear.scatter @!p2 [tilespmem:s4], [sflag:$0x5], $0x80, $0x38;
	[tilespmem:$0x1F6F8] =	vst v63  }
.LBB3_37:
0x243: {  	s0 =	sadd.s32 s5, s7  }
0x244: {  	s0 =	sshrl.u32 s0, $0x2  }
.LBB3_38:
0x245: {  	s2 =	simm.s32 $0x5  }
0x246: {  	_ =	swait.ge [sflag:s2], s0  }
0x247: {  	s31 =	ssub.s32 $0x0, s0;
	[sflag:s2] =	ssyncset.done $0x0  }
0x248: {  	[sflag:s2] =	ssyncadd.s32 s31  }
0x249: {  	[sflag:s2] =	ssyncpa.u1 $0x1  }
.LBB3_39:
0x24a: {  	s0 =	sor.u32 s15, s16  }
0x24b: {  	p1 =	sne.s32 s0, $0x0  }
.Ltmp35:
0x24c: {  	_ = 	snop;
	(pc) =	sbr.rel @p1 .LBB3_54-.Ltmp35, $3  }
0x24d: {  	_ =	sdelay $0x1  }
0x24e: {  	[bflag:$0x0] =	sbarrier.arrive $0xFFFF  }
0x24f: {  	_ =	sfence  }
0x250: {  	s0 =	simm.s32 $0x7  }
0x251: {  	s2 =	simm.s32 $0x1000;
	s3 =	simm.s32 $0xF218;
	[sflag:s0] =	ssyncpa.u1 $0x0  }
0x252: {  	[tilespmem:s3], [sflag:$0x7] =	stream.linear.gather [spmem:s2], $0x20, $0x38;
	[tilespmem:$0x1F6F8] =	vst v63  }
0x253: {  	s30 =	simm.s32 $0xF238;
	s2 =	simm.s32 $0x0  }
0x254: {  	[tilespmem:s30], [sflag:$0x7] =	stream.linear.gather [spmem:s2], $0x1000, $0x38;
	[tilespmem:$0x1F6F8] =	vst v63  }
.Ltmp36:
0x255: {  	_ = 	snop;
	(pc) =	sbr.rel .LBB3_41-.Ltmp36, $4  }
0x256: {  	_ =	swait.ge [sflag:s0], $0x1020  }
0x257: {  	[sflag:s0] =	ssyncset.done $0x0  }
0x258: {  	s31 =	simm.s32 $0x8;
	[sflag:s0] =	ssyncadd.s32 $0xFFFFEFE0  }
0x259: {  	s3 =	simm.s32 $0x0;
	[sflag:s31] =	ssyncpa.u1 $0x0  }
.LBB3_47:
0x25a: {  	p1 =	slt.u32 s4, $0x71  }
0x25b: {  	s0 =	sand.u32 @p1 $0x78, s4  }
0x25c: {  	s4 =	sand.u32 @p1 $0x7, s4;
	s5 =	simm.s32 @p1 $0xF188;
	s0 =	sadd.s32 @p1 s1, s0  }
0x25d: {  	[tilespmem:s5], [sflag:$0x8] =	stream.linear.gather @p1 [hbm4b:s0+s4], $0x80, $0x38;
	[tilespmem:$0x1F6F8] =	vst v63  }
0x25e: {  	s0 =	simm.s32 @p1 $0x8  }
0x25f: {  	_ =	swait.ge @p1 [sflag:s0], $0x80  }
0x260: {  	[sflag:s0] =	ssyncset.done @p1 $0x0  }
0x261: {  	[sflag:s0] =	ssyncadd.s32 @p1 $0xFFFFFF80  }
0x262: {  	v1 =	vld @p1 [tilespmem:$0xF188];
	_ =	sdelay $0x2  }
0x263: {  	s0 =	sshll.u32 @p1 s3, $0x9  }
0x264: {  	s4 =	sshrl.u32 @p1 s0, $0x2  }
0x265: {  	[tilespmem:s4+$0xF238] =	vst.add.f32.msk @p1 $0xffff, v1  }
0x266: {  	v1 =	vld @p1 [tilespmem:$0xF198];
	_ =	sdelay $0x4  }
0x267: {  	[tilespmem:s4+$0xF248] =	vst.add.f32.msk @p1 $0xffff, v1  }
0x268: {  	v1 =	vld @p1 [tilespmem:$0xF1A8];
	_ =	sdelay $0x4  }
0x269: {  	[tilespmem:s4+$0xF258] =	vst.add.f32.msk @p1 $0xffff, v1  }
0x26a: {  	v1 =	vld @p1 [tilespmem:$0xF1B8];
	_ =	sdelay $0x4  }
0x26b: {  	[tilespmem:s4+$0xF268] =	vst.add.f32.msk @p1 $0xffff, v1  }
0x26c: {  	v1 =	vld @p1 [tilespmem:$0xF1C8];
	_ =	sdelay $0x4  }
0x26d: {  	[tilespmem:s4+$0xF278] =	vst.add.f32.msk @p1 $0xffff, v1  }
0x26e: {  	v1 =	vld @p1 [tilespmem:$0xF1D8];
	_ =	sdelay $0x4  }
0x26f: {  	[tilespmem:s4+$0xF288] =	vst.add.f32.msk @p1 $0xffff, v1  }
0x270: {  	v1 =	vld @p1 [tilespmem:$0xF1E8];
	_ =	sdelay $0x4  }
0x271: {  	[tilespmem:s4+$0xF298] =	vst.add.f32.msk @p1 $0xffff, v1  }
0x272: {  	v1 =	vld @p1 [tilespmem:$0xF1F8];
	_ =	sdelay $0x3  }
0x273: {  	s5 =	sshll.u32 @!p1 s3, $0x9  }
0x274: {  	s5 =	smov.u32 @p1 s0;
	[tilespmem:s4+$0xF2A8] =	vst.add.f32.msk @p1 $0xffff, v1  }
0x275: {  	s0 =	sshrl.u32 s5, $0x2;
	[tilespmem:s2+$0xF218] =	vst.msk $0x1, v0  }
0x276: {  	v0 =	vld [tilespmem:s0+$0xF238];
	_ =	sdelay $0x2  }
0x277: {  	s31 =	sshll.u32 s2, $0x9  }
0x278: {  	s4 =	sshra.s32 s31, $0x2  }
0x279: {  	[tilespmem:s4+$0xF238] =	vst v0  }
0x27a: {  	v0 =	vld [tilespmem:s0+$0xF248];
	_ =	sdelay $0x4  }
0x27b: {  	[tilespmem:s4+$0xF248] =	vst v0  }
0x27c: {  	v0 =	vld [tilespmem:s0+$0xF258];
	_ =	sdelay $0x4  }
0x27d: {  	[tilespmem:s4+$0xF258] =	vst v0  }
0x27e: {  	v0 =	vld [tilespmem:s0+$0xF268];
	_ =	sdelay $0x4  }
0x27f: {  	[tilespmem:s4+$0xF268] =	vst v0  }
0x280: {  	v0 =	vld [tilespmem:s0+$0xF278];
	_ =	sdelay $0x4  }
0x281: {  	[tilespmem:s4+$0xF278] =	vst v0  }
0x282: {  	v0 =	vld [tilespmem:s0+$0xF288];
	_ =	sdelay $0x4  }
0x283: {  	[tilespmem:s4+$0xF288] =	vst v0  }
0x284: {  	v0 =	vld [tilespmem:s0+$0xF298];
	_ =	sdelay $0x4  }
0x285: {  	[tilespmem:s4+$0xF298] =	vst v0  }
0x286: {  	v0 =	vld [tilespmem:s0+$0xF2A8];
	_ =	sdelay $0x4  }
0x287: {  	s2 =	sadd.s32 $0x1, s2;
	[tilespmem:s4+$0xF2A8] =	vst v0  }
.LBB3_48:
0x288: {  	s3 =	sadd.s32 $0x1, s3  }
0x289: {  	p1 =	sne.s32 s3, $0x20  }
.Ltmp37:
0x28a: {  	_ = 	snop;
	(pc) =	sbr.rel @!p1 .LBB3_49-.Ltmp37, $1  }
0x28b: {  	_ =	sdelay $0x3  }
.LBB3_41:
0x28c: {  	v0 =	vld.msk [tilespmem:s3+$0xF218], $0x1;
	_ =	sdelay $0x4  }
0x28d: {  	(v2sf) =	vpush v0, $0x0;
	_ =	sdelay $0xe  }
0x28e: {  	s4 =	spop (v2sf)  }
0x28f: {  	p1 =	seq.s32 s4, $0xFFFFFFFF  }
.Ltmp38:
0x290: {  	_ = 	snop;
	(pc) =	sbr.rel @p1 .LBB3_48-.Ltmp38, $1  }
0x291: {  	_ =	sdelay $0x3  }
0x292: {  	p1 =	slt.s32 s2, $0x1  }
.Ltmp39:
0x293: {  	_ = 	snop;
	(pc) =	sbr.rel @p1 .LBB3_47-.Ltmp39, $1  }
0x294: {  	_ =	sdelay $0x3  }
0x295: {  	s5 =	simm.s32 $0xF218;
	p1 =	por $0x0, $0x0  }
0x296: {  	v1 =	vld.msk @!p1 [tilespmem:s5+$0x0], $0x1;
	_ =	sdelay $0x4  }
0x297: {  	(v2sf) =	vpush @!p1 v1, $0x0;
	_ =	sdelay $0xd  }
0x298: {  	p3 =	sne.s32 s2, $0x1  }
.Ltmp40:
0x299: {  	s0 =	spop @!p1 (v2sf);
	(pc) =	sbr.rel @!p3 .LBB3_45-.Ltmp40, $4  }
0x29a: {  	p2 =	seq.s32 @!p1 s4, s0  }
0x29b: {  	s6 =	simm.s32 $0x0;
	p2 =	por !p2, p1  }
0x29c: {  	s7 =	simm.s32 $0xFFFFFFFF;
	s6 =	simm.s32 @p2 $0xFFFFFFFF  }
0x29d: {  	s0 =	simm.s32 $0x1;
	s6 =	smov.u32 @p1 s7  }
.LBB3_44:
0x29e: {  	s7 =	smov.u32 s6;
	p1 =	sne.s32 s6, $0xFFFFFFFF  }
0x29f: {  	s5 =	sadd.s32 $0x1, s5;
	s6 =	smov.u32 s0;
	s0 =	sadd.s32 $0x1, s0  }
0x2a0: {  	p2 =	sne.s32 s2, s0;
	v1 =	vld.msk @!p1 [tilespmem:s5+$0x0], $0x1;
	_ =	sdelay $0x4  }
0x2a1: {  	(v2sf) =	vpush @!p1 v1, $0x0;
	_ =	sdelay $0xe  }
.Ltmp41:
0x2a2: {  	s8 =	spop @!p1 (v2sf);
	(pc) =	sbr.rel @p2 .LBB3_44-.Ltmp41, $4  }
0x2a3: {  	p3 =	seq.s32 @!p1 s4, s8  }
0x2a4: {  	p3 =	por !p3, p1  }
0x2a5: {  	s6 =	simm.s32 @p3 $0xFFFFFFFF  }
0x2a6: {  	s6 =	smov.u32 @p1 s7  }
.LBB3_45:
0x2a7: {  	p1 =	seq.s32 s6, $0xFFFFFFFF  }
.Ltmp42:
0x2a8: {  	_ = 	snop;
	(pc) =	sbr.rel @p1 .LBB3_47-.Ltmp42, $1  }
0x2a9: {  	_ =	sdelay $0x3  }
0x2aa: {  	s0 =	sshll.u32 s3, $0x7  }
0x2ab: {  	s0 =	sand.u32 $0x3FFFFF80, s0  }
0x2ac: {  	v0 =	vld [tilespmem:s0+$0xF238];
	_ =	sdelay $0x2  }
0x2ad: {  	s4 =	sshll.u32 s6, $0x9  }
0x2ae: {  	s4 =	sshra.s32 s4, $0x2  }
0x2af: {  	[tilespmem:s4+$0xF238] =	vst.add.f32.msk $0xffff, v0  }
0x2b0: {  	v0 =	vld [tilespmem:s0+$0xF248];
	_ =	sdelay $0x4  }
0x2b1: {  	[tilespmem:s4+$0xF248] =	vst.add.f32.msk $0xffff, v0  }
0x2b2: {  	v0 =	vld [tilespmem:s0+$0xF258];
	_ =	sdelay $0x4  }
0x2b3: {  	[tilespmem:s4+$0xF258] =	vst.add.f32.msk $0xffff, v0  }
0x2b4: {  	v0 =	vld [tilespmem:s0+$0xF268];
	_ =	sdelay $0x4  }
0x2b5: {  	[tilespmem:s4+$0xF268] =	vst.add.f32.msk $0xffff, v0  }
0x2b6: {  	v0 =	vld [tilespmem:s0+$0xF278];
	_ =	sdelay $0x4  }
0x2b7: {  	[tilespmem:s4+$0xF278] =	vst.add.f32.msk $0xffff, v0  }
0x2b8: {  	v0 =	vld [tilespmem:s0+$0xF288];
	_ =	sdelay $0x4  }
0x2b9: {  	[tilespmem:s4+$0xF288] =	vst.add.f32.msk $0xffff, v0  }
0x2ba: {  	v0 =	vld [tilespmem:s0+$0xF298];
	_ =	sdelay $0x4  }
0x2bb: {  	[tilespmem:s4+$0xF298] =	vst.add.f32.msk $0xffff, v0  }
0x2bc: {  	v0 =	vld [tilespmem:s0+$0xF2A8]  }
.Ltmp43:
0x2bd: {  	_ = 	snop;
	(pc) =	sbr.rel .LBB3_48-.Ltmp43, $2  }
0x2be: {  	_ =	sdelay $0x2  }
0x2bf: {  	[tilespmem:s4+$0xF2A8] =	vst.add.f32.msk $0xffff, v0  }
.LBB3_49:
0x2c0: {  	p1 =	slt.s32 s2, $0x1  }
.Ltmp44:
0x2c1: {  	_ = 	snop;
	(pc) =	sbr.rel @p1 .LBB3_53-.Ltmp44, $3  }
0x2c2: {  	_ =	sdelay $0x1  }
0x2c3: {  	s0 =	simm.s32 $0x8  }
0x2c4: {  	s3 =	simm.s32 $0x0;
	[sflag:s0] =	ssyncpa.u1 $0x1  }
0x2c5: {  	s0 =	simm.s32 $0xF218  }
0x2c6: {  	v0 =	vld.msk [tilespmem:s0+$0x0], $0x1;
	_ =	sdelay $0x4  }
0x2c7: {  	(v2sf) =	vpush v0, $0x0;
	_ =	sdelay $0xe  }
0x2c8: {  	s0 =	sadd.s32 $0xFFFFFFFF, s2;
	s5 =	spop (v2sf)  }
0x2c9: {  	p2 =	sne.s32 s0, $0x0;
	p1 =	sgt.u32 s5, $0x70  }
.Ltmp45:
0x2ca: {  	s6 =	sand.u32 @!p1 $0x78, s5;
	(pc) =	sbr.rel @!p2 .LBB3_52-.Ltmp45, $4  }
0x2cb: {  	s4 =	simm.s32 $0xF238;
	s5 =	sand.u32 @!p1 $0x7, s5;
	s2 =	sadd.s32 @!p1 s1, s6  }
0x2cc: {  	[hbm4b:s2+s5] =	stream.linear.scatter @!p1 [tilespmem:s4], [sflag:$0x7], $0x80, $0x38;
	[tilespmem:$0x1F6F8] =	vst v63  }
0x2cd: {  	s5 =	simm.s32 $0x0  }
0x2ce: {  	s2 =	simm.s32 $0xF219;
	s5 =	simm.s32 @!p1 $0x200  }
.LBB3_51:
0x2cf: {  	v0 =	vld.msk [tilespmem:s2+$0x0], $0x1;
	s0 =	sadd.s32 $0xFFFFFFFF, s0;
	s3 =	sadd.s32 s3, s5  }
0x2d0: {  	p1 =	sne.s32 s0, $0x0;
	_ =	sdelay $0x3  }
0x2d1: {  	(v2sf) =	vpush v0, $0x0;
	_ =	sdelay $0xe  }
.Ltmp46:
0x2d2: {  	s6 =	spop (v2sf);
	(pc) =	sbr.rel @p1 .LBB3_51-.Ltmp46, $4  }
0x2d3: {  	s5 =	simm.s32 $0x0;
	p2 =	sgt.u32 s6, $0x70  }
0x2d4: {  	s4 =	sadd.s32 $0x80, s4;
	s5 =	simm.s32 @!p2 $0x200;
	s7 =	sand.u32 @!p2 $0x78, s6  }
0x2d5: {  	s2 =	sadd.s32 $0x1, s2;
	s6 =	sand.u32 @!p2 $0x7, s6;
	s7 =	sadd.s32 @!p2 s1, s7  }
0x2d6: {  	[hbm4b:s7+s6] =	stream.linear.scatter @!p2 [tilespmem:s4], [sflag:$0x7], $0x80, $0x38;
	[tilespmem:$0x1F6F8] =	vst v63  }
.LBB3_52:
0x2d7: {  	s0 =	sadd.s32 s3, s5  }
0x2d8: {  	s3 =	sshrl.u32 s0, $0x2  }
.LBB3_53:
0x2d9: {  	s0 =	simm.s32 $0x7  }
0x2da: {  	_ =	swait.ge [sflag:s0], s3  }
0x2db: {  	s1 =	ssub.s32 $0x0, s3;
	[sflag:s0] =	ssyncset.done $0x0  }
0x2dc: {  	[sflag:s0] =	ssyncadd.s32 s1  }
0x2dd: {  	[sflag:s0] =	ssyncpa.u1 $0x1  }
.LBB3_54:
0x2de: {  	_ =	sfence;
	s0 =	simm.s32 $0x1  }
0x2df: {  	[sflag:s0] =	ssyncpa.u1 $0x1  }
0x2e0: {  	_ =	strace $0x9000005C  }
0x2e1: {  	[bflag:$0x2] =	sbarrier.arrive $0xFFFF  }
0x2e2: {  	s0 =	rddreg [dreg:$0x4]  }
0x2e3: {  	s0 =	sadd.s32 @!p0 $0x100000, s0  }
0x2e4: {  	[sflag:s0] =	ssyncadd.tile.s32 @!p0 $0x1;
	_ =	shalt  }
.Lfunc_end3:
_tile_overlayer_lowered:
.L_overlay_start_3:
0x2e5: {  	(tag) =	ssettag $0x3  }
0x2e6: {  	s0 =	rddreg [dreg:$0x0];
	s2 =	stileid.u32  }
0x2e7: {  	s1 =	rddreg [dreg:$0x1];
	p0 =	sne.s32 s2, $0x0  }
0x2e8: {  	s3 =	rddreg [dreg:$0x2];
	[bflag:$0x3] =	sbarrier.arrive $0xFFFF;
	s2 =	simm.s32 @!p0 $0x1C01  }
0x2e9: {  	[timem:s3], [sflag:s2] =	dma.local @!p0 [hbm:s0], s1  }
0x2ea: {  	s0 =	simm.s32 @!p0 $0x1  }
0x2eb: {  	_ =	swait.ge @!p0 [sflag:s0], s1  }
0x2ec: {  	s1 =	ssub.s32 @!p0 $0x0, s1;
	[sflag:s0] =	ssyncset.done @!p0 $0x0  }
0x2ed: {  	[sflag:s0] =	ssyncadd.s32 @!p0 s1  }
0x2ee: {  	[bflag:$0x3] =	sbarrier.arrive $0xFFFF  }
0x2ef: {  	_ =	shalt  }

// kernel: scatter_offload_async_start.4
scs
__scs_entry_jumppad:
0x0: {  	(pc) =	sbr.rel $0x88, $3  }
0x1: {  	(tag) =	ssettag $0x0;
	lr =	simm.s32 $0x1  }
0x2: {  	[smem:$0x3F92] =	sst lr;
	_ =	strace $0xD0000000  }
0x3: {  	_ = 	snop  }
0x4: {  	_ = 	snop  }
0x5: {  	_ = 	snop  }
0x6: {  	_ = 	snop  }
0x7: {  	_ = 	snop  }
__scs_overlays_trampoline_lowered:
0x8: {  	[smem:$0x3FA1] =	sst s0  }
0x9: {  	[smem:$0x3FA2] =	sst s1  }
0xa: {  	[smem:$0x3FA3] =	sst s2  }
0xb: {  	[smem:$0x3FA4] =	sst s3  }
0xc: {  	[smem:$0x3FA5] =	sst s4  }
0xd: {  	[smem:$0x3FA6] =	sst s5  }
0xe: {  	[smem:$0x3FA7] =	sst s6  }
0xf: {  	[smem:$0x3FA8] =	sst s7  }
0x10: {  	[smem:$0x3FA9] =	sst s8  }
0x11: {  	[smem:$0x3FAA] =	sst s9;
	s0 =	simm.s32 @!p0 $0x0  }
0x12: {  	s1 =	sld [smem:$0x3F90];
	s0 =	simm.s32 @p0 $0x1  }
0x13: {  	[smem:$0x3FAB] =	sst s0;
	s0 =	simm.s32 @!p1 $0x0  }
0x14: {  	s2 =	sld [smem:$0x3F8F];
	s0 =	simm.s32 @p1 $0x1  }
0x15: {  	[smem:$0x3FAC] =	sst s0;
	s0 =	simm.s32 @!p2 $0x0  }
0x16: {  	s3 =	sld [smem:$0x3FDB];
	s0 =	simm.s32 @p2 $0x1  }
0x17: {  	s4 =	simm.s32 $0x1BF5;
	[smem:$0x3FAE] =	sst s0  }
0x18: {  	s0 =	sld [smem:$0x3F91];
	_ =	swait.ge [sflag:s4], $0x0  }
0x19: {  	s7 =	sld [smem:$0x3F92]  }
0x1a: {  	s8 =	sadd.s32 $0xFFFFE003, lr  }
0x1b: {  	s9 =	sadd.s32 $0xFFFFFEF7, lr;
	s5 =	simm.s32 $0xFFFFFFFF;
	p2 =	slt.u32 s8, $0xFFFFF086  }
0x1c: {  	p1 =	slt.u32 s9, $0xF7A;
	s5 =	simm.s32 @!p2 $0x0  }
0x1d: {  	s5 =	simm.s32 @p1 $0x1;
	p0 =	seq.s32 s7, s2  }
0x1e: {  	s7 =	smul.u32 @!p0 $0xF7A, s2;
	p2 =	seq.s32 @!p0 s5, $0x0  }
0x1f: {  	s9 =	smul.u32 $0xF7A, s1;
	s8 =	simm.s32 @!p0 $0x1BF5;
	p2 =	por !p2, p0  }
0x20: {  	[sflag:s8] =	ssyncset.s32 @!p0 $0xFFFFF086;
	s6 =	sadd.s32 @!p0 s3, s7;
	s7 =	simm.s32 @!p0 $0x108  }
0x21: {  	s3 =	sadd.s32 s3, s9;
	s6 =	sadd.s32 @!p0 $0x88, s6;
	s7 =	simm.s32 @p2 $0x1082  }
0x22: {  	[simem:s7], [sflag:s8] =	dma.local @!p0 [hbm:s6], $0xF7A  }
0x23: {  	s9 =	sor.u32 $0xD0000000, s2;
	s6 =	simm.s32 $0x108;
	_ =	swait.ge @!p0 [sflag:s8], $0x0  }
0x24: {  	s3 =	sadd.s32 $0x88, s3;
	s6 =	simm.s32 @!p1 $0x1082;
	[sflag:s4] =	ssyncset.s32 $0xFFFFF086  }
0x25: {  	[simem:s6], [sflag:s4] =	dma.local [hbm:s3], $0xF7A  }
0x26: {  	[smem:$0x3F92] =	sst s1;
	(tag) =	ssettag s2;
	_ =	strace s9  }
0x27: {  	s1 =	sld [smem:$0x3FA2]  }
0x28: {  	s2 =	sld [smem:$0x3FA3]  }
0x29: {  	s4 =	sld [smem:$0x3FA5]  }
0x2a: {  	p0 =	seq.s32 s5, $0x0;
	s5 =	sld [smem:$0x3FA6]  }
0x2b: {  	s6 =	sld [smem:$0x3FA7]  }
0x2c: {  	s7 =	sld [smem:$0x3FA8]  }
0x2d: {  	s3 =	simm.s32 $0x108;
	s8 =	sld [smem:$0x3FA9]  }
0x2e: {  	s3 =	simm.s32 @!p0 $0x1082;
	s9 =	sld [smem:$0x3FAA]  }
0x2f: {  	lr =	sadd.s32 s0, s3;
	s0 =	sld [smem:$0x3FA1]  }
0x30: {  	s3 =	sld [smem:$0x3FA4]  }
0x31: {  	[smem:$0x3FAD] =	sst s10  }
0x32: {  	s10 =	sld [smem:$0x3FAB];
	_ =	sdelay $0x3  }
0x33: {  	p0 =	seq.s32 s10, $0x1;
	s10 =	sld [smem:$0x3FAD];
	_ =	sdelay $0x3  }
0x34: {  	[smem:$0x3FAD] =	sst s10  }
0x35: {  	s10 =	sld [smem:$0x3FAC];
	_ =	sdelay $0x3  }
0x36: {  	p1 =	seq.s32 s10, $0x1;
	s10 =	sld [smem:$0x3FAD];
	_ =	sdelay $0x3  }
0x37: {  	[smem:$0x3FAD] =	sst s10  }
0x38: {  	s10 =	sld [smem:$0x3FAE]  }
0x39: {  	_ = 	snop;
	(pc) =	sbr.ind lr, $3  }
0x3a: {  	_ = 	snop  }
0x3b: {  	_ = 	snop  }
0x3c: {  	p2 =	seq.s32 s10, $0x1;
	s10 =	sld [smem:$0x3FAD]  }
0x3d: {  	_ =	shalt  }
0x3e: {  	_ =	shalt  }
0x3f: {  	_ =	shalt  }
0x40: {  	_ =	shalt  }
0x41: {  	_ =	shalt  }
0x42: {  	_ =	shalt  }
0x43: {  	_ =	shalt  }
0x44: {  	_ =	shalt  }
0x45: {  	_ =	shalt  }
0x46: {  	_ =	shalt  }
0x47: {  	_ =	shalt  }
0x48: {  	_ =	shalt  }
0x49: {  	_ =	shalt  }
0x4a: {  	_ =	shalt  }
0x4b: {  	_ =	shalt  }
0x4c: {  	_ =	shalt  }
0x4d: {  	_ =	shalt  }
0x4e: {  	_ =	shalt  }
0x4f: {  	_ =	shalt  }
0x50: {  	_ =	shalt  }
0x51: {  	_ =	shalt  }
0x52: {  	_ =	shalt  }
0x53: {  	_ =	shalt  }
0x54: {  	_ =	shalt  }
0x55: {  	_ =	shalt  }
0x56: {  	_ =	shalt  }
0x57: {  	_ =	shalt  }
0x58: {  	_ =	shalt  }
0x59: {  	_ =	shalt  }
0x5a: {  	_ =	shalt  }
0x5b: {  	_ =	shalt  }
0x5c: {  	_ =	shalt  }
0x5d: {  	_ =	shalt  }
0x5e: {  	_ =	shalt  }
0x5f: {  	_ =	shalt  }
0x60: {  	_ =	shalt  }
0x61: {  	_ =	shalt  }
0x62: {  	_ =	shalt  }
0x63: {  	_ =	shalt  }
0x64: {  	_ =	shalt  }
0x65: {  	_ =	shalt  }
0x66: {  	_ =	shalt  }
0x67: {  	_ =	shalt  }
0x68: {  	_ =	shalt  }
0x69: {  	_ =	shalt  }
0x6a: {  	_ =	shalt  }
0x6b: {  	_ =	shalt  }
0x6c: {  	_ =	shalt  }
0x6d: {  	_ =	shalt  }
0x6e: {  	_ =	shalt  }
0x6f: {  	_ =	shalt  }
0x70: {  	_ =	shalt  }
0x71: {  	_ =	shalt  }
0x72: {  	_ =	shalt  }
0x73: {  	_ =	shalt  }
0x74: {  	_ =	shalt  }
0x75: {  	_ =	shalt  }
0x76: {  	_ =	shalt  }
0x77: {  	_ =	shalt  }
0x78: {  	_ =	shalt  }
0x79: {  	_ =	shalt  }
0x7a: {  	_ =	shalt  }
0x7b: {  	_ =	shalt  }
0x7c: {  	_ =	shalt  }
0x7d: {  	_ =	shalt  }
0x7e: {  	_ =	shalt  }
0x7f: {  	_ =	shalt  }
0x80: {  	_ =	shalt  }
0x81: {  	_ =	shalt  }
0x82: {  	_ =	shalt  }
0x83: {  	_ =	shalt  }
0x84: {  	_ =	shalt  }
0x85: {  	_ =	shalt  }
0x86: {  	_ =	shalt  }
0x87: {  	_ =	shalt  }
.Lfunc_end0:
.L_simem_size_0:
called_computation.4_lowered:
.L_overlay_start_0:
0x88: {  	s2 =	sld [smem:$0x3FD9]  }
0x89: {  	s3 =	sld [smem:$0x3FFE];
	_ =	sdelay $0x1  }
0x8a: {  	s1 =	srdreg.scid  }
0x8b: {  	s0 =	sand.u32 $0x1, s1  }
0x8c: {  	s16 =	sshll.u32 s0, $0xA;
	s2 =	sadd.s32 s3, s2  }
0x8d: {  	s2 =	sadd.s32 s2, s16  }
0x8e: {  	[smem:$0x3FB9] =	sst s2  }
0x8f: {  	_ = 	snop  }
0x90: {  	s2 =	sld [smem:$0x3FC8]  }
0x91: {  	s17 =	sld [smem:$0x3FD0];
	(tm) =	ssettm $0x1  }
0x92: {  	s4 =	sld [smem:$0x3FFB];
	_ =	sdelay $0x3  }
0x93: {  	_ =	strace s4  }
0x94: {  	s4 =	sld [smem:$0x3FFC];
	_ =	sdelay $0x3  }
0x95: {  	_ =	strace s4  }
0x96: {  	s4 =	sld [smem:$0x3FFD];
	_ =	sdelay $0x3  }
0x97: {  	_ =	strace s4  }
0x98: {  	_ =	strace $0x8FFFFFFF  }
0x99: {  	s18 =	sld [smem:$0x3FDB];
	_ =	sdelay $0x1  }
0x9a: {  	s5 =	simm.s32 $_scs_section_size  }
0x9b: {  	s6 =	simm.s32 $_size__tile_overlayer_lowered;
	s7 =	simm.s32 $_tile_overlayer_lowered  }
0x9c: {  	s21 =	simm.s32 $0x1BFF;
	s20 =	sshll.u32 s7, $0x1;
	s4 =	sadd.s32 s5, s18  }
0x9d: {  	s8 =	simm.s32 $0x0;
	s19 =	sshll.u32 s6, $0x1;
	s6 =	sadd.s32 s20, s4  }
0x9e: {  	[timem:s8], [sflag:s21] =	dma.local [hbm:s6], s19  }
0x9f: {  	_ =	swait.ge [sflag:s21], s19  }
0xa0: {  	s5 =	ssub.s32 $0x0, s19;
	[sflag:s21] =	ssyncset.done $0x0  }
0xa1: {  	[sflag:s21] =	ssyncadd.s32 s5;
	_ =	sdelay $0x1  }
0xa2: {  	s22 =	simm.s32 $0x1B8B  }
0xa3: {  	_ =	swait.ge [sflag:s22], $0x1  }
0xa4: {  	[sflag:s22] =	ssyncset.done $0x0  }
0xa5: {  	s23 =	sld [smem:$0x3FFE];
	[sflag:s22] =	ssyncadd.s32 $0xFFFFFFFF  }
0xa6: {  	s25 =	simm.s32 $0x1B8E;
	s24 =	sld [smem:$0x0]  }
0xa7: {  	s26 =	simm.s32 $execute0_lowered;
	[smem:$0x3FD2] =	sst s25  }
0xa8: {  	s7 =	sshll.u32 s26, $0x1;
	_ =	strace $0x8000005E;
	[dreg:$0x1] =	wrdreg $0xFFFFFFFF  }
0xa9: {  	s28 =	simm.s32 $_size_execute0_lowered;
	s4 =	sadd.s32 s4, s7;
	[dreg:$0x0] =	wrdreg $0x0  }
0xaa: {  	s7 =	sshll.u32 s28, $0x1;
	[dreg:$0x2] =	wrdreg s4  }
0xab: {  	[dreg:$0x3] =	wrdreg s7  }
0xac: {  	[dreg:$0x4] =	wrdreg $0xC0  }
0xad: {  	_ =	task [dreg:s8], $0x5FFFF  }
0xae: {  	[dreg:$0x1] =	wrdreg $0xFFFFFFFF  }
0xaf: {  	[dreg:$0x0] =	wrdreg $0x60  }
0xb0: {  	[dreg:$0x2] =	wrdreg s17  }
0xb1: {  	[dreg:$0x3] =	wrdreg s23  }
0xb2: {  	[dreg:$0x4] =	wrdreg s2  }
0xb3: {  	[dreg:$0x5] =	wrdreg s1  }
0xb4: {  	[dreg:$0x6] =	wrdreg s24  }
0xb5: {  	[dreg:$0x7] =	wrdreg $0x9  }
0xb6: {  	_ =	task.clear_ibuf [dreg:s8], $0x8FFFF;
	_ =	strace $0x9000005E  }
0xb7: {  	s29 =	simm.s32 $0x9;
	_ =	strace $0x80000060  }
0xb8: {  	_ =	swait.ge [sflag:s29], $0x1  }
0xb9: {  	[sflag:s29] =	ssyncadd.s32 $0xFFFFFFFF  }
0xba: {  	_ =	strace $0x90000060  }
0xbb: {  	_ =	sfence  }
0xbc: {  	s30 =	sld [smem:$0x0];
	_ =	sdelay $0x2  }
0xbd: {  	s31 =	sshll.u32 s1, $0xD;
	s1 =	sshrl.u32 s1, $0x2  }
0xbe: {  	s3 =	sand.u32 $0x4000, s31;
	s1 =	sadd.s32 s1, s30  }
0xbf: {  	s0 =	sor.u32 s3, s0;
	s1 =	sshll.u32 s1, $0x11  }
0xc0: {  	s0 =	sor.u32 s1, s0  }
0xc1: {  	s0 =	sadd.s32 $0x8F2B, s0  }
0xc2: {  	[sflag:s0] =	ssyncadd.remote.s32 $0x1  }
0xc3: {  	_ =	sfence.sel $0xFFFF  }
0xc4: {  	[dreg:$0x0] =	wrdreg $0xFFFFFFFF;
	(pc) =	sbr.abs _section_cstart, $3  }
0xc5: {  	[dreg:$0x1] =	wrdreg $0xFFFFFFFF  }
0xc6: {  	_ =	task.clear_ibuf [dreg:s8], $0x2FFFF;
	_ =	strace $0x9FFFFFFF  }
0xc7: {  	(tm) =	ssettm $0x7FFFFFFF  }
tec
execute0_lowered:
.L_overlay_start_1:
0x0: {  	(tag) =	ssettag $0x1  }
0x1: {  	s1 =	rddreg [dreg:$0x0]  }
0x2: {  	s2 =	rddreg [dreg:$0x1]  }
0x3: {  	s9 =	rddreg [dreg:$0x2]  }
0x4: {  	s3 =	rddreg [dreg:$0x3];
	_ =	strace $0x8000005F;
	s0 =	simm.s32 $0x1  }
0x5: {  	v0 =	vimm.s32 $0x0;
	[sflag:s0] =	ssyncpa.u1 $0x0;
	s0 =	simm.s32 $0x108  }
0x6: {  	[tilespmem:s0+$0x70] =	vst v0  }
0x7: {  	[tilespmem:s0+$0x60] =	vst v0  }
0x8: {  	[tilespmem:s0+$0x50] =	vst v0  }
0x9: {  	[tilespmem:s0+$0x40] =	vst v0  }
0xa: {  	[tilespmem:s0+$0x30] =	vst v0  }
0xb: {  	s15 =	sadd.s32 $0x6400, s2;
	[tilespmem:s0+$0x20] =	vst v0  }
0xc: {  	s14 =	sadd.s32 $0x9600, s2;
	s5 =	sand.u32 $0x1, s3;
	s3 =	simm.s32 $0x40;
	[tilespmem:s0+$0x10] =	vst v0  }
.LBB2_1:
0xd: {  	s3 =	sadd.s32 $0x40, s3;
	[tilespmem:s0+$0x0] =	vst v0;
	s0 =	sadd.s32 $0x80, s0  }
0xe: {  	p0 =	slt.u32 s3, $0x3C40;
	[tilespmem:s0+$0x70] =	vst v0  }
0xf: {  	[tilespmem:s0+$0x60] =	vst v0  }
.Ltmp0:
0x10: {  	[tilespmem:s0+$0x50] =	vst v0;
	(pc) =	sbr.rel @p0 .LBB2_1-.Ltmp0, $4  }
0x11: {  	[tilespmem:s0+$0x40] =	vst v0  }
0x12: {  	[tilespmem:s0+$0x30] =	vst v0  }
0x13: {  	[tilespmem:s0+$0x20] =	vst v0  }
0x14: {  	[tilespmem:s0+$0x10] =	vst v0  }
0x15: {  	s6 =	stileid.u32  }
0x16: {  	s2 =	simm.s32 $0x1;
	p0 =	sne.s32 s6, $0x0;
	s3 =	smul.u32 $0xD, s6  }
0x17: {  	s2 =	simm.s32 @!p0 $0x0  }
0x18: {  	s2 =	sadd.s32 s2, s3  }
0x19: {  	p1 =	seq.s32 s6, $0x0;
	s7 =	smul.u32 $0xF0, s2;
	s2 =	simm.s32 $0xD20  }
0x1a: {  	s2 =	simm.s32 @!p1 $0xC30  }
0x1b: {  	s2 =	sadd.s32 s2, s7  }
0x1c: {  	s8 =	smin.u32 s2, $0xC350  }
0x1d: {  	s2 =	ssub.s32 s8, s7  }
0x1e: {  	p1 =	sgt.s32 s2, $0x0  }
0x1f: {  	s29 =	simm.s32 $0x2;
	s10 =	simm.s32 $0x9;
	s2 =	simm.s32 @!p1 $0x0  }
0x20: {  	s4 =	simm.s32 $0xA;
	s11 =	simm.s32 $0xB;
	s28 =	smul.u32 $0x8889, s2  }
0x21: {  	[dreg:$0x6] =	wrdreg s5;
	s31 =	smul.u32 $0x186A, s5;
	s12 =	simm.s32 $0x1  }
0x22: {  	s22 =	simm.s32 $0x0;
	s18 =	simm.s32 $0xC;
	s30 =	sshrl.u32 s28, $0x17  }
0x23: {  	s20 =	simm.s32 $0x0;
	s21 =	simm.s32 $0x0;
	s3 =	smul.u32 $0xF0, s30  }
.Ltmp1:
0x24: {  	[tilespmem:s0+$0x0] =	vst v0;
	v0 =	vimm.s32 $0xFFFFFFFF;
	[sflag:s29] =	ssyncpa.u1 $0x0;
	s16 =	sshll.u32 s6, $0x8;
	(pc) =	sbr.rel .LBB2_3-.Ltmp1, $4  }
0x25: {  	[tilespmem:$0xF208] =	vst v0;
	[sflag:s10] =	ssyncpa.u1 $0x0;
	p1 =	sne.s32 s2, s3;
	s2 =	simm.s32 $0x1  }
0x26: {  	s14 =	sadd.s32 s31, s14;
	[sflag:s4] =	ssyncpa.u1 $0x0;
	s2 =	simm.s32 @!p1 $0x0  }
0x27: {  	s15 =	sadd.s32 s31, s15;
	[sflag:s11] =	ssyncpa.u1 $0x0;
	s13 =	sadd.s32 s30, s2  }
0x28: {  	v0 =	vlaneseq.u32;
	s19 =	smov.u32 s7;
	p1 =	por $0x0, $0x0;
	s17 =	sadd.s32 $0x1, s13  }
.LBB2_18:
0x29: {  	s0 =	sshrl.u32 s31, $0x2  }
.LBB2_20:
0x2a: {  	_ =	swait.ge [sflag:s18], s0  }
0x2b: {  	s31 =	ssub.s32 $0x0, s0;
	v1 =	vmov s24;
	vm0 =	veq.s32 v0, $0x0;
	[sflag:s18] =	ssyncset.done $0x0  }
0x2c: {  	vm15 =	veq.s32 v0, $0x2;
	v1 =	vsel vm0, s30, v1;
	[sflag:s18] =	ssyncadd.s32 s31  }
0x2d: {  	v1 =	vsel vm15, s22, v1;
	[sflag:s18] =	ssyncpa.u1 $0x1  }
0x2e: {  	[tilespmem:$0xF208] =	vst v1  }
.LBB2_21:
0x2f: {  	s0 =	sadd.s32 $0xF0, s19  }
0x30: {  	s2 =	smov.u32 s7;
	p2 =	slt.s32 s0, s8  }
0x31: {  	s2 =	smov.u32 @p2 s0;
	p2 =	sne.s32 s21, s17  }
.Ltmp2:
0x32: {  	_ = 	snop;
	(pc) =	sbr.rel @!p2 .LBB2_22-.Ltmp2, $3  }
0x33: {  	_ =	sdelay $0x1  }
0x34: {  	s22 =	smov.u32 s20;
	s31 =	sadd.s32 $0x1, s21;
	s20 =	smov.u32 s19  }
0x35: {  	p1 =	por !p1, !p1;
	s21 =	smov.u32 s31;
	s19 =	smov.u32 s2  }
.LBB2_3:
0x36: {  	p2 =	sge.u32 s21, s13  }
0x37: {  	s0 =	smulhi.u32 @!p2 $0xAAAAAAAB, s21  }
0x38: {  	s2 =	smov.u32 s19;
	p3 =	sgt.s32 @!p2 s19, $0xC260  }
0x39: {  	s3 =	sshra.s32 @!p2 s19, $0x1F;
	p3 =	por !p3, p2;
	s0 =	sshrl.u32 @!p2 s0, $0x1  }
0x3a: {  	s3 =	sand.u32 @!p2 s3, s19;
	s2 =	simm.s32 @p3 $0xC260;
	s0 =	smul.u32 @!p2 $0x3, s0  }
0x3b: {  	s2 =	ssub.s32 @!p2 s2, s3  }
0x3c: {  	s2 =	sadd.s32 @!p2 $0xFFFF3DA0, s2;
	s0 =	ssub.s32 @!p2 s21, s0  }
0x3d: {  	s3 =	sshll.u32 @!p2 s2, $0x2;
	p3 =	sgt.s32 @!p2 s2, $0xEF;
	s0 =	smul.u32 @!p2 $0x3C0, s0  }
0x3e: {  	s4 =	sand.u32 @!p2 $0x7, s19;
	s2 =	ssub.s32 @!p2 $0x3C0, s3;
	p3 =	por !p3, p2  }
0x3f: {  	s3 =	sshrl.u32 @!p2 s19, $0x3;
	s2 =	sshrl.u32 @!p2 s2, $0x2;
	s0 =	sshrl.u32 @!p2 s0, $0x2  }
0x40: {  	s3 =	sadd.s32 @!p2 s3, s14;
	s2 =	simm.s32 @!p3 $0x0;
	s0 =	sadd.s32 @!p2 $0x10248, s0  }
0x41: {  	[tilespmem:s0], [sflag:$0xA] =	stream.linear.gather @!p2 [hbm4b:s3+s4], s2, $0x38;
	[tilespmem:$0x1F6F8] =	vst v63  }
0x42: {  	s0 =	sadd.s32 $0xFFFFFFFF, s21  }
0x43: {  	p2 =	sge.u32 s0, s13  }
0x44: {  	p3 =	sgt.s32 @!p2 s20, $0xC260  }
0x45: {  	s2 =	smov.u32 s20;
	s3 =	sshra.s32 @!p2 s20, $0x1F;
	p3 =	por !p3, p2  }
0x46: {  	s3 =	sand.u32 @!p2 s3, s20;
	s2 =	simm.s32 @p3 $0xC260  }
0x47: {  	s2 =	ssub.s32 @!p2 s2, s3  }
0x48: {  	s2 =	sadd.s32 @!p2 $0xFFFF3DA0, s2  }
0x49: {  	s4 =	sand.u32 @!p2 $0x1, s0;
	s3 =	sshll.u32 @!p2 s2, $0x2  }
0x4a: {  	p3 =	sgt.s32 @!p2 s2, $0xEF;
	s2 =	ssub.s32 @!p2 $0x3C0, s3;
	s3 =	smulhi.u32 @!p2 $0xAAAAAAAB, s0  }
0x4b: {  	s23 =	smul.u32 @!p2 $0x3C0, s4;
	p3 =	por !p3, p2;
	s2 =	sshrl.u32 @!p2 s2, $0x2  }
0x4c: {  	s5 =	simm.s32 @!p2 $0xA;
	s2 =	simm.s32 @!p3 $0x0;
	s3 =	sshrl.u32 @!p2 s3, $0x1  }
0x4d: {  	s23 =	sshrl.u32 @!p2 s23, $0x2;
	_ =	swait.ge @!p2 [sflag:s5], s2;
	s3 =	smul.u32 @!p2 $0x3, s3  }
0x4e: {  	s23 =	sadd.s32 @!p2 $0x10518, s23;
	s24 =	ssub.s32 @!p2 $0x0, s2;
	[sflag:s5] =	ssyncset.done @!p2 $0x0  }
0x4f: {  	[sflag:s5] =	ssyncadd.s32 @!p2 s24;
	s5 =	sshrl.u32 @!p2 s20, $0x3;
	s0 =	ssub.s32 @!p2 s0, s3  }
0x50: {  	s24 =	sand.u32 @!p2 $0x7, s20;
	s5 =	sadd.s32 @!p2 s5, s15;
	s0 =	smul.u32 @!p2 $0x3C0, s0  }
0x51: {  	[tilespmem:s23], [sflag:$0xB] =	stream.linear.gather @!p2 [hbm4b:s5+s24], s2, $0x38;
	[tilespmem:$0x1F6F8] =	vst v63  }
0x52: {  	s3 =	ssub.s32 @!p2 $0xC350, s20;
	s2 =	smul.u32 @!p2 $0x1E000, s4  }
0x53: {  	p3 =	slt.s32 @!p2 s3, $0xF0  }
0x54: {  	p3 =	por !p3, p2;
	s0 =	sshrl.u32 @!p2 s0, $0x2;
	s2 =	sshrl.u32 @!p2 s2, $0x2  }
0x55: {  	s3 =	simm.s32 @p3 $0xF0;
	s0 =	sadd.s32 @!p2 $0x10248, s0;
	s2 =	sor.u32 @!p2 $0x106F8, s2  }
0x56: {  	[tilespmem:s2], [sflag:$0x9] =	stream.indirect.gather @!p2 [hbm4b:s9+s3], $0x80, s0, s3, $0xb8;
	[tilespmem:$0x1F6F8] =	vst v63  }
0x57: {  	p2 =	slt.u32 s21, $0x2  }
.Ltmp3:
0x58: {  	_ = 	snop;
	(pc) =	sbr.rel @p2 .LBB2_21-.Ltmp3, $1  }
0x59: {  	_ =	sdelay $0x3  }
0x5a: {  	p2 =	sgt.s32 s22, $0xC260  }
0x5b: {  	s0 =	smov.u32 s22;
	s2 =	sshra.s32 s22, $0x1F;
	s3 =	ssub.s32 $0xC350, s22  }
0x5c: {  	s0 =	simm.s32 @!p2 $0xC260;
	s2 =	sand.u32 s2, s22;
	p2 =	slt.s32 s3, $0xF0  }
0x5d: {  	s0 =	ssub.s32 s0, s2;
	s3 =	simm.s32 @!p2 $0xF0  }
0x5e: {  	s0 =	sadd.s32 $0xFFFF3DA0, s0;
	s25 =	sshll.u32 s3, $0x7  }
0x5f: {  	s26 =	sshll.u32 s0, $0x2;
	s2 =	sand.u32 $0x3FFFFF80, s25  }
0x60: {  	p2 =	sgt.s32 s0, $0xEF;
	s29 =	ssub.s32 $0x3C0, s26;
	_ =	swait.ge [sflag:s10], s2  }
0x61: {  	s2 =	ssub.s32 $0x0, s2;
	[sflag:s10] =	ssyncset.done $0x0;
	s0 =	sshrl.u32 s29, $0x2  }
0x62: {  	[sflag:s10] =	ssyncadd.s32 s2;
	s0 =	simm.s32 @p2 $0x0  }
0x63: {  	_ =	swait.ge [sflag:s11], s0  }
0x64: {  	s0 =	ssub.s32 $0x0, s0;
	[sflag:s11] =	ssyncset.done $0x0  }
0x65: {  	[sflag:s11] =	ssyncadd.s32 s0  }
0x66: {  	v1 =	vld [tilespmem:$0xF208];
	_ =	sdelay $0x4  }
0x67: {  	(v2sf) =	vpush v1, $0x0  }
0x68: {  	(v2sf) =	vpush v1, $0x1  }
0x69: {  	(v2sf) =	vpush v1, $0x2;
	_ =	sdelay $0x3  }
0x6a: {  	s0 =	sadd.s32 $0xF0, s22  }
0x6b: {  	s2 =	ssub.s32 $0x186A0, s22;
	p2 =	slt.s32 s8, s0  }
0x6c: {  	s0 =	smov.u32 @p2 s8;
	p2 =	sgt.s32 s2, $0x0  }
0x6d: {  	s26 =	ssub.s32 s0, s22;
	s2 =	simm.s32 @!p2 $0x0  }
0x6e: {  	p2 =	slt.s32 s2, s26  }
0x6f: {  	s26 =	smov.u32 @p2 s2  }
0x70: {  	s25 =	simm.s32 $0x1;
	p2 =	slt.s32 s26, $0x1  }
.Ltmp4:
0x71: {  	s25 =	simm.s32 @!p1 $0x0;
	(pc) =	sbr.rel @p2 .LBB2_8-.Ltmp4, $4  }
0x72: {  	s31 =	smul.u32 $0x3C0, s25  }
0x73: {  	s28 =	spop (v2sf)  }
0x74: {  	s0 =	sshrl.u32 s31, $0x2;
	s30 =	spop (v2sf)  }
0x75: {  	s23 =	sadd.s32 $0x10518, s0;
	s22 =	spop (v2sf)  }
0x76: {  	s0 =	smin.u32 s26, $0x10  }
0x77: {  	v1 =	vmov s0  }
0x78: {  	p3 =	sgt.s32 s26, $0x10;
	vm1 =	vgt.u32 v1, v0  }
.Ltmp5:
0x79: {  	_ = 	snop;
	(pc) =	sbr.rel @!p3 .LBB2_7-.Ltmp5, $2  }
0x7a: {  	_ =	sdelay $0x2  }
0x7b: {  	s4 =	simm.s32 $0x10;
	s24 =	sadd.s32 $0xFFFFFFF0, s26;
	s0 =	smov.u32 s23;
	vm0 =	vmmov vm1  }
.LBB2_6:
0x7c: {  	s2 =	smin.u32 s24, $0x10;
	s4 =	sadd.s32 $0x10, s4;
	v1 =	vld.msk [tilespmem:s0+$0x0 ss:$0x1], vm1  }
0x7d: {  	v2 =	vmov s2;
	p3 =	slt.s32 s4, s26  }
0x7e: {  	vm1 =	vgt.u32 v2, v0  }
.Ltmp6:
0x7f: {  	(pc) =	sbr.rel @p3 .LBB2_6-.Ltmp6, $3  }
0x80: {  	_ =	sdelay $0x1  }
0x81: {  	v1 =	vshll.u32 v1, $0x4  }
0x82: {  	s24 =	sadd.s32 $0xFFFFFFF0, s24;
	[tilespmem:s0+$0x0] =	vst.msk vm0, v1;
	s0 =	sadd.s32 $0x10, s0;
	vm0 =	vmmov vm1  }
.LBB2_7:
0x83: {  	_ =	sdelay $0x4  }
0x84: {  	v1 =	vld.msk [tilespmem:s0+$0x0 ss:$0x1], vm1;
	_ =	sdelay $0x4  }
0x85: {  	v1 =	vshll.u32 v1, $0x4  }
0x86: {  	[tilespmem:s0+$0x0] =	vst.msk vm0, v1  }
.LBB2_8:
0x87: {  	s0 =	sand.u32 $0x1, s21  }
0x88: {  	s0 =	smul.u32 $0xF0, s0  }
0x89: {  	p3 =	sne.s32 s30, $0xFFFFFFFF  }
0x8a: {  	v1 =	vld.msk @!p3 [tilespmem:s0+$0x10518], $0x1;
	_ =	sdelay $0x4  }
0x8b: {  	(v2sf) =	vpush @!p3 v1, $0x0;
	_ =	sdelay $0xc  }
.Ltmp7:
0x8c: {  	_ = 	snop;
	(pc) =	sbr.rel @p2 .LBB2_19-.Ltmp7, $4  }
0x8d: {  	_ = 	snop  }
0x8e: {  	s29 =	spop @!p3 (v2sf)  }
0x8f: {  	s22 =	simm.s32 @!p3 $0x0;
	s24 =	smov.u32 s29  }
0x90: {  	[sflag:s18] =	ssyncpa.u1 $0x0;
	s29 =	smov.u32 @p3 s28;
	s24 =	smov.u32 @p3 s30  }
0x91: {  	v1 =	vld.msk [tilespmem:s23+$0x0], $0x1;
	_ =	sdelay $0x4  }
0x92: {  	(v2sf) =	vpush v1, $0x0;
	_ =	sdelay $0xe  }
0x93: {  	s2 =	smul.u32 $0x1E000, s25;
	s0 =	spop (v2sf)  }
0x94: {  	s26 =	ssub.s32 $0x0, s26;
	p2 =	seq.s32 s29, s0  }
0x95: {  	s30 =	sadd.s32 $0x1, s26;
	s2 =	sshrl.u32 s2, $0x2;
	p3 =	sgt.s32 @!p2 s29, $0x0  }
0x96: {  	s25 =	sor.u32 $0x10738, s2;
	s2 =	smov.u32 s29;
	p3 =	por !p3, p2  }
0x97: {  	s2 =	simm.s32 @p3 $0x0;
	p3 =	seq.s32 s30, $0x0  }
.Ltmp8:
0x98: {  	_ = 	snop;
	(pc) =	sbr.rel @p3 .LBB2_11-.Ltmp8, $4  }
0x99: {  	_ = 	snop  }
0x9a: {  	s28 =	simm.s32 $0x0;
	s31 =	sadd.s32 $0x1, s23;
	s2 =	smin.u32 @!p2 s2, $0x70  }
0x9b: {  	s4 =	simm.s32 @!p2 $0x1;
	s5 =	simm.s32 @!p2 $0x7988;
	s3 =	sand.u32 @!p2 $0x78, s2  }
0x9c: {  	s4 =	smov.u32 @p2 s28;
	s2 =	sand.u32 @!p2 $0x7, s2;
	s3 =	sadd.s32 @!p2 s1, s3  }
.LBB2_10:
0x9d: {  	s6 =	smov.u32 s4  }
0x9e: {  	[tilespmem:s5], [sflag:$0x2] =	stream.linear.gather @!p2 [hbm4b:s3+s2], $0x80, $0x38;
	[tilespmem:$0x1F6F8] =	vst v63  }
0x9f: {  	s30 =	sadd.s32 $0x1, s30;
	s2 =	smov.u32 s0;
	v1 =	vld.msk [tilespmem:s31+$0x0], $0x1  }
0xa0: {  	p3 =	seq.s32 s30, $0x0;
	_ =	sdelay $0x3  }
0xa1: {  	(v2sf) =	vpush v1, $0x0;
	_ =	sdelay $0xe  }
0xa2: {  	s0 =	spop (v2sf)  }
0xa3: {  	p2 =	seq.s32 s2, s0  }
0xa4: {  	p4 =	sgt.s32 @!p2 s2, $0x0;
	s3 =	sshll.u32 @!p2 s4, $0x9;
	s4 =	sadd.s32 @!p2 $0x1, s4  }
.Ltmp9:
0xa5: {  	p4 =	por !p4, p2;
	s3 =	sshra.s32 @!p2 s3, $0x2;
	(pc) =	sbr.rel @!p3 .LBB2_10-.Ltmp9, $4  }
0xa6: {  	s4 =	smov.u32 @p2 s6;
	s2 =	simm.s32 @p4 $0x0;
	s5 =	sadd.s32 @!p2 $0x7988, s3  }
0xa7: {  	s2 =	smin.u32 @!p2 s2, $0x70  }
0xa8: {  	s3 =	sand.u32 @!p2 $0x78, s2;
	s2 =	sand.u32 @!p2 $0x7, s2  }
0xa9: {  	s31 =	sadd.s32 $0x1, s31;
	s3 =	sadd.s32 @!p2 s1, s3  }
.LBB2_11:
0xaa: {  	[tilespmem:s5], [sflag:$0x2] =	stream.linear.gather @!p2 [hbm4b:s3+s2], $0x80, $0x38;
	[tilespmem:$0x1F6F8] =	vst v63  }
.Ltmp10:
0xab: {  	s0 =	sshll.u32 s4, $0x7;
	(pc) =	sbr.rel .LBB2_12-.Ltmp10, $4  }
0xac: {  	s30 =	simm.s32 $0x2;
	s0 =	sand.u32 $0x3FFFFF80, s0  }
0xad: {  	_ =	swait.ge [sflag:s30], s0  }
0xae: {  	s0 =	ssub.s32 $0x0, s0;
	[sflag:s30] =	ssyncset.done $0x0  }
0xaf: {  	s31 =	simm.s32 $0x0;
	[sflag:s30] =	ssyncadd.s32 s0  }
.LBB2_13:
0xb0: {  	v1 =	vld [tilespmem:s25+$0xFFFFFFC0];
	_ =	sdelay $0x3  }
0xb1: {  	s0 =	sshra.s32 s0, $0x2  }
0xb2: {  	[tilespmem:s0+$0x108] =	vst.add.f32.msk $0xffff, v1  }
0xb3: {  	v1 =	vld [tilespmem:s25+$0xFFFFFFD0];
	_ =	sdelay $0x4  }
0xb4: {  	[tilespmem:s0+$0x118] =	vst.add.f32.msk $0xffff, v1  }
0xb5: {  	v1 =	vld [tilespmem:s25+$0xFFFFFFE0];
	_ =	sdelay $0x4  }
0xb6: {  	[tilespmem:s0+$0x128] =	vst.add.f32.msk $0xffff, v1  }
0xb7: {  	v1 =	vld [tilespmem:s25+$0xFFFFFFF0];
	_ =	sdelay $0x4  }
0xb8: {  	[tilespmem:s0+$0x138] =	vst.add.f32.msk $0xffff, v1  }
0xb9: {  	v1 =	vld [tilespmem:s25+$0x0];
	_ =	sdelay $0x4  }
0xba: {  	[tilespmem:s0+$0x148] =	vst.add.f32.msk $0xffff, v1  }
0xbb: {  	v1 =	vld [tilespmem:s25+$0x10];
	_ =	sdelay $0x4  }
0xbc: {  	[tilespmem:s0+$0x158] =	vst.add.f32.msk $0xffff, v1  }
0xbd: {  	v1 =	vld [tilespmem:s25+$0x20];
	_ =	sdelay $0x4  }
0xbe: {  	[tilespmem:s0+$0x168] =	vst.add.f32.msk $0xffff, v1  }
0xbf: {  	v1 =	vld [tilespmem:s25+$0x30];
	_ =	sdelay $0x4  }
0xc0: {  	[tilespmem:s0+$0x178] =	vst.add.f32.msk $0xffff, v1  }
.LBB2_17:
0xc1: {  	s26 =	sadd.s32 $0x1, s26  }
0xc2: {  	p2 =	seq.s32 s26, $0x0  }
.Ltmp11:
0xc3: {  	_ = 	snop;
	(pc) =	sbr.rel @p2 .LBB2_18-.Ltmp11, $2  }
0xc4: {  	_ =	sdelay $0x2  }
0xc5: {  	s23 =	sadd.s32 $0x1, s23;
	s25 =	sadd.s32 $0x80, s25;
	s29 =	smov.u32 s30  }
.LBB2_12:
0xc6: {  	v1 =	vld.msk [tilespmem:s23+$0x0], $0x1;
	_ =	sdelay $0x4  }
0xc7: {  	(v2sf) =	vpush v1, $0x0;
	_ =	sdelay $0xe  }
0xc8: {  	s30 =	spop (v2sf)  }
0xc9: {  	p2 =	sne.s32 s29, s30  }
.Ltmp12:
0xca: {  	_ = 	snop;
	(pc) =	sbr.rel @!p2 .LBB2_13-.Ltmp12, $2  }
0xcb: {  	_ =	sdelay $0x2  }
0xcc: {  	s0 =	sshll.u32 s22, $0x9  }
0xcd: {  	p2 =	seq.s32 s29, s24  }
.Ltmp13:
0xce: {  	_ = 	snop;
	(pc) =	sbr.rel @!p2 .LBB2_15-.Ltmp13, $1  }
0xcf: {  	_ =	sdelay $0x3  }
0xd0: {  	s0 =	sshra.s32 s0, $0x2  }
.Ltmp14:
0xd1: {  	s0 =	sadd.s32 $0x108, s0;
	(pc) =	sbr.rel .LBB2_16-.Ltmp14, $4  }
0xd2: {  	[spmem:s16] =	stream.linear.scatter [tilespmem:s0], [sflag:$0x1], $0x80, $0x38;
	[tilespmem:$0x1F6F8] =	vst v63  }
0xd3: {  	_ =	swait.ge [sflag:s12], $0x80  }
0xd4: {  	[sflag:s12] =	ssyncset.done $0x0  }
0xd5: {  	[sflag:s12] =	ssyncadd.s32 $0xFFFFFF80  }
.LBB2_15:
0xd6: {  	s2 =	sshll.u32 s28, $0x9  }
0xd7: {  	s2 =	sshra.s32 s2, $0x2  }
0xd8: {  	v1 =	vld [tilespmem:s2+$0x7988];
	_ =	sdelay $0x3  }
0xd9: {  	s0 =	sshra.s32 s0, $0x2  }
0xda: {  	[tilespmem:s0+$0x108] =	vst.add.f32.msk $0xffff, v1  }
0xdb: {  	v1 =	vld [tilespmem:s2+$0x7998];
	_ =	sdelay $0x4  }
0xdc: {  	[tilespmem:s0+$0x118] =	vst.add.f32.msk $0xffff, v1  }
0xdd: {  	v1 =	vld [tilespmem:s2+$0x79A8];
	_ =	sdelay $0x4  }
0xde: {  	[tilespmem:s0+$0x128] =	vst.add.f32.msk $0xffff, v1  }
0xdf: {  	v1 =	vld [tilespmem:s2+$0x79B8];
	_ =	sdelay $0x4  }
0xe0: {  	[tilespmem:s0+$0x138] =	vst.add.f32.msk $0xffff, v1  }
0xe1: {  	v1 =	vld [tilespmem:s2+$0x79C8];
	_ =	sdelay $0x4  }
0xe2: {  	[tilespmem:s0+$0x148] =	vst.add.f32.msk $0xffff, v1  }
0xe3: {  	v1 =	vld [tilespmem:s2+$0x79D8];
	_ =	sdelay $0x4  }
0xe4: {  	[tilespmem:s0+$0x158] =	vst.add.f32.msk $0xffff, v1  }
0xe5: {  	v1 =	vld [tilespmem:s2+$0x79E8];
	_ =	sdelay $0x4  }
0xe6: {  	[tilespmem:s0+$0x168] =	vst.add.f32.msk $0xffff, v1  }
0xe7: {  	v1 =	vld [tilespmem:s2+$0x79F8];
	_ =	sdelay $0x2  }
0xe8: {  	p2 =	sgt.u32 s29, $0x70  }
0xe9: {  	s2 =	sand.u32 @!p2 $0x78, s29  }
0xea: {  	s3 =	sadd.s32 $0x108, s0;
	[tilespmem:s0+$0x178] =	vst.add.f32.msk $0xffff, v1;
	s0 =	sadd.s32 @!p2 s1, s2;
	s2 =	sand.u32 @!p2 $0x7, s29  }
0xeb: {  	[hbm4b:s0+s2] =	stream.linear.scatter @!p2 [tilespmem:s3], [sflag:$0xC], $0x80, $0x38;
	[tilespmem:$0x1F6F8] =	vst v63  }
0xec: {  	s0 =	simm.s32 $0x0  }
0xed: {  	s0 =	simm.s32 @!p2 $0x200  }
0xee: {  	s31 =	sadd.s32 s0, s31  }
.LBB2_16:
0xef: {  	s0 =	sadd.s32 $0x1, s22  }
0xf0: {  	s2 =	smulhi.u32 $0x88888889, s0;
	_ =	sdelay $0x1  }
0xf1: {  	v1 =	vld [tilespmem:s25+$0xFFFFFFC0];
	s2 =	sshrl.u32 s2, $0x7  }
0xf2: {  	s2 =	smul.u32 $0xF0, s2;
	_ =	sdelay $0x1  }
0xf3: {  	s22 =	ssub.s32 s0, s2  }
0xf4: {  	s0 =	sshll.u32 s22, $0x7  }
0xf5: {  	[tilespmem:s0+$0x108] =	vst v1  }
0xf6: {  	v1 =	vld [tilespmem:s25+$0xFFFFFFD0];
	_ =	sdelay $0x4  }
0xf7: {  	[tilespmem:s0+$0x118] =	vst v1  }
0xf8: {  	v1 =	vld [tilespmem:s25+$0xFFFFFFE0];
	_ =	sdelay $0x4  }
0xf9: {  	[tilespmem:s0+$0x128] =	vst v1  }
0xfa: {  	v1 =	vld [tilespmem:s25+$0xFFFFFFF0];
	_ =	sdelay $0x4  }
0xfb: {  	[tilespmem:s0+$0x138] =	vst v1  }
0xfc: {  	v1 =	vld [tilespmem:s25+$0x0];
	_ =	sdelay $0x4  }
0xfd: {  	[tilespmem:s0+$0x148] =	vst v1  }
0xfe: {  	v1 =	vld [tilespmem:s25+$0x10];
	_ =	sdelay $0x4  }
0xff: {  	[tilespmem:s0+$0x158] =	vst v1  }
0x100: {  	v1 =	vld [tilespmem:s25+$0x20];
	_ =	sdelay $0x4  }
0x101: {  	[tilespmem:s0+$0x168] =	vst v1  }
0x102: {  	v1 =	vld [tilespmem:s25+$0x30]  }
.Ltmp15:
0x103: {  	_ = 	snop;
	(pc) =	sbr.rel .LBB2_17-.Ltmp15, $2  }
0x104: {  	_ =	sdelay $0x2  }
0x105: {  	s28 =	sadd.s32 $0x1, s28;
	[tilespmem:s0+$0x178] =	vst v1  }
.LBB2_19:
.Ltmp16:
0x106: {  	(pc) =	sbr.rel .LBB2_20-.Ltmp16, $4  }
0x107: {  	_ = 	snop  }
0x108: {  	s0 =	simm.s32 $0x2  }
0x109: {  	_ =	swait.ge [sflag:s0], $0x0  }
0x10a: {  	s30 =	smov.u32 s29;
	[sflag:s0] =	ssyncset.done $0x0;
	s0 =	simm.s32 $0x0  }
.LBB2_22:
0x10b: {  	_ =	sfence.sel $0x180000  }
0x10c: {  	s0 =	simm.s32 $0x9;
	[bflag:$0x0] =	sbarrier.arrive $0xFFFF  }
0x10d: {  	s24 =	simm.s32 $0xA;
	[sflag:s0] =	ssyncpa.u1 $0x1  }
0x10e: {  	s25 =	simm.s32 $0xB;
	[sflag:s24] =	ssyncpa.u1 $0x1  }
0x10f: {  	s26 =	simm.s32 $0x2;
	[sflag:s25] =	ssyncpa.u1 $0x1  }
0x110: {  	[sflag:s26] =	ssyncpa.u1 $0x1  }
0x111: {  	v0 =	vld [tilespmem:$0xF208];
	_ =	sdelay $0x4  }
0x112: {  	(v2sf) =	vpush v0, $0x0  }
0x113: {  	(v2sf) =	vpush v0, $0x1;
	_ =	sdelay $0x1  }
0x114: {  	(v2sf) =	vpush v0, $0x2;
	_ =	sdelay $0xb  }
0x115: {  	s0 =	spop (v2sf)  }
0x116: {  	s2 =	spop (v2sf)  }
0x117: {  	s3 =	smov.u32 s0;
	p1 =	sne.s32 s0, s2  }
0x118: {  	s4 =	spop (v2sf);
	s3 =	simm.s32 @!p1 $0xFFFFFFFF  }
0x119: {  	v2 =	vimm.s32 $0x1;
	v3 =	vlaneseq.u32;
	p1 =	seq.s32 s4, $0xFFFFFFFF;
	v1 =	vmov s3  }
0x11a: {  	s16 =	stileid.u32;
	v0 =	vperm.xlane v0, v2;
	p2 =	sne.s32 @!p1 s0, s2;
	v1 =	vperm.xlane v1, v3  }
0x11b: {  	vm0 =	vcmask $0x3F04;
	s6 =	simm.s32 $0xF208;
	s0 =	simm.s32 @!p1 $0x1;
	p2 =	por !p2, p1  }
0x11c: {  	s3 =	sshll.u32 s16, $0x1;
	s2 =	sshll.u32 @!p1 s4, $0x9;
	s0 =	simm.s32 @p2 $0x0;
	v0 =	vsel vm0, v1, v0  }
0x11d: {  	s5 =	sor.u32 $0x1000, s3;
	s2 =	sshra.s32 @!p1 s2, $0x2;
	s0 =	sor.u32 @!p1 s0, s3;
	[tilespmem:$0xF208] =	vst v0  }
0x11e: {  	[spmem:s5] =	stream.linear.scatter [tilespmem:s6], [sflag:$0x1], $0x2, $0x38;
	[tilespmem:$0x1F6F8] =	vst v63  }
0x11f: {  	s2 =	sadd.s32 @!p1 $0x108, s2;
	s0 =	sshll.u32 @!p1 s0, $0x7  }
0x120: {  	[spmem:s0] =	stream.linear.scatter @!p1 [tilespmem:s2], [sflag:$0x1], $0x80, $0x38;
	[tilespmem:$0x1F6F8] =	vst v63  }
0x121: {  	s0 =	simm.s32 @!p1 $0x82  }
0x122: {  	s28 =	simm.s32 $0x1;
	s0 =	simm.s32 @p1 $0x2  }
0x123: {  	_ =	swait.ge [sflag:s28], s0  }
0x124: {  	s0 =	ssub.s32 $0x0, s0;
	[sflag:s28] =	ssyncset.done $0x0  }
0x125: {  	[sflag:s28] =	ssyncadd.s32 s0  }
.Ltmp17:
0x126: {  	_ =	sfence.stream.spmem;
	(pc) =	sbr.rel @p0 .LBB2_39-.Ltmp17, $4  }
0x127: {  	s29 =	simm.s32 $0x3;
	[bflag:$0x0] =	sbarrier.arrive $0xFFFF  }
0x128: {  	s30 =	simm.s32 $0x4;
	[sflag:s29] =	ssyncpa.u1 $0x1  }
0x129: {  	s31 =	simm.s32 $0x3C;
	[sflag:s30] =	ssyncpa.u1 $0x1  }
0x12a: {  	s15 =	rddreg [dreg:$0x6];
	[sflag:s31] =	ssyncpa.u1 $0x1  }
0x12b: {  	_ =	sfence.stream.spmem;
	s0 =	simm.s32 $0x5  }
0x12c: {  	s2 =	simm.s32 $0x1000;
	s3 =	simm.s32 $0xF218;
	[sflag:s0] =	ssyncpa.u1 $0x0  }
0x12d: {  	[tilespmem:s3], [sflag:$0x5] =	stream.linear.gather [spmem:s2], $0x20, $0x38;
	[tilespmem:$0x1F6F8] =	vst v63  }
0x12e: {  	s26 =	simm.s32 $0x0;
	s28 =	simm.s32 $0xF238  }
0x12f: {  	[tilespmem:s28], [sflag:$0x5] =	stream.linear.gather [spmem:s26], $0x1000, $0x38;
	[tilespmem:$0x1F6F8] =	vst v63  }
0x130: {  	_ =	swait.ge [sflag:s0], $0x1020  }
0x131: {  	[sflag:s0] =	ssyncset.done $0x0  }
0x132: {  	s29 =	simm.s32 $0x0;
	[sflag:s0] =	ssyncadd.s32 $0xFFFFEFE0  }
0x133: {  	v0 =	vld.msk [tilespmem:s29+$0xF218], $0x1;
	_ =	sdelay $0x1  }
0x134: {  	s30 =	simm.s32 $0x1  }
0x135: {  	v1 =	vld.msk [tilespmem:s30+$0xF218], $0x1;
	_ =	sdelay $0x1  }
0x136: {  	(v2sf) =	vpush v0, $0x0;
	_ =	sdelay $0x2  }
0x137: {  	(v2sf) =	vpush v1, $0x0;
	_ =	sdelay $0x2  }
0x138: {  	s31 =	simm.s32 $0x2  }
0x139: {  	v0 =	vld.msk [tilespmem:s31+$0xF218], $0x1;
	_ =	sdelay $0x2  }
0x13a: {  	s4 =	simm.s32 $0xFFFFFFFF;
	s5 =	simm.s32 $0xFFFFFFFF;
	s0 =	simm.s32 $0xC  }
.LBB2_24:
0x13b: {  	s2 =	smov.u32 s5;
	s3 =	smov.u32 s4  }
0x13c: {  	s4 =	sshra.s32 s0, $0x2;
	p1 =	sne.s32 s0, $0x7C;
	s0 =	sadd.s32 $0x4, s0;
	(v2sf) =	vpush v0, $0x0  }
0x13d: {  	v0 =	vld.msk [tilespmem:s4+$0xF218], $0x1  }
.Ltmp18:
0x13e: {  	(pc) =	sbr.rel @p1 .LBB2_24-.Ltmp18, $4  }
0x13f: {  	s5 =	spop (v2sf)  }
0x140: {  	p2 =	sne.s32 s3, $0xFFFFFFFF;
	s4 =	smov.u32 s5  }
0x141: {  	p3 =	seq.s32 s5, $0xFFFFFFFF;
	s4 =	smov.u32 @p2 s3  }
0x142: {  	s5 =	smov.u32 @p3 s2;
	s4 =	smov.u32 @p3 s3  }
0x143: {  	(v2sf) =	vpush v0, $0x0;
	_ =	sdelay $0x8  }
0x144: {  	s0 =	spop (v2sf)  }
0x145: {  	p1 =	sne.s32 s4, $0xFFFFFFFF;
	s2 =	smov.u32 s0  }
0x146: {  	s9 =	simm.s32 $0x6;
	p2 =	seq.s32 s0, $0xFFFFFFFF;
	s2 =	smov.u32 @p1 s4  }
0x147: {  	s6 =	simm.s32 $0x0;
	s2 =	smov.u32 @p2 s4;
	s3 =	spop (v2sf)  }
0x148: {  	s0 =	smov.u32 @p2 s5;
	p1 =	sne.s32 s2, $0xFFFFFFFF;
	s4 =	smov.u32 s3  }
.Ltmp19:
0x149: {  	p2 =	seq.s32 s3, $0xFFFFFFFF;
	s4 =	smov.u32 @p1 s2;
	(pc) =	sbr.rel .LBB2_26-.Ltmp19, $4  }
0x14a: {  	s10 =	simm.s32 $0xF188;
	s4 =	smov.u32 @p2 s2;
	s7 =	spop (v2sf)  }
0x14b: {  	s11 =	simm.s32 $0x0;
	p1 =	sne.s32 s4, $0xFFFFFFFF;
	s8 =	smov.u32 s7  }
0x14c: {  	s3 =	smov.u32 @p2 s0;
	p2 =	seq.s32 s7, $0xFFFFFFFF;
	s8 =	smov.u32 @p1 s4  }
0x14d: {  	[sflag:s9] =	ssyncpa.u1 $0x0;
	s7 =	smov.u32 @p2 s3;
	s8 =	smov.u32 @p2 s4  }
.LBB2_32:
0x14e: {  	p1 =	sgt.u32 s12, $0x70  }
0x14f: {  	p2 =	seq.s32 @!p1 s12, s8  }
0x150: {  	p1 =	por p1, p2  }
0x151: {  	p2 =	sne.s32 @!p1 s12, s7  }
0x152: {  	p1 =	por p1, !p2  }
0x153: {  	s0 =	sshll.u32 @p1 s11, $0x9  }
0x154: {  	s0 =	sand.u32 @!p1 $0x78, s12  }
0x155: {  	s2 =	sand.u32 @!p1 $0x7, s12;
	s0 =	sadd.s32 @!p1 s1, s0  }
0x156: {  	[tilespmem:s10], [sflag:$0x6] =	stream.linear.gather @!p1 [hbm4b:s0+s2], $0x80, $0x38;
	[tilespmem:$0x1F6F8] =	vst v63  }
0x157: {  	_ =	swait.ge @!p1 [sflag:s9], $0x80  }
0x158: {  	[sflag:s9] =	ssyncset.done @!p1 $0x0  }
0x159: {  	[sflag:s9] =	ssyncadd.s32 @!p1 $0xFFFFFF80  }
0x15a: {  	v1 =	vld @!p1 [tilespmem:$0xF188];
	_ =	sdelay $0x2  }
0x15b: {  	s0 =	sshll.u32 @!p1 s11, $0x9  }
0x15c: {  	s2 =	sshrl.u32 @!p1 s0, $0x2  }
0x15d: {  	[tilespmem:s2+$0xF238] =	vst.add.f32.msk @!p1 $0xffff, v1  }
0x15e: {  	v1 =	vld @!p1 [tilespmem:$0xF198];
	_ =	sdelay $0x4  }
0x15f: {  	[tilespmem:s2+$0xF248] =	vst.add.f32.msk @!p1 $0xffff, v1  }
0x160: {  	v1 =	vld @!p1 [tilespmem:$0xF1A8];
	_ =	sdelay $0x4  }
0x161: {  	[tilespmem:s2+$0xF258] =	vst.add.f32.msk @!p1 $0xffff, v1  }
0x162: {  	v1 =	vld @!p1 [tilespmem:$0xF1B8];
	_ =	sdelay $0x4  }
0x163: {  	[tilespmem:s2+$0xF268] =	vst.add.f32.msk @!p1 $0xffff, v1  }
0x164: {  	v1 =	vld @!p1 [tilespmem:$0xF1C8];
	_ =	sdelay $0x4  }
0x165: {  	[tilespmem:s2+$0xF278] =	vst.add.f32.msk @!p1 $0xffff, v1  }
0x166: {  	v1 =	vld @!p1 [tilespmem:$0xF1D8];
	_ =	sdelay $0x4  }
0x167: {  	[tilespmem:s2+$0xF288] =	vst.add.f32.msk @!p1 $0xffff, v1  }
0x168: {  	v1 =	vld @!p1 [tilespmem:$0xF1E8];
	_ =	sdelay $0x4  }
0x169: {  	[tilespmem:s2+$0xF298] =	vst.add.f32.msk @!p1 $0xffff, v1  }
0x16a: {  	v1 =	vld @!p1 [tilespmem:$0xF1F8];
	_ =	sdelay $0x4  }
0x16b: {  	[tilespmem:s2+$0xF2A8] =	vst.add.f32.msk @!p1 $0xffff, v1  }
0x16c: {  	s0 =	sshrl.u32 s0, $0x2;
	[tilespmem:s6+$0xF218] =	vst.msk $0x1, v0  }
0x16d: {  	v0 =	vld [tilespmem:s0+$0xF238];
	_ =	sdelay $0x2  }
0x16e: {  	s31 =	sshll.u32 s6, $0x9  }
0x16f: {  	s2 =	sshra.s32 s31, $0x2  }
0x170: {  	[tilespmem:s2+$0xF238] =	vst v0  }
0x171: {  	v0 =	vld [tilespmem:s0+$0xF248];
	_ =	sdelay $0x4  }
0x172: {  	[tilespmem:s2+$0xF248] =	vst v0  }
0x173: {  	v0 =	vld [tilespmem:s0+$0xF258];
	_ =	sdelay $0x4  }
0x174: {  	[tilespmem:s2+$0xF258] =	vst v0  }
0x175: {  	v0 =	vld [tilespmem:s0+$0xF268];
	_ =	sdelay $0x4  }
0x176: {  	[tilespmem:s2+$0xF268] =	vst v0  }
0x177: {  	v0 =	vld [tilespmem:s0+$0xF278];
	_ =	sdelay $0x4  }
0x178: {  	[tilespmem:s2+$0xF278] =	vst v0  }
0x179: {  	v0 =	vld [tilespmem:s0+$0xF288];
	_ =	sdelay $0x4  }
0x17a: {  	[tilespmem:s2+$0xF288] =	vst v0  }
0x17b: {  	v0 =	vld [tilespmem:s0+$0xF298];
	_ =	sdelay $0x4  }
0x17c: {  	[tilespmem:s2+$0xF298] =	vst v0  }
0x17d: {  	v0 =	vld [tilespmem:s0+$0xF2A8];
	_ =	sdelay $0x4  }
0x17e: {  	s6 =	sadd.s32 $0x1, s6;
	[tilespmem:s2+$0xF2A8] =	vst v0  }
.LBB2_33:
0x17f: {  	s11 =	sadd.s32 $0x1, s11  }
0x180: {  	p1 =	sne.s32 s11, $0x20  }
.Ltmp20:
0x181: {  	_ = 	snop;
	(pc) =	sbr.rel @!p1 .LBB2_34-.Ltmp20, $1  }
0x182: {  	_ =	sdelay $0x3  }
.LBB2_26:
0x183: {  	v0 =	vld.msk [tilespmem:s11+$0xF218], $0x1;
	_ =	sdelay $0x4  }
0x184: {  	(v2sf) =	vpush v0, $0x0;
	_ =	sdelay $0xe  }
0x185: {  	s12 =	spop (v2sf)  }
0x186: {  	p1 =	seq.s32 s12, $0xFFFFFFFF  }
.Ltmp21:
0x187: {  	_ = 	snop;
	(pc) =	sbr.rel @p1 .LBB2_33-.Ltmp21, $1  }
0x188: {  	_ =	sdelay $0x3  }
0x189: {  	p1 =	slt.s32 s6, $0x1  }
.Ltmp22:
0x18a: {  	_ = 	snop;
	(pc) =	sbr.rel @p1 .LBB2_32-.Ltmp22, $1  }
0x18b: {  	_ =	sdelay $0x3  }
0x18c: {  	s13 =	simm.s32 $0xF218;
	p1 =	por $0x0, $0x0  }
0x18d: {  	v1 =	vld.msk @!p1 [tilespmem:s13+$0x0], $0x1;
	_ =	sdelay $0x4  }
0x18e: {  	(v2sf) =	vpush @!p1 v1, $0x0;
	_ =	sdelay $0xd  }
0x18f: {  	p3 =	sne.s32 s6, $0x1  }
.Ltmp23:
0x190: {  	s0 =	spop @!p1 (v2sf);
	(pc) =	sbr.rel @!p3 .LBB2_30-.Ltmp23, $4  }
0x191: {  	p2 =	seq.s32 @!p1 s12, s0  }
0x192: {  	s14 =	simm.s32 $0x0;
	p2 =	por !p2, p1  }
0x193: {  	s2 =	simm.s32 $0xFFFFFFFF;
	s14 =	simm.s32 @p2 $0xFFFFFFFF  }
0x194: {  	s0 =	simm.s32 $0x1;
	s14 =	smov.u32 @p1 s2  }
.LBB2_29:
0x195: {  	s2 =	smov.u32 s14;
	p1 =	sne.s32 s14, $0xFFFFFFFF  }
0x196: {  	s13 =	sadd.s32 $0x1, s13;
	s14 =	smov.u32 s0;
	s0 =	sadd.s32 $0x1, s0  }
0x197: {  	p2 =	sne.s32 s6, s0;
	v1 =	vld.msk @!p1 [tilespmem:s13+$0x0], $0x1;
	_ =	sdelay $0x4  }
0x198: {  	(v2sf) =	vpush @!p1 v1, $0x0;
	_ =	sdelay $0xe  }
.Ltmp24:
0x199: {  	s3 =	spop @!p1 (v2sf);
	(pc) =	sbr.rel @p2 .LBB2_29-.Ltmp24, $4  }
0x19a: {  	p3 =	seq.s32 @!p1 s12, s3  }
0x19b: {  	p3 =	por !p3, p1  }
0x19c: {  	s14 =	simm.s32 @p3 $0xFFFFFFFF  }
0x19d: {  	s14 =	smov.u32 @p1 s2  }
.LBB2_30:
0x19e: {  	p1 =	seq.s32 s14, $0xFFFFFFFF  }
.Ltmp25:
0x19f: {  	_ = 	snop;
	(pc) =	sbr.rel @p1 .LBB2_32-.Ltmp25, $1  }
0x1a0: {  	_ =	sdelay $0x3  }
0x1a1: {  	s0 =	sshll.u32 s11, $0x7  }
0x1a2: {  	s0 =	sand.u32 $0x3FFFFF80, s0  }
0x1a3: {  	v0 =	vld [tilespmem:s0+$0xF238];
	_ =	sdelay $0x2  }
0x1a4: {  	s2 =	sshll.u32 s14, $0x9  }
0x1a5: {  	s2 =	sshra.s32 s2, $0x2  }
0x1a6: {  	[tilespmem:s2+$0xF238] =	vst.add.f32.msk $0xffff, v0  }
0x1a7: {  	v0 =	vld [tilespmem:s0+$0xF248];
	_ =	sdelay $0x4  }
0x1a8: {  	[tilespmem:s2+$0xF248] =	vst.add.f32.msk $0xffff, v0  }
0x1a9: {  	v0 =	vld [tilespmem:s0+$0xF258];
	_ =	sdelay $0x4  }
0x1aa: {  	[tilespmem:s2+$0xF258] =	vst.add.f32.msk $0xffff, v0  }
0x1ab: {  	v0 =	vld [tilespmem:s0+$0xF268];
	_ =	sdelay $0x4  }
0x1ac: {  	[tilespmem:s2+$0xF268] =	vst.add.f32.msk $0xffff, v0  }
0x1ad: {  	v0 =	vld [tilespmem:s0+$0xF278];
	_ =	sdelay $0x4  }
0x1ae: {  	[tilespmem:s2+$0xF278] =	vst.add.f32.msk $0xffff, v0  }
0x1af: {  	v0 =	vld [tilespmem:s0+$0xF288];
	_ =	sdelay $0x4  }
0x1b0: {  	[tilespmem:s2+$0xF288] =	vst.add.f32.msk $0xffff, v0  }
0x1b1: {  	v0 =	vld [tilespmem:s0+$0xF298];
	_ =	sdelay $0x4  }
0x1b2: {  	[tilespmem:s2+$0xF298] =	vst.add.f32.msk $0xffff, v0  }
0x1b3: {  	v0 =	vld [tilespmem:s0+$0xF2A8]  }
.Ltmp26:
0x1b4: {  	_ = 	snop;
	(pc) =	sbr.rel .LBB2_33-.Ltmp26, $2  }
0x1b5: {  	_ =	sdelay $0x2  }
0x1b6: {  	[tilespmem:s2+$0xF2A8] =	vst.add.f32.msk $0xffff, v0  }
.LBB2_34:
0x1b7: {  	s0 =	simm.s32 $0x6;
	p1 =	seq.s32 s6, $0x0  }
0x1b8: {  	[sflag:s0] =	ssyncpa.u1 $0x1;
	v0 =	vimm.s32 @p1 $0xFFFFFFFF  }
0x1b9: {  	s9 =	sadd.s32 $0xFFFFFFFF, s6;
	[tilespmem:$0x10238] =	vst @p1 v0  }
0x1ba: {  	v0 =	vld.msk @!p1 [tilespmem:s9+$0xF218], $0x1;
	_ =	sdelay $0x1  }
0x1bb: {  	v1 =	vld.msk @!p1 [tilespmem:$0xF218], $0x1;
	_ =	sdelay $0x2  }
0x1bc: {  	p2 =	seq.s32 @!p1 s9, $0x0;
	v0 =	vbroadcast @!p1 v0, $0x0  }
0x1bd: {  	vm0 =	vmmov @!p1 $0x1;
	p2 =	por !p2, p1  }
0x1be: {  	v1 =	vnsel @!p1 vm0, $0xFFFFFFFF, v1;
	vm0 =	vcmask @!p1 $0x308;
	v0 =	vpsel !p2, $0xFFFFFFFF, v0  }
0x1bf: {  	p2 =	sne.s32 @!p1 s8, s7;
	v0 =	vsel @!p1 vm0, v1, v0  }
0x1c0: {  	s0 =	simm.s32 @!p1 $0xF238;
	s2 =	simm.s32 @!p1 $0x0;
	p3 =	por !p2, p1;
	[tilespmem:$0x10238] =	vst @!p1 v0  }
0x1c1: {  	[spmem:s2] =	stream.linear.scatter @!p1 [tilespmem:s0], [sflag:$0x1], $0x80, $0x38;
	[tilespmem:$0x1F6F8] =	vst v63  }
0x1c2: {  	s0 =	sshll.u32 @!p3 s9, $0x9  }
0x1c3: {  	s0 =	sshra.s32 @!p3 s0, $0x2  }
0x1c4: {  	s2 =	simm.s32 @!p3 $0x80;
	s0 =	sadd.s32 @!p3 $0xF238, s0  }
0x1c5: {  	[spmem:s2] =	stream.linear.scatter @!p3 [tilespmem:s0], [sflag:$0x1], $0x80, $0x38;
	[tilespmem:$0x1F6F8] =	vst v63  }
0x1c6: {  	s0 =	simm.s32 @!p3 $0x1  }
0x1c7: {  	_ =	swait.ge @!p3 [sflag:s0], $0x100  }
0x1c8: {  	p1 =	por p2, p1;
	[sflag:s0] =	ssyncset.done @!p3 $0x0  }
0x1c9: {  	[sflag:s0] =	ssyncadd.s32 @!p3 $0xFFFFFF00;
	s0 =	simm.s32 @!p1 $0x1  }
0x1ca: {  	_ =	swait.ge @!p1 [sflag:s0], $0x80  }
0x1cb: {  	s29 =	simm.s32 $0x10238;
	[sflag:s0] =	ssyncset.done @!p1 $0x0  }
0x1cc: {  	s30 =	simm.s32 $0x1000;
	s31 =	simm.s32 $0x1;
	[sflag:s0] =	ssyncadd.s32 @!p1 $0xFFFFFF80  }
0x1cd: {  	[spmem:s30] =	stream.linear.scatter [tilespmem:s29], [sflag:$0x1], $0x10, $0x38;
	[tilespmem:$0x1F6F8] =	vst v63  }
0x1ce: {  	_ =	swait.ge [sflag:s31], $0x10  }
0x1cf: {  	[sflag:s31] =	ssyncset.done $0x0  }
0x1d0: {  	p1 =	seq.s32 s15, $0x0;
	s8 =	rddreg [dreg:$0x3];
	[sflag:s31] =	ssyncadd.s32 $0xFFFFFFF0  }
0x1d1: {  	s2 =	sshll.u32 @p1 s8, $0xE;
	s7 =	rddreg [dreg:$0x4]  }
0x1d2: {  	s0 =	sadd.s32 @p1 $0x15C3C, s2;
	s2 =	sshll.u32 @p1 s7, $0x11  }
0x1d3: {  	_ =	sfence.stream.spmem;
	s0 =	sor.u32 @p1 s2, s0  }
0x1d4: {  	[sflag:s0] =	ssyncadd.remote.s32 @p1 $0x1;
	s0 =	simm.s32 @p1 $0x4  }
0x1d5: {  	s3 =	simm.s32 @!p1 $0x3C;
	s2 =	sand.u32 $0xFFFFFFFE, s8;
	_ =	swait.ge @p1 [sflag:s0], $0x22  }
0x1d6: {  	s4 =	simm.s32 @!p1 $0x0;
	s2 =	sadd.s32 @!p1 $0x4, s2;
	[sflag:s0] =	ssyncset.done @p1 $0x0  }
0x1d7: {  	s5 =	simm.s32 @!p1 $0x100;
	[sflag:s0] =	ssyncadd.s32 @p1 $0xFFFFFFDE;
	s0 =	sshll.u32 @!p1 s2, $0x1A  }
0x1d8: {  	s2 =	sshll.u32 @!p1 s2, $0xD;
	s0 =	sor.u32 @!p1 s0, s7;
	_ =	swait.eq @!p1 [sflag:s3], $0x1  }
0x1d9: {  	s2 =	sor.u32 @!p1 $0x1C04, s2;
	s3 =	simm.s32 @!p1 $0x1C03;
	s0 =	sor.u32 @!p1 $0x80004000, s0  }
0x1da: {  	[spmem:s5], [sflag:s2] =	dma.general @!p1 [spmem:s4], [sflag:s3], length:$0x20, [dreg:$0x0], stride_count:$0x0, ici_dest:s0, dma_misc:DstOpCode:WRITE  }
0x1db: {  	p2 =	slt.s32 s9, $0x2;
	s4 =	simm.s32 @!p1 $0x200;
	s5 =	simm.s32 @!p1 $0x202  }
0x1dc: {  	[spmem:s5], [sflag:s2] =	dma.general @!p1 [spmem:s4], [sflag:s3], length:$0x2, [dreg:$0x0], stride_count:$0x0, ici_dest:s0, dma_misc:DstOpCode:WRITE  }
.Ltmp27:
0x1dd: {  	s0 =	simm.s32 @!p1 $0x3;
	(pc) =	sbr.rel @p2 .LBB2_38-.Ltmp27, $4  }
0x1de: {  	s2 =	sshll.u32 @!p1 s8, $0xE;
	_ =	swait.ge @!p1 [sflag:s0], $0x22  }
0x1df: {  	s3 =	sshll.u32 @!p1 s7, $0x11;
	s2 =	sadd.s32 @!p1 $0x11C3C, s2;
	[sflag:s0] =	ssyncset.done @!p1 $0x0  }
0x1e0: {  	[sflag:s0] =	ssyncadd.s32 @!p1 $0xFFFFFFDE;
	s0 =	sor.u32 @!p1 s3, s2  }
0x1e1: {  	[sflag:s0] =	ssyncadd.remote.s32 @!p1 $0xFFFFFFFF;
	s0 =	simm.s32 $0x0  }
0x1e2: {  	s0 =	simm.s32 $0xF219  }
0x1e3: {  	v0 =	vld.msk [tilespmem:s0+$0x0], $0x1;
	_ =	sdelay $0x4  }
0x1e4: {  	(v2sf) =	vpush v0, $0x0;
	_ =	sdelay $0xb  }
0x1e5: {  	s31 =	sadd.s32 $0xFFFFFFFE, s6  }
0x1e6: {  	s0 =	sadd.s32 $0xFFFFFFFF, s31  }
0x1e7: {  	p2 =	sne.s32 s0, $0x0  }
.Ltmp28:
0x1e8: {  	s2 =	spop (v2sf);
	(pc) =	sbr.rel @!p2 .LBB2_37-.Ltmp28, $4  }
0x1e9: {  	s4 =	simm.s32 $0xF2B8;
	s7 =	simm.s32 $0x0;
	p1 =	sgt.u32 s2, $0x70  }
0x1ea: {  	s5 =	simm.s32 $0x0;
	s6 =	simm.s32 $0xF21A;
	s3 =	sand.u32 @!p1 $0x78, s2  }
0x1eb: {  	s2 =	sand.u32 @!p1 $0x7, s2;
	s7 =	simm.s32 @!p1 $0x200;
	s3 =	sadd.s32 @!p1 s1, s3  }
0x1ec: {  	[hbm4b:s3+s2] =	stream.linear.scatter @!p1 [tilespmem:s4], [sflag:$0x5], $0x80, $0x38;
	[tilespmem:$0x1F6F8] =	vst v63  }
.LBB2_36:
0x1ed: {  	v0 =	vld.msk [tilespmem:s6+$0x0], $0x1;
	s0 =	sadd.s32 $0xFFFFFFFF, s0;
	s5 =	sadd.s32 s5, s7  }
0x1ee: {  	p1 =	sne.s32 s0, $0x0;
	_ =	sdelay $0x3  }
0x1ef: {  	(v2sf) =	vpush v0, $0x0;
	_ =	sdelay $0xe  }
.Ltmp29:
0x1f0: {  	s2 =	spop (v2sf);
	(pc) =	sbr.rel @p1 .LBB2_36-.Ltmp29, $4  }
0x1f1: {  	s7 =	simm.s32 $0x0;
	p2 =	sgt.u32 s2, $0x70  }
0x1f2: {  	s4 =	sadd.s32 $0x80, s4;
	s7 =	simm.s32 @!p2 $0x200;
	s3 =	sand.u32 @!p2 $0x78, s2  }
0x1f3: {  	s6 =	sadd.s32 $0x1, s6;
	s2 =	sand.u32 @!p2 $0x7, s2;
	s3 =	sadd.s32 @!p2 s1, s3  }
0x1f4: {  	[hbm4b:s3+s2] =	stream.linear.scatter @!p2 [tilespmem:s4], [sflag:$0x5], $0x80, $0x38;
	[tilespmem:$0x1F6F8] =	vst v63  }
.LBB2_37:
0x1f5: {  	s0 =	sadd.s32 s5, s7  }
0x1f6: {  	s0 =	sshrl.u32 s0, $0x2  }
.LBB2_38:
0x1f7: {  	s2 =	simm.s32 $0x5  }
0x1f8: {  	_ =	swait.ge [sflag:s2], s0  }
0x1f9: {  	s31 =	ssub.s32 $0x0, s0;
	[sflag:s2] =	ssyncset.done $0x0  }
0x1fa: {  	[sflag:s2] =	ssyncadd.s32 s31  }
0x1fb: {  	[sflag:s2] =	ssyncpa.u1 $0x1  }
.LBB2_39:
0x1fc: {  	s0 =	sor.u32 s15, s16  }
0x1fd: {  	p1 =	sne.s32 s0, $0x0  }
.Ltmp30:
0x1fe: {  	_ = 	snop;
	(pc) =	sbr.rel @p1 .LBB2_54-.Ltmp30, $3  }
0x1ff: {  	_ =	sdelay $0x1  }
0x200: {  	[bflag:$0x0] =	sbarrier.arrive $0xFFFF  }
0x201: {  	_ =	sfence  }
0x202: {  	s0 =	simm.s32 $0x7  }
0x203: {  	s2 =	simm.s32 $0x1000;
	s3 =	simm.s32 $0xF218;
	[sflag:s0] =	ssyncpa.u1 $0x0  }
0x204: {  	[tilespmem:s3], [sflag:$0x7] =	stream.linear.gather [spmem:s2], $0x20, $0x38;
	[tilespmem:$0x1F6F8] =	vst v63  }
0x205: {  	s30 =	simm.s32 $0xF238;
	s2 =	simm.s32 $0x0  }
0x206: {  	[tilespmem:s30], [sflag:$0x7] =	stream.linear.gather [spmem:s2], $0x1000, $0x38;
	[tilespmem:$0x1F6F8] =	vst v63  }
.Ltmp31:
0x207: {  	_ = 	snop;
	(pc) =	sbr.rel .LBB2_41-.Ltmp31, $4  }
0x208: {  	_ =	swait.ge [sflag:s0], $0x1020  }
0x209: {  	[sflag:s0] =	ssyncset.done $0x0  }
0x20a: {  	s31 =	simm.s32 $0x8;
	[sflag:s0] =	ssyncadd.s32 $0xFFFFEFE0  }
0x20b: {  	s3 =	simm.s32 $0x0;
	[sflag:s31] =	ssyncpa.u1 $0x0  }
.LBB2_47:
0x20c: {  	p1 =	slt.u32 s4, $0x71  }
0x20d: {  	s0 =	sand.u32 @p1 $0x78, s4  }
0x20e: {  	s4 =	sand.u32 @p1 $0x7, s4;
	s5 =	simm.s32 @p1 $0xF188;
	s0 =	sadd.s32 @p1 s1, s0  }
0x20f: {  	[tilespmem:s5], [sflag:$0x8] =	stream.linear.gather @p1 [hbm4b:s0+s4], $0x80, $0x38;
	[tilespmem:$0x1F6F8] =	vst v63  }
0x210: {  	s0 =	simm.s32 @p1 $0x8  }
0x211: {  	_ =	swait.ge @p1 [sflag:s0], $0x80  }
0x212: {  	[sflag:s0] =	ssyncset.done @p1 $0x0  }
0x213: {  	[sflag:s0] =	ssyncadd.s32 @p1 $0xFFFFFF80  }
0x214: {  	v1 =	vld @p1 [tilespmem:$0xF188];
	_ =	sdelay $0x2  }
0x215: {  	s0 =	sshll.u32 @p1 s3, $0x9  }
0x216: {  	s4 =	sshrl.u32 @p1 s0, $0x2  }
0x217: {  	[tilespmem:s4+$0xF238] =	vst.add.f32.msk @p1 $0xffff, v1  }
0x218: {  	v1 =	vld @p1 [tilespmem:$0xF198];
	_ =	sdelay $0x4  }
0x219: {  	[tilespmem:s4+$0xF248] =	vst.add.f32.msk @p1 $0xffff, v1  }
0x21a: {  	v1 =	vld @p1 [tilespmem:$0xF1A8];
	_ =	sdelay $0x4  }
0x21b: {  	[tilespmem:s4+$0xF258] =	vst.add.f32.msk @p1 $0xffff, v1  }
0x21c: {  	v1 =	vld @p1 [tilespmem:$0xF1B8];
	_ =	sdelay $0x4  }
0x21d: {  	[tilespmem:s4+$0xF268] =	vst.add.f32.msk @p1 $0xffff, v1  }
0x21e: {  	v1 =	vld @p1 [tilespmem:$0xF1C8];
	_ =	sdelay $0x4  }
0x21f: {  	[tilespmem:s4+$0xF278] =	vst.add.f32.msk @p1 $0xffff, v1  }
0x220: {  	v1 =	vld @p1 [tilespmem:$0xF1D8];
	_ =	sdelay $0x4  }
0x221: {  	[tilespmem:s4+$0xF288] =	vst.add.f32.msk @p1 $0xffff, v1  }
0x222: {  	v1 =	vld @p1 [tilespmem:$0xF1E8];
	_ =	sdelay $0x4  }
0x223: {  	[tilespmem:s4+$0xF298] =	vst.add.f32.msk @p1 $0xffff, v1  }
0x224: {  	v1 =	vld @p1 [tilespmem:$0xF1F8];
	_ =	sdelay $0x3  }
0x225: {  	s5 =	sshll.u32 @!p1 s3, $0x9  }
0x226: {  	s5 =	smov.u32 @p1 s0;
	[tilespmem:s4+$0xF2A8] =	vst.add.f32.msk @p1 $0xffff, v1  }
0x227: {  	s0 =	sshrl.u32 s5, $0x2;
	[tilespmem:s2+$0xF218] =	vst.msk $0x1, v0  }
0x228: {  	v0 =	vld [tilespmem:s0+$0xF238];
	_ =	sdelay $0x2  }
0x229: {  	s31 =	sshll.u32 s2, $0x9  }
0x22a: {  	s4 =	sshra.s32 s31, $0x2  }
0x22b: {  	[tilespmem:s4+$0xF238] =	vst v0  }
0x22c: {  	v0 =	vld [tilespmem:s0+$0xF248];
	_ =	sdelay $0x4  }
0x22d: {  	[tilespmem:s4+$0xF248] =	vst v0  }
0x22e: {  	v0 =	vld [tilespmem:s0+$0xF258];
	_ =	sdelay $0x4  }
0x22f: {  	[tilespmem:s4+$0xF258] =	vst v0  }
0x230: {  	v0 =	vld [tilespmem:s0+$0xF268];
	_ =	sdelay $0x4  }
0x231: {  	[tilespmem:s4+$0xF268] =	vst v0  }
0x232: {  	v0 =	vld [tilespmem:s0+$0xF278];
	_ =	sdelay $0x4  }
0x233: {  	[tilespmem:s4+$0xF278] =	vst v0  }
0x234: {  	v0 =	vld [tilespmem:s0+$0xF288];
	_ =	sdelay $0x4  }
0x235: {  	[tilespmem:s4+$0xF288] =	vst v0  }
0x236: {  	v0 =	vld [tilespmem:s0+$0xF298];
	_ =	sdelay $0x4  }
0x237: {  	[tilespmem:s4+$0xF298] =	vst v0  }
0x238: {  	v0 =	vld [tilespmem:s0+$0xF2A8];
	_ =	sdelay $0x4  }
0x239: {  	s2 =	sadd.s32 $0x1, s2;
	[tilespmem:s4+$0xF2A8] =	vst v0  }
.LBB2_48:
0x23a: {  	s3 =	sadd.s32 $0x1, s3  }
0x23b: {  	p1 =	sne.s32 s3, $0x20  }
.Ltmp32:
0x23c: {  	_ = 	snop;
	(pc) =	sbr.rel @!p1 .LBB2_49-.Ltmp32, $1  }
0x23d: {  	_ =	sdelay $0x3  }
.LBB2_41:
0x23e: {  	v0 =	vld.msk [tilespmem:s3+$0xF218], $0x1;
	_ =	sdelay $0x4  }
0x23f: {  	(v2sf) =	vpush v0, $0x0;
	_ =	sdelay $0xe  }
0x240: {  	s4 =	spop (v2sf)  }
0x241: {  	p1 =	seq.s32 s4, $0xFFFFFFFF  }
.Ltmp33:
0x242: {  	_ = 	snop;
	(pc) =	sbr.rel @p1 .LBB2_48-.Ltmp33, $1  }
0x243: {  	_ =	sdelay $0x3  }
0x244: {  	p1 =	slt.s32 s2, $0x1  }
.Ltmp34:
0x245: {  	_ = 	snop;
	(pc) =	sbr.rel @p1 .LBB2_47-.Ltmp34, $1  }
0x246: {  	_ =	sdelay $0x3  }
0x247: {  	s5 =	simm.s32 $0xF218;
	p1 =	por $0x0, $0x0  }
0x248: {  	v1 =	vld.msk @!p1 [tilespmem:s5+$0x0], $0x1;
	_ =	sdelay $0x4  }
0x249: {  	(v2sf) =	vpush @!p1 v1, $0x0;
	_ =	sdelay $0xd  }
0x24a: {  	p3 =	sne.s32 s2, $0x1  }
.Ltmp35:
0x24b: {  	s0 =	spop @!p1 (v2sf);
	(pc) =	sbr.rel @!p3 .LBB2_45-.Ltmp35, $4  }
0x24c: {  	p2 =	seq.s32 @!p1 s4, s0  }
0x24d: {  	s6 =	simm.s32 $0x0;
	p2 =	por !p2, p1  }
0x24e: {  	s7 =	simm.s32 $0xFFFFFFFF;
	s6 =	simm.s32 @p2 $0xFFFFFFFF  }
0x24f: {  	s0 =	simm.s32 $0x1;
	s6 =	smov.u32 @p1 s7  }
.LBB2_44:
0x250: {  	s7 =	smov.u32 s6;
	p1 =	sne.s32 s6, $0xFFFFFFFF  }
0x251: {  	s5 =	sadd.s32 $0x1, s5;
	s6 =	smov.u32 s0;
	s0 =	sadd.s32 $0x1, s0  }
0x252: {  	p2 =	sne.s32 s2, s0;
	v1 =	vld.msk @!p1 [tilespmem:s5+$0x0], $0x1;
	_ =	sdelay $0x4  }
0x253: {  	(v2sf) =	vpush @!p1 v1, $0x0;
	_ =	sdelay $0xe  }
.Ltmp36:
0x254: {  	s8 =	spop @!p1 (v2sf);
	(pc) =	sbr.rel @p2 .LBB2_44-.Ltmp36, $4  }
0x255: {  	p3 =	seq.s32 @!p1 s4, s8  }
0x256: {  	p3 =	por !p3, p1  }
0x257: {  	s6 =	simm.s32 @p3 $0xFFFFFFFF  }
0x258: {  	s6 =	smov.u32 @p1 s7  }
.LBB2_45:
0x259: {  	p1 =	seq.s32 s6, $0xFFFFFFFF  }
.Ltmp37:
0x25a: {  	_ = 	snop;
	(pc) =	sbr.rel @p1 .LBB2_47-.Ltmp37, $1  }
0x25b: {  	_ =	sdelay $0x3  }
0x25c: {  	s0 =	sshll.u32 s3, $0x7  }
0x25d: {  	s0 =	sand.u32 $0x3FFFFF80, s0  }
0x25e: {  	v0 =	vld [tilespmem:s0+$0xF238];
	_ =	sdelay $0x2  }
0x25f: {  	s4 =	sshll.u32 s6, $0x9  }
0x260: {  	s4 =	sshra.s32 s4, $0x2  }
0x261: {  	[tilespmem:s4+$0xF238] =	vst.add.f32.msk $0xffff, v0  }
0x262: {  	v0 =	vld [tilespmem:s0+$0xF248];
	_ =	sdelay $0x4  }
0x263: {  	[tilespmem:s4+$0xF248] =	vst.add.f32.msk $0xffff, v0  }
0x264: {  	v0 =	vld [tilespmem:s0+$0xF258];
	_ =	sdelay $0x4  }
0x265: {  	[tilespmem:s4+$0xF258] =	vst.add.f32.msk $0xffff, v0  }
0x266: {  	v0 =	vld [tilespmem:s0+$0xF268];
	_ =	sdelay $0x4  }
0x267: {  	[tilespmem:s4+$0xF268] =	vst.add.f32.msk $0xffff, v0  }
0x268: {  	v0 =	vld [tilespmem:s0+$0xF278];
	_ =	sdelay $0x4  }
0x269: {  	[tilespmem:s4+$0xF278] =	vst.add.f32.msk $0xffff, v0  }
0x26a: {  	v0 =	vld [tilespmem:s0+$0xF288];
	_ =	sdelay $0x4  }
0x26b: {  	[tilespmem:s4+$0xF288] =	vst.add.f32.msk $0xffff, v0  }
0x26c: {  	v0 =	vld [tilespmem:s0+$0xF298];
	_ =	sdelay $0x4  }
0x26d: {  	[tilespmem:s4+$0xF298] =	vst.add.f32.msk $0xffff, v0  }
0x26e: {  	v0 =	vld [tilespmem:s0+$0xF2A8]  }
.Ltmp38:
0x26f: {  	_ = 	snop;
	(pc) =	sbr.rel .LBB2_48-.Ltmp38, $2  }
0x270: {  	_ =	sdelay $0x2  }
0x271: {  	[tilespmem:s4+$0xF2A8] =	vst.add.f32.msk $0xffff, v0  }
.LBB2_49:
0x272: {  	p1 =	slt.s32 s2, $0x1  }
.Ltmp39:
0x273: {  	_ = 	snop;
	(pc) =	sbr.rel @p1 .LBB2_53-.Ltmp39, $3  }
0x274: {  	_ =	sdelay $0x1  }
0x275: {  	s0 =	simm.s32 $0x8  }
0x276: {  	s3 =	simm.s32 $0x0;
	[sflag:s0] =	ssyncpa.u1 $0x1  }
0x277: {  	s0 =	simm.s32 $0xF218  }
0x278: {  	v0 =	vld.msk [tilespmem:s0+$0x0], $0x1;
	_ =	sdelay $0x4  }
0x279: {  	(v2sf) =	vpush v0, $0x0;
	_ =	sdelay $0xe  }
0x27a: {  	s0 =	sadd.s32 $0xFFFFFFFF, s2;
	s5 =	spop (v2sf)  }
0x27b: {  	p2 =	sne.s32 s0, $0x0;
	p1 =	sgt.u32 s5, $0x70  }
.Ltmp40:
0x27c: {  	s6 =	sand.u32 @!p1 $0x78, s5;
	(pc) =	sbr.rel @!p2 .LBB2_52-.Ltmp40, $4  }
0x27d: {  	s4 =	simm.s32 $0xF238;
	s5 =	sand.u32 @!p1 $0x7, s5;
	s2 =	sadd.s32 @!p1 s1, s6  }
0x27e: {  	[hbm4b:s2+s5] =	stream.linear.scatter @!p1 [tilespmem:s4], [sflag:$0x7], $0x80, $0x38;
	[tilespmem:$0x1F6F8] =	vst v63  }
0x27f: {  	s5 =	simm.s32 $0x0  }
0x280: {  	s2 =	simm.s32 $0xF219;
	s5 =	simm.s32 @!p1 $0x200  }
.LBB2_51:
0x281: {  	v0 =	vld.msk [tilespmem:s2+$0x0], $0x1;
	s0 =	sadd.s32 $0xFFFFFFFF, s0;
	s3 =	sadd.s32 s3, s5  }
0x282: {  	p1 =	sne.s32 s0, $0x0;
	_ =	sdelay $0x3  }
0x283: {  	(v2sf) =	vpush v0, $0x0;
	_ =	sdelay $0xe  }
.Ltmp41:
0x284: {  	s6 =	spop (v2sf);
	(pc) =	sbr.rel @p1 .LBB2_51-.Ltmp41, $4  }
0x285: {  	s5 =	simm.s32 $0x0;
	p2 =	sgt.u32 s6, $0x70  }
0x286: {  	s4 =	sadd.s32 $0x80, s4;
	s5 =	simm.s32 @!p2 $0x200;
	s7 =	sand.u32 @!p2 $0x78, s6  }
0x287: {  	s2 =	sadd.s32 $0x1, s2;
	s6 =	sand.u32 @!p2 $0x7, s6;
	s7 =	sadd.s32 @!p2 s1, s7  }
0x288: {  	[hbm4b:s7+s6] =	stream.linear.scatter @!p2 [tilespmem:s4], [sflag:$0x7], $0x80, $0x38;
	[tilespmem:$0x1F6F8] =	vst v63  }
.LBB2_52:
0x289: {  	s0 =	sadd.s32 s3, s5  }
0x28a: {  	s3 =	sshrl.u32 s0, $0x2  }
.LBB2_53:
0x28b: {  	s0 =	simm.s32 $0x7  }
0x28c: {  	_ =	swait.ge [sflag:s0], s3  }
0x28d: {  	s1 =	ssub.s32 $0x0, s3;
	[sflag:s0] =	ssyncset.done $0x0  }
0x28e: {  	[sflag:s0] =	ssyncadd.s32 s1  }
0x28f: {  	[sflag:s0] =	ssyncpa.u1 $0x1  }
.LBB2_54:
0x290: {  	_ =	sfence;
	s0 =	simm.s32 $0x1  }
0x291: {  	[sflag:s0] =	ssyncpa.u1 $0x1  }
0x292: {  	_ =	strace $0x9000005F  }
0x293: {  	[bflag:$0x2] =	sbarrier.arrive $0xFFFF  }
0x294: {  	s0 =	rddreg [dreg:$0x5]  }
0x295: {  	s0 =	sadd.s32 @!p0 $0x100000, s0  }
0x296: {  	[sflag:s0] =	ssyncadd.tile.s32 @!p0 $0x1;
	_ =	shalt  }
.Lfunc_end2:
_tile_overlayer_lowered:
.L_overlay_start_2:
0x297: {  	(tag) =	ssettag $0x2  }
0x298: {  	s0 =	rddreg [dreg:$0x0];
	s2 =	stileid.u32  }
0x299: {  	s1 =	rddreg [dreg:$0x1];
	p0 =	sne.s32 s2, $0x0  }
0x29a: {  	s3 =	rddreg [dreg:$0x2];
	[bflag:$0x3] =	sbarrier.arrive $0xFFFF;
	s2 =	simm.s32 @!p0 $0x1C01  }
0x29b: {  	[timem:s3], [sflag:s2] =	dma.local @!p0 [hbm:s0], s1  }
0x29c: {  	s0 =	simm.s32 @!p0 $0x1  }
0x29d: {  	_ =	swait.ge @!p0 [sflag:s0], s1  }
0x29e: {  	s1 =	ssub.s32 @!p0 $0x0, s1;
	[sflag:s0] =	ssyncset.done @!p0 $0x0  }
0x29f: {  	[sflag:s0] =	ssyncadd.s32 @!p0 s1  }
0x2a0: {  	[bflag:$0x3] =	sbarrier.arrive $0xFFFF  }
0x2a1: {  	_ =	shalt  }

// kernel: scatter_offload_async_start
scs
__scs_entry_jumppad:
0x0: {  	(pc) =	sbr.rel $0x88, $3  }
0x1: {  	(tag) =	ssettag $0x0;
	lr =	simm.s32 $0x1  }
0x2: {  	[smem:$0x3F92] =	sst lr;
	_ =	strace $0xD0000000  }
0x3: {  	_ = 	snop  }
0x4: {  	_ = 	snop  }
0x5: {  	_ = 	snop  }
0x6: {  	_ = 	snop  }
0x7: {  	_ = 	snop  }
__scs_overlays_trampoline_lowered:
0x8: {  	[smem:$0x3FA1] =	sst s0  }
0x9: {  	[smem:$0x3FA2] =	sst s1  }
0xa: {  	[smem:$0x3FA3] =	sst s2  }
0xb: {  	[smem:$0x3FA4] =	sst s3  }
0xc: {  	[smem:$0x3FA5] =	sst s4  }
0xd: {  	[smem:$0x3FA6] =	sst s5  }
0xe: {  	[smem:$0x3FA7] =	sst s6  }
0xf: {  	[smem:$0x3FA8] =	sst s7  }
0x10: {  	[smem:$0x3FA9] =	sst s8  }
0x11: {  	[smem:$0x3FAA] =	sst s9;
	s0 =	simm.s32 @!p0 $0x0  }
0x12: {  	s1 =	sld [smem:$0x3F90];
	s0 =	simm.s32 @p0 $0x1  }
0x13: {  	[smem:$0x3FAB] =	sst s0;
	s0 =	simm.s32 @!p1 $0x0  }
0x14: {  	s2 =	sld [smem:$0x3F8F];
	s0 =	simm.s32 @p1 $0x1  }
0x15: {  	[smem:$0x3FAC] =	sst s0;
	s0 =	simm.s32 @!p2 $0x0  }
0x16: {  	s3 =	sld [smem:$0x3FDB];
	s0 =	simm.s32 @p2 $0x1  }
0x17: {  	s4 =	simm.s32 $0x1BF5;
	[smem:$0x3FAE] =	sst s0  }
0x18: {  	s0 =	sld [smem:$0x3F91];
	_ =	swait.ge [sflag:s4], $0x0  }
0x19: {  	s7 =	sld [smem:$0x3F92]  }
0x1a: {  	s8 =	sadd.s32 $0xFFFFE003, lr  }
0x1b: {  	s9 =	sadd.s32 $0xFFFFFEF7, lr;
	s5 =	simm.s32 $0xFFFFFFFF;
	p2 =	slt.u32 s8, $0xFFFFF086  }
0x1c: {  	p1 =	slt.u32 s9, $0xF7A;
	s5 =	simm.s32 @!p2 $0x0  }
0x1d: {  	s5 =	simm.s32 @p1 $0x1;
	p0 =	seq.s32 s7, s2  }
0x1e: {  	s7 =	smul.u32 @!p0 $0xF7A, s2;
	p2 =	seq.s32 @!p0 s5, $0x0  }
0x1f: {  	s9 =	smul.u32 $0xF7A, s1;
	s8 =	simm.s32 @!p0 $0x1BF5;
	p2 =	por !p2, p0  }
0x20: {  	[sflag:s8] =	ssyncset.s32 @!p0 $0xFFFFF086;
	s6 =	sadd.s32 @!p0 s3, s7;
	s7 =	simm.s32 @!p0 $0x108  }
0x21: {  	s3 =	sadd.s32 s3, s9;
	s6 =	sadd.s32 @!p0 $0x88, s6;
	s7 =	simm.s32 @p2 $0x1082  }
0x22: {  	[simem:s7], [sflag:s8] =	dma.local @!p0 [hbm:s6], $0xF7A  }
0x23: {  	s9 =	sor.u32 $0xD0000000, s2;
	s6 =	simm.s32 $0x108;
	_ =	swait.ge @!p0 [sflag:s8], $0x0  }
0x24: {  	s3 =	sadd.s32 $0x88, s3;
	s6 =	simm.s32 @!p1 $0x1082;
	[sflag:s4] =	ssyncset.s32 $0xFFFFF086  }
0x25: {  	[simem:s6], [sflag:s4] =	dma.local [hbm:s3], $0xF7A  }
0x26: {  	[smem:$0x3F92] =	sst s1;
	(tag) =	ssettag s2;
	_ =	strace s9  }
0x27: {  	s1 =	sld [smem:$0x3FA2]  }
0x28: {  	s2 =	sld [smem:$0x3FA3]  }
0x29: {  	s4 =	sld [smem:$0x3FA5]  }
0x2a: {  	p0 =	seq.s32 s5, $0x0;
	s5 =	sld [smem:$0x3FA6]  }
0x2b: {  	s6 =	sld [smem:$0x3FA7]  }
0x2c: {  	s7 =	sld [smem:$0x3FA8]  }
0x2d: {  	s3 =	simm.s32 $0x108;
	s8 =	sld [smem:$0x3FA9]  }
0x2e: {  	s3 =	simm.s32 @!p0 $0x1082;
	s9 =	sld [smem:$0x3FAA]  }
0x2f: {  	lr =	sadd.s32 s0, s3;
	s0 =	sld [smem:$0x3FA1]  }
0x30: {  	s3 =	sld [smem:$0x3FA4]  }
0x31: {  	[smem:$0x3FAD] =	sst s10  }
0x32: {  	s10 =	sld [smem:$0x3FAB];
	_ =	sdelay $0x3  }
0x33: {  	p0 =	seq.s32 s10, $0x1;
	s10 =	sld [smem:$0x3FAD];
	_ =	sdelay $0x3  }
0x34: {  	[smem:$0x3FAD] =	sst s10  }
0x35: {  	s10 =	sld [smem:$0x3FAC];
	_ =	sdelay $0x3  }
0x36: {  	p1 =	seq.s32 s10, $0x1;
	s10 =	sld [smem:$0x3FAD];
	_ =	sdelay $0x3  }
0x37: {  	[smem:$0x3FAD] =	sst s10  }
0x38: {  	s10 =	sld [smem:$0x3FAE]  }
0x39: {  	_ = 	snop;
	(pc) =	sbr.ind lr, $3  }
0x3a: {  	_ = 	snop  }
0x3b: {  	_ = 	snop  }
0x3c: {  	p2 =	seq.s32 s10, $0x1;
	s10 =	sld [smem:$0x3FAD]  }
0x3d: {  	_ =	shalt  }
0x3e: {  	_ =	shalt  }
0x3f: {  	_ =	shalt  }
0x40: {  	_ =	shalt  }
0x41: {  	_ =	shalt  }
0x42: {  	_ =	shalt  }
0x43: {  	_ =	shalt  }
0x44: {  	_ =	shalt  }
0x45: {  	_ =	shalt  }
0x46: {  	_ =	shalt  }
0x47: {  	_ =	shalt  }
0x48: {  	_ =	shalt  }
0x49: {  	_ =	shalt  }
0x4a: {  	_ =	shalt  }
0x4b: {  	_ =	shalt  }
0x4c: {  	_ =	shalt  }
0x4d: {  	_ =	shalt  }
0x4e: {  	_ =	shalt  }
0x4f: {  	_ =	shalt  }
0x50: {  	_ =	shalt  }
0x51: {  	_ =	shalt  }
0x52: {  	_ =	shalt  }
0x53: {  	_ =	shalt  }
0x54: {  	_ =	shalt  }
0x55: {  	_ =	shalt  }
0x56: {  	_ =	shalt  }
0x57: {  	_ =	shalt  }
0x58: {  	_ =	shalt  }
0x59: {  	_ =	shalt  }
0x5a: {  	_ =	shalt  }
0x5b: {  	_ =	shalt  }
0x5c: {  	_ =	shalt  }
0x5d: {  	_ =	shalt  }
0x5e: {  	_ =	shalt  }
0x5f: {  	_ =	shalt  }
0x60: {  	_ =	shalt  }
0x61: {  	_ =	shalt  }
0x62: {  	_ =	shalt  }
0x63: {  	_ =	shalt  }
0x64: {  	_ =	shalt  }
0x65: {  	_ =	shalt  }
0x66: {  	_ =	shalt  }
0x67: {  	_ =	shalt  }
0x68: {  	_ =	shalt  }
0x69: {  	_ =	shalt  }
0x6a: {  	_ =	shalt  }
0x6b: {  	_ =	shalt  }
0x6c: {  	_ =	shalt  }
0x6d: {  	_ =	shalt  }
0x6e: {  	_ =	shalt  }
0x6f: {  	_ =	shalt  }
0x70: {  	_ =	shalt  }
0x71: {  	_ =	shalt  }
0x72: {  	_ =	shalt  }
0x73: {  	_ =	shalt  }
0x74: {  	_ =	shalt  }
0x75: {  	_ =	shalt  }
0x76: {  	_ =	shalt  }
0x77: {  	_ =	shalt  }
0x78: {  	_ =	shalt  }
0x79: {  	_ =	shalt  }
0x7a: {  	_ =	shalt  }
0x7b: {  	_ =	shalt  }
0x7c: {  	_ =	shalt  }
0x7d: {  	_ =	shalt  }
0x7e: {  	_ =	shalt  }
0x7f: {  	_ =	shalt  }
0x80: {  	_ =	shalt  }
0x81: {  	_ =	shalt  }
0x82: {  	_ =	shalt  }
0x83: {  	_ =	shalt  }
0x84: {  	_ =	shalt  }
0x85: {  	_ =	shalt  }
0x86: {  	_ =	shalt  }
0x87: {  	_ =	shalt  }
.Lfunc_end0:
.L_simem_size_0:
called_computation_lowered:
.L_overlay_start_0:
0x88: {  	s2 =	sld [smem:$0x3FD9]  }
0x89: {  	s3 =	sld [smem:$0x3FFE];
	_ =	sdelay $0x1  }
0x8a: {  	s1 =	srdreg.scid  }
0x8b: {  	s0 =	sand.u32 $0x1, s1  }
0x8c: {  	s15 =	sshll.u32 s0, $0xA;
	s2 =	sadd.s32 s3, s2  }
0x8d: {  	s2 =	sadd.s32 s2, s15  }
0x8e: {  	[smem:$0x3FB9] =	sst s2  }
0x8f: {  	_ = 	snop  }
0x90: {  	s16 =	sld [smem:$0x3FC8]  }
0x91: {  	s4 =	sld [smem:$0x3FD0];
	(tm) =	ssettm $0x1  }
0x92: {  	s17 =	sld [smem:$0x3FFB];
	_ =	sdelay $0x3  }
0x93: {  	_ =	strace s17  }
0x94: {  	s2 =	sld [smem:$0x3FFC];
	_ =	sdelay $0x3  }
0x95: {  	_ =	strace s2  }
0x96: {  	s2 =	sld [smem:$0x3FFD];
	_ =	sdelay $0x3  }
0x97: {  	_ =	strace s2  }
0x98: {  	_ =	strace $0x8FFFFFFF  }
0x99: {  	s18 =	sld [smem:$0x3FDB];
	_ =	sdelay $0x1  }
0x9a: {  	s5 =	simm.s32 $_scs_section_size  }
0x9b: {  	s6 =	simm.s32 $_size__tile_overlayer_lowered;
	s7 =	simm.s32 $_tile_overlayer_lowered  }
0x9c: {  	s8 =	simm.s32 $0x1BFF;
	s19 =	sshll.u32 s7, $0x1;
	s5 =	sadd.s32 s5, s18  }
0x9d: {  	s20 =	simm.s32 $0x0;
	s6 =	sshll.u32 s6, $0x1;
	s7 =	sadd.s32 s19, s5  }
0x9e: {  	[timem:s20], [sflag:s8] =	dma.local [hbm:s7], s6  }
0x9f: {  	_ =	swait.ge [sflag:s8], s6  }
0xa0: {  	s6 =	ssub.s32 $0x0, s6;
	[sflag:s8] =	ssyncset.done $0x0  }
0xa1: {  	[sflag:s8] =	ssyncadd.s32 s6;
	_ =	sdelay $0x1  }
0xa2: {  	s21 =	simm.s32 $0x1B8B  }
0xa3: {  	_ =	swait.ge [sflag:s21], $0x1  }
0xa4: {  	[sflag:s21] =	ssyncset.done $0x0  }
0xa5: {  	s22 =	sld [smem:$0x3FFE];
	[sflag:s21] =	ssyncadd.s32 $0xFFFFFFFF  }
0xa6: {  	s24 =	simm.s32 $0x1B8E;
	s23 =	sld [smem:$0x0]  }
0xa7: {  	s25 =	simm.s32 $execute0_lowered;
	[smem:$0x3FD2] =	sst s24  }
0xa8: {  	s8 =	sshll.u32 s25, $0x1;
	_ =	strace $0x80000046;
	[dreg:$0x1] =	wrdreg $0xFFFFFFFF  }
0xa9: {  	s9 =	simm.s32 $_size_execute0_lowered;
	s8 =	sadd.s32 s5, s8;
	[dreg:$0x0] =	wrdreg $0x0  }
0xaa: {  	s9 =	sshll.u32 s9, $0x1;
	[dreg:$0x2] =	wrdreg s8  }
0xab: {  	[dreg:$0x3] =	wrdreg s9  }
0xac: {  	[dreg:$0x4] =	wrdreg $0xC0  }
0xad: {  	s26 =	simm.s32 $execute1_lowered;
	_ =	task [dreg:s20], $0x5FFFF  }
0xae: {  	s8 =	sshll.u32 s26, $0x1;
	[dreg:$0x1] =	wrdreg $0xFFFFFFFF  }
0xaf: {  	s5 =	sadd.s32 s5, s8;
	[dreg:$0x0] =	wrdreg $0x60  }
0xb0: {  	[dreg:$0x2] =	wrdreg s5  }
0xb1: {  	[dreg:$0x3] =	wrdreg s4  }
0xb2: {  	[dreg:$0x4] =	wrdreg s22  }
0xb3: {  	[dreg:$0x5] =	wrdreg $0x9  }
0xb4: {  	_ =	task.clear_ibuf [dreg:s20], $0x6FFFF;
	_ =	strace $0x90000046  }
0xb5: {  	s28 =	simm.s32 $0x9;
	_ =	strace $0x80000048  }
0xb6: {  	_ =	swait.ge [sflag:s28], $0x1  }
0xb7: {  	[sflag:s28] =	ssyncadd.s32 $0xFFFFFFFF  }
0xb8: {  	_ =	strace $0x90000048  }
0xb9: {  	s4 =	sld [smem:$0x0]  }
0xba: {  	s5 =	sand.u32 $0xFFFFFFFE, s1  }
0xbb: {  	p0 =	sne.s32 s1, s5  }
0xbc: {  	s5 =	sshll.u32 @p0 s5, $0xE  }
0xbd: {  	s5 =	sadd.s32 @p0 $0x11BF3, s5;
	s8 =	sshll.u32 @p0 s4, $0x11  }
0xbe: {  	s5 =	sor.u32 @p0 s8, s5  }
0xbf: {  	[sflag:s5] =	ssyncadd.remote.s32 @p0 $0x1;
	_ =	sdelay $0x1  }
0xc0: {  	s5 =	simm.s32 @p0 $0x1BF3  }
0xc1: {  	_ =	swait.eq @p0 [sflag:s5], $0x1  }
0xc2: {  	[sflag:s5] =	ssyncadd.s32 @p0 $0xFFFFFFFF  }
0xc3: {  	s8 =	sshll.u32 @!p0 s1, $0xE  }
0xc4: {  	s8 =	sor.u32 @!p0 $0x4000, s8;
	s5 =	simm.s32 @!p0 $0x1BF3  }
0xc5: {  	s4 =	sshll.u32 @!p0 s4, $0x11;
	s8 =	sadd.s32 @!p0 $0x11BF3, s8;
	_ =	swait.eq @!p0 [sflag:s5], $0x1  }
0xc6: {  	s4 =	sor.u32 @!p0 s4, s8;
	[sflag:s5] =	ssyncadd.s32 @!p0 $0xFFFFFFFF  }
0xc7: {  	[sflag:s4] =	ssyncadd.remote.s32 @!p0 $0x1  }
0xc8: {  	_ =	strace $0x80000049;
	[dreg:$0x1] =	wrdreg $0xFFFFFFFF  }
0xc9: {  	[dreg:$0x0] =	wrdreg $0x2030  }
0xca: {  	[dreg:$0x2] =	wrdreg s22  }
0xcb: {  	[dreg:$0x3] =	wrdreg s16  }
0xcc: {  	[dreg:$0x4] =	wrdreg s1  }
0xcd: {  	[dreg:$0x5] =	wrdreg s23  }
0xce: {  	[dreg:$0x6] =	wrdreg $0xA  }
0xcf: {  	_ =	task.clear_ibuf [dreg:s20], $0x7FFFF;
	_ =	strace $0x90000049  }
0xd0: {  	s29 =	simm.s32 $0xA;
	_ =	strace $0x8000004B  }
0xd1: {  	_ =	swait.ge [sflag:s29], $0x1  }
0xd2: {  	[sflag:s29] =	ssyncadd.s32 $0xFFFFFFFF  }
0xd3: {  	_ =	strace $0x9000004B  }
0xd4: {  	_ =	sfence  }
0xd5: {  	s30 =	sld [smem:$0x0];
	_ =	sdelay $0x2  }
0xd6: {  	s31 =	sshll.u32 s1, $0xD;
	s1 =	sshrl.u32 s1, $0x2  }
0xd7: {  	s4 =	sand.u32 $0x4000, s31;
	s1 =	sadd.s32 s1, s30  }
0xd8: {  	s0 =	sor.u32 s4, s0;
	s1 =	sshll.u32 s1, $0x11  }
0xd9: {  	s0 =	sor.u32 s1, s0  }
0xda: {  	s0 =	sadd.s32 $0x8F2B, s0  }
0xdb: {  	[sflag:s0] =	ssyncadd.remote.s32 $0x1  }
0xdc: {  	_ =	sfence.sel $0xFFFF  }
0xdd: {  	[dreg:$0x0] =	wrdreg $0xFFFFFFFF;
	(pc) =	sbr.abs _section_cstart, $3  }
0xde: {  	[dreg:$0x1] =	wrdreg $0xFFFFFFFF  }
0xdf: {  	_ =	task.clear_ibuf [dreg:s20], $0x2FFFF;
	_ =	strace $0x9FFFFFFF  }
0xe0: {  	(tm) =	ssettm $0x7FFFFFFF  }
0xe1: {  	_ =	shalt  }
tec
execute0_lowered:
.L_overlay_start_1:
0x0: {  	(tag) =	ssettag $0x1  }
0x1: {  	s3 =	rddreg [dreg:$0x0]  }
0x2: {  	s2 =	rddreg [dreg:$0x1]  }
0x3: {  	s5 =	rddreg [dreg:$0x2]  }
0x4: {  	s0 =	rddreg [dreg:$0x3];
	s4 =	stileid.u32;
	[bflag:$0x3] =	sbarrier.arrive $0xFFFF  }
0x5: {  	s1 =	simm.s32 $_size_execute1_lowered;
	s30 =	srdreg.scid;
	p0 =	sne.s32 s4, $0x0  }
0x6: {  	s1 =	sshll.u32 s1, $0x1;
	s6 =	simm.s32 @!p0 $0x1C3F;
	s7 =	simm.s32 @!p0 $0x4060  }
0x7: {  	[timem:s7], [sflag:s6] =	dma.local @!p0 [hbm:s3], s1  }
0x8: {  	s3 =	sshll.u32 s30, $0x3  }
0x9: {  	s4 =	sshll.u32 s4, $0x4;
	s3 =	sand.u32 $0x8, s3  }
0xa: {  	s31 =	simm.s32 $0x2;
	s8 =	simm.s32 $0x0;
	s3 =	sor.u32 s4, s3  }
0xb: {  	s9 =	simm.s32 $0x400;
	s11 =	simm.s32 $0x0;
	s6 =	ssub.s32 $0x8, s3  }
.Ltmp0:
0xc: {  	s10 =	simm.s32 $0x0;
	p1 =	sgt.s32 s6, $0x0;
	(pc) =	sbr.rel .LBB2_1-.Ltmp0, $4  }
0xd: {  	s5 =	sadd.s32 $0xC800, s5;
	s7 =	simm.s32 $0x3;
	s6 =	simm.s32 @!p1 $0x0  }
0xe: {  	_ =	strace $0x80000047;
	s4 =	simm.s32 $0x1;
	s6 =	sand.u32 $0xF8, s6  }
0xf: {  	[sflag:s4] =	ssyncpa.u1 $0x0;
	p1 =	sne.s32 s6, $0x0;
	s6 =	simm.s32 $0x1  }
0x10: {  	[sflag:s31] =	ssyncpa.u1 $0x0;
	s6 =	simm.s32 @!p1 $0x0;
	s7 =	simm.s32 @!p1 $0x2  }
.LBB2_4:
0x11: {  	v5 =	vld [tilespmem:s13+$0x70];
	[tilespmem:s12+$0x420] =	vst v2  }
0x12: {  	v57 =	vld [tilespmem:s13+$0x0];
	[tilespmem:s12+$0x430] =	vst v0  }
0x13: {  	v58 =	vld [tilespmem:s13+$0x10];
	[tilespmem:s12+$0x440] =	vst v1  }
0x14: {  	v59 =	vld [tilespmem:s13+$0x20];
	[tilespmem:s12+$0x450] =	vst v3  }
0x15: {  	v60 =	vld [tilespmem:s13+$0x30];
	[tilespmem:s12+$0x460] =	vst v4  }
0x16: {  	v61 =	vld [tilespmem:s13+$0x40];
	[tilespmem:s13+$0x470] =	vst v5  }
0x17: {  	v62 =	vld [tilespmem:s13+$0x50];
	[tilespmem:s13+$0x400] =	vst v57  }
0x18: {  	v63 =	vld [tilespmem:s13+$0x60];
	[tilespmem:s13+$0x410] =	vst v58  }
0x19: {  	[tilespmem:s13+$0x420] =	vst v59  }
0x1a: {  	[tilespmem:s13+$0x430] =	vst v60  }
0x1b: {  	s11 =	sshll.u32 s11, $0x4;
	[tilespmem:s13+$0x440] =	vst v61  }
0x1c: {  	s11 =	sand.u32 $0x70, s11;
	[tilespmem:s13+$0x450] =	vst v62  }
0x1d: {  	s11 =	sadd.s32 s5, s11;
	[tilespmem:s13+$0x460] =	vst v63  }
0x1e: {  	[hbm4b:s11+s8] =	stream.linear.scatter [tilespmem:s9], [sflag:$0x2], $0x400, $0x38;
	[tilespmem:$0x800] =	vst v63  }
.LBB2_5:
0x1f: {  	p1 =	slt.u32 s10, $0x2;
	s10 =	sadd.s32 $0x1, s10  }
0x20: {  	p2 =	sne.s32 s10, s7  }
.Ltmp1:
0x21: {  	_ = 	snop;
	(pc) =	sbr.rel @!p2 .LBB2_6-.Ltmp1, $4  }
0x22: {  	s11 =	simm.s32 @!p1 $0x2  }
0x23: {  	_ =	swait.ge @!p1 [sflag:s11], $0x400  }
0x24: {  	[sflag:s11] =	ssyncset.done @!p1 $0x0  }
0x25: {  	[sflag:s11] =	ssyncadd.s32 @!p1 $0xFFFFFC00;
	s11 =	smov.u32 s3  }
.LBB2_1:
0x26: {  	p1 =	sge.u32 s10, s6  }
0x27: {  	s31 =	sadd.s32 $0xFFFFFFFF, s10;
	s12 =	simm.s32 @!p1 $0x0  }
0x28: {  	[tilespmem:s12], [sflag:$0x1] =	stream.linear.gather @!p1 [hbm4b:s2+s12], $0x400, $0x38;
	[tilespmem:$0x800] =	vst v63  }
0x29: {  	p1 =	sge.u32 s31, s6  }
.Ltmp2:
0x2a: {  	_ = 	snop;
	(pc) =	sbr.rel @p1 .LBB2_5-.Ltmp2, $1  }
0x2b: {  	_ =	sdelay $0x3  }
0x2c: {  	p1 =	seq.s32 s10, $0x1;
	s12 =	simm.s32 $0x400  }
0x2d: {  	s12 =	simm.s32 @!p1 $0x0  }
0x2e: {  	s13 =	simm.s32 $0xFFFFFC00;
	_ =	swait.ge [sflag:s4], s12  }
0x2f: {  	s13 =	simm.s32 @!p1 $0x0;
	[sflag:s4] =	ssyncset.done $0x0  }
0x30: {  	s12 =	simm.s32 $0x0;
	[sflag:s4] =	ssyncadd.s32 s13  }
0x31: {  	v3 =	vld [tilespmem:s12+$0x70]  }
0x32: {  	v4 =	vld [tilespmem:s12+$0x0]  }
0x33: {  	v5 =	vld [tilespmem:s12+$0x10]  }
0x34: {  	v2 =	vld [tilespmem:s12+$0x20]  }
0x35: {  	v0 =	vld [tilespmem:s12+$0x30]  }
0x36: {  	v1 =	vld [tilespmem:s12+$0x40];
	[tilespmem:s12+$0x470] =	vst v3  }
0x37: {  	[tilespmem:s12+$0x400] =	vst v4;
	v3 =	vld [tilespmem:s12+$0x50]  }
0x38: {  	s14 =	simm.s32 $0x400;
	s13 =	simm.s32 $0x80;
	[tilespmem:s12+$0x410] =	vst v5;
	v4 =	vld [tilespmem:s12+$0x60]  }
.LBB2_3:
0x39: {  	p1 =	sne.s32 s14, $0xE00;
	v5 =	vld [tilespmem:s13+$0x70];
	[tilespmem:s12+$0x420] =	vst v2  }
0x3a: {  	v6 =	vld [tilespmem:s13+$0x0];
	[tilespmem:s12+$0x430] =	vst v0  }
0x3b: {  	v7 =	vld [tilespmem:s13+$0x10];
	[tilespmem:s12+$0x440] =	vst v1  }
.Ltmp3:
0x3c: {  	v2 =	vld [tilespmem:s13+$0x20];
	[tilespmem:s12+$0x450] =	vst v3;
	(pc) =	sbr.rel @p1 .LBB2_3-.Ltmp3, $4  }
0x3d: {  	v0 =	vld [tilespmem:s13+$0x30];
	[tilespmem:s12+$0x460] =	vst v4;
	s12 =	smov.u32 s13  }
0x3e: {  	v1 =	vld [tilespmem:s12+$0x40];
	[tilespmem:s12+$0x470] =	vst v5  }
0x3f: {  	[tilespmem:s12+$0x400] =	vst v6;
	v3 =	vld [tilespmem:s12+$0x50]  }
0x40: {  	s13 =	sshra.s32 s14, $0x2;
	s14 =	sadd.s32 $0x200, s14;
	[tilespmem:s12+$0x410] =	vst v7;
	v4 =	vld [tilespmem:s12+$0x60]  }
.Ltmp4:
0x41: {  	_ = 	snop;
	(pc) =	sbr.rel .LBB2_4-.Ltmp4, $1  }
0x42: {  	_ =	sdelay $0x3  }
.LBB2_6:
0x43: {  	_ =	sfence.sel $0x180000  }
0x44: {  	s2 =	simm.s32 $0x1;
	[bflag:$0x0] =	sbarrier.arrive $0xFFFF  }
0x45: {  	s31 =	simm.s32 $0x2;
	[sflag:s2] =	ssyncpa.u1 $0x1  }
0x46: {  	[sflag:s31] =	ssyncpa.u1 $0x1  }
0x47: {  	_ =	strace $0x90000047  }
0x48: {  	s0 =	sadd.s32 @!p0 $0x100000, s0;
	[bflag:$0x2] =	sbarrier.arrive $0xFFFF  }
0x49: {  	[sflag:s0] =	ssyncadd.tile.s32 @!p0 $0x1;
	s0 =	simm.s32 @!p0 $0x3F  }
0x4a: {  	_ =	swait.ge @!p0 [sflag:s0], s1  }
0x4b: {  	s1 =	ssub.s32 @!p0 $0x0, s1;
	[sflag:s0] =	ssyncset.done @!p0 $0x0  }
0x4c: {  	[sflag:s0] =	ssyncadd.s32 @!p0 s1  }
0x4d: {  	[bflag:$0x3] =	sbarrier.arrive $0xFFFF  }
0x4e: {  	_ =	shalt  }
.Lfunc_end2:
execute1_lowered:
.L_overlay_start_2:
0x4f: {  	(tag) =	ssettag $0x2  }
0x50: {  	s0 =	rddreg [dreg:$0x0]  }
0x51: {  	s31 =	rddreg [dreg:$0x1]  }
0x52: {  	s2 =	rddreg [dreg:$0x2];
	_ =	strace $0x8000004A;
	s1 =	simm.s32 $0x1  }
0x53: {  	s9 =	simm.s32 $0x108;
	v0 =	vimm.s32 $0x0;
	[sflag:s1] =	ssyncpa.u1 $0x0  }
0x54: {  	[tilespmem:s9+$0x70] =	vst v0  }
0x55: {  	[tilespmem:s9+$0x60] =	vst v0  }
0x56: {  	[tilespmem:s9+$0x50] =	vst v0  }
0x57: {  	[tilespmem:s9+$0x40] =	vst v0  }
0x58: {  	[tilespmem:s9+$0x30] =	vst v0  }
0x59: {  	s1 =	sadd.s32 $0xC800, s0;
	s15 =	sadd.s32 $0x6400, s0;
	[tilespmem:s9+$0x20] =	vst v0  }
0x5a: {  	s14 =	sadd.s32 $0x9600, s0;
	s5 =	sand.u32 $0x1, s2;
	s0 =	simm.s32 $0x40;
	[tilespmem:s9+$0x10] =	vst v0  }
.LBB3_1:
0x5b: {  	s0 =	sadd.s32 $0x40, s0;
	[tilespmem:s9+$0x0] =	vst v0;
	s9 =	sadd.s32 $0x80, s9  }
0x5c: {  	p0 =	slt.u32 s0, $0x3C40;
	[tilespmem:s9+$0x70] =	vst v0  }
0x5d: {  	[tilespmem:s9+$0x60] =	vst v0  }
.Ltmp5:
0x5e: {  	[tilespmem:s9+$0x50] =	vst v0;
	(pc) =	sbr.rel @p0 .LBB3_1-.Ltmp5, $4  }
0x5f: {  	[tilespmem:s9+$0x40] =	vst v0  }
0x60: {  	[tilespmem:s9+$0x30] =	vst v0  }
0x61: {  	[tilespmem:s9+$0x20] =	vst v0  }
0x62: {  	[tilespmem:s9+$0x10] =	vst v0  }
0x63: {  	s6 =	stileid.u32  }
0x64: {  	s0 =	simm.s32 $0x1;
	p0 =	sne.s32 s6, $0x0;
	s2 =	smul.u32 $0xD, s6  }
0x65: {  	s0 =	simm.s32 @!p0 $0x0  }
0x66: {  	s0 =	sadd.s32 s0, s2  }
0x67: {  	p1 =	seq.s32 s6, $0x0;
	s7 =	smul.u32 $0xF0, s0;
	s0 =	simm.s32 $0xD20  }
0x68: {  	s0 =	simm.s32 @!p1 $0xC30  }
0x69: {  	s0 =	sadd.s32 s0, s7  }
0x6a: {  	s8 =	smin.u32 s0, $0xC350  }
0x6b: {  	s0 =	ssub.s32 s8, s7  }
0x6c: {  	p1 =	sgt.s32 s0, $0x0  }
0x6d: {  	s3 =	simm.s32 $0x2;
	s10 =	simm.s32 $0x9;
	s0 =	simm.s32 @!p1 $0x0  }
0x6e: {  	s4 =	simm.s32 $0xA;
	s11 =	simm.s32 $0xB;
	s28 =	smul.u32 $0x8889, s0  }
0x6f: {  	[dreg:$0x5] =	wrdreg s5;
	s30 =	smul.u32 $0x186A, s5;
	s12 =	simm.s32 $0x1  }
0x70: {  	s22 =	simm.s32 $0x0;
	s18 =	simm.s32 $0xC;
	s2 =	sshrl.u32 s28, $0x17  }
0x71: {  	s20 =	simm.s32 $0x0;
	s21 =	simm.s32 $0x0;
	s29 =	smul.u32 $0xF0, s2  }
.Ltmp6:
0x72: {  	[tilespmem:s9+$0x0] =	vst v0;
	v0 =	vimm.s32 $0xFFFFFFFF;
	[sflag:s3] =	ssyncpa.u1 $0x0;
	s16 =	sshll.u32 s6, $0x8;
	(pc) =	sbr.rel .LBB3_3-.Ltmp6, $4  }
0x73: {  	[tilespmem:$0xF208] =	vst v0;
	[sflag:s10] =	ssyncpa.u1 $0x0;
	p1 =	sne.s32 s0, s29;
	s0 =	simm.s32 $0x1  }
0x74: {  	s14 =	sadd.s32 s30, s14;
	[sflag:s4] =	ssyncpa.u1 $0x0;
	s0 =	simm.s32 @!p1 $0x0  }
0x75: {  	s15 =	sadd.s32 s30, s15;
	[sflag:s11] =	ssyncpa.u1 $0x0;
	s13 =	sadd.s32 s2, s0  }
0x76: {  	v0 =	vlaneseq.u32;
	s19 =	smov.u32 s7;
	p1 =	por $0x0, $0x0;
	s17 =	sadd.s32 $0x1, s13  }
.LBB3_18:
0x77: {  	s0 =	sshrl.u32 s31, $0x2;
	s31 =	smov.u32 s9  }
.LBB3_20:
0x78: {  	_ =	swait.ge [sflag:s18], s0  }
0x79: {  	s29 =	ssub.s32 $0x0, s0;
	v1 =	vmov s24;
	vm0 =	veq.s32 v0, $0x0;
	[sflag:s18] =	ssyncset.done $0x0  }
0x7a: {  	vm15 =	veq.s32 v0, $0x2;
	v1 =	vsel vm0, s30, v1;
	[sflag:s18] =	ssyncadd.s32 s29  }
0x7b: {  	v1 =	vsel vm15, s22, v1;
	[sflag:s18] =	ssyncpa.u1 $0x1  }
0x7c: {  	[tilespmem:$0xF208] =	vst v1  }
.LBB3_21:
0x7d: {  	s0 =	sadd.s32 $0xF0, s19  }
0x7e: {  	s2 =	smov.u32 s7;
	p2 =	slt.s32 s0, s8  }
0x7f: {  	s2 =	smov.u32 @p2 s0;
	p2 =	sne.s32 s21, s17  }
.Ltmp7:
0x80: {  	_ = 	snop;
	(pc) =	sbr.rel @!p2 .LBB3_22-.Ltmp7, $3  }
0x81: {  	_ =	sdelay $0x1  }
0x82: {  	s22 =	smov.u32 s20;
	s30 =	sadd.s32 $0x1, s21;
	s20 =	smov.u32 s19  }
0x83: {  	p1 =	por !p1, !p1;
	s21 =	smov.u32 s30;
	s19 =	smov.u32 s2  }
.LBB3_3:
0x84: {  	p2 =	sge.u32 s21, s13  }
0x85: {  	s0 =	smulhi.u32 @!p2 $0xAAAAAAAB, s21  }
0x86: {  	s2 =	smov.u32 s19;
	p3 =	sgt.s32 @!p2 s19, $0xC260  }
0x87: {  	s3 =	sshra.s32 @!p2 s19, $0x1F;
	p3 =	por !p3, p2;
	s0 =	sshrl.u32 @!p2 s0, $0x1  }
0x88: {  	s3 =	sand.u32 @!p2 s3, s19;
	s2 =	simm.s32 @p3 $0xC260;
	s0 =	smul.u32 @!p2 $0x3, s0  }
0x89: {  	s2 =	ssub.s32 @!p2 s2, s3  }
0x8a: {  	s2 =	sadd.s32 @!p2 $0xFFFF3DA0, s2;
	s0 =	ssub.s32 @!p2 s21, s0  }
0x8b: {  	s3 =	sshll.u32 @!p2 s2, $0x2;
	p3 =	sgt.s32 @!p2 s2, $0xEF;
	s0 =	smul.u32 @!p2 $0x3C0, s0  }
0x8c: {  	s4 =	sand.u32 @!p2 $0x7, s19;
	s2 =	ssub.s32 @!p2 $0x3C0, s3;
	p3 =	por !p3, p2  }
0x8d: {  	s3 =	sshrl.u32 @!p2 s19, $0x3;
	s2 =	sshrl.u32 @!p2 s2, $0x2;
	s0 =	sshrl.u32 @!p2 s0, $0x2  }
0x8e: {  	s3 =	sadd.s32 @!p2 s3, s14;
	s2 =	simm.s32 @!p3 $0x0;
	s0 =	sadd.s32 @!p2 $0x10248, s0  }
0x8f: {  	[tilespmem:s0], [sflag:$0xA] =	stream.linear.gather @!p2 [hbm4b:s3+s4], s2, $0x38;
	[tilespmem:$0x1F6F8] =	vst v63  }
0x90: {  	s0 =	sadd.s32 $0xFFFFFFFF, s21  }
0x91: {  	p2 =	sge.u32 s0, s13  }
0x92: {  	p3 =	sgt.s32 @!p2 s20, $0xC260  }
0x93: {  	s2 =	smov.u32 s20;
	s3 =	sshra.s32 @!p2 s20, $0x1F;
	p3 =	por !p3, p2  }
0x94: {  	s3 =	sand.u32 @!p2 s3, s20;
	s2 =	simm.s32 @p3 $0xC260  }
0x95: {  	s2 =	ssub.s32 @!p2 s2, s3  }
0x96: {  	s2 =	sadd.s32 @!p2 $0xFFFF3DA0, s2  }
0x97: {  	s4 =	sand.u32 @!p2 $0x1, s0;
	s3 =	sshll.u32 @!p2 s2, $0x2  }
0x98: {  	p3 =	sgt.s32 @!p2 s2, $0xEF;
	s2 =	ssub.s32 @!p2 $0x3C0, s3;
	s3 =	smulhi.u32 @!p2 $0xAAAAAAAB, s0  }
0x99: {  	s23 =	smul.u32 @!p2 $0x3C0, s4;
	p3 =	por !p3, p2;
	s2 =	sshrl.u32 @!p2 s2, $0x2  }
0x9a: {  	s5 =	simm.s32 @!p2 $0xA;
	s2 =	simm.s32 @!p3 $0x0;
	s3 =	sshrl.u32 @!p2 s3, $0x1  }
0x9b: {  	s23 =	sshrl.u32 @!p2 s23, $0x2;
	_ =	swait.ge @!p2 [sflag:s5], s2;
	s3 =	smul.u32 @!p2 $0x3, s3  }
0x9c: {  	s23 =	sadd.s32 @!p2 $0x10518, s23;
	s24 =	ssub.s32 @!p2 $0x0, s2;
	[sflag:s5] =	ssyncset.done @!p2 $0x0  }
0x9d: {  	[sflag:s5] =	ssyncadd.s32 @!p2 s24;
	s5 =	sshrl.u32 @!p2 s20, $0x3;
	s0 =	ssub.s32 @!p2 s0, s3  }
0x9e: {  	s24 =	sand.u32 @!p2 $0x7, s20;
	s5 =	sadd.s32 @!p2 s5, s15;
	s0 =	smul.u32 @!p2 $0x3C0, s0  }
0x9f: {  	[tilespmem:s23], [sflag:$0xB] =	stream.linear.gather @!p2 [hbm4b:s5+s24], s2, $0x38;
	[tilespmem:$0x1F6F8] =	vst v63  }
0xa0: {  	s3 =	ssub.s32 @!p2 $0xC350, s20;
	s2 =	smul.u32 @!p2 $0x1E000, s4  }
0xa1: {  	p3 =	slt.s32 @!p2 s3, $0xF0  }
0xa2: {  	p3 =	por !p3, p2;
	s0 =	sshrl.u32 @!p2 s0, $0x2;
	s2 =	sshrl.u32 @!p2 s2, $0x2  }
0xa3: {  	s3 =	simm.s32 @p3 $0xF0;
	s0 =	sadd.s32 @!p2 $0x10248, s0;
	s2 =	sor.u32 @!p2 $0x106F8, s2  }
0xa4: {  	[tilespmem:s2], [sflag:$0x9] =	stream.indirect.gather @!p2 [hbm4b:s31+s3], $0x80, s0, s3, $0xb8;
	[tilespmem:$0x1F6F8] =	vst v63  }
0xa5: {  	p2 =	slt.u32 s21, $0x2  }
.Ltmp8:
0xa6: {  	_ = 	snop;
	(pc) =	sbr.rel @p2 .LBB3_21-.Ltmp8, $1  }
0xa7: {  	_ =	sdelay $0x3  }
0xa8: {  	p2 =	sgt.s32 s22, $0xC260  }
0xa9: {  	s0 =	smov.u32 s22;
	s2 =	sshra.s32 s22, $0x1F;
	s3 =	ssub.s32 $0xC350, s22  }
0xaa: {  	s0 =	simm.s32 @!p2 $0xC260;
	s2 =	sand.u32 s2, s22;
	p2 =	slt.s32 s3, $0xF0  }
0xab: {  	s0 =	ssub.s32 s0, s2;
	s3 =	simm.s32 @!p2 $0xF0  }
0xac: {  	s0 =	sadd.s32 $0xFFFF3DA0, s0;
	s24 =	sshll.u32 s3, $0x7  }
0xad: {  	s25 =	sshll.u32 s0, $0x2;
	s2 =	sand.u32 $0x3FFFFF80, s24  }
0xae: {  	p2 =	sgt.s32 s0, $0xEF;
	s26 =	ssub.s32 $0x3C0, s25;
	_ =	swait.ge [sflag:s10], s2  }
0xaf: {  	s2 =	ssub.s32 $0x0, s2;
	[sflag:s10] =	ssyncset.done $0x0;
	s0 =	sshrl.u32 s26, $0x2  }
0xb0: {  	[sflag:s10] =	ssyncadd.s32 s2;
	s0 =	simm.s32 @p2 $0x0  }
0xb1: {  	_ =	swait.ge [sflag:s11], s0  }
0xb2: {  	s0 =	ssub.s32 $0x0, s0;
	[sflag:s11] =	ssyncset.done $0x0  }
0xb3: {  	[sflag:s11] =	ssyncadd.s32 s0  }
0xb4: {  	v1 =	vld [tilespmem:$0xF208];
	_ =	sdelay $0x4  }
0xb5: {  	(v2sf) =	vpush v1, $0x0  }
0xb6: {  	(v2sf) =	vpush v1, $0x1  }
0xb7: {  	(v2sf) =	vpush v1, $0x2;
	_ =	sdelay $0x3  }
0xb8: {  	s0 =	sadd.s32 $0xF0, s22  }
0xb9: {  	s2 =	ssub.s32 $0x186A0, s22;
	p2 =	slt.s32 s8, s0  }
0xba: {  	s0 =	smov.u32 @p2 s8;
	p2 =	sgt.s32 s2, $0x0  }
0xbb: {  	s26 =	ssub.s32 s0, s22;
	s2 =	simm.s32 @!p2 $0x0  }
0xbc: {  	p2 =	slt.s32 s2, s26  }
0xbd: {  	s26 =	smov.u32 @p2 s2  }
0xbe: {  	s25 =	simm.s32 $0x1;
	p2 =	slt.s32 s26, $0x1  }
.Ltmp9:
0xbf: {  	s25 =	simm.s32 @!p1 $0x0;
	(pc) =	sbr.rel @p2 .LBB3_8-.Ltmp9, $4  }
0xc0: {  	s29 =	smul.u32 $0x3C0, s25  }
0xc1: {  	s28 =	spop (v2sf)  }
0xc2: {  	s0 =	sshrl.u32 s29, $0x2;
	s30 =	spop (v2sf)  }
0xc3: {  	s23 =	sadd.s32 $0x10518, s0;
	s22 =	spop (v2sf)  }
0xc4: {  	s0 =	smin.u32 s26, $0x10  }
0xc5: {  	v1 =	vmov s0  }
0xc6: {  	p3 =	sgt.s32 s26, $0x10;
	vm1 =	vgt.u32 v1, v0  }
.Ltmp10:
0xc7: {  	_ = 	snop;
	(pc) =	sbr.rel @!p3 .LBB3_7-.Ltmp10, $2  }
0xc8: {  	_ =	sdelay $0x2  }
0xc9: {  	s4 =	simm.s32 $0x10;
	s24 =	sadd.s32 $0xFFFFFFF0, s26;
	s0 =	smov.u32 s23;
	vm0 =	vmmov vm1  }
.LBB3_6:
0xca: {  	s2 =	smin.u32 s24, $0x10;
	s4 =	sadd.s32 $0x10, s4;
	v1 =	vld.msk [tilespmem:s0+$0x0 ss:$0x1], vm1  }
0xcb: {  	v2 =	vmov s2;
	p3 =	slt.s32 s4, s26  }
0xcc: {  	vm1 =	vgt.u32 v2, v0  }
.Ltmp11:
0xcd: {  	(pc) =	sbr.rel @p3 .LBB3_6-.Ltmp11, $3  }
0xce: {  	_ =	sdelay $0x1  }
0xcf: {  	v1 =	vshll.u32 v1, $0x4  }
0xd0: {  	s24 =	sadd.s32 $0xFFFFFFF0, s24;
	[tilespmem:s0+$0x0] =	vst.msk vm0, v1;
	s0 =	sadd.s32 $0x10, s0;
	vm0 =	vmmov vm1  }
.LBB3_7:
0xd1: {  	_ =	sdelay $0x4  }
0xd2: {  	v1 =	vld.msk [tilespmem:s0+$0x0 ss:$0x1], vm1;
	_ =	sdelay $0x4  }
0xd3: {  	v1 =	vshll.u32 v1, $0x4  }
0xd4: {  	[tilespmem:s0+$0x0] =	vst.msk vm0, v1  }
.LBB3_8:
0xd5: {  	s0 =	sand.u32 $0x1, s21  }
0xd6: {  	s0 =	smul.u32 $0xF0, s0  }
0xd7: {  	p3 =	sne.s32 s30, $0xFFFFFFFF  }
0xd8: {  	v1 =	vld.msk @!p3 [tilespmem:s0+$0x10518], $0x1;
	_ =	sdelay $0x4  }
0xd9: {  	(v2sf) =	vpush @!p3 v1, $0x0;
	_ =	sdelay $0xc  }
.Ltmp12:
0xda: {  	_ = 	snop;
	(pc) =	sbr.rel @p2 .LBB3_19-.Ltmp12, $4  }
0xdb: {  	_ = 	snop  }
0xdc: {  	s29 =	spop @!p3 (v2sf)  }
0xdd: {  	s22 =	simm.s32 @!p3 $0x0;
	s24 =	smov.u32 s29  }
0xde: {  	[sflag:s18] =	ssyncpa.u1 $0x0;
	s29 =	smov.u32 @p3 s28;
	s24 =	smov.u32 @p3 s30  }
0xdf: {  	v1 =	vld.msk [tilespmem:s23+$0x0], $0x1;
	_ =	sdelay $0x4  }
0xe0: {  	(v2sf) =	vpush v1, $0x0;
	_ =	sdelay $0xe  }
0xe1: {  	s2 =	smul.u32 $0x1E000, s25;
	s0 =	spop (v2sf)  }
0xe2: {  	s26 =	ssub.s32 $0x0, s26;
	p2 =	seq.s32 s29, s0  }
0xe3: {  	s30 =	sadd.s32 $0x1, s26;
	s2 =	sshrl.u32 s2, $0x2;
	p3 =	sgt.s32 @!p2 s29, $0x0  }
0xe4: {  	s25 =	sor.u32 $0x10738, s2;
	s2 =	smov.u32 s29;
	p3 =	por !p3, p2  }
0xe5: {  	s2 =	simm.s32 @p3 $0x0;
	p3 =	seq.s32 s30, $0x0  }
.Ltmp13:
0xe6: {  	_ = 	snop;
	(pc) =	sbr.rel @p3 .LBB3_11-.Ltmp13, $4  }
0xe7: {  	s9 =	smov.u32 s31  }
0xe8: {  	s28 =	simm.s32 $0x0;
	s31 =	sadd.s32 $0x1, s23;
	s2 =	smin.u32 @!p2 s2, $0x70  }
0xe9: {  	s4 =	simm.s32 @!p2 $0x1;
	s5 =	simm.s32 @!p2 $0x7988;
	s3 =	sand.u32 @!p2 $0x78, s2  }
0xea: {  	s4 =	smov.u32 @p2 s28;
	s2 =	sand.u32 @!p2 $0x7, s2;
	s3 =	sadd.s32 @!p2 s1, s3  }
.LBB3_10:
0xeb: {  	s6 =	smov.u32 s4  }
0xec: {  	[tilespmem:s5], [sflag:$0x2] =	stream.linear.gather @!p2 [hbm4b:s3+s2], $0x80, $0x38;
	[tilespmem:$0x1F6F8] =	vst v63  }
0xed: {  	s30 =	sadd.s32 $0x1, s30;
	s2 =	smov.u32 s0;
	v1 =	vld.msk [tilespmem:s31+$0x0], $0x1  }
0xee: {  	p3 =	seq.s32 s30, $0x0;
	_ =	sdelay $0x3  }
0xef: {  	(v2sf) =	vpush v1, $0x0;
	_ =	sdelay $0xe  }
0xf0: {  	s0 =	spop (v2sf)  }
0xf1: {  	p2 =	seq.s32 s2, s0  }
0xf2: {  	p4 =	sgt.s32 @!p2 s2, $0x0;
	s3 =	sshll.u32 @!p2 s4, $0x9;
	s4 =	sadd.s32 @!p2 $0x1, s4  }
.Ltmp14:
0xf3: {  	p4 =	por !p4, p2;
	s3 =	sshra.s32 @!p2 s3, $0x2;
	(pc) =	sbr.rel @!p3 .LBB3_10-.Ltmp14, $4  }
0xf4: {  	s4 =	smov.u32 @p2 s6;
	s2 =	simm.s32 @p4 $0x0;
	s5 =	sadd.s32 @!p2 $0x7988, s3  }
0xf5: {  	s2 =	smin.u32 @!p2 s2, $0x70  }
0xf6: {  	s3 =	sand.u32 @!p2 $0x78, s2;
	s2 =	sand.u32 @!p2 $0x7, s2  }
0xf7: {  	s31 =	sadd.s32 $0x1, s31;
	s3 =	sadd.s32 @!p2 s1, s3  }
.LBB3_11:
0xf8: {  	[tilespmem:s5], [sflag:$0x2] =	stream.linear.gather @!p2 [hbm4b:s3+s2], $0x80, $0x38;
	[tilespmem:$0x1F6F8] =	vst v63  }
.Ltmp15:
0xf9: {  	s0 =	sshll.u32 s4, $0x7;
	(pc) =	sbr.rel .LBB3_12-.Ltmp15, $4  }
0xfa: {  	s30 =	simm.s32 $0x2;
	s0 =	sand.u32 $0x3FFFFF80, s0  }
0xfb: {  	_ =	swait.ge [sflag:s30], s0  }
0xfc: {  	s0 =	ssub.s32 $0x0, s0;
	[sflag:s30] =	ssyncset.done $0x0  }
0xfd: {  	s31 =	simm.s32 $0x0;
	[sflag:s30] =	ssyncadd.s32 s0  }
.LBB3_13:
0xfe: {  	v1 =	vld [tilespmem:s25+$0xFFFFFFC0];
	_ =	sdelay $0x3  }
0xff: {  	s0 =	sshra.s32 s0, $0x2  }
0x100: {  	[tilespmem:s0+$0x108] =	vst.add.f32.msk $0xffff, v1  }
0x101: {  	v1 =	vld [tilespmem:s25+$0xFFFFFFD0];
	_ =	sdelay $0x4  }
0x102: {  	[tilespmem:s0+$0x118] =	vst.add.f32.msk $0xffff, v1  }
0x103: {  	v1 =	vld [tilespmem:s25+$0xFFFFFFE0];
	_ =	sdelay $0x4  }
0x104: {  	[tilespmem:s0+$0x128] =	vst.add.f32.msk $0xffff, v1  }
0x105: {  	v1 =	vld [tilespmem:s25+$0xFFFFFFF0];
	_ =	sdelay $0x4  }
0x106: {  	[tilespmem:s0+$0x138] =	vst.add.f32.msk $0xffff, v1  }
0x107: {  	v1 =	vld [tilespmem:s25+$0x0];
	_ =	sdelay $0x4  }
0x108: {  	[tilespmem:s0+$0x148] =	vst.add.f32.msk $0xffff, v1  }
0x109: {  	v1 =	vld [tilespmem:s25+$0x10];
	_ =	sdelay $0x4  }
0x10a: {  	[tilespmem:s0+$0x158] =	vst.add.f32.msk $0xffff, v1  }
0x10b: {  	v1 =	vld [tilespmem:s25+$0x20];
	_ =	sdelay $0x4  }
0x10c: {  	[tilespmem:s0+$0x168] =	vst.add.f32.msk $0xffff, v1  }
0x10d: {  	v1 =	vld [tilespmem:s25+$0x30];
	_ =	sdelay $0x4  }
0x10e: {  	[tilespmem:s0+$0x178] =	vst.add.f32.msk $0xffff, v1  }
.LBB3_17:
0x10f: {  	s26 =	sadd.s32 $0x1, s26  }
0x110: {  	p2 =	seq.s32 s26, $0x0  }
.Ltmp16:
0x111: {  	_ = 	snop;
	(pc) =	sbr.rel @p2 .LBB3_18-.Ltmp16, $2  }
0x112: {  	_ =	sdelay $0x2  }
0x113: {  	s23 =	sadd.s32 $0x1, s23;
	s25 =	sadd.s32 $0x80, s25;
	s29 =	smov.u32 s30  }
.LBB3_12:
0x114: {  	v1 =	vld.msk [tilespmem:s23+$0x0], $0x1;
	_ =	sdelay $0x4  }
0x115: {  	(v2sf) =	vpush v1, $0x0;
	_ =	sdelay $0xe  }
0x116: {  	s30 =	spop (v2sf)  }
0x117: {  	p2 =	sne.s32 s29, s30  }
.Ltmp17:
0x118: {  	_ = 	snop;
	(pc) =	sbr.rel @!p2 .LBB3_13-.Ltmp17, $2  }
0x119: {  	_ =	sdelay $0x2  }
0x11a: {  	s0 =	sshll.u32 s22, $0x9  }
0x11b: {  	p2 =	seq.s32 s29, s24  }
.Ltmp18:
0x11c: {  	_ = 	snop;
	(pc) =	sbr.rel @!p2 .LBB3_15-.Ltmp18, $1  }
0x11d: {  	_ =	sdelay $0x3  }
0x11e: {  	s0 =	sshra.s32 s0, $0x2  }
.Ltmp19:
0x11f: {  	s0 =	sadd.s32 $0x108, s0;
	(pc) =	sbr.rel .LBB3_16-.Ltmp19, $4  }
0x120: {  	[spmem:s16] =	stream.linear.scatter [tilespmem:s0], [sflag:$0x1], $0x80, $0x38;
	[tilespmem:$0x1F6F8] =	vst v63  }
0x121: {  	_ =	swait.ge [sflag:s12], $0x80  }
0x122: {  	[sflag:s12] =	ssyncset.done $0x0  }
0x123: {  	[sflag:s12] =	ssyncadd.s32 $0xFFFFFF80  }
.LBB3_15:
0x124: {  	s2 =	sshll.u32 s28, $0x9  }
0x125: {  	s2 =	sshra.s32 s2, $0x2  }
0x126: {  	v1 =	vld [tilespmem:s2+$0x7988];
	_ =	sdelay $0x3  }
0x127: {  	s0 =	sshra.s32 s0, $0x2  }
0x128: {  	[tilespmem:s0+$0x108] =	vst.add.f32.msk $0xffff, v1  }
0x129: {  	v1 =	vld [tilespmem:s2+$0x7998];
	_ =	sdelay $0x4  }
0x12a: {  	[tilespmem:s0+$0x118] =	vst.add.f32.msk $0xffff, v1  }
0x12b: {  	v1 =	vld [tilespmem:s2+$0x79A8];
	_ =	sdelay $0x4  }
0x12c: {  	[tilespmem:s0+$0x128] =	vst.add.f32.msk $0xffff, v1  }
0x12d: {  	v1 =	vld [tilespmem:s2+$0x79B8];
	_ =	sdelay $0x4  }
0x12e: {  	[tilespmem:s0+$0x138] =	vst.add.f32.msk $0xffff, v1  }
0x12f: {  	v1 =	vld [tilespmem:s2+$0x79C8];
	_ =	sdelay $0x4  }
0x130: {  	[tilespmem:s0+$0x148] =	vst.add.f32.msk $0xffff, v1  }
0x131: {  	v1 =	vld [tilespmem:s2+$0x79D8];
	_ =	sdelay $0x4  }
0x132: {  	[tilespmem:s0+$0x158] =	vst.add.f32.msk $0xffff, v1  }
0x133: {  	v1 =	vld [tilespmem:s2+$0x79E8];
	_ =	sdelay $0x4  }
0x134: {  	[tilespmem:s0+$0x168] =	vst.add.f32.msk $0xffff, v1  }
0x135: {  	v1 =	vld [tilespmem:s2+$0x79F8];
	_ =	sdelay $0x2  }
0x136: {  	p2 =	sgt.u32 s29, $0x70  }
0x137: {  	s2 =	sand.u32 @!p2 $0x78, s29  }
0x138: {  	s3 =	sadd.s32 $0x108, s0;
	[tilespmem:s0+$0x178] =	vst.add.f32.msk $0xffff, v1;
	s0 =	sadd.s32 @!p2 s1, s2;
	s2 =	sand.u32 @!p2 $0x7, s29  }
0x139: {  	[hbm4b:s0+s2] =	stream.linear.scatter @!p2 [tilespmem:s3], [sflag:$0xC], $0x80, $0x38;
	[tilespmem:$0x1F6F8] =	vst v63  }
0x13a: {  	s0 =	simm.s32 $0x0  }
0x13b: {  	s0 =	simm.s32 @!p2 $0x200  }
0x13c: {  	s31 =	sadd.s32 s0, s31  }
.LBB3_16:
0x13d: {  	s0 =	sadd.s32 $0x1, s22  }
0x13e: {  	s2 =	smulhi.u32 $0x88888889, s0;
	_ =	sdelay $0x1  }
0x13f: {  	v1 =	vld [tilespmem:s25+$0xFFFFFFC0];
	s2 =	sshrl.u32 s2, $0x7  }
0x140: {  	s2 =	smul.u32 $0xF0, s2;
	_ =	sdelay $0x1  }
0x141: {  	s22 =	ssub.s32 s0, s2  }
0x142: {  	s0 =	sshll.u32 s22, $0x7  }
0x143: {  	[tilespmem:s0+$0x108] =	vst v1  }
0x144: {  	v1 =	vld [tilespmem:s25+$0xFFFFFFD0];
	_ =	sdelay $0x4  }
0x145: {  	[tilespmem:s0+$0x118] =	vst v1  }
0x146: {  	v1 =	vld [tilespmem:s25+$0xFFFFFFE0];
	_ =	sdelay $0x4  }
0x147: {  	[tilespmem:s0+$0x128] =	vst v1  }
0x148: {  	v1 =	vld [tilespmem:s25+$0xFFFFFFF0];
	_ =	sdelay $0x4  }
0x149: {  	[tilespmem:s0+$0x138] =	vst v1  }
0x14a: {  	v1 =	vld [tilespmem:s25+$0x0];
	_ =	sdelay $0x4  }
0x14b: {  	[tilespmem:s0+$0x148] =	vst v1  }
0x14c: {  	v1 =	vld [tilespmem:s25+$0x10];
	_ =	sdelay $0x4  }
0x14d: {  	[tilespmem:s0+$0x158] =	vst v1  }
0x14e: {  	v1 =	vld [tilespmem:s25+$0x20];
	_ =	sdelay $0x4  }
0x14f: {  	[tilespmem:s0+$0x168] =	vst v1  }
0x150: {  	v1 =	vld [tilespmem:s25+$0x30]  }
.Ltmp20:
0x151: {  	_ = 	snop;
	(pc) =	sbr.rel .LBB3_17-.Ltmp20, $2  }
0x152: {  	_ =	sdelay $0x2  }
0x153: {  	s28 =	sadd.s32 $0x1, s28;
	[tilespmem:s0+$0x178] =	vst v1  }
.LBB3_19:
.Ltmp21:
0x154: {  	(pc) =	sbr.rel .LBB3_20-.Ltmp21, $4  }
0x155: {  	_ = 	snop  }
0x156: {  	s0 =	simm.s32 $0x2  }
0x157: {  	_ =	swait.ge [sflag:s0], $0x0  }
0x158: {  	s30 =	smov.u32 s29;
	[sflag:s0] =	ssyncset.done $0x0;
	s0 =	simm.s32 $0x0  }
.LBB3_22:
0x159: {  	_ =	sfence.sel $0x180000  }
0x15a: {  	s0 =	simm.s32 $0x9;
	[bflag:$0x0] =	sbarrier.arrive $0xFFFF  }
0x15b: {  	s24 =	simm.s32 $0xA;
	[sflag:s0] =	ssyncpa.u1 $0x1  }
0x15c: {  	s25 =	simm.s32 $0xB;
	[sflag:s24] =	ssyncpa.u1 $0x1  }
0x15d: {  	s26 =	simm.s32 $0x2;
	[sflag:s25] =	ssyncpa.u1 $0x1  }
0x15e: {  	[sflag:s26] =	ssyncpa.u1 $0x1  }
0x15f: {  	v0 =	vld [tilespmem:$0xF208];
	_ =	sdelay $0x4  }
0x160: {  	(v2sf) =	vpush v0, $0x0  }
0x161: {  	(v2sf) =	vpush v0, $0x1;
	_ =	sdelay $0x1  }
0x162: {  	(v2sf) =	vpush v0, $0x2;
	_ =	sdelay $0xb  }
0x163: {  	s0 =	spop (v2sf)  }
0x164: {  	s2 =	spop (v2sf)  }
0x165: {  	s3 =	smov.u32 s0;
	p1 =	sne.s32 s0, s2  }
0x166: {  	s4 =	spop (v2sf);
	s3 =	simm.s32 @!p1 $0xFFFFFFFF  }
0x167: {  	v2 =	vimm.s32 $0x1;
	v3 =	vlaneseq.u32;
	p1 =	seq.s32 s4, $0xFFFFFFFF;
	v1 =	vmov s3  }
0x168: {  	s16 =	stileid.u32;
	v0 =	vperm.xlane v0, v2;
	p2 =	sne.s32 @!p1 s0, s2;
	v1 =	vperm.xlane v1, v3  }
0x169: {  	vm0 =	vcmask $0x3F04;
	s6 =	simm.s32 $0xF208;
	s0 =	simm.s32 @!p1 $0x1;
	p2 =	por !p2, p1  }
0x16a: {  	s3 =	sshll.u32 s16, $0x1;
	s2 =	sshll.u32 @!p1 s4, $0x9;
	s0 =	simm.s32 @p2 $0x0;
	v0 =	vsel vm0, v1, v0  }
0x16b: {  	s5 =	sor.u32 $0x1000, s3;
	s2 =	sshra.s32 @!p1 s2, $0x2;
	s0 =	sor.u32 @!p1 s0, s3;
	[tilespmem:$0xF208] =	vst v0  }
0x16c: {  	[spmem:s5] =	stream.linear.scatter [tilespmem:s6], [sflag:$0x1], $0x2, $0x38;
	[tilespmem:$0x1F6F8] =	vst v63  }
0x16d: {  	s2 =	sadd.s32 @!p1 $0x108, s2;
	s0 =	sshll.u32 @!p1 s0, $0x7  }
0x16e: {  	[spmem:s0] =	stream.linear.scatter @!p1 [tilespmem:s2], [sflag:$0x1], $0x80, $0x38;
	[tilespmem:$0x1F6F8] =	vst v63  }
0x16f: {  	s0 =	simm.s32 @!p1 $0x82  }
0x170: {  	s28 =	simm.s32 $0x1;
	s0 =	simm.s32 @p1 $0x2  }
0x171: {  	_ =	swait.ge [sflag:s28], s0  }
0x172: {  	s0 =	ssub.s32 $0x0, s0;
	[sflag:s28] =	ssyncset.done $0x0  }
0x173: {  	[sflag:s28] =	ssyncadd.s32 s0  }
.Ltmp22:
0x174: {  	_ =	sfence.stream.spmem;
	(pc) =	sbr.rel @p0 .LBB3_39-.Ltmp22, $4  }
0x175: {  	s29 =	simm.s32 $0x3;
	[bflag:$0x0] =	sbarrier.arrive $0xFFFF  }
0x176: {  	s30 =	simm.s32 $0x4;
	[sflag:s29] =	ssyncpa.u1 $0x1  }
0x177: {  	s31 =	simm.s32 $0x3C;
	[sflag:s30] =	ssyncpa.u1 $0x1  }
0x178: {  	s15 =	rddreg [dreg:$0x5];
	[sflag:s31] =	ssyncpa.u1 $0x1  }
0x179: {  	_ =	sfence.stream.spmem;
	s0 =	simm.s32 $0x5  }
0x17a: {  	s2 =	simm.s32 $0x1000;
	s3 =	simm.s32 $0xF218;
	[sflag:s0] =	ssyncpa.u1 $0x0  }
0x17b: {  	[tilespmem:s3], [sflag:$0x5] =	stream.linear.gather [spmem:s2], $0x20, $0x38;
	[tilespmem:$0x1F6F8] =	vst v63  }
0x17c: {  	s26 =	simm.s32 $0x0;
	s28 =	simm.s32 $0xF238  }
0x17d: {  	[tilespmem:s28], [sflag:$0x5] =	stream.linear.gather [spmem:s26], $0x1000, $0x38;
	[tilespmem:$0x1F6F8] =	vst v63  }
0x17e: {  	_ =	swait.ge [sflag:s0], $0x1020  }
0x17f: {  	[sflag:s0] =	ssyncset.done $0x0  }
0x180: {  	s29 =	simm.s32 $0x0;
	[sflag:s0] =	ssyncadd.s32 $0xFFFFEFE0  }
0x181: {  	v0 =	vld.msk [tilespmem:s29+$0xF218], $0x1;
	_ =	sdelay $0x1  }
0x182: {  	s30 =	simm.s32 $0x1  }
0x183: {  	v1 =	vld.msk [tilespmem:s30+$0xF218], $0x1;
	_ =	sdelay $0x1  }
0x184: {  	(v2sf) =	vpush v0, $0x0;
	_ =	sdelay $0x2  }
0x185: {  	(v2sf) =	vpush v1, $0x0;
	_ =	sdelay $0x2  }
0x186: {  	s31 =	simm.s32 $0x2  }
0x187: {  	v0 =	vld.msk [tilespmem:s31+$0xF218], $0x1;
	_ =	sdelay $0x2  }
0x188: {  	s4 =	simm.s32 $0xFFFFFFFF;
	s5 =	simm.s32 $0xFFFFFFFF;
	s0 =	simm.s32 $0xC  }
.LBB3_24:
0x189: {  	s2 =	smov.u32 s5;
	s3 =	smov.u32 s4  }
0x18a: {  	s4 =	sshra.s32 s0, $0x2;
	p1 =	sne.s32 s0, $0x7C;
	s0 =	sadd.s32 $0x4, s0;
	(v2sf) =	vpush v0, $0x0  }
0x18b: {  	v0 =	vld.msk [tilespmem:s4+$0xF218], $0x1  }
.Ltmp23:
0x18c: {  	(pc) =	sbr.rel @p1 .LBB3_24-.Ltmp23, $4  }
0x18d: {  	s5 =	spop (v2sf)  }
0x18e: {  	p2 =	sne.s32 s3, $0xFFFFFFFF;
	s4 =	smov.u32 s5  }
0x18f: {  	p3 =	seq.s32 s5, $0xFFFFFFFF;
	s4 =	smov.u32 @p2 s3  }
0x190: {  	s5 =	smov.u32 @p3 s2;
	s4 =	smov.u32 @p3 s3  }
0x191: {  	(v2sf) =	vpush v0, $0x0;
	_ =	sdelay $0x8  }
0x192: {  	s0 =	spop (v2sf)  }
0x193: {  	p1 =	sne.s32 s4, $0xFFFFFFFF;
	s2 =	smov.u32 s0  }
0x194: {  	s9 =	simm.s32 $0x6;
	p2 =	seq.s32 s0, $0xFFFFFFFF;
	s2 =	smov.u32 @p1 s4  }
0x195: {  	s6 =	simm.s32 $0x0;
	s2 =	smov.u32 @p2 s4;
	s3 =	spop (v2sf)  }
0x196: {  	s0 =	smov.u32 @p2 s5;
	p1 =	sne.s32 s2, $0xFFFFFFFF;
	s4 =	smov.u32 s3  }
.Ltmp24:
0x197: {  	p2 =	seq.s32 s3, $0xFFFFFFFF;
	s4 =	smov.u32 @p1 s2;
	(pc) =	sbr.rel .LBB3_26-.Ltmp24, $4  }
0x198: {  	s10 =	simm.s32 $0xF188;
	s4 =	smov.u32 @p2 s2;
	s7 =	spop (v2sf)  }
0x199: {  	s11 =	simm.s32 $0x0;
	p1 =	sne.s32 s4, $0xFFFFFFFF;
	s8 =	smov.u32 s7  }
0x19a: {  	s3 =	smov.u32 @p2 s0;
	p2 =	seq.s32 s7, $0xFFFFFFFF;
	s8 =	smov.u32 @p1 s4  }
0x19b: {  	[sflag:s9] =	ssyncpa.u1 $0x0;
	s7 =	smov.u32 @p2 s3;
	s8 =	smov.u32 @p2 s4  }
.LBB3_32:
0x19c: {  	p1 =	sgt.u32 s12, $0x70  }
0x19d: {  	p2 =	seq.s32 @!p1 s12, s8  }
0x19e: {  	p1 =	por p1, p2  }
0x19f: {  	p2 =	sne.s32 @!p1 s12, s7  }
0x1a0: {  	p1 =	por p1, !p2  }
0x1a1: {  	s0 =	sshll.u32 @p1 s11, $0x9  }
0x1a2: {  	s0 =	sand.u32 @!p1 $0x78, s12  }
0x1a3: {  	s2 =	sand.u32 @!p1 $0x7, s12;
	s0 =	sadd.s32 @!p1 s1, s0  }
0x1a4: {  	[tilespmem:s10], [sflag:$0x6] =	stream.linear.gather @!p1 [hbm4b:s0+s2], $0x80, $0x38;
	[tilespmem:$0x1F6F8] =	vst v63  }
0x1a5: {  	_ =	swait.ge @!p1 [sflag:s9], $0x80  }
0x1a6: {  	[sflag:s9] =	ssyncset.done @!p1 $0x0  }
0x1a7: {  	[sflag:s9] =	ssyncadd.s32 @!p1 $0xFFFFFF80  }
0x1a8: {  	v1 =	vld @!p1 [tilespmem:$0xF188];
	_ =	sdelay $0x2  }
0x1a9: {  	s0 =	sshll.u32 @!p1 s11, $0x9  }
0x1aa: {  	s2 =	sshrl.u32 @!p1 s0, $0x2  }
0x1ab: {  	[tilespmem:s2+$0xF238] =	vst.add.f32.msk @!p1 $0xffff, v1  }
0x1ac: {  	v1 =	vld @!p1 [tilespmem:$0xF198];
	_ =	sdelay $0x4  }
0x1ad: {  	[tilespmem:s2+$0xF248] =	vst.add.f32.msk @!p1 $0xffff, v1  }
0x1ae: {  	v1 =	vld @!p1 [tilespmem:$0xF1A8];
	_ =	sdelay $0x4  }
0x1af: {  	[tilespmem:s2+$0xF258] =	vst.add.f32.msk @!p1 $0xffff, v1  }
0x1b0: {  	v1 =	vld @!p1 [tilespmem:$0xF1B8];
	_ =	sdelay $0x4  }
0x1b1: {  	[tilespmem:s2+$0xF268] =	vst.add.f32.msk @!p1 $0xffff, v1  }
0x1b2: {  	v1 =	vld @!p1 [tilespmem:$0xF1C8];
	_ =	sdelay $0x4  }
0x1b3: {  	[tilespmem:s2+$0xF278] =	vst.add.f32.msk @!p1 $0xffff, v1  }
0x1b4: {  	v1 =	vld @!p1 [tilespmem:$0xF1D8];
	_ =	sdelay $0x4  }
0x1b5: {  	[tilespmem:s2+$0xF288] =	vst.add.f32.msk @!p1 $0xffff, v1  }
0x1b6: {  	v1 =	vld @!p1 [tilespmem:$0xF1E8];
	_ =	sdelay $0x4  }
0x1b7: {  	[tilespmem:s2+$0xF298] =	vst.add.f32.msk @!p1 $0xffff, v1  }
0x1b8: {  	v1 =	vld @!p1 [tilespmem:$0xF1F8];
	_ =	sdelay $0x4  }
0x1b9: {  	[tilespmem:s2+$0xF2A8] =	vst.add.f32.msk @!p1 $0xffff, v1  }
0x1ba: {  	s0 =	sshrl.u32 s0, $0x2;
	[tilespmem:s6+$0xF218] =	vst.msk $0x1, v0  }
0x1bb: {  	v0 =	vld [tilespmem:s0+$0xF238];
	_ =	sdelay $0x2  }
0x1bc: {  	s31 =	sshll.u32 s6, $0x9  }
0x1bd: {  	s2 =	sshra.s32 s31, $0x2  }
0x1be: {  	[tilespmem:s2+$0xF238] =	vst v0  }
0x1bf: {  	v0 =	vld [tilespmem:s0+$0xF248];
	_ =	sdelay $0x4  }
0x1c0: {  	[tilespmem:s2+$0xF248] =	vst v0  }
0x1c1: {  	v0 =	vld [tilespmem:s0+$0xF258];
	_ =	sdelay $0x4  }
0x1c2: {  	[tilespmem:s2+$0xF258] =	vst v0  }
0x1c3: {  	v0 =	vld [tilespmem:s0+$0xF268];
	_ =	sdelay $0x4  }
0x1c4: {  	[tilespmem:s2+$0xF268] =	vst v0  }
0x1c5: {  	v0 =	vld [tilespmem:s0+$0xF278];
	_ =	sdelay $0x4  }
0x1c6: {  	[tilespmem:s2+$0xF278] =	vst v0  }
0x1c7: {  	v0 =	vld [tilespmem:s0+$0xF288];
	_ =	sdelay $0x4  }
0x1c8: {  	[tilespmem:s2+$0xF288] =	vst v0  }
0x1c9: {  	v0 =	vld [tilespmem:s0+$0xF298];
	_ =	sdelay $0x4  }
0x1ca: {  	[tilespmem:s2+$0xF298] =	vst v0  }
0x1cb: {  	v0 =	vld [tilespmem:s0+$0xF2A8];
	_ =	sdelay $0x4  }
0x1cc: {  	s6 =	sadd.s32 $0x1, s6;
	[tilespmem:s2+$0xF2A8] =	vst v0  }
.LBB3_33:
0x1cd: {  	s11 =	sadd.s32 $0x1, s11  }
0x1ce: {  	p1 =	sne.s32 s11, $0x20  }
.Ltmp25:
0x1cf: {  	_ = 	snop;
	(pc) =	sbr.rel @!p1 .LBB3_34-.Ltmp25, $1  }
0x1d0: {  	_ =	sdelay $0x3  }
.LBB3_26:
0x1d1: {  	v0 =	vld.msk [tilespmem:s11+$0xF218], $0x1;
	_ =	sdelay $0x4  }
0x1d2: {  	(v2sf) =	vpush v0, $0x0;
	_ =	sdelay $0xe  }
0x1d3: {  	s12 =	spop (v2sf)  }
0x1d4: {  	p1 =	seq.s32 s12, $0xFFFFFFFF  }
.Ltmp26:
0x1d5: {  	_ = 	snop;
	(pc) =	sbr.rel @p1 .LBB3_33-.Ltmp26, $1  }
0x1d6: {  	_ =	sdelay $0x3  }
0x1d7: {  	p1 =	slt.s32 s6, $0x1  }
.Ltmp27:
0x1d8: {  	_ = 	snop;
	(pc) =	sbr.rel @p1 .LBB3_32-.Ltmp27, $1  }
0x1d9: {  	_ =	sdelay $0x3  }
0x1da: {  	s13 =	simm.s32 $0xF218;
	p1 =	por $0x0, $0x0  }
0x1db: {  	v1 =	vld.msk @!p1 [tilespmem:s13+$0x0], $0x1;
	_ =	sdelay $0x4  }
0x1dc: {  	(v2sf) =	vpush @!p1 v1, $0x0;
	_ =	sdelay $0xd  }
0x1dd: {  	p3 =	sne.s32 s6, $0x1  }
.Ltmp28:
0x1de: {  	s0 =	spop @!p1 (v2sf);
	(pc) =	sbr.rel @!p3 .LBB3_30-.Ltmp28, $4  }
0x1df: {  	p2 =	seq.s32 @!p1 s12, s0  }
0x1e0: {  	s14 =	simm.s32 $0x0;
	p2 =	por !p2, p1  }
0x1e1: {  	s2 =	simm.s32 $0xFFFFFFFF;
	s14 =	simm.s32 @p2 $0xFFFFFFFF  }
0x1e2: {  	s0 =	simm.s32 $0x1;
	s14 =	smov.u32 @p1 s2  }
.LBB3_29:
0x1e3: {  	s2 =	smov.u32 s14;
	p1 =	sne.s32 s14, $0xFFFFFFFF  }
0x1e4: {  	s13 =	sadd.s32 $0x1, s13;
	s14 =	smov.u32 s0;
	s0 =	sadd.s32 $0x1, s0  }
0x1e5: {  	p2 =	sne.s32 s6, s0;
	v1 =	vld.msk @!p1 [tilespmem:s13+$0x0], $0x1;
	_ =	sdelay $0x4  }
0x1e6: {  	(v2sf) =	vpush @!p1 v1, $0x0;
	_ =	sdelay $0xe  }
.Ltmp29:
0x1e7: {  	s3 =	spop @!p1 (v2sf);
	(pc) =	sbr.rel @p2 .LBB3_29-.Ltmp29, $4  }
0x1e8: {  	p3 =	seq.s32 @!p1 s12, s3  }
0x1e9: {  	p3 =	por !p3, p1  }
0x1ea: {  	s14 =	simm.s32 @p3 $0xFFFFFFFF  }
0x1eb: {  	s14 =	smov.u32 @p1 s2  }
.LBB3_30:
0x1ec: {  	p1 =	seq.s32 s14, $0xFFFFFFFF  }
.Ltmp30:
0x1ed: {  	_ = 	snop;
	(pc) =	sbr.rel @p1 .LBB3_32-.Ltmp30, $1  }
0x1ee: {  	_ =	sdelay $0x3  }
0x1ef: {  	s0 =	sshll.u32 s11, $0x7  }
0x1f0: {  	s0 =	sand.u32 $0x3FFFFF80, s0  }
0x1f1: {  	v0 =	vld [tilespmem:s0+$0xF238];
	_ =	sdelay $0x2  }
0x1f2: {  	s2 =	sshll.u32 s14, $0x9  }
0x1f3: {  	s2 =	sshra.s32 s2, $0x2  }
0x1f4: {  	[tilespmem:s2+$0xF238] =	vst.add.f32.msk $0xffff, v0  }
0x1f5: {  	v0 =	vld [tilespmem:s0+$0xF248];
	_ =	sdelay $0x4  }
0x1f6: {  	[tilespmem:s2+$0xF248] =	vst.add.f32.msk $0xffff, v0  }
0x1f7: {  	v0 =	vld [tilespmem:s0+$0xF258];
	_ =	sdelay $0x4  }
0x1f8: {  	[tilespmem:s2+$0xF258] =	vst.add.f32.msk $0xffff, v0  }
0x1f9: {  	v0 =	vld [tilespmem:s0+$0xF268];
	_ =	sdelay $0x4  }
0x1fa: {  	[tilespmem:s2+$0xF268] =	vst.add.f32.msk $0xffff, v0  }
0x1fb: {  	v0 =	vld [tilespmem:s0+$0xF278];
	_ =	sdelay $0x4  }
0x1fc: {  	[tilespmem:s2+$0xF278] =	vst.add.f32.msk $0xffff, v0  }
0x1fd: {  	v0 =	vld [tilespmem:s0+$0xF288];
	_ =	sdelay $0x4  }
0x1fe: {  	[tilespmem:s2+$0xF288] =	vst.add.f32.msk $0xffff, v0  }
0x1ff: {  	v0 =	vld [tilespmem:s0+$0xF298];
	_ =	sdelay $0x4  }
0x200: {  	[tilespmem:s2+$0xF298] =	vst.add.f32.msk $0xffff, v0  }
0x201: {  	v0 =	vld [tilespmem:s0+$0xF2A8]  }
.Ltmp31:
0x202: {  	_ = 	snop;
	(pc) =	sbr.rel .LBB3_33-.Ltmp31, $2  }
0x203: {  	_ =	sdelay $0x2  }
0x204: {  	[tilespmem:s2+$0xF2A8] =	vst.add.f32.msk $0xffff, v0  }
.LBB3_34:
0x205: {  	s0 =	simm.s32 $0x6;
	p1 =	seq.s32 s6, $0x0  }
0x206: {  	[sflag:s0] =	ssyncpa.u1 $0x1;
	v0 =	vimm.s32 @p1 $0xFFFFFFFF  }
0x207: {  	s9 =	sadd.s32 $0xFFFFFFFF, s6;
	[tilespmem:$0x10238] =	vst @p1 v0  }
0x208: {  	v0 =	vld.msk @!p1 [tilespmem:s9+$0xF218], $0x1;
	_ =	sdelay $0x1  }
0x209: {  	v1 =	vld.msk @!p1 [tilespmem:$0xF218], $0x1;
	_ =	sdelay $0x2  }
0x20a: {  	p2 =	seq.s32 @!p1 s9, $0x0;
	v0 =	vbroadcast @!p1 v0, $0x0  }
0x20b: {  	vm0 =	vmmov @!p1 $0x1;
	p2 =	por !p2, p1  }
0x20c: {  	v1 =	vnsel @!p1 vm0, $0xFFFFFFFF, v1;
	vm0 =	vcmask @!p1 $0x308;
	v0 =	vpsel !p2, $0xFFFFFFFF, v0  }
0x20d: {  	p2 =	sne.s32 @!p1 s8, s7;
	v0 =	vsel @!p1 vm0, v1, v0  }
0x20e: {  	s0 =	simm.s32 @!p1 $0xF238;
	s2 =	simm.s32 @!p1 $0x0;
	p3 =	por !p2, p1;
	[tilespmem:$0x10238] =	vst @!p1 v0  }
0x20f: {  	[spmem:s2] =	stream.linear.scatter @!p1 [tilespmem:s0], [sflag:$0x1], $0x80, $0x38;
	[tilespmem:$0x1F6F8] =	vst v63  }
0x210: {  	s0 =	sshll.u32 @!p3 s9, $0x9  }
0x211: {  	s0 =	sshra.s32 @!p3 s0, $0x2  }
0x212: {  	s2 =	simm.s32 @!p3 $0x80;
	s0 =	sadd.s32 @!p3 $0xF238, s0  }
0x213: {  	[spmem:s2] =	stream.linear.scatter @!p3 [tilespmem:s0], [sflag:$0x1], $0x80, $0x38;
	[tilespmem:$0x1F6F8] =	vst v63  }
0x214: {  	s0 =	simm.s32 @!p3 $0x1  }
0x215: {  	_ =	swait.ge @!p3 [sflag:s0], $0x100  }
0x216: {  	p1 =	por p2, p1;
	[sflag:s0] =	ssyncset.done @!p3 $0x0  }
0x217: {  	[sflag:s0] =	ssyncadd.s32 @!p3 $0xFFFFFF00;
	s0 =	simm.s32 @!p1 $0x1  }
0x218: {  	_ =	swait.ge @!p1 [sflag:s0], $0x80  }
0x219: {  	s29 =	simm.s32 $0x10238;
	[sflag:s0] =	ssyncset.done @!p1 $0x0  }
0x21a: {  	s30 =	simm.s32 $0x1000;
	s31 =	simm.s32 $0x1;
	[sflag:s0] =	ssyncadd.s32 @!p1 $0xFFFFFF80  }
0x21b: {  	[spmem:s30] =	stream.linear.scatter [tilespmem:s29], [sflag:$0x1], $0x10, $0x38;
	[tilespmem:$0x1F6F8] =	vst v63  }
0x21c: {  	_ =	swait.ge [sflag:s31], $0x10  }
0x21d: {  	[sflag:s31] =	ssyncset.done $0x0  }
0x21e: {  	p1 =	seq.s32 s15, $0x0;
	s8 =	rddreg [dreg:$0x2];
	[sflag:s31] =	ssyncadd.s32 $0xFFFFFFF0  }
0x21f: {  	s2 =	sshll.u32 @p1 s8, $0xE;
	s7 =	rddreg [dreg:$0x3]  }
0x220: {  	s0 =	sadd.s32 @p1 $0x15C3C, s2;
	s2 =	sshll.u32 @p1 s7, $0x11  }
0x221: {  	_ =	sfence.stream.spmem;
	s0 =	sor.u32 @p1 s2, s0  }
0x222: {  	[sflag:s0] =	ssyncadd.remote.s32 @p1 $0x1;
	s0 =	simm.s32 @p1 $0x4  }
0x223: {  	s3 =	simm.s32 @!p1 $0x3C;
	s2 =	sand.u32 $0xFFFFFFFE, s8;
	_ =	swait.ge @p1 [sflag:s0], $0x22  }
0x224: {  	s4 =	simm.s32 @!p1 $0x0;
	s2 =	sadd.s32 @!p1 $0x4, s2;
	[sflag:s0] =	ssyncset.done @p1 $0x0  }
0x225: {  	s5 =	simm.s32 @!p1 $0x100;
	[sflag:s0] =	ssyncadd.s32 @p1 $0xFFFFFFDE;
	s0 =	sshll.u32 @!p1 s2, $0x1A  }
0x226: {  	s2 =	sshll.u32 @!p1 s2, $0xD;
	s0 =	sor.u32 @!p1 s0, s7;
	_ =	swait.eq @!p1 [sflag:s3], $0x1  }
0x227: {  	s2 =	sor.u32 @!p1 $0x1C04, s2;
	s3 =	simm.s32 @!p1 $0x1C03;
	s0 =	sor.u32 @!p1 $0x80004000, s0  }
0x228: {  	[spmem:s5], [sflag:s2] =	dma.general @!p1 [spmem:s4], [sflag:s3], length:$0x20, [dreg:$0x0], stride_count:$0x0, ici_dest:s0, dma_misc:DstOpCode:WRITE  }
0x229: {  	p2 =	slt.s32 s9, $0x2;
	s4 =	simm.s32 @!p1 $0x200;
	s5 =	simm.s32 @!p1 $0x202  }
0x22a: {  	[spmem:s5], [sflag:s2] =	dma.general @!p1 [spmem:s4], [sflag:s3], length:$0x2, [dreg:$0x0], stride_count:$0x0, ici_dest:s0, dma_misc:DstOpCode:WRITE  }
.Ltmp32:
0x22b: {  	s0 =	simm.s32 @!p1 $0x3;
	(pc) =	sbr.rel @p2 .LBB3_38-.Ltmp32, $4  }
0x22c: {  	s2 =	sshll.u32 @!p1 s8, $0xE;
	_ =	swait.ge @!p1 [sflag:s0], $0x22  }
0x22d: {  	s3 =	sshll.u32 @!p1 s7, $0x11;
	s2 =	sadd.s32 @!p1 $0x11C3C, s2;
	[sflag:s0] =	ssyncset.done @!p1 $0x0  }
0x22e: {  	[sflag:s0] =	ssyncadd.s32 @!p1 $0xFFFFFFDE;
	s0 =	sor.u32 @!p1 s3, s2  }
0x22f: {  	[sflag:s0] =	ssyncadd.remote.s32 @!p1 $0xFFFFFFFF;
	s0 =	simm.s32 $0x0  }
0x230: {  	s0 =	simm.s32 $0xF219  }
0x231: {  	v0 =	vld.msk [tilespmem:s0+$0x0], $0x1;
	_ =	sdelay $0x4  }
0x232: {  	(v2sf) =	vpush v0, $0x0;
	_ =	sdelay $0xb  }
0x233: {  	s31 =	sadd.s32 $0xFFFFFFFE, s6  }
0x234: {  	s0 =	sadd.s32 $0xFFFFFFFF, s31  }
0x235: {  	p2 =	sne.s32 s0, $0x0  }
.Ltmp33:
0x236: {  	s2 =	spop (v2sf);
	(pc) =	sbr.rel @!p2 .LBB3_37-.Ltmp33, $4  }
0x237: {  	s4 =	simm.s32 $0xF2B8;
	s7 =	simm.s32 $0x0;
	p1 =	sgt.u32 s2, $0x70  }
0x238: {  	s5 =	simm.s32 $0x0;
	s6 =	simm.s32 $0xF21A;
	s3 =	sand.u32 @!p1 $0x78, s2  }
0x239: {  	s2 =	sand.u32 @!p1 $0x7, s2;
	s7 =	simm.s32 @!p1 $0x200;
	s3 =	sadd.s32 @!p1 s1, s3  }
0x23a: {  	[hbm4b:s3+s2] =	stream.linear.scatter @!p1 [tilespmem:s4], [sflag:$0x5], $0x80, $0x38;
	[tilespmem:$0x1F6F8] =	vst v63  }
.LBB3_36:
0x23b: {  	v0 =	vld.msk [tilespmem:s6+$0x0], $0x1;
	s0 =	sadd.s32 $0xFFFFFFFF, s0;
	s5 =	sadd.s32 s5, s7  }
0x23c: {  	p1 =	sne.s32 s0, $0x0;
	_ =	sdelay $0x3  }
0x23d: {  	(v2sf) =	vpush v0, $0x0;
	_ =	sdelay $0xe  }
.Ltmp34:
0x23e: {  	s2 =	spop (v2sf);
	(pc) =	sbr.rel @p1 .LBB3_36-.Ltmp34, $4  }
0x23f: {  	s7 =	simm.s32 $0x0;
	p2 =	sgt.u32 s2, $0x70  }
0x240: {  	s4 =	sadd.s32 $0x80, s4;
	s7 =	simm.s32 @!p2 $0x200;
	s3 =	sand.u32 @!p2 $0x78, s2  }
0x241: {  	s6 =	sadd.s32 $0x1, s6;
	s2 =	sand.u32 @!p2 $0x7, s2;
	s3 =	sadd.s32 @!p2 s1, s3  }
0x242: {  	[hbm4b:s3+s2] =	stream.linear.scatter @!p2 [tilespmem:s4], [sflag:$0x5], $0x80, $0x38;
	[tilespmem:$0x1F6F8] =	vst v63  }
.LBB3_37:
0x243: {  	s0 =	sadd.s32 s5, s7  }
0x244: {  	s0 =	sshrl.u32 s0, $0x2  }
.LBB3_38:
0x245: {  	s2 =	simm.s32 $0x5  }
0x246: {  	_ =	swait.ge [sflag:s2], s0  }
0x247: {  	s31 =	ssub.s32 $0x0, s0;
	[sflag:s2] =	ssyncset.done $0x0  }
0x248: {  	[sflag:s2] =	ssyncadd.s32 s31  }
0x249: {  	[sflag:s2] =	ssyncpa.u1 $0x1  }
.LBB3_39:
0x24a: {  	s0 =	sor.u32 s15, s16  }
0x24b: {  	p1 =	sne.s32 s0, $0x0  }
.Ltmp35:
0x24c: {  	_ = 	snop;
	(pc) =	sbr.rel @p1 .LBB3_54-.Ltmp35, $3  }
0x24d: {  	_ =	sdelay $0x1  }
0x24e: {  	[bflag:$0x0] =	sbarrier.arrive $0xFFFF  }
0x24f: {  	_ =	sfence  }
0x250: {  	s0 =	simm.s32 $0x7  }
0x251: {  	s2 =	simm.s32 $0x1000;
	s3 =	simm.s32 $0xF218;
	[sflag:s0] =	ssyncpa.u1 $0x0  }
0x252: {  	[tilespmem:s3], [sflag:$0x7] =	stream.linear.gather [spmem:s2], $0x20, $0x38;
	[tilespmem:$0x1F6F8] =	vst v63  }
0x253: {  	s30 =	simm.s32 $0xF238;
	s2 =	simm.s32 $0x0  }
0x254: {  	[tilespmem:s30], [sflag:$0x7] =	stream.linear.gather [spmem:s2], $0x1000, $0x38;
	[tilespmem:$0x1F6F8] =	vst v63  }
.Ltmp36:
0x255: {  	_ = 	snop;
	(pc) =	sbr.rel .LBB3_41-.Ltmp36, $4  }
0x256: {  	_ =	swait.ge [sflag:s0], $0x1020  }
0x257: {  	[sflag:s0] =	ssyncset.done $0x0  }
0x258: {  	s31 =	simm.s32 $0x8;
	[sflag:s0] =	ssyncadd.s32 $0xFFFFEFE0  }
0x259: {  	s3 =	simm.s32 $0x0;
	[sflag:s31] =	ssyncpa.u1 $0x0  }
.LBB3_47:
0x25a: {  	p1 =	slt.u32 s4, $0x71  }
0x25b: {  	s0 =	sand.u32 @p1 $0x78, s4  }
0x25c: {  	s4 =	sand.u32 @p1 $0x7, s4;
	s5 =	simm.s32 @p1 $0xF188;
	s0 =	sadd.s32 @p1 s1, s0  }
0x25d: {  	[tilespmem:s5], [sflag:$0x8] =	stream.linear.gather @p1 [hbm4b:s0+s4], $0x80, $0x38;
	[tilespmem:$0x1F6F8] =	vst v63  }
0x25e: {  	s0 =	simm.s32 @p1 $0x8  }
0x25f: {  	_ =	swait.ge @p1 [sflag:s0], $0x80  }
0x260: {  	[sflag:s0] =	ssyncset.done @p1 $0x0  }
0x261: {  	[sflag:s0] =	ssyncadd.s32 @p1 $0xFFFFFF80  }
0x262: {  	v1 =	vld @p1 [tilespmem:$0xF188];
	_ =	sdelay $0x2  }
0x263: {  	s0 =	sshll.u32 @p1 s3, $0x9  }
0x264: {  	s4 =	sshrl.u32 @p1 s0, $0x2  }
0x265: {  	[tilespmem:s4+$0xF238] =	vst.add.f32.msk @p1 $0xffff, v1  }
0x266: {  	v1 =	vld @p1 [tilespmem:$0xF198];
	_ =	sdelay $0x4  }
0x267: {  	[tilespmem:s4+$0xF248] =	vst.add.f32.msk @p1 $0xffff, v1  }
0x268: {  	v1 =	vld @p1 [tilespmem:$0xF1A8];
	_ =	sdelay $0x4  }
0x269: {  	[tilespmem:s4+$0xF258] =	vst.add.f32.msk @p1 $0xffff, v1  }
0x26a: {  	v1 =	vld @p1 [tilespmem:$0xF1B8];
	_ =	sdelay $0x4  }
0x26b: {  	[tilespmem:s4+$0xF268] =	vst.add.f32.msk @p1 $0xffff, v1  }
0x26c: {  	v1 =	vld @p1 [tilespmem:$0xF1C8];
	_ =	sdelay $0x4  }
0x26d: {  	[tilespmem:s4+$0xF278] =	vst.add.f32.msk @p1 $0xffff, v1  }
0x26e: {  	v1 =	vld @p1 [tilespmem:$0xF1D8];
	_ =	sdelay $0x4  }
0x26f: {  	[tilespmem:s4+$0xF288] =	vst.add.f32.msk @p1 $0xffff, v1  }
0x270: {  	v1 =	vld @p1 [tilespmem:$0xF1E8];
	_ =	sdelay $0x4  }
0x271: {  	[tilespmem:s4+$0xF298] =	vst.add.f32.msk @p1 $0xffff, v1  }
0x272: {  	v1 =	vld @p1 [tilespmem:$0xF1F8];
	_ =	sdelay $0x3  }
0x273: {  	s5 =	sshll.u32 @!p1 s3, $0x9  }
0x274: {  	s5 =	smov.u32 @p1 s0;
	[tilespmem:s4+$0xF2A8] =	vst.add.f32.msk @p1 $0xffff, v1  }
0x275: {  	s0 =	sshrl.u32 s5, $0x2;
	[tilespmem:s2+$0xF218] =	vst.msk $0x1, v0  }
0x276: {  	v0 =	vld [tilespmem:s0+$0xF238];
	_ =	sdelay $0x2  }
0x277: {  	s31 =	sshll.u32 s2, $0x9  }
0x278: {  	s4 =	sshra.s32 s31, $0x2  }
0x279: {  	[tilespmem:s4+$0xF238] =	vst v0  }
0x27a: {  	v0 =	vld [tilespmem:s0+$0xF248];
	_ =	sdelay $0x4  }
0x27b: {  	[tilespmem:s4+$0xF248] =	vst v0  }
0x27c: {  	v0 =	vld [tilespmem:s0+$0xF258];
	_ =	sdelay $0x4  }
0x27d: {  	[tilespmem:s4+$0xF258] =	vst v0  }
0x27e: {  	v0 =	vld [tilespmem:s0+$0xF268];
	_ =	sdelay $0x4  }
0x27f: {  	[tilespmem:s4+$0xF268] =	vst v0  }
0x280: {  	v0 =	vld [tilespmem:s0+$0xF278];
	_ =	sdelay $0x4  }
0x281: {  	[tilespmem:s4+$0xF278] =	vst v0  }
0x282: {  	v0 =	vld [tilespmem:s0+$0xF288];
	_ =	sdelay $0x4  }
0x283: {  	[tilespmem:s4+$0xF288] =	vst v0  }
0x284: {  	v0 =	vld [tilespmem:s0+$0xF298];
	_ =	sdelay $0x4  }
0x285: {  	[tilespmem:s4+$0xF298] =	vst v0  }
0x286: {  	v0 =	vld [tilespmem:s0+$0xF2A8];
	_ =	sdelay $0x4  }
0x287: {  	s2 =	sadd.s32 $0x1, s2;
	[tilespmem:s4+$0xF2A8] =	vst v0  }
.LBB3_48:
0x288: {  	s3 =	sadd.s32 $0x1, s3  }
0x289: {  	p1 =	sne.s32 s3, $0x20  }
.Ltmp37:
0x28a: {  	_ = 	snop;
	(pc) =	sbr.rel @!p1 .LBB3_49-.Ltmp37, $1  }
0x28b: {  	_ =	sdelay $0x3  }
.LBB3_41:
0x28c: {  	v0 =	vld.msk [tilespmem:s3+$0xF218], $0x1;
	_ =	sdelay $0x4  }
0x28d: {  	(v2sf) =	vpush v0, $0x0;
	_ =	sdelay $0xe  }
0x28e: {  	s4 =	spop (v2sf)  }
0x28f: {  	p1 =	seq.s32 s4, $0xFFFFFFFF  }
.Ltmp38:
0x290: {  	_ = 	snop;
	(pc) =	sbr.rel @p1 .LBB3_48-.Ltmp38, $1  }
0x291: {  	_ =	sdelay $0x3  }
0x292: {  	p1 =	slt.s32 s2, $0x1  }
.Ltmp39:
0x293: {  	_ = 	snop;
	(pc) =	sbr.rel @p1 .LBB3_47-.Ltmp39, $1  }
0x294: {  	_ =	sdelay $0x3  }
0x295: {  	s5 =	simm.s32 $0xF218;
	p1 =	por $0x0, $0x0  }
0x296: {  	v1 =	vld.msk @!p1 [tilespmem:s5+$0x0], $0x1;
	_ =	sdelay $0x4  }
0x297: {  	(v2sf) =	vpush @!p1 v1, $0x0;
	_ =	sdelay $0xd  }
0x298: {  	p3 =	sne.s32 s2, $0x1  }
.Ltmp40:
0x299: {  	s0 =	spop @!p1 (v2sf);
	(pc) =	sbr.rel @!p3 .LBB3_45-.Ltmp40, $4  }
0x29a: {  	p2 =	seq.s32 @!p1 s4, s0  }
0x29b: {  	s6 =	simm.s32 $0x0;
	p2 =	por !p2, p1  }
0x29c: {  	s7 =	simm.s32 $0xFFFFFFFF;
	s6 =	simm.s32 @p2 $0xFFFFFFFF  }
0x29d: {  	s0 =	simm.s32 $0x1;
	s6 =	smov.u32 @p1 s7  }
.LBB3_44:
0x29e: {  	s7 =	smov.u32 s6;
	p1 =	sne.s32 s6, $0xFFFFFFFF  }
0x29f: {  	s5 =	sadd.s32 $0x1, s5;
	s6 =	smov.u32 s0;
	s0 =	sadd.s32 $0x1, s0  }
0x2a0: {  	p2 =	sne.s32 s2, s0;
	v1 =	vld.msk @!p1 [tilespmem:s5+$0x0], $0x1;
	_ =	sdelay $0x4  }
0x2a1: {  	(v2sf) =	vpush @!p1 v1, $0x0;
	_ =	sdelay $0xe  }
.Ltmp41:
0x2a2: {  	s8 =	spop @!p1 (v2sf);
	(pc) =	sbr.rel @p2 .LBB3_44-.Ltmp41, $4  }
0x2a3: {  	p3 =	seq.s32 @!p1 s4, s8  }
0x2a4: {  	p3 =	por !p3, p1  }
0x2a5: {  	s6 =	simm.s32 @p3 $0xFFFFFFFF  }
0x2a6: {  	s6 =	smov.u32 @p1 s7  }
.LBB3_45:
0x2a7: {  	p1 =	seq.s32 s6, $0xFFFFFFFF  }
.Ltmp42:
0x2a8: {  	_ = 	snop;
	(pc) =	sbr.rel @p1 .LBB3_47-.Ltmp42, $1  }
0x2a9: {  	_ =	sdelay $0x3  }
0x2aa: {  	s0 =	sshll.u32 s3, $0x7  }
0x2ab: {  	s0 =	sand.u32 $0x3FFFFF80, s0  }
0x2ac: {  	v0 =	vld [tilespmem:s0+$0xF238];
	_ =	sdelay $0x2  }
0x2ad: {  	s4 =	sshll.u32 s6, $0x9  }
0x2ae: {  	s4 =	sshra.s32 s4, $0x2  }
0x2af: {  	[tilespmem:s4+$0xF238] =	vst.add.f32.msk $0xffff, v0  }
0x2b0: {  	v0 =	vld [tilespmem:s0+$0xF248];
	_ =	sdelay $0x4  }
0x2b1: {  	[tilespmem:s4+$0xF248] =	vst.add.f32.msk $0xffff, v0  }
0x2b2: {  	v0 =	vld [tilespmem:s0+$0xF258];
	_ =	sdelay $0x4  }
0x2b3: {  	[tilespmem:s4+$0xF258] =	vst.add.f32.msk $0xffff, v0  }
0x2b4: {  	v0 =	vld [tilespmem:s0+$0xF268];
	_ =	sdelay $0x4  }
0x2b5: {  	[tilespmem:s4+$0xF268] =	vst.add.f32.msk $0xffff, v0  }
0x2b6: {  	v0 =	vld [tilespmem:s0+$0xF278];
	_ =	sdelay $0x4  }
0x2b7: {  	[tilespmem:s4+$0xF278] =	vst.add.f32.msk $0xffff, v0  }
0x2b8: {  	v0 =	vld [tilespmem:s0+$0xF288];
	_ =	sdelay $0x4  }
0x2b9: {  	[tilespmem:s4+$0xF288] =	vst.add.f32.msk $0xffff, v0  }
0x2ba: {  	v0 =	vld [tilespmem:s0+$0xF298];
	_ =	sdelay $0x4  }
0x2bb: {  	[tilespmem:s4+$0xF298] =	vst.add.f32.msk $0xffff, v0  }
0x2bc: {  	v0 =	vld [tilespmem:s0+$0xF2A8]  }
.Ltmp43:
0x2bd: {  	_ = 	snop;
	(pc) =	sbr.rel .LBB3_48-.Ltmp43, $2  }
0x2be: {  	_ =	sdelay $0x2  }
0x2bf: {  	[tilespmem:s4+$0xF2A8] =	vst.add.f32.msk $0xffff, v0  }
.LBB3_49:
0x2c0: {  	p1 =	slt.s32 s2, $0x1  }
.Ltmp44:
0x2c1: {  	_ = 	snop;
	(pc) =	sbr.rel @p1 .LBB3_53-.Ltmp44, $3  }
0x2c2: {  	_ =	sdelay $0x1  }
0x2c3: {  	s0 =	simm.s32 $0x8  }
0x2c4: {  	s3 =	simm.s32 $0x0;
	[sflag:s0] =	ssyncpa.u1 $0x1  }
0x2c5: {  	s0 =	simm.s32 $0xF218  }
0x2c6: {  	v0 =	vld.msk [tilespmem:s0+$0x0], $0x1;
	_ =	sdelay $0x4  }
0x2c7: {  	(v2sf) =	vpush v0, $0x0;
	_ =	sdelay $0xe  }
0x2c8: {  	s0 =	sadd.s32 $0xFFFFFFFF, s2;
	s5 =	spop (v2sf)  }
0x2c9: {  	p2 =	sne.s32 s0, $0x0;
	p1 =	sgt.u32 s5, $0x70  }
.Ltmp45:
0x2ca: {  	s6 =	sand.u32 @!p1 $0x78, s5;
	(pc) =	sbr.rel @!p2 .LBB3_52-.Ltmp45, $4  }
0x2cb: {  	s4 =	simm.s32 $0xF238;
	s5 =	sand.u32 @!p1 $0x7, s5;
	s2 =	sadd.s32 @!p1 s1, s6  }
0x2cc: {  	[hbm4b:s2+s5] =	stream.linear.scatter @!p1 [tilespmem:s4], [sflag:$0x7], $0x80, $0x38;
	[tilespmem:$0x1F6F8] =	vst v63  }
0x2cd: {  	s5 =	simm.s32 $0x0  }
0x2ce: {  	s2 =	simm.s32 $0xF219;
	s5 =	simm.s32 @!p1 $0x200  }
.LBB3_51:
0x2cf: {  	v0 =	vld.msk [tilespmem:s2+$0x0], $0x1;
	s0 =	sadd.s32 $0xFFFFFFFF, s0;
	s3 =	sadd.s32 s3, s5  }
0x2d0: {  	p1 =	sne.s32 s0, $0x0;
	_ =	sdelay $0x3  }
0x2d1: {  	(v2sf) =	vpush v0, $0x0;
	_ =	sdelay $0xe  }
.Ltmp46:
0x2d2: {  	s6 =	spop (v2sf);
	(pc) =	sbr.rel @p1 .LBB3_51-.Ltmp46, $4  }
0x2d3: {  	s5 =	simm.s32 $0x0;
	p2 =	sgt.u32 s6, $0x70  }
0x2d4: {  	s4 =	sadd.s32 $0x80, s4;
	s5 =	simm.s32 @!p2 $0x200;
	s7 =	sand.u32 @!p2 $0x78, s6  }
0x2d5: {  	s2 =	sadd.s32 $0x1, s2;
	s6 =	sand.u32 @!p2 $0x7, s6;
	s7 =	sadd.s32 @!p2 s1, s7  }
0x2d6: {  	[hbm4b:s7+s6] =	stream.linear.scatter @!p2 [tilespmem:s4], [sflag:$0x7], $0x80, $0x38;
	[tilespmem:$0x1F6F8] =	vst v63  }
.LBB3_52:
0x2d7: {  	s0 =	sadd.s32 s3, s5  }
0x2d8: {  	s3 =	sshrl.u32 s0, $0x2  }
.LBB3_53:
0x2d9: {  	s0 =	simm.s32 $0x7  }
0x2da: {  	_ =	swait.ge [sflag:s0], s3  }
0x2db: {  	s1 =	ssub.s32 $0x0, s3;
	[sflag:s0] =	ssyncset.done $0x0  }
0x2dc: {  	[sflag:s0] =	ssyncadd.s32 s1  }
0x2dd: {  	[sflag:s0] =	ssyncpa.u1 $0x1  }
.LBB3_54:
0x2de: {  	_ =	sfence;
	s0 =	simm.s32 $0x1  }
0x2df: {  	[sflag:s0] =	ssyncpa.u1 $0x1  }
0x2e0: {  	_ =	strace $0x9000004A  }
0x2e1: {  	[bflag:$0x2] =	sbarrier.arrive $0xFFFF  }
0x2e2: {  	s0 =	rddreg [dreg:$0x4]  }
0x2e3: {  	s0 =	sadd.s32 @!p0 $0x100000, s0  }
0x2e4: {  	[sflag:s0] =	ssyncadd.tile.s32 @!p0 $0x1;
	_ =	shalt  }
.Lfunc_end3:
_tile_overlayer_lowered:
.L_overlay_start_3:
0x2e5: {  	(tag) =	ssettag $0x3  }
0x2e6: {  	s0 =	rddreg [dreg:$0x0];
	s2 =	stileid.u32  }
0x2e7: {  	s1 =	rddreg [dreg:$0x1];
	p0 =	sne.s32 s2, $0x0  }
0x2e8: {  	s3 =	rddreg [dreg:$0x2];
	[bflag:$0x3] =	sbarrier.arrive $0xFFFF;
	s2 =	simm.s32 @!p0 $0x1C01  }
0x2e9: {  	[timem:s3], [sflag:s2] =	dma.local @!p0 [hbm:s0], s1  }
0x2ea: {  	s0 =	simm.s32 @!p0 $0x1  }
0x2eb: {  	_ =	swait.ge @!p0 [sflag:s0], s1  }
0x2ec: {  	s1 =	ssub.s32 @!p0 $0x0, s1;
	[sflag:s0] =	ssyncset.done @!p0 $0x0  }
0x2ed: {  	[sflag:s0] =	ssyncadd.s32 @!p0 s1  }
0x2ee: {  	[bflag:$0x3] =	sbarrier.arrive $0xFFFF  }
0x2ef: {  	_ =	shalt  }

</sc_bundles>
